<compile_context>
chip_gen: v7x
topology: tpu7x:2x2x1
jax: 0.10.2.dev20260603
libtpu: 0.0.44.dev20260713+nightly
codegen_flags: <defaults>
</compile_context>

<pallas_src>
import functools

import jax
import jax.numpy as jnp
from jax import lax
from jax.experimental import pallas as pl
from jax.experimental.pallas import tpu as pltpu
from jax.experimental.pallas import tpu_sc as plsc

N = 16384
K = 1000
PUW = 0.5
EPS = 1e-6

NS = 4096
NT = N - NS
R = 2048
G = NT // R

NW = 32
RW = NS // NW
GP = RW // 16
KMAIN = 992
BUFW = 16 * K + 16


def _neg_log_1p_eps():
    return -jnp.log(jnp.asarray(1.0 + EPS, jnp.float32))



def _tc_body(x_ref, lab_ref, prior_ref,
             sA_ref, nU_ref, nP_ref, t2_ref, g_ref, ps_ref):
    i = pl.program_id(0)
    x = x_ref[...]
    lab = lab_ref[...]
    prior = prior_ref[...]

    m = jnp.max(x, axis=1, keepdims=True)
    e = jnp.exp(x - m)
    z = jnp.sum(e, axis=1, keepdims=True)
    rz = 1.0 / z
    s = e * rz
    logz = jnp.log(z)

    v = (1.0 + EPS) - s
    p = v[:, 0:128]
    for kk in range(1, K // 128):
        p = p * v[:, kk * 128:(kk + 1) * 128]
    tail = K - (K // 128) * 128
    if tail:
        p = p * jnp.concatenate(
            [v[:, K - tail:K], jnp.ones((R, 128 - tail), jnp.float32)], axis=1)
    a = jnp.sum(-jnp.log(p), axis=1, keepdims=True)

    cl = jnp.clip(lab, 0, K - 1)
    col = jax.lax.broadcasted_iota(jnp.int32, (R, K), 1)
    oh = (col == cl).astype(jnp.float32)
    x_l = jnp.sum(x * oh, axis=1, keepdims=True)
    p_l = jnp.sum(prior * oh, axis=1, keepdims=True)
    s_l = jnp.exp(x_l - m) * rz

    maskP = (lab <= K - 1).astype(jnp.float32)
    maskU = 1.0 - maskP
    c = _neg_log_1p_eps()

    vals = (
        jnp.sum(maskU * a).reshape(1, 1, 1),
        jnp.sum(maskU).reshape(1, 1, 1),
        jnp.sum(maskP).reshape(1, 1, 1),
        jnp.sum(maskP * p_l * (-jnp.log((1.0 + EPS) - s_l) - c)).reshape(1, 1, 1),
        jnp.sum(maskP * (x_l - m - logz)).reshape(1, 1, 1),
    )
    refs = (sA_ref, nU_ref, nP_ref, t2_ref, g_ref)

    @pl.when(i == 0)
    def _init():
        for r, val in zip(refs, vals):
            r[...] = val
        ps_ref[...] = jnp.sum(prior).reshape(1, 1, 1)

    @pl.when(i != 0)
    def _acc():
        for r, val in zip(refs, vals):
            r[...] += val



def _sc_body(x_hbm, lab_hbm, prior_hbm,
             z_hbm, p_hbm, xl_hbm, plr_hbm,
             xb0, xb1, eb, labv, priorv, zv, pv, xlv, plv,
             zvv, pvv, rzv, sem):
    wid = lax.axis_index("s") * 2 + lax.axis_index("c")
    row0 = NT + wid * RW
    pltpu.sync_copy(lab_hbm.at[pl.ds(row0, RW)], labv)
    pltpu.sync_copy(prior_hbm, priorv)

    xbufs = (xb0, xb1)
    iota = lax.broadcasted_iota(jnp.int32, (16,), 0)
    rowbase = iota * K

    def fire(g, buf):
        return pltpu.async_copy(
            x_hbm.at[pl.ds((row0 + g * 16) * K, 16 * K)],
            buf.at[pl.ds(0, 16 * K)], sem)

    pending = fire(0, xbufs[0])
    for g in range(GP):
        xb = xbufs[g % 2]
        if g + 1 < GP:
            nxt = fire(g + 1, xbufs[(g + 1) % 2])
        pending.wait()

        @plsc.parallel_loop(0, 16)
        def _rows1(r):
            rowoff = r * K

            @plsc.parallel_loop(0, KMAIN, 16, unroll=2,
                                carry=jnp.zeros((16,), jnp.float32))
            def zr(i, zacc):
                off = pl.multiple_of(rowoff + i, 8)
                ev = jnp.exp(xb[pl.ds(off, 16)])
                eb[pl.ds(off, 16)] = ev
                return zacc + ev

            offt = pl.multiple_of(rowoff + KMAIN, 8)
            evt = jnp.exp(xb[pl.ds(offt, 16)])
            zr = zr + jnp.where(iota < K - KMAIN, evt, 0.0)
            zvv[pl.ds(pl.multiple_of(r * 16, 16), 16)] = zr

        z16 = plsc.load_gather(zvv, [iota * 16])
        for c in range(1, 16):
            z16 = z16 + plsc.load_gather(zvv, [iota * 16 + c])
        rzv[...] = 1.0 / z16

        @plsc.parallel_loop(0, 16)
        def _rows2(r):
            rowoff = r * K
            rzp = plsc.load_gather(rzv, [iota * 0 + r])

            @plsc.parallel_loop(0, KMAIN, 16, unroll=2,
                                carry=jnp.ones((16,), jnp.float32))
            def pr(i, pacc):
                off = pl.multiple_of(rowoff + i, 8)
                ev = eb[pl.ds(off, 16)]
                return pacc * ((1.0 + EPS) - ev * rzp)

            offt = pl.multiple_of(rowoff + KMAIN, 8)
            evt = jnp.exp(xb[pl.ds(offt, 16)])
            pr = pr * jnp.where(iota < K - KMAIN,
                                (1.0 + EPS) - evt * rzp, 1.0)
            pvv[pl.ds(pl.multiple_of(r * 16, 16), 16)] = pr

        p16 = plsc.load_gather(pvv, [iota * 16])
        for c in range(1, 16):
            p16 = p16 * plsc.load_gather(pvv, [iota * 16 + c])

        lab16 = labv[pl.ds(g * 16, 16)]
        cl = jnp.maximum(jnp.minimum(lab16, K - 1), 0)
        xl16 = plsc.load_gather(xb, [rowbase + cl])
        pl16 = plsc.load_gather(priorv, [cl])

        zv[pl.ds(g * 16, 16)] = z16
        pv[pl.ds(g * 16, 16)] = p16
        xlv[pl.ds(g * 16, 16)] = xl16
        plv[pl.ds(g * 16, 16)] = pl16
        if g + 1 < GP:
            pending = nxt

    pltpu.sync_copy(zv, z_hbm.at[wid])
    pltpu.sync_copy(pv, p_hbm.at[wid])
    pltpu.sync_copy(xlv, xl_hbm.at[wid])
    pltpu.sync_copy(plv, plr_hbm.at[wid])



def _comb_body(z_ref, p_ref, xl_ref, plr_ref, lab_ref,
               sA_ref, nU_ref, nP_ref, t2_ref, g_ref):
    z = z_ref[...]
    p = p_ref[...]
    xl = xl_ref[...]
    plr = plr_ref[...]
    lab = lab_ref[...]

    logz = jnp.log(z)
    a = -jnp.log(p)
    s_l = jnp.exp(xl) / z
    maskP = (lab <= K - 1).astype(jnp.float32)
    maskU = 1.0 - maskP
    c = _neg_log_1p_eps()

    sA_ref[...] = jnp.sum(maskU * a).reshape(1, 1, 1)
    nU_ref[...] = jnp.sum(maskU).reshape(1, 1, 1)
    nP_ref[...] = jnp.sum(maskP).reshape(1, 1, 1)
    t2_ref[...] = jnp.sum(
        maskP * plr * (-jnp.log((1.0 + EPS) - s_l) - c)).reshape(1, 1, 1)
    g_ref[...] = jnp.sum(maskP * (xl - logz)).reshape(1, 1, 1)



def kernel(outputs, labels, priorlist, indexlist):
    del indexlist
    outputs = outputs.astype(jnp.float32)
    xflat = outputs.reshape(-1)
    lab2 = labels.reshape(N, 1)
    prior2 = priorlist.reshape(1, K)

    sc_out = [jax.ShapeDtypeStruct((NW, RW), jnp.float32)] * 4
    sc_call = functools.partial(
        pl.kernel,
        mesh=plsc.VectorSubcoreMesh(core_axis_name="c", subcore_axis_name="s"),
        out_type=sc_out,
        scratch_types=[
            pltpu.VMEM((BUFW,), jnp.float32),
            pltpu.VMEM((BUFW,), jnp.float32),
            pltpu.VMEM((BUFW,), jnp.float32),
            pltpu.VMEM((RW,), jnp.int32),
            pltpu.VMEM((K,), jnp.float32),
            pltpu.VMEM((RW,), jnp.float32),
            pltpu.VMEM((RW,), jnp.float32),
            pltpu.VMEM((RW,), jnp.float32),
            pltpu.VMEM((RW,), jnp.float32),
            pltpu.VMEM((256,), jnp.float32),
            pltpu.VMEM((256,), jnp.float32),
            pltpu.VMEM((16,), jnp.float32),
            pltpu.SemaphoreType.DMA,
        ],
        compiler_params=pltpu.CompilerParams(needs_layout_passes=False),
    )(_sc_body)
    z2d, p2d, xl2d, pl2d = sc_call(xflat, labels, priorlist)

    acc = jax.ShapeDtypeStruct((1, 1, 1), jnp.float32)
    outs = pl.pallas_call(
        _tc_body,
        grid=(G,),
        in_specs=[
            pl.BlockSpec((R, K), lambda i: (i, 0)),
            pl.BlockSpec((R, 1), lambda i: (i, 0)),
            pl.BlockSpec((1, K), lambda i: (0, 0)),
        ],
        out_specs=[pl.BlockSpec((1, 1, 1), lambda i: (0, 0, 0))] * 6,
        out_shape=[acc] * 6,
        compiler_params=pltpu.CompilerParams(
            dimension_semantics=("arbitrary",)),
    )(outputs, lab2, prior2)

    lab_sc = lab2[NT:, 0].reshape(NW, RW)
    outs_sc = pl.pallas_call(
        _comb_body,
        grid=(1,),
        in_specs=[pl.BlockSpec((NW, RW), lambda i: (0, 0))] * 5,
        out_specs=[pl.BlockSpec((1, 1, 1), lambda i: (0, 0, 0))] * 5,
        out_shape=[acc] * 5,
    )(z2d, p2d, xl2d, pl2d, lab_sc)

    sA = outs[0][0, 0, 0] + outs_sc[0][0, 0, 0]
    nU = outs[1][0, 0, 0] + outs_sc[1][0, 0, 0]
    nP = outs[2][0, 0, 0] + outs_sc[2][0, 0, 0]
    t2 = outs[3][0, 0, 0] + outs_sc[3][0, 0, 0]
    g = outs[4][0, 0, 0] + outs_sc[4][0, 0, 0]
    psum = outs[5][0, 0, 0]
    c = _neg_log_1p_eps()
    pu3 = sA / jnp.maximum(1.0, nU) / K
    pu2 = -(t2 + nP * psum * c) / jnp.maximum(1.0, nP)
    pu_loss = (pu3 + pu2).reshape(1)
    crossloss = -g / nP
    objective = jnp.where(jnp.isnan(crossloss), 1.0 * pu_loss,
                          1.0 * pu_loss * PUW + crossloss * 1.0)
    return (objective, pu_loss * PUW, crossloss)

# --- scband reference (transcript-rebuilt; emitter-appended) ---
"""Pipeline reference for scband-mpuloss-v2-1778116461028 (READ-ONLY COPY).

The authoritative reference and input builder live on the scoring server;
editing this copy changes nothing except your own understanding.
"""

import jax, jax.numpy as jnp
import numpy as np

K = 1000
PUW = 0.5

def setup_inputs(seed: int = 0) -> dict:
    key = jax.random.key(seed)
    k1, k2, k3 = jax.random.split(key, 3)
    outputs = jax.random.normal(k1, (16384, 1000), dtype=jnp.float32)
    labels = jax.random.randint(k2, (16384,), 0, 2000, dtype=jnp.int32)
    priorlist = jax.random.uniform(k3, (1000,), dtype=jnp.float32)
    indexlist = jnp.ones((1000,), dtype=jnp.float32)
    return {"outputs": outputs, "labels": labels, "priorlist": priorlist, "indexlist": indexlist}

def reference(outputs, labels, priorlist, indexlist):
    eps = 1e-06
    outputs = outputs.astype(jnp.float32)
    outputs_Soft = jax.nn.softmax(outputs, axis=1)
    new_P_indexlist = indexlist
    maskP = labels <= K - 1
    maskU = labels > K - 1
    maskPf = maskP.astype(jnp.float32)
    maskUf = maskU.astype(jnp.float32)
    nP = maskP.sum()
    nU = maskU.sum()
    len_indexlist = int(indexlist.shape[0])
    PULoss = jnp.zeros(1, dtype=jnp.float32)
    pu3 = ((-jnp.log(1.0 - outputs_Soft + eps) * new_P_indexlist).sum(axis=1) * maskUf).sum() / jnp.maximum(1, nU) / len_indexlist
    PULoss = PULoss + pu3
    if K > len_indexlist:
        pu1 = ((-jnp.log(1.0 - outputs_Soft + eps) * new_P_indexlist).sum(axis=1) * maskPf).sum() * priorlist[indexlist[0].astype(jnp.int32)] / jnp.maximum(1, nP) / (K - len_indexlist)
        PULoss = PULoss + pu1
    label_onehot_P = jax.nn.one_hot(labels, 2 * K, dtype=jnp.float32)[:, :K]
    log_res = -jnp.log(1.0 - outputs_Soft * label_onehot_P + eps)
    pu2 = -((log_res * priorlist).sum(axis=1) * maskPf).sum() / jnp.maximum(1, nP)
    PULoss = PULoss + pu2
    logp = jax.nn.log_softmax(outputs, axis=1)
    gathered = jnp.take_along_axis(logp, jnp.clip(labels, 0, K - 1)[:, None], axis=1)[:, 0]
    crossloss = -(gathered * maskPf).sum() / nP
    objective = jnp.where(jnp.isnan(crossloss), 1.0 * PULoss, 1.0 * PULoss * PUW + crossloss * 1.0)
    return (objective, PULoss * PUW, crossloss)

if __name__ == "__main__":
    import jax
    _d = setup_inputs()
    print(jax.jit(kernel)(*tuple(_d.values())))

</pallas_src>

<mosaic_0001>
#map = affine_map<(d0, d1) -> (0)>
#map1 = affine_map<(d0, d1) -> (0, 0)>
module attributes {stable_mosaic.version = 14 : i64} {
  func.func @_sc_body(%arg0: i32, %arg1: i32, %arg2: memref<16384000xf32, #tpu.memory_space<hbm>>, %arg3: memref<16384xi32, #tpu.memory_space<hbm>>, %arg4: memref<1000xf32, #tpu.memory_space<hbm>>, %arg5: memref<32x128xf32, #tpu.memory_space<hbm>>, %arg6: memref<32x128xf32, #tpu.memory_space<hbm>>, %arg7: memref<32x128xf32, #tpu.memory_space<hbm>>, %arg8: memref<32x128xf32, #tpu.memory_space<hbm>>, %arg9: memref<16016xf32, #tpu.memory_space<vmem>>, %arg10: memref<16016xf32, #tpu.memory_space<vmem>>, %arg11: memref<16016xf32, #tpu.memory_space<vmem>>, %arg12: memref<128xi32, #tpu.memory_space<vmem>>, %arg13: memref<1000xf32, #tpu.memory_space<vmem>>, %arg14: memref<128xf32, #tpu.memory_space<vmem>>, %arg15: memref<128xf32, #tpu.memory_space<vmem>>, %arg16: memref<128xf32, #tpu.memory_space<vmem>>, %arg17: memref<128xf32, #tpu.memory_space<vmem>>, %arg18: memref<256xf32, #tpu.memory_space<vmem>>, %arg19: memref<256xf32, #tpu.memory_space<vmem>>, %arg20: memref<16xf32, #tpu.memory_space<vmem>>, %arg21: memref<!tpu.dma_semaphore, #tpu.memory_space<semaphore_mem>>) attributes {dimension_semantics = [#tpu.dimension_semantics<core_parallel>, #tpu.dimension_semantics<subcore_parallel>], iteration_bounds = array<i64: 2, 16>, scalar_prefetch = 0 : i64, scratch_operands = 13 : i64, tpu.core_type = #tpu.core_type<sc_vector_subcore>, window_params = [{transform_indices = #map}, {transform_indices = #map}, {transform_indices = #map}, {transform_indices = #map1}, {transform_indices = #map1}, {transform_indices = #map1}, {transform_indices = #map1}]} {
    %mul3A = arith.constant 2 : i32
    %mul3A_0 = arith.muli %arg1, %mul3A : i32
    %add3A = arith.addi %mul3A_0, %arg0 : i32
    %mul3A_1 = arith.constant 128 : i32
    %mul3A_2 = arith.muli %add3A, %mul3A_1 : i32
    %add3A_3 = arith.constant 12288 : i32
    %add3A_4 = arith.addi %add3A_3, %mul3A_2 : i32
    "tpu.region"() ({
      %run_scoped3A = tpu.sem_alloc : memref<!tpu.dma_semaphore, #tpu.memory_space<semaphore_mem>>
      %dma_start3A_2351 = tpu.memref_slice %arg3[%add3A_4] : memref<16384xi32, #tpu.memory_space<hbm>> -> memref<128xi32, #tpu.memory_space<hbm>>
      %dma_start3A_2352 = tpu.memref_slice %arg3[%add3A_4] : memref<16384xi32, #tpu.memory_space<hbm>> -> memref<128xi32, #tpu.memory_space<hbm>>
      tpu.enqueue_dma source(%dma_start3A_2352 : memref<128xi32, #tpu.memory_space<hbm>>) target(%arg12 : memref<128xi32, #tpu.memory_space<vmem>>) target_semaphore(%run_scoped3A : memref<!tpu.dma_semaphore, #tpu.memory_space<semaphore_mem>>)
      %dma_wait3A_2353 = tpu.memref_slice %arg3[%add3A_4] : memref<16384xi32, #tpu.memory_space<hbm>> -> memref<128xi32, #tpu.memory_space<hbm>>
      %dma_wait3A_2354 = tpu.memref_slice %arg3[%add3A_4] : memref<16384xi32, #tpu.memory_space<hbm>> -> memref<128xi32, #tpu.memory_space<hbm>>
      tpu.wait_dma2 semaphore(%run_scoped3A : memref<!tpu.dma_semaphore, #tpu.memory_space<semaphore_mem>>) src(%dma_wait3A_2354 : memref<128xi32, #tpu.memory_space<hbm>>) dst(%arg12 : memref<128xi32, #tpu.memory_space<vmem>>)
      tpu.yield
    }) : () -> ()
    "tpu.region"() ({
      %run_scoped3A = tpu.sem_alloc : memref<!tpu.dma_semaphore, #tpu.memory_space<semaphore_mem>>
      tpu.enqueue_dma source(%arg4 : memref<1000xf32, #tpu.memory_space<hbm>>) target(%arg13 : memref<1000xf32, #tpu.memory_space<vmem>>) target_semaphore(%run_scoped3A : memref<!tpu.dma_semaphore, #tpu.memory_space<semaphore_mem>>)
      tpu.wait_dma2 semaphore(%run_scoped3A : memref<!tpu.dma_semaphore, #tpu.memory_space<semaphore_mem>>) src(%arg4 : memref<1000xf32, #tpu.memory_space<hbm>>) dst(%arg13 : memref<1000xf32, #tpu.memory_space<vmem>>)
      tpu.yield
    }) : () -> ()
    %iota3A = tpu.iota {dimensions = array<i32: 0>} : vector<16xi32>
    %mul3A_5 = arith.constant 1000 : i32
    %mul3A_6 = vector.broadcast %mul3A_5 : i32 to vector<16xi32>
    %mul3A_7 = arith.muli %iota3A, %mul3A_6 : vector<16xi32>
    %add3A_8 = arith.constant 0 : i32
    %add3A_9 = arith.addi %add3A_4, %add3A_8 : i32
    %mul3A_10 = arith.constant 1000 : i32
    %mul3A_11 = arith.muli %add3A_9, %mul3A_10 : i32
    %dma_start3A = arith.constant 0 : i32
    %dma_start3A_12 = tpu.memref_slice %arg9[%dma_start3A] : memref<16016xf32, #tpu.memory_space<vmem>> -> memref<16000xf32, #tpu.memory_space<vmem>>
    %dma_start3A_13 = tpu.memref_slice %arg2[%mul3A_11] : memref<16384000xf32, #tpu.memory_space<hbm>> -> memref<16000xf32, #tpu.memory_space<hbm>>
    %dma_start3A_14 = arith.constant 0 : i32
    %dma_start3A_15 = tpu.memref_slice %arg9[%dma_start3A_14] : memref<16016xf32, #tpu.memory_space<vmem>> -> memref<16000xf32, #tpu.memory_space<vmem>>
    %dma_start3A_16 = tpu.memref_slice %arg2[%mul3A_11] : memref<16384000xf32, #tpu.memory_space<hbm>> -> memref<16000xf32, #tpu.memory_space<hbm>>
    tpu.enqueue_dma source(%dma_start3A_16 : memref<16000xf32, #tpu.memory_space<hbm>>) target(%dma_start3A_15 : memref<16000xf32, #tpu.memory_space<vmem>>) target_semaphore(%arg21 : memref<!tpu.dma_semaphore, #tpu.memory_space<semaphore_mem>>)
    %add3A_17 = arith.constant 16 : i32
    %add3A_18 = arith.addi %add3A_4, %add3A_17 : i32
    %mul3A_19 = arith.constant 1000 : i32
    %mul3A_20 = arith.muli %add3A_18, %mul3A_19 : i32
    %dma_start3A_21 = arith.constant 0 : i32
    %dma_start3A_22 = tpu.memref_slice %arg10[%dma_start3A_21] : memref<16016xf32, #tpu.memory_space<vmem>> -> memref<16000xf32, #tpu.memory_space<vmem>>
    %dma_start3A_23 = tpu.memref_slice %arg2[%mul3A_20] : memref<16384000xf32, #tpu.memory_space<hbm>> -> memref<16000xf32, #tpu.memory_space<hbm>>
    %dma_start3A_24 = arith.constant 0 : i32
    %dma_start3A_25 = tpu.memref_slice %arg10[%dma_start3A_24] : memref<16016xf32, #tpu.memory_space<vmem>> -> memref<16000xf32, #tpu.memory_space<vmem>>
    %dma_start3A_26 = tpu.memref_slice %arg2[%mul3A_20] : memref<16384000xf32, #tpu.memory_space<hbm>> -> memref<16000xf32, #tpu.memory_space<hbm>>
    tpu.enqueue_dma source(%dma_start3A_26 : memref<16000xf32, #tpu.memory_space<hbm>>) target(%dma_start3A_25 : memref<16000xf32, #tpu.memory_space<vmem>>) target_semaphore(%arg21 : memref<!tpu.dma_semaphore, #tpu.memory_space<semaphore_mem>>)
    %dma_wait3A = arith.constant 0 : i32
    %dma_wait3A_27 = tpu.memref_slice %arg9[%dma_wait3A] : memref<16016xf32, #tpu.memory_space<vmem>> -> memref<16000xf32, #tpu.memory_space<vmem>>
    %dma_wait3A_28 = tpu.memref_slice %arg2[%mul3A_11] : memref<16384000xf32, #tpu.memory_space<hbm>> -> memref<16000xf32, #tpu.memory_space<hbm>>
    %dma_wait3A_29 = arith.constant 0 : i32
    %dma_wait3A_30 = tpu.memref_slice %arg9[%dma_wait3A_29] : memref<16016xf32, #tpu.memory_space<vmem>> -> memref<16000xf32, #tpu.memory_space<vmem>>
    %dma_wait3A_31 = tpu.memref_slice %arg2[%mul3A_11] : memref<16384000xf32, #tpu.memory_space<hbm>> -> memref<16000xf32, #tpu.memory_space<hbm>>
    tpu.wait_dma2 semaphore(%arg21 : memref<!tpu.dma_semaphore, #tpu.memory_space<semaphore_mem>>) src(%dma_wait3A_31 : memref<16000xf32, #tpu.memory_space<hbm>>) dst(%dma_wait3A_30 : memref<16000xf32, #tpu.memory_space<vmem>>)
    %parallel_loop3A = arith.constant 0 : i32
    %parallel_loop3A_32 = arith.constant 16 : i32
    %parallel_loop3A_33 = arith.constant 1 : i32
    scf.for %parallel_loop3A_2351 = %parallel_loop3A to %parallel_loop3A_32 step %parallel_loop3A_33  : i32 {
      %parallel_loop3A_2352 = arith.constant 1000 : i32
      %parallel_loop3A_2353 = arith.muli %parallel_loop3A_2351, %parallel_loop3A_2352 : i32
      %parallel_loop3A_2354 = arith.constant 0.000000e+00 : f32
      %parallel_loop3A_2355 = vector.broadcast %parallel_loop3A_2354 : f32 to vector<16xf32>
      %parallel_loop3A_2356 = arith.constant 0 : i32
      %parallel_loop3A_2357 = arith.constant 992 : i32
      %parallel_loop3A_2358 = arith.constant 16 : i32
      %parallel_loop3A_2359 = scf.for %parallel_loop3A_2378 = %parallel_loop3A_2356 to %parallel_loop3A_2357 step %parallel_loop3A_2358 iter_args(%parallel_loop3A_2379 = %parallel_loop3A_2355) -> (vector<16xf32>)  : i32 {
        %parallel_loop3A_2380 = arith.addi %parallel_loop3A_2353, %parallel_loop3A_2378 : i32
        %parallel_loop3A_2381 = tpu.assume_multiple %parallel_loop3A_2380, 8 : i32
        %parallel_loop3A_2382 = arith.index_cast %parallel_loop3A_2381 : i32 to index
        %parallel_loop3A_2383 = tpu.vector_load %arg9[%parallel_loop3A_2382] {strides = array<i32>} : memref<16016xf32, #tpu.memory_space<vmem>>, vector<16xf32>,
        %parallel_loop3A_2384 = math.exp %parallel_loop3A_2383 : vector<16xf32>
        %parallel_loop3A_2385 = arith.index_cast %parallel_loop3A_2381 : i32 to index
        %parallel_loop3A_2386 = tpu.vector_load %arg11[%parallel_loop3A_2385] {strides = array<i32>} : memref<16016xf32, #tpu.memory_space<vmem>>, vector<16xf32>,
        tpu.vector_store %arg11[%parallel_loop3A_2385], %parallel_loop3A_2384 {strides = array<i32>} : memref<16016xf32, #tpu.memory_space<vmem>>, vector<16xf32>,
        %parallel_loop3A_2387 = arith.addf %parallel_loop3A_2379, %parallel_loop3A_2384 : vector<16xf32>
        scf.yield %parallel_loop3A_2387 : vector<16xf32>
      } {sc.loop_unroll_factor = 2 : i64, sc.parallel_access}
      %parallel_loop3A_2360 = arith.constant 992 : i32
      %parallel_loop3A_2361 = arith.addi %parallel_loop3A_2353, %parallel_loop3A_2360 : i32
      %parallel_loop3A_2362 = tpu.assume_multiple %parallel_loop3A_2361, 8 : i32
      %parallel_loop3A_2363 = arith.index_cast %parallel_loop3A_2362 : i32 to index
      %parallel_loop3A_2364 = tpu.vector_load %arg9[%parallel_loop3A_2363] {strides = array<i32>} : memref<16016xf32, #tpu.memory_space<vmem>>, vector<16xf32>,
      %parallel_loop3A_2365 = math.exp %parallel_loop3A_2364 : vector<16xf32>
      %parallel_loop3A_2366 = arith.constant 8 : i32
      %parallel_loop3A_2367 = vector.broadcast %parallel_loop3A_2366 : i32 to vector<16xi32>
      %parallel_loop3A_2368 = arith.cmpi slt, %iota3A, %parallel_loop3A_2367 : vector<16xi32>
      %parallel_loop3A_2369 = arith.constant 0.000000e+00 : f32
      %parallel_loop3A_2370 = vector.broadcast %parallel_loop3A_2369 : f32 to vector<16xf32>
      %parallel_loop3A_2371 = arith.select %parallel_loop3A_2368, %parallel_loop3A_2365, %parallel_loop3A_2370 : vector<16xi1>, vector<16xf32>
      %parallel_loop3A_2372 = arith.addf %parallel_loop3A_2359, %parallel_loop3A_2371 : vector<16xf32>
      %parallel_loop3A_2373 = arith.constant 16 : i32
      %parallel_loop3A_2374 = arith.muli %parallel_loop3A_2351, %parallel_loop3A_2373 : i32
      %parallel_loop3A_2375 = tpu.assume_multiple %parallel_loop3A_2374, 16 : i32
      %parallel_loop3A_2376 = arith.index_cast %parallel_loop3A_2375 : i32 to index
      %parallel_loop3A_2377 = tpu.vector_load %arg18[%parallel_loop3A_2376] {strides = array<i32>} : memref<256xf32, #tpu.memory_space<vmem>>, vector<16xf32>,
      tpu.vector_store %arg18[%parallel_loop3A_2376], %parallel_loop3A_2372 {strides = array<i32>} : memref<256xf32, #tpu.memory_space<vmem>>, vector<16xf32>,
    } {sc.loop_unroll_factor = 1 : i64, sc.parallel_access}
    %mul3A_34 = arith.constant 16 : i32
    %mul3A_35 = vector.broadcast %mul3A_34 : i32 to vector<16xi32>
    %mul3A_36 = arith.muli %iota3A, %mul3A_35 : vector<16xi32>
    %gather3A = tpu.vector_load_idx %arg18[%mul3A_36] : memref<256xf32, #tpu.memory_space<vmem>>[vector<16xi32>], vector<16xf32>,
    %mul3A_37 = arith.constant 16 : i32
    %mul3A_38 = vector.broadcast %mul3A_37 : i32 to vector<16xi32>
    %mul3A_39 = arith.muli %iota3A, %mul3A_38 : vector<16xi32>
    %add3A_40 = arith.constant 1 : i32
    %add3A_41 = vector.broadcast %add3A_40 : i32 to vector<16xi32>
    %add3A_42 = arith.addi %mul3A_39, %add3A_41 : vector<16xi32>
    %gather3A_43 = tpu.vector_load_idx %arg18[%add3A_42] : memref<256xf32, #tpu.memory_space<vmem>>[vector<16xi32>], vector<16xf32>,
    %add3A_44 = arith.addf %gather3A, %gather3A_43 : vector<16xf32>
    %mul3A_45 = arith.constant 16 : i32
    %mul3A_46 = vector.broadcast %mul3A_45 : i32 to vector<16xi32>
    %mul3A_47 = arith.muli %iota3A, %mul3A_46 : vector<16xi32>
    %add3A_48 = arith.constant 2 : i32
    %add3A_49 = vector.broadcast %add3A_48 : i32 to vector<16xi32>
    %add3A_50 = arith.addi %mul3A_47, %add3A_49 : vector<16xi32>
    %gather3A_51 = tpu.vector_load_idx %arg18[%add3A_50] : memref<256xf32, #tpu.memory_space<vmem>>[vector<16xi32>], vector<16xf32>,
    %add3A_52 = arith.addf %add3A_44, %gather3A_51 : vector<16xf32>
    %mul3A_53 = arith.constant 16 : i32
    %mul3A_54 = vector.broadcast %mul3A_53 : i32 to vector<16xi32>
    %mul3A_55 = arith.muli %iota3A, %mul3A_54 : vector<16xi32>
    %add3A_56 = arith.constant 3 : i32
    %add3A_57 = vector.broadcast %add3A_56 : i32 to vector<16xi32>
    %add3A_58 = arith.addi %mul3A_55, %add3A_57 : vector<16xi32>
    %gather3A_59 = tpu.vector_load_idx %arg18[%add3A_58] : memref<256xf32, #tpu.memory_space<vmem>>[vector<16xi32>], vector<16xf32>,
    %add3A_60 = arith.addf %add3A_52, %gather3A_59 : vector<16xf32>
    %mul3A_61 = arith.constant 16 : i32
    %mul3A_62 = vector.broadcast %mul3A_61 : i32 to vector<16xi32>
    %mul3A_63 = arith.muli %iota3A, %mul3A_62 : vector<16xi32>
    %add3A_64 = arith.constant 4 : i32
    %add3A_65 = vector.broadcast %add3A_64 : i32 to vector<16xi32>
    %add3A_66 = arith.addi %mul3A_63, %add3A_65 : vector<16xi32>
    %gather3A_67 = tpu.vector_load_idx %arg18[%add3A_66] : memref<256xf32, #tpu.memory_space<vmem>>[vector<16xi32>], vector<16xf32>,
    %add3A_68 = arith.addf %add3A_60, %gather3A_67 : vector<16xf32>
    %mul3A_69 = arith.constant 16 : i32
    %mul3A_70 = vector.broadcast %mul3A_69 : i32 to vector<16xi32>
    %mul3A_71 = arith.muli %iota3A, %mul3A_70 : vector<16xi32>
    %add3A_72 = arith.constant 5 : i32
    %add3A_73 = vector.broadcast %add3A_72 : i32 to vector<16xi32>
    %add3A_74 = arith.addi %mul3A_71, %add3A_73 : vector<16xi32>
    %gather3A_75 = tpu.vector_load_idx %arg18[%add3A_74] : memref<256xf32, #tpu.memory_space<vmem>>[vector<16xi32>], vector<16xf32>,
    %add3A_76 = arith.addf %add3A_68, %gather3A_75 : vector<16xf32>
    %mul3A_77 = arith.constant 16 : i32
    %mul3A_78 = vector.broadcast %mul3A_77 : i32 to vector<16xi32>
    %mul3A_79 = arith.muli %iota3A, %mul3A_78 : vector<16xi32>
    %add3A_80 = arith.constant 6 : i32
    %add3A_81 = vector.broadcast %add3A_80 : i32 to vector<16xi32>
    %add3A_82 = arith.addi %mul3A_79, %add3A_81 : vector<16xi32>
    %gather3A_83 = tpu.vector_load_idx %arg18[%add3A_82] : memref<256xf32, #tpu.memory_space<vmem>>[vector<16xi32>], vector<16xf32>,
    %add3A_84 = arith.addf %add3A_76, %gather3A_83 : vector<16xf32>
    %mul3A_85 = arith.constant 16 : i32
    %mul3A_86 = vector.broadcast %mul3A_85 : i32 to vector<16xi32>
    %mul3A_87 = arith.muli %iota3A, %mul3A_86 : vector<16xi32>
    %add3A_88 = arith.constant 7 : i32
    %add3A_89 = vector.broadcast %add3A_88 : i32 to vector<16xi32>
    %add3A_90 = arith.addi %mul3A_87, %add3A_89 : vector<16xi32>
    %gather3A_91 = tpu.vector_load_idx %arg18[%add3A_90] : memref<256xf32, #tpu.memory_space<vmem>>[vector<16xi32>], vector<16xf32>,
    %add3A_92 = arith.addf %add3A_84, %gather3A_91 : vector<16xf32>
    %mul3A_93 = arith.constant 16 : i32
    %mul3A_94 = vector.broadcast %mul3A_93 : i32 to vector<16xi32>
    %mul3A_95 = arith.muli %iota3A, %mul3A_94 : vector<16xi32>
    %add3A_96 = arith.constant 8 : i32
    %add3A_97 = vector.broadcast %add3A_96 : i32 to vector<16xi32>
    %add3A_98 = arith.addi %mul3A_95, %add3A_97 : vector<16xi32>
    %gather3A_99 = tpu.vector_load_idx %arg18[%add3A_98] : memref<256xf32, #tpu.memory_space<vmem>>[vector<16xi32>], vector<16xf32>,
    %add3A_100 = arith.addf %add3A_92, %gather3A_99 : vector<16xf32>
    %mul3A_101 = arith.constant 16 : i32
    %mul3A_102 = vector.broadcast %mul3A_101 : i32 to vector<16xi32>
    %mul3A_103 = arith.muli %iota3A, %mul3A_102 : vector<16xi32>
    %add3A_104 = arith.constant 9 : i32
    %add3A_105 = vector.broadcast %add3A_104 : i32 to vector<16xi32>
    %add3A_106 = arith.addi %mul3A_103, %add3A_105 : vector<16xi32>
    %gather3A_107 = tpu.vector_load_idx %arg18[%add3A_106] : memref<256xf32, #tpu.memory_space<vmem>>[vector<16xi32>], vector<16xf32>,
    %add3A_108 = arith.addf %add3A_100, %gather3A_107 : vector<16xf32>
    %mul3A_109 = arith.constant 16 : i32
    %mul3A_110 = vector.broadcast %mul3A_109 : i32 to vector<16xi32>
    %mul3A_111 = arith.muli %iota3A, %mul3A_110 : vector<16xi32>
    %add3A_112 = arith.constant 10 : i32
    %add3A_113 = vector.broadcast %add3A_112 : i32 to vector<16xi32>
    %add3A_114 = arith.addi %mul3A_111, %add3A_113 : vector<16xi32>
    %gather3A_115 = tpu.vector_load_idx %arg18[%add3A_114] : memref<256xf32, #tpu.memory_space<vmem>>[vector<16xi32>], vector<16xf32>,
    %add3A_116 = arith.addf %add3A_108, %gather3A_115 : vector<16xf32>
    %mul3A_117 = arith.constant 16 : i32
    %mul3A_118 = vector.broadcast %mul3A_117 : i32 to vector<16xi32>
    %mul3A_119 = arith.muli %iota3A, %mul3A_118 : vector<16xi32>
    %add3A_120 = arith.constant 11 : i32
    %add3A_121 = vector.broadcast %add3A_120 : i32 to vector<16xi32>
    %add3A_122 = arith.addi %mul3A_119, %add3A_121 : vector<16xi32>
    %gather3A_123 = tpu.vector_load_idx %arg18[%add3A_122] : memref<256xf32, #tpu.memory_space<vmem>>[vector<16xi32>], vector<16xf32>,
    %add3A_124 = arith.addf %add3A_116, %gather3A_123 : vector<16xf32>
    %mul3A_125 = arith.constant 16 : i32
    %mul3A_126 = vector.broadcast %mul3A_125 : i32 to vector<16xi32>
    %mul3A_127 = arith.muli %iota3A, %mul3A_126 : vector<16xi32>
    %add3A_128 = arith.constant 12 : i32
    %add3A_129 = vector.broadcast %add3A_128 : i32 to vector<16xi32>
    %add3A_130 = arith.addi %mul3A_127, %add3A_129 : vector<16xi32>
    %gather3A_131 = tpu.vector_load_idx %arg18[%add3A_130] : memref<256xf32, #tpu.memory_space<vmem>>[vector<16xi32>], vector<16xf32>,
    %add3A_132 = arith.addf %add3A_124, %gather3A_131 : vector<16xf32>
    %mul3A_133 = arith.constant 16 : i32
    %mul3A_134 = vector.broadcast %mul3A_133 : i32 to vector<16xi32>
    %mul3A_135 = arith.muli %iota3A, %mul3A_134 : vector<16xi32>
    %add3A_136 = arith.constant 13 : i32
    %add3A_137 = vector.broadcast %add3A_136 : i32 to vector<16xi32>
    %add3A_138 = arith.addi %mul3A_135, %add3A_137 : vector<16xi32>
    %gather3A_139 = tpu.vector_load_idx %arg18[%add3A_138] : memref<256xf32, #tpu.memory_space<vmem>>[vector<16xi32>], vector<16xf32>,
    %add3A_140 = arith.addf %add3A_132, %gather3A_139 : vector<16xf32>
    %mul3A_141 = arith.constant 16 : i32
    %mul3A_142 = vector.broadcast %mul3A_141 : i32 to vector<16xi32>
    %mul3A_143 = arith.muli %iota3A, %mul3A_142 : vector<16xi32>
    %add3A_144 = arith.constant 14 : i32
    %add3A_145 = vector.broadcast %add3A_144 : i32 to vector<16xi32>
    %add3A_146 = arith.addi %mul3A_143, %add3A_145 : vector<16xi32>
    %gather3A_147 = tpu.vector_load_idx %arg18[%add3A_146] : memref<256xf32, #tpu.memory_space<vmem>>[vector<16xi32>], vector<16xf32>,
    %add3A_148 = arith.addf %add3A_140, %gather3A_147 : vector<16xf32>
    %mul3A_149 = arith.constant 16 : i32
    %mul3A_150 = vector.broadcast %mul3A_149 : i32 to vector<16xi32>
    %mul3A_151 = arith.muli %iota3A, %mul3A_150 : vector<16xi32>
    %add3A_152 = arith.constant 15 : i32
    %add3A_153 = vector.broadcast %add3A_152 : i32 to vector<16xi32>
    %add3A_154 = arith.addi %mul3A_151, %add3A_153 : vector<16xi32>
    %gather3A_155 = tpu.vector_load_idx %arg18[%add3A_154] : memref<256xf32, #tpu.memory_space<vmem>>[vector<16xi32>], vector<16xf32>,
    %add3A_156 = arith.addf %add3A_148, %gather3A_155 : vector<16xf32>
    %div3A = arith.constant 1.000000e+00 : f32
    %div3A_157 = vector.broadcast %div3A : f32 to vector<16xf32>
    %div3A_158 = arith.divf %div3A_157, %add3A_156 : vector<16xf32>
    %swap3A = arith.constant 0 : index
    %swap3A_159 = tpu.vector_load %arg20[%swap3A] {strides = array<i32>} : memref<16xf32, #tpu.memory_space<vmem>>, vector<16xf32>,
    tpu.vector_store %arg20[%swap3A], %div3A_158 {strides = array<i32>} : memref<16xf32, #tpu.memory_space<vmem>>, vector<16xf32>,
    %parallel_loop3A_160 = arith.constant 0 : i32
    %parallel_loop3A_161 = arith.constant 16 : i32
    %parallel_loop3A_162 = arith.constant 1 : i32
    scf.for %parallel_loop3A_2351 = %parallel_loop3A_160 to %parallel_loop3A_161 step %parallel_loop3A_162  : i32 {
      %parallel_loop3A_2352 = arith.constant 1000 : i32
      %parallel_loop3A_2353 = arith.muli %parallel_loop3A_2351, %parallel_loop3A_2352 : i32
      %parallel_loop3A_2354 = arith.constant 0 : i32
      %parallel_loop3A_2355 = vector.broadcast %parallel_loop3A_2354 : i32 to vector<16xi32>
      %parallel_loop3A_2356 = arith.muli %iota3A, %parallel_loop3A_2355 : vector<16xi32>
      %parallel_loop3A_2357 = vector.broadcast %parallel_loop3A_2351 : i32 to vector<16xi32>
      %parallel_loop3A_2358 = arith.addi %parallel_loop3A_2356, %parallel_loop3A_2357 : vector<16xi32>
      %parallel_loop3A_2359 = tpu.vector_load_idx %arg20[%parallel_loop3A_2358] : memref<16xf32, #tpu.memory_space<vmem>>[vector<16xi32>], vector<16xf32>,
      %parallel_loop3A_2360 = arith.constant 1.000000e+00 : f32
      %parallel_loop3A_2361 = vector.broadcast %parallel_loop3A_2360 : f32 to vector<16xf32>
      %parallel_loop3A_2362 = arith.constant 0 : i32
      %parallel_loop3A_2363 = arith.constant 992 : i32
      %parallel_loop3A_2364 = arith.constant 16 : i32
      %parallel_loop3A_2365 = scf.for %parallel_loop3A_2388 = %parallel_loop3A_2362 to %parallel_loop3A_2363 step %parallel_loop3A_2364 iter_args(%parallel_loop3A_2389 = %parallel_loop3A_2361) -> (vector<16xf32>)  : i32 {
        %parallel_loop3A_2390 = arith.addi %parallel_loop3A_2353, %parallel_loop3A_2388 : i32
        %parallel_loop3A_2391 = tpu.assume_multiple %parallel_loop3A_2390, 8 : i32
        %parallel_loop3A_2392 = arith.index_cast %parallel_loop3A_2391 : i32 to index
        %parallel_loop3A_2393 = tpu.vector_load %arg11[%parallel_loop3A_2392] {strides = array<i32>} : memref<16016xf32, #tpu.memory_space<vmem>>, vector<16xf32>,
        %parallel_loop3A_2394 = arith.mulf %parallel_loop3A_2393, %parallel_loop3A_2359 : vector<16xf32>
        %parallel_loop3A_2395 = arith.constant 1.00000095 : f32
        %parallel_loop3A_2396 = vector.broadcast %parallel_loop3A_2395 : f32 to vector<16xf32>
        %parallel_loop3A_2397 = arith.subf %parallel_loop3A_2396, %parallel_loop3A_2394 : vector<16xf32>
        %parallel_loop3A_2398 = arith.mulf %parallel_loop3A_2389, %parallel_loop3A_2397 : vector<16xf32>
        scf.yield %parallel_loop3A_2398 : vector<16xf32>
      } {sc.loop_unroll_factor = 2 : i64, sc.parallel_access}
      %parallel_loop3A_2366 = arith.constant 992 : i32
      %parallel_loop3A_2367 = arith.addi %parallel_loop3A_2353, %parallel_loop3A_2366 : i32
      %parallel_loop3A_2368 = tpu.assume_multiple %parallel_loop3A_2367, 8 : i32
      %parallel_loop3A_2369 = arith.index_cast %parallel_loop3A_2368 : i32 to index
      %parallel_loop3A_2370 = tpu.vector_load %arg9[%parallel_loop3A_2369] {strides = array<i32>} : memref<16016xf32, #tpu.memory_space<vmem>>, vector<16xf32>,
      %parallel_loop3A_2371 = math.exp %parallel_loop3A_2370 : vector<16xf32>
      %parallel_loop3A_2372 = arith.constant 8 : i32
      %parallel_loop3A_2373 = vector.broadcast %parallel_loop3A_2372 : i32 to vector<16xi32>
      %parallel_loop3A_2374 = arith.cmpi slt, %iota3A, %parallel_loop3A_2373 : vector<16xi32>
      %parallel_loop3A_2375 = arith.mulf %parallel_loop3A_2371, %parallel_loop3A_2359 : vector<16xf32>
      %parallel_loop3A_2376 = arith.constant 1.00000095 : f32
      %parallel_loop3A_2377 = vector.broadcast %parallel_loop3A_2376 : f32 to vector<16xf32>
      %parallel_loop3A_2378 = arith.subf %parallel_loop3A_2377, %parallel_loop3A_2375 : vector<16xf32>
      %parallel_loop3A_2379 = arith.constant 1.000000e+00 : f32
      %parallel_loop3A_2380 = vector.broadcast %parallel_loop3A_2379 : f32 to vector<16xf32>
      %parallel_loop3A_2381 = arith.select %parallel_loop3A_2374, %parallel_loop3A_2378, %parallel_loop3A_2380 : vector<16xi1>, vector<16xf32>
      %parallel_loop3A_2382 = arith.mulf %parallel_loop3A_2365, %parallel_loop3A_2381 : vector<16xf32>
      %parallel_loop3A_2383 = arith.constant 16 : i32
      %parallel_loop3A_2384 = arith.muli %parallel_loop3A_2351, %parallel_loop3A_2383 : i32
      %parallel_loop3A_2385 = tpu.assume_multiple %parallel_loop3A_2384, 16 : i32
      %parallel_loop3A_2386 = arith.index_cast %parallel_loop3A_2385 : i32 to index
      %parallel_loop3A_2387 = tpu.vector_load %arg19[%parallel_loop3A_2386] {strides = array<i32>} : memref<256xf32, #tpu.memory_space<vmem>>, vector<16xf32>,
      tpu.vector_store %arg19[%parallel_loop3A_2386], %parallel_loop3A_2382 {strides = array<i32>} : memref<256xf32, #tpu.memory_space<vmem>>, vector<16xf32>,
    } {sc.loop_unroll_factor = 1 : i64, sc.parallel_access}
    %mul3A_163 = arith.constant 16 : i32
    %mul3A_164 = vector.broadcast %mul3A_163 : i32 to vector<16xi32>
    %mul3A_165 = arith.muli %iota3A, %mul3A_164 : vector<16xi32>
    %gather3A_166 = tpu.vector_load_idx %arg19[%mul3A_165] : memref<256xf32, #tpu.memory_space<vmem>>[vector<16xi32>], vector<16xf32>,
    %mul3A_167 = arith.constant 16 : i32
    %mul3A_168 = vector.broadcast %mul3A_167 : i32 to vector<16xi32>
    %mul3A_169 = arith.muli %iota3A, %mul3A_168 : vector<16xi32>
    %add3A_170 = arith.constant 1 : i32
    %add3A_171 = vector.broadcast %add3A_170 : i32 to vector<16xi32>
    %add3A_172 = arith.addi %mul3A_169, %add3A_171 : vector<16xi32>
    %gather3A_173 = tpu.vector_load_idx %arg19[%add3A_172] : memref<256xf32, #tpu.memory_space<vmem>>[vector<16xi32>], vector<16xf32>,
    %mul3A_174 = arith.mulf %gather3A_166, %gather3A_173 : vector<16xf32>
    %mul3A_175 = arith.constant 16 : i32
    %mul3A_176 = vector.broadcast %mul3A_175 : i32 to vector<16xi32>
    %mul3A_177 = arith.muli %iota3A, %mul3A_176 : vector<16xi32>
    %add3A_178 = arith.constant 2 : i32
    %add3A_179 = vector.broadcast %add3A_178 : i32 to vector<16xi32>
    %add3A_180 = arith.addi %mul3A_177, %add3A_179 : vector<16xi32>
    %gather3A_181 = tpu.vector_load_idx %arg19[%add3A_180] : memref<256xf32, #tpu.memory_space<vmem>>[vector<16xi32>], vector<16xf32>,
    %mul3A_182 = arith.mulf %mul3A_174, %gather3A_181 : vector<16xf32>
    %mul3A_183 = arith.constant 16 : i32
    %mul3A_184 = vector.broadcast %mul3A_183 : i32 to vector<16xi32>
    %mul3A_185 = arith.muli %iota3A, %mul3A_184 : vector<16xi32>
    %add3A_186 = arith.constant 3 : i32
    %add3A_187 = vector.broadcast %add3A_186 : i32 to vector<16xi32>
    %add3A_188 = arith.addi %mul3A_185, %add3A_187 : vector<16xi32>
    %gather3A_189 = tpu.vector_load_idx %arg19[%add3A_188] : memref<256xf32, #tpu.memory_space<vmem>>[vector<16xi32>], vector<16xf32>,
    %mul3A_190 = arith.mulf %mul3A_182, %gather3A_189 : vector<16xf32>
    %mul3A_191 = arith.constant 16 : i32
    %mul3A_192 = vector.broadcast %mul3A_191 : i32 to vector<16xi32>
    %mul3A_193 = arith.muli %iota3A, %mul3A_192 : vector<16xi32>
    %add3A_194 = arith.constant 4 : i32
    %add3A_195 = vector.broadcast %add3A_194 : i32 to vector<16xi32>
    %add3A_196 = arith.addi %mul3A_193, %add3A_195 : vector<16xi32>
    %gather3A_197 = tpu.vector_load_idx %arg19[%add3A_196] : memref<256xf32, #tpu.memory_space<vmem>>[vector<16xi32>], vector<16xf32>,
    %mul3A_198 = arith.mulf %mul3A_190, %gather3A_197 : vector<16xf32>
    %mul3A_199 = arith.constant 16 : i32
    %mul3A_200 = vector.broadcast %mul3A_199 : i32 to vector<16xi32>
    %mul3A_201 = arith.muli %iota3A, %mul3A_200 : vector<16xi32>
    %add3A_202 = arith.constant 5 : i32
    %add3A_203 = vector.broadcast %add3A_202 : i32 to vector<16xi32>
    %add3A_204 = arith.addi %mul3A_201, %add3A_203 : vector<16xi32>
    %gather3A_205 = tpu.vector_load_idx %arg19[%add3A_204] : memref<256xf32, #tpu.memory_space<vmem>>[vector<16xi32>], vector<16xf32>,
    %mul3A_206 = arith.mulf %mul3A_198, %gather3A_205 : vector<16xf32>
    %mul3A_207 = arith.constant 16 : i32
    %mul3A_208 = vector.broadcast %mul3A_207 : i32 to vector<16xi32>
    %mul3A_209 = arith.muli %iota3A, %mul3A_208 : vector<16xi32>
    %add3A_210 = arith.constant 6 : i32
    %add3A_211 = vector.broadcast %add3A_210 : i32 to vector<16xi32>
    %add3A_212 = arith.addi %mul3A_209, %add3A_211 : vector<16xi32>
    %gather3A_213 = tpu.vector_load_idx %arg19[%add3A_212] : memref<256xf32, #tpu.memory_space<vmem>>[vector<16xi32>], vector<16xf32>,
    %mul3A_214 = arith.mulf %mul3A_206, %gather3A_213 : vector<16xf32>
    %mul3A_215 = arith.constant 16 : i32
    %mul3A_216 = vector.broadcast %mul3A_215 : i32 to vector<16xi32>
    %mul3A_217 = arith.muli %iota3A, %mul3A_216 : vector<16xi32>
    %add3A_218 = arith.constant 7 : i32
    %add3A_219 = vector.broadcast %add3A_218 : i32 to vector<16xi32>
    %add3A_220 = arith.addi %mul3A_217, %add3A_219 : vector<16xi32>
    %gather3A_221 = tpu.vector_load_idx %arg19[%add3A_220] : memref<256xf32, #tpu.memory_space<vmem>>[vector<16xi32>], vector<16xf32>,
    %mul3A_222 = arith.mulf %mul3A_214, %gather3A_221 : vector<16xf32>
    %mul3A_223 = arith.constant 16 : i32
    %mul3A_224 = vector.broadcast %mul3A_223 : i32 to vector<16xi32>
    %mul3A_225 = arith.muli %iota3A, %mul3A_224 : vector<16xi32>
    %add3A_226 = arith.constant 8 : i32
    %add3A_227 = vector.broadcast %add3A_226 : i32 to vector<16xi32>
    %add3A_228 = arith.addi %mul3A_225, %add3A_227 : vector<16xi32>
    %gather3A_229 = tpu.vector_load_idx %arg19[%add3A_228] : memref<256xf32, #tpu.memory_space<vmem>>[vector<16xi32>], vector<16xf32>,
    %mul3A_230 = arith.mulf %mul3A_222, %gather3A_229 : vector<16xf32>
    %mul3A_231 = arith.constant 16 : i32
    %mul3A_232 = vector.broadcast %mul3A_231 : i32 to vector<16xi32>
    %mul3A_233 = arith.muli %iota3A, %mul3A_232 : vector<16xi32>
    %add3A_234 = arith.constant 9 : i32
    %add3A_235 = vector.broadcast %add3A_234 : i32 to vector<16xi32>
    %add3A_236 = arith.addi %mul3A_233, %add3A_235 : vector<16xi32>
    %gather3A_237 = tpu.vector_load_idx %arg19[%add3A_236] : memref<256xf32, #tpu.memory_space<vmem>>[vector<16xi32>], vector<16xf32>,
    %mul3A_238 = arith.mulf %mul3A_230, %gather3A_237 : vector<16xf32>
    %mul3A_239 = arith.constant 16 : i32
    %mul3A_240 = vector.broadcast %mul3A_239 : i32 to vector<16xi32>
    %mul3A_241 = arith.muli %iota3A, %mul3A_240 : vector<16xi32>
    %add3A_242 = arith.constant 10 : i32
    %add3A_243 = vector.broadcast %add3A_242 : i32 to vector<16xi32>
    %add3A_244 = arith.addi %mul3A_241, %add3A_243 : vector<16xi32>
    %gather3A_245 = tpu.vector_load_idx %arg19[%add3A_244] : memref<256xf32, #tpu.memory_space<vmem>>[vector<16xi32>], vector<16xf32>,
    %mul3A_246 = arith.mulf %mul3A_238, %gather3A_245 : vector<16xf32>
    %mul3A_247 = arith.constant 16 : i32
    %mul3A_248 = vector.broadcast %mul3A_247 : i32 to vector<16xi32>
    %mul3A_249 = arith.muli %iota3A, %mul3A_248 : vector<16xi32>
    %add3A_250 = arith.constant 11 : i32
    %add3A_251 = vector.broadcast %add3A_250 : i32 to vector<16xi32>
    %add3A_252 = arith.addi %mul3A_249, %add3A_251 : vector<16xi32>
    %gather3A_253 = tpu.vector_load_idx %arg19[%add3A_252] : memref<256xf32, #tpu.memory_space<vmem>>[vector<16xi32>], vector<16xf32>,
    %mul3A_254 = arith.mulf %mul3A_246, %gather3A_253 : vector<16xf32>
    %mul3A_255 = arith.constant 16 : i32
    %mul3A_256 = vector.broadcast %mul3A_255 : i32 to vector<16xi32>
    %mul3A_257 = arith.muli %iota3A, %mul3A_256 : vector<16xi32>
    %add3A_258 = arith.constant 12 : i32
    %add3A_259 = vector.broadcast %add3A_258 : i32 to vector<16xi32>
    %add3A_260 = arith.addi %mul3A_257, %add3A_259 : vector<16xi32>
    %gather3A_261 = tpu.vector_load_idx %arg19[%add3A_260] : memref<256xf32, #tpu.memory_space<vmem>>[vector<16xi32>], vector<16xf32>,
    %mul3A_262 = arith.mulf %mul3A_254, %gather3A_261 : vector<16xf32>
    %mul3A_263 = arith.constant 16 : i32
    %mul3A_264 = vector.broadcast %mul3A_263 : i32 to vector<16xi32>
    %mul3A_265 = arith.muli %iota3A, %mul3A_264 : vector<16xi32>
    %add3A_266 = arith.constant 13 : i32
    %add3A_267 = vector.broadcast %add3A_266 : i32 to vector<16xi32>
    %add3A_268 = arith.addi %mul3A_265, %add3A_267 : vector<16xi32>
    %gather3A_269 = tpu.vector_load_idx %arg19[%add3A_268] : memref<256xf32, #tpu.memory_space<vmem>>[vector<16xi32>], vector<16xf32>,
    %mul3A_270 = arith.mulf %mul3A_262, %gather3A_269 : vector<16xf32>
    %mul3A_271 = arith.constant 16 : i32
    %mul3A_272 = vector.broadcast %mul3A_271 : i32 to vector<16xi32>
    %mul3A_273 = arith.muli %iota3A, %mul3A_272 : vector<16xi32>
    %add3A_274 = arith.constant 14 : i32
    %add3A_275 = vector.broadcast %add3A_274 : i32 to vector<16xi32>
    %add3A_276 = arith.addi %mul3A_273, %add3A_275 : vector<16xi32>
    %gather3A_277 = tpu.vector_load_idx %arg19[%add3A_276] : memref<256xf32, #tpu.memory_space<vmem>>[vector<16xi32>], vector<16xf32>,
    %mul3A_278 = arith.mulf %mul3A_270, %gather3A_277 : vector<16xf32>
    %mul3A_279 = arith.constant 16 : i32
    %mul3A_280 = vector.broadcast %mul3A_279 : i32 to vector<16xi32>
    %mul3A_281 = arith.muli %iota3A, %mul3A_280 : vector<16xi32>
    %add3A_282 = arith.constant 15 : i32
    %add3A_283 = vector.broadcast %add3A_282 : i32 to vector<16xi32>
    %add3A_284 = arith.addi %mul3A_281, %add3A_283 : vector<16xi32>
    %gather3A_285 = tpu.vector_load_idx %arg19[%add3A_284] : memref<256xf32, #tpu.memory_space<vmem>>[vector<16xi32>], vector<16xf32>,
    %mul3A_286 = arith.mulf %mul3A_278, %gather3A_285 : vector<16xf32>
    %get3A = arith.constant 0 : index
    %get3A_287 = tpu.vector_load %arg12[%get3A] {strides = array<i32>} : memref<128xi32, #tpu.memory_space<vmem>>, vector<16xi32>,
    %min3A = arith.constant 999 : i32
    %min3A_288 = vector.broadcast %min3A : i32 to vector<16xi32>
    %min3A_289 = arith.minsi %get3A_287, %min3A_288 : vector<16xi32>
    %max3A = arith.constant 0 : i32
    %max3A_290 = vector.broadcast %max3A : i32 to vector<16xi32>
    %max3A_291 = arith.maxsi %min3A_289, %max3A_290 : vector<16xi32>
    %add3A_292 = arith.addi %mul3A_7, %max3A_291 : vector<16xi32>
    %gather3A_293 = tpu.vector_load_idx %arg9[%add3A_292] : memref<16016xf32, #tpu.memory_space<vmem>>[vector<16xi32>], vector<16xf32>,
    %gather3A_294 = tpu.vector_load_idx %arg13[%max3A_291] : memref<1000xf32, #tpu.memory_space<vmem>>[vector<16xi32>], vector<16xf32>,
    %swap3A_295 = arith.constant 0 : index
    %swap3A_296 = tpu.vector_load %arg14[%swap3A_295] {strides = array<i32>} : memref<128xf32, #tpu.memory_space<vmem>>, vector<16xf32>,
    tpu.vector_store %arg14[%swap3A_295], %add3A_156 {strides = array<i32>} : memref<128xf32, #tpu.memory_space<vmem>>, vector<16xf32>,
    %swap3A_297 = arith.constant 0 : index
    %swap3A_298 = tpu.vector_load %arg15[%swap3A_297] {strides = array<i32>} : memref<128xf32, #tpu.memory_space<vmem>>, vector<16xf32>,
    tpu.vector_store %arg15[%swap3A_297], %mul3A_286 {strides = array<i32>} : memref<128xf32, #tpu.memory_space<vmem>>, vector<16xf32>,
    %swap3A_299 = arith.constant 0 : index
    %swap3A_300 = tpu.vector_load %arg16[%swap3A_299] {strides = array<i32>} : memref<128xf32, #tpu.memory_space<vmem>>, vector<16xf32>,
    tpu.vector_store %arg16[%swap3A_299], %gather3A_293 {strides = array<i32>} : memref<128xf32, #tpu.memory_space<vmem>>, vector<16xf32>,
    %swap3A_301 = arith.constant 0 : index
    %swap3A_302 = tpu.vector_load %arg17[%swap3A_301] {strides = array<i32>} : memref<128xf32, #tpu.memory_space<vmem>>, vector<16xf32>,
    tpu.vector_store %arg17[%swap3A_301], %gather3A_294 {strides = array<i32>} : memref<128xf32, #tpu.memory_space<vmem>>, vector<16xf32>,
    %add3A_303 = arith.constant 32 : i32
    %add3A_304 = arith.addi %add3A_4, %add3A_303 : i32
    %mul3A_305 = arith.constant 1000 : i32
    %mul3A_306 = arith.muli %add3A_304, %mul3A_305 : i32
    %dma_start3A_307 = arith.constant 0 : i32
    %dma_start3A_308 = tpu.memref_slice %arg9[%dma_start3A_307] : memref<16016xf32, #tpu.memory_space<vmem>> -> memref<16000xf32, #tpu.memory_space<vmem>>
    %dma_start3A_309 = tpu.memref_slice %arg2[%mul3A_306] : memref<16384000xf32, #tpu.memory_space<hbm>> -> memref<16000xf32, #tpu.memory_space<hbm>>
    %dma_start3A_310 = arith.constant 0 : i32
    %dma_start3A_311 = tpu.memref_slice %arg9[%dma_start3A_310] : memref<16016xf32, #tpu.memory_space<vmem>> -> memref<16000xf32, #tpu.memory_space<vmem>>
    %dma_start3A_312 = tpu.memref_slice %arg2[%mul3A_306] : memref<16384000xf32, #tpu.memory_space<hbm>> -> memref<16000xf32, #tpu.memory_space<hbm>>
    tpu.enqueue_dma source(%dma_start3A_312 : memref<16000xf32, #tpu.memory_space<hbm>>) target(%dma_start3A_311 : memref<16000xf32, #tpu.memory_space<vmem>>) target_semaphore(%arg21 : memref<!tpu.dma_semaphore, #tpu.memory_space<semaphore_mem>>)
    %dma_wait3A_313 = arith.constant 0 : i32
    %dma_wait3A_314 = tpu.memref_slice %arg10[%dma_wait3A_313] : memref<16016xf32, #tpu.memory_space<vmem>> -> memref<16000xf32, #tpu.memory_space<vmem>>
    %dma_wait3A_315 = tpu.memref_slice %arg2[%mul3A_20] : memref<16384000xf32, #tpu.memory_space<hbm>> -> memref<16000xf32, #tpu.memory_space<hbm>>
    %dma_wait3A_316 = arith.constant 0 : i32
    %dma_wait3A_317 = tpu.memref_slice %arg10[%dma_wait3A_316] : memref<16016xf32, #tpu.memory_space<vmem>> -> memref<16000xf32, #tpu.memory_space<vmem>>
    %dma_wait3A_318 = tpu.memref_slice %arg2[%mul3A_20] : memref<16384000xf32, #tpu.memory_space<hbm>> -> memref<16000xf32, #tpu.memory_space<hbm>>
    tpu.wait_dma2 semaphore(%arg21 : memref<!tpu.dma_semaphore, #tpu.memory_space<semaphore_mem>>) src(%dma_wait3A_318 : memref<16000xf32, #tpu.memory_space<hbm>>) dst(%dma_wait3A_317 : memref<16000xf32, #tpu.memory_space<vmem>>)
    %parallel_loop3A_319 = arith.constant 0 : i32
    %parallel_loop3A_320 = arith.constant 16 : i32
    %parallel_loop3A_321 = arith.constant 1 : i32
    scf.for %parallel_loop3A_2351 = %parallel_loop3A_319 to %parallel_loop3A_320 step %parallel_loop3A_321  : i32 {
      %parallel_loop3A_2352 = arith.constant 1000 : i32
      %parallel_loop3A_2353 = arith.muli %parallel_loop3A_2351, %parallel_loop3A_2352 : i32
      %parallel_loop3A_2354 = arith.constant 0.000000e+00 : f32
      %parallel_loop3A_2355 = vector.broadcast %parallel_loop3A_2354 : f32 to vector<16xf32>
      %parallel_loop3A_2356 = arith.constant 0 : i32
      %parallel_loop3A_2357 = arith.constant 992 : i32
      %parallel_loop3A_2358 = arith.constant 16 : i32
      %parallel_loop3A_2359 = scf.for %parallel_loop3A_2378 = %parallel_loop3A_2356 to %parallel_loop3A_2357 step %parallel_loop3A_2358 iter_args(%parallel_loop3A_2379 = %parallel_loop3A_2355) -> (vector<16xf32>)  : i32 {
        %parallel_loop3A_2380 = arith.addi %parallel_loop3A_2353, %parallel_loop3A_2378 : i32
        %parallel_loop3A_2381 = tpu.assume_multiple %parallel_loop3A_2380, 8 : i32
        %parallel_loop3A_2382 = arith.index_cast %parallel_loop3A_2381 : i32 to index
        %parallel_loop3A_2383 = tpu.vector_load %arg10[%parallel_loop3A_2382] {strides = array<i32>} : memref<16016xf32, #tpu.memory_space<vmem>>, vector<16xf32>,
        %parallel_loop3A_2384 = math.exp %parallel_loop3A_2383 : vector<16xf32>
        %parallel_loop3A_2385 = arith.index_cast %parallel_loop3A_2381 : i32 to index
        %parallel_loop3A_2386 = tpu.vector_load %arg11[%parallel_loop3A_2385] {strides = array<i32>} : memref<16016xf32, #tpu.memory_space<vmem>>, vector<16xf32>,
        tpu.vector_store %arg11[%parallel_loop3A_2385], %parallel_loop3A_2384 {strides = array<i32>} : memref<16016xf32, #tpu.memory_space<vmem>>, vector<16xf32>,
        %parallel_loop3A_2387 = arith.addf %parallel_loop3A_2379, %parallel_loop3A_2384 : vector<16xf32>
        scf.yield %parallel_loop3A_2387 : vector<16xf32>
      } {sc.loop_unroll_factor = 2 : i64, sc.parallel_access}
      %parallel_loop3A_2360 = arith.constant 992 : i32
      %parallel_loop3A_2361 = arith.addi %parallel_loop3A_2353, %parallel_loop3A_2360 : i32
      %parallel_loop3A_2362 = tpu.assume_multiple %parallel_loop3A_2361, 8 : i32
      %parallel_loop3A_2363 = arith.index_cast %parallel_loop3A_2362 : i32 to index
      %parallel_loop3A_2364 = tpu.vector_load %arg10[%parallel_loop3A_2363] {strides = array<i32>} : memref<16016xf32, #tpu.memory_space<vmem>>, vector<16xf32>,
      %parallel_loop3A_2365 = math.exp %parallel_loop3A_2364 : vector<16xf32>
      %parallel_loop3A_2366 = arith.constant 8 : i32
      %parallel_loop3A_2367 = vector.broadcast %parallel_loop3A_2366 : i32 to vector<16xi32>
      %parallel_loop3A_2368 = arith.cmpi slt, %iota3A, %parallel_loop3A_2367 : vector<16xi32>
      %parallel_loop3A_2369 = arith.constant 0.000000e+00 : f32
      %parallel_loop3A_2370 = vector.broadcast %parallel_loop3A_2369 : f32 to vector<16xf32>
      %parallel_loop3A_2371 = arith.select %parallel_loop3A_2368, %parallel_loop3A_2365, %parallel_loop3A_2370 : vector<16xi1>, vector<16xf32>
      %parallel_loop3A_2372 = arith.addf %parallel_loop3A_2359, %parallel_loop3A_2371 : vector<16xf32>
      %parallel_loop3A_2373 = arith.constant 16 : i32
      %parallel_loop3A_2374 = arith.muli %parallel_loop3A_2351, %parallel_loop3A_2373 : i32
      %parallel_loop3A_2375 = tpu.assume_multiple %parallel_loop3A_2374, 16 : i32
      %parallel_loop3A_2376 = arith.index_cast %parallel_loop3A_2375 : i32 to index
      %parallel_loop3A_2377 = tpu.vector_load %arg18[%parallel_loop3A_2376] {strides = array<i32>} : memref<256xf32, #tpu.memory_space<vmem>>, vector<16xf32>,
      tpu.vector_store %arg18[%parallel_loop3A_2376], %parallel_loop3A_2372 {strides = array<i32>} : memref<256xf32, #tpu.memory_space<vmem>>, vector<16xf32>,
    } {sc.loop_unroll_factor = 1 : i64, sc.parallel_access}
    %mul3A_322 = arith.constant 16 : i32
    %mul3A_323 = vector.broadcast %mul3A_322 : i32 to vector<16xi32>
    %mul3A_324 = arith.muli %iota3A, %mul3A_323 : vector<16xi32>
    %gather3A_325 = tpu.vector_load_idx %arg18[%mul3A_324] : memref<256xf32, #tpu.memory_space<vmem>>[vector<16xi32>], vector<16xf32>,
    %mul3A_326 = arith.constant 16 : i32
    %mul3A_327 = vector.broadcast %mul3A_326 : i32 to vector<16xi32>
    %mul3A_328 = arith.muli %iota3A, %mul3A_327 : vector<16xi32>
    %add3A_329 = arith.constant 1 : i32
    %add3A_330 = vector.broadcast %add3A_329 : i32 to vector<16xi32>
    %add3A_331 = arith.addi %mul3A_328, %add3A_330 : vector<16xi32>
    %gather3A_332 = tpu.vector_load_idx %arg18[%add3A_331] : memref<256xf32, #tpu.memory_space<vmem>>[vector<16xi32>], vector<16xf32>,
    %add3A_333 = arith.addf %gather3A_325, %gather3A_332 : vector<16xf32>
    %mul3A_334 = arith.constant 16 : i32
    %mul3A_335 = vector.broadcast %mul3A_334 : i32 to vector<16xi32>
    %mul3A_336 = arith.muli %iota3A, %mul3A_335 : vector<16xi32>
    %add3A_337 = arith.constant 2 : i32
    %add3A_338 = vector.broadcast %add3A_337 : i32 to vector<16xi32>
    %add3A_339 = arith.addi %mul3A_336, %add3A_338 : vector<16xi32>
    %gather3A_340 = tpu.vector_load_idx %arg18[%add3A_339] : memref<256xf32, #tpu.memory_space<vmem>>[vector<16xi32>], vector<16xf32>,
    %add3A_341 = arith.addf %add3A_333, %gather3A_340 : vector<16xf32>
    %mul3A_342 = arith.constant 16 : i32
    %mul3A_343 = vector.broadcast %mul3A_342 : i32 to vector<16xi32>
    %mul3A_344 = arith.muli %iota3A, %mul3A_343 : vector<16xi32>
    %add3A_345 = arith.constant 3 : i32
    %add3A_346 = vector.broadcast %add3A_345 : i32 to vector<16xi32>
    %add3A_347 = arith.addi %mul3A_344, %add3A_346 : vector<16xi32>
    %gather3A_348 = tpu.vector_load_idx %arg18[%add3A_347] : memref<256xf32, #tpu.memory_space<vmem>>[vector<16xi32>], vector<16xf32>,
    %add3A_349 = arith.addf %add3A_341, %gather3A_348 : vector<16xf32>
    %mul3A_350 = arith.constant 16 : i32
    %mul3A_351 = vector.broadcast %mul3A_350 : i32 to vector<16xi32>
    %mul3A_352 = arith.muli %iota3A, %mul3A_351 : vector<16xi32>
    %add3A_353 = arith.constant 4 : i32
    %add3A_354 = vector.broadcast %add3A_353 : i32 to vector<16xi32>
    %add3A_355 = arith.addi %mul3A_352, %add3A_354 : vector<16xi32>
    %gather3A_356 = tpu.vector_load_idx %arg18[%add3A_355] : memref<256xf32, #tpu.memory_space<vmem>>[vector<16xi32>], vector<16xf32>,
    %add3A_357 = arith.addf %add3A_349, %gather3A_356 : vector<16xf32>
    %mul3A_358 = arith.constant 16 : i32
    %mul3A_359 = vector.broadcast %mul3A_358 : i32 to vector<16xi32>
    %mul3A_360 = arith.muli %iota3A, %mul3A_359 : vector<16xi32>
    %add3A_361 = arith.constant 5 : i32
    %add3A_362 = vector.broadcast %add3A_361 : i32 to vector<16xi32>
    %add3A_363 = arith.addi %mul3A_360, %add3A_362 : vector<16xi32>
    %gather3A_364 = tpu.vector_load_idx %arg18[%add3A_363] : memref<256xf32, #tpu.memory_space<vmem>>[vector<16xi32>], vector<16xf32>,
    %add3A_365 = arith.addf %add3A_357, %gather3A_364 : vector<16xf32>
    %mul3A_366 = arith.constant 16 : i32
    %mul3A_367 = vector.broadcast %mul3A_366 : i32 to vector<16xi32>
    %mul3A_368 = arith.muli %iota3A, %mul3A_367 : vector<16xi32>
    %add3A_369 = arith.constant 6 : i32
    %add3A_370 = vector.broadcast %add3A_369 : i32 to vector<16xi32>
    %add3A_371 = arith.addi %mul3A_368, %add3A_370 : vector<16xi32>
    %gather3A_372 = tpu.vector_load_idx %arg18[%add3A_371] : memref<256xf32, #tpu.memory_space<vmem>>[vector<16xi32>], vector<16xf32>,
    %add3A_373 = arith.addf %add3A_365, %gather3A_372 : vector<16xf32>
    %mul3A_374 = arith.constant 16 : i32
    %mul3A_375 = vector.broadcast %mul3A_374 : i32 to vector<16xi32>
    %mul3A_376 = arith.muli %iota3A, %mul3A_375 : vector<16xi32>
    %add3A_377 = arith.constant 7 : i32
    %add3A_378 = vector.broadcast %add3A_377 : i32 to vector<16xi32>
    %add3A_379 = arith.addi %mul3A_376, %add3A_378 : vector<16xi32>
    %gather3A_380 = tpu.vector_load_idx %arg18[%add3A_379] : memref<256xf32, #tpu.memory_space<vmem>>[vector<16xi32>], vector<16xf32>,
    %add3A_381 = arith.addf %add3A_373, %gather3A_380 : vector<16xf32>
    %mul3A_382 = arith.constant 16 : i32
    %mul3A_383 = vector.broadcast %mul3A_382 : i32 to vector<16xi32>
    %mul3A_384 = arith.muli %iota3A, %mul3A_383 : vector<16xi32>
    %add3A_385 = arith.constant 8 : i32
    %add3A_386 = vector.broadcast %add3A_385 : i32 to vector<16xi32>
    %add3A_387 = arith.addi %mul3A_384, %add3A_386 : vector<16xi32>
    %gather3A_388 = tpu.vector_load_idx %arg18[%add3A_387] : memref<256xf32, #tpu.memory_space<vmem>>[vector<16xi32>], vector<16xf32>,
    %add3A_389 = arith.addf %add3A_381, %gather3A_388 : vector<16xf32>
    %mul3A_390 = arith.constant 16 : i32
    %mul3A_391 = vector.broadcast %mul3A_390 : i32 to vector<16xi32>
    %mul3A_392 = arith.muli %iota3A, %mul3A_391 : vector<16xi32>
    %add3A_393 = arith.constant 9 : i32
    %add3A_394 = vector.broadcast %add3A_393 : i32 to vector<16xi32>
    %add3A_395 = arith.addi %mul3A_392, %add3A_394 : vector<16xi32>
    %gather3A_396 = tpu.vector_load_idx %arg18[%add3A_395] : memref<256xf32, #tpu.memory_space<vmem>>[vector<16xi32>], vector<16xf32>,
    %add3A_397 = arith.addf %add3A_389, %gather3A_396 : vector<16xf32>
    %mul3A_398 = arith.constant 16 : i32
    %mul3A_399 = vector.broadcast %mul3A_398 : i32 to vector<16xi32>
    %mul3A_400 = arith.muli %iota3A, %mul3A_399 : vector<16xi32>
    %add3A_401 = arith.constant 10 : i32
    %add3A_402 = vector.broadcast %add3A_401 : i32 to vector<16xi32>
    %add3A_403 = arith.addi %mul3A_400, %add3A_402 : vector<16xi32>
    %gather3A_404 = tpu.vector_load_idx %arg18[%add3A_403] : memref<256xf32, #tpu.memory_space<vmem>>[vector<16xi32>], vector<16xf32>,
    %add3A_405 = arith.addf %add3A_397, %gather3A_404 : vector<16xf32>
    %mul3A_406 = arith.constant 16 : i32
    %mul3A_407 = vector.broadcast %mul3A_406 : i32 to vector<16xi32>
    %mul3A_408 = arith.muli %iota3A, %mul3A_407 : vector<16xi32>
    %add3A_409 = arith.constant 11 : i32
    %add3A_410 = vector.broadcast %add3A_409 : i32 to vector<16xi32>
    %add3A_411 = arith.addi %mul3A_408, %add3A_410 : vector<16xi32>
    %gather3A_412 = tpu.vector_load_idx %arg18[%add3A_411] : memref<256xf32, #tpu.memory_space<vmem>>[vector<16xi32>], vector<16xf32>,
    %add3A_413 = arith.addf %add3A_405, %gather3A_412 : vector<16xf32>
    %mul3A_414 = arith.constant 16 : i32
    %mul3A_415 = vector.broadcast %mul3A_414 : i32 to vector<16xi32>
    %mul3A_416 = arith.muli %iota3A, %mul3A_415 : vector<16xi32>
    %add3A_417 = arith.constant 12 : i32
    %add3A_418 = vector.broadcast %add3A_417 : i32 to vector<16xi32>
    %add3A_419 = arith.addi %mul3A_416, %add3A_418 : vector<16xi32>
    %gather3A_420 = tpu.vector_load_idx %arg18[%add3A_419] : memref<256xf32, #tpu.memory_space<vmem>>[vector<16xi32>], vector<16xf32>,
    %add3A_421 = arith.addf %add3A_413, %gather3A_420 : vector<16xf32>
    %mul3A_422 = arith.constant 16 : i32
    %mul3A_423 = vector.broadcast %mul3A_422 : i32 to vector<16xi32>
    %mul3A_424 = arith.muli %iota3A, %mul3A_423 : vector<16xi32>
    %add3A_425 = arith.constant 13 : i32
    %add3A_426 = vector.broadcast %add3A_425 : i32 to vector<16xi32>
    %add3A_427 = arith.addi %mul3A_424, %add3A_426 : vector<16xi32>
    %gather3A_428 = tpu.vector_load_idx %arg18[%add3A_427] : memref<256xf32, #tpu.memory_space<vmem>>[vector<16xi32>], vector<16xf32>,
    %add3A_429 = arith.addf %add3A_421, %gather3A_428 : vector<16xf32>
    %mul3A_430 = arith.constant 16 : i32
    %mul3A_431 = vector.broadcast %mul3A_430 : i32 to vector<16xi32>
    %mul3A_432 = arith.muli %iota3A, %mul3A_431 : vector<16xi32>
    %add3A_433 = arith.constant 14 : i32
    %add3A_434 = vector.broadcast %add3A_433 : i32 to vector<16xi32>
    %add3A_435 = arith.addi %mul3A_432, %add3A_434 : vector<16xi32>
    %gather3A_436 = tpu.vector_load_idx %arg18[%add3A_435] : memref<256xf32, #tpu.memory_space<vmem>>[vector<16xi32>], vector<16xf32>,
    %add3A_437 = arith.addf %add3A_429, %gather3A_436 : vector<16xf32>
    %mul3A_438 = arith.constant 16 : i32
    %mul3A_439 = vector.broadcast %mul3A_438 : i32 to vector<16xi32>
    %mul3A_440 = arith.muli %iota3A, %mul3A_439 : vector<16xi32>
    %add3A_441 = arith.constant 15 : i32
    %add3A_442 = vector.broadcast %add3A_441 : i32 to vector<16xi32>
    %add3A_443 = arith.addi %mul3A_440, %add3A_442 : vector<16xi32>
    %gather3A_444 = tpu.vector_load_idx %arg18[%add3A_443] : memref<256xf32, #tpu.memory_space<vmem>>[vector<16xi32>], vector<16xf32>,
    %add3A_445 = arith.addf %add3A_437, %gather3A_444 : vector<16xf32>
    %div3A_446 = arith.constant 1.000000e+00 : f32
    %div3A_447 = vector.broadcast %div3A_446 : f32 to vector<16xf32>
    %div3A_448 = arith.divf %div3A_447, %add3A_445 : vector<16xf32>
    %swap3A_449 = arith.constant 0 : index
    %swap3A_450 = tpu.vector_load %arg20[%swap3A_449] {strides = array<i32>} : memref<16xf32, #tpu.memory_space<vmem>>, vector<16xf32>,
    tpu.vector_store %arg20[%swap3A_449], %div3A_448 {strides = array<i32>} : memref<16xf32, #tpu.memory_space<vmem>>, vector<16xf32>,
    %parallel_loop3A_451 = arith.constant 0 : i32
    %parallel_loop3A_452 = arith.constant 16 : i32
    %parallel_loop3A_453 = arith.constant 1 : i32
    scf.for %parallel_loop3A_2351 = %parallel_loop3A_451 to %parallel_loop3A_452 step %parallel_loop3A_453  : i32 {
      %parallel_loop3A_2352 = arith.constant 1000 : i32
      %parallel_loop3A_2353 = arith.muli %parallel_loop3A_2351, %parallel_loop3A_2352 : i32
      %parallel_loop3A_2354 = arith.constant 0 : i32
      %parallel_loop3A_2355 = vector.broadcast %parallel_loop3A_2354 : i32 to vector<16xi32>
      %parallel_loop3A_2356 = arith.muli %iota3A, %parallel_loop3A_2355 : vector<16xi32>
      %parallel_loop3A_2357 = vector.broadcast %parallel_loop3A_2351 : i32 to vector<16xi32>
      %parallel_loop3A_2358 = arith.addi %parallel_loop3A_2356, %parallel_loop3A_2357 : vector<16xi32>
      %parallel_loop3A_2359 = tpu.vector_load_idx %arg20[%parallel_loop3A_2358] : memref<16xf32, #tpu.memory_space<vmem>>[vector<16xi32>], vector<16xf32>,
      %parallel_loop3A_2360 = arith.constant 1.000000e+00 : f32
      %parallel_loop3A_2361 = vector.broadcast %parallel_loop3A_2360 : f32 to vector<16xf32>
      %parallel_loop3A_2362 = arith.constant 0 : i32
      %parallel_loop3A_2363 = arith.constant 992 : i32
      %parallel_loop3A_2364 = arith.constant 16 : i32
      %parallel_loop3A_2365 = scf.for %parallel_loop3A_2388 = %parallel_loop3A_2362 to %parallel_loop3A_2363 step %parallel_loop3A_2364 iter_args(%parallel_loop3A_2389 = %parallel_loop3A_2361) -> (vector<16xf32>)  : i32 {
        %parallel_loop3A_2390 = arith.addi %parallel_loop3A_2353, %parallel_loop3A_2388 : i32
        %parallel_loop3A_2391 = tpu.assume_multiple %parallel_loop3A_2390, 8 : i32
        %parallel_loop3A_2392 = arith.index_cast %parallel_loop3A_2391 : i32 to index
        %parallel_loop3A_2393 = tpu.vector_load %arg11[%parallel_loop3A_2392] {strides = array<i32>} : memref<16016xf32, #tpu.memory_space<vmem>>, vector<16xf32>,
        %parallel_loop3A_2394 = arith.mulf %parallel_loop3A_2393, %parallel_loop3A_2359 : vector<16xf32>
        %parallel_loop3A_2395 = arith.constant 1.00000095 : f32
        %parallel_loop3A_2396 = vector.broadcast %parallel_loop3A_2395 : f32 to vector<16xf32>
        %parallel_loop3A_2397 = arith.subf %parallel_loop3A_2396, %parallel_loop3A_2394 : vector<16xf32>
        %parallel_loop3A_2398 = arith.mulf %parallel_loop3A_2389, %parallel_loop3A_2397 : vector<16xf32>
        scf.yield %parallel_loop3A_2398 : vector<16xf32>
      } {sc.loop_unroll_factor = 2 : i64, sc.parallel_access}
      %parallel_loop3A_2366 = arith.constant 992 : i32
      %parallel_loop3A_2367 = arith.addi %parallel_loop3A_2353, %parallel_loop3A_2366 : i32
      %parallel_loop3A_2368 = tpu.assume_multiple %parallel_loop3A_2367, 8 : i32
      %parallel_loop3A_2369 = arith.index_cast %parallel_loop3A_2368 : i32 to index
      %parallel_loop3A_2370 = tpu.vector_load %arg10[%parallel_loop3A_2369] {strides = array<i32>} : memref<16016xf32, #tpu.memory_space<vmem>>, vector<16xf32>,
      %parallel_loop3A_2371 = math.exp %parallel_loop3A_2370 : vector<16xf32>
      %parallel_loop3A_2372 = arith.constant 8 : i32
      %parallel_loop3A_2373 = vector.broadcast %parallel_loop3A_2372 : i32 to vector<16xi32>
      %parallel_loop3A_2374 = arith.cmpi slt, %iota3A, %parallel_loop3A_2373 : vector<16xi32>
      %parallel_loop3A_2375 = arith.mulf %parallel_loop3A_2371, %parallel_loop3A_2359 : vector<16xf32>
      %parallel_loop3A_2376 = arith.constant 1.00000095 : f32
      %parallel_loop3A_2377 = vector.broadcast %parallel_loop3A_2376 : f32 to vector<16xf32>
      %parallel_loop3A_2378 = arith.subf %parallel_loop3A_2377, %parallel_loop3A_2375 : vector<16xf32>
      %parallel_loop3A_2379 = arith.constant 1.000000e+00 : f32
      %parallel_loop3A_2380 = vector.broadcast %parallel_loop3A_2379 : f32 to vector<16xf32>
      %parallel_loop3A_2381 = arith.select %parallel_loop3A_2374, %parallel_loop3A_2378, %parallel_loop3A_2380 : vector<16xi1>, vector<16xf32>
      %parallel_loop3A_2382 = arith.mulf %parallel_loop3A_2365, %parallel_loop3A_2381 : vector<16xf32>
      %parallel_loop3A_2383 = arith.constant 16 : i32
      %parallel_loop3A_2384 = arith.muli %parallel_loop3A_2351, %parallel_loop3A_2383 : i32
      %parallel_loop3A_2385 = tpu.assume_multiple %parallel_loop3A_2384, 16 : i32
      %parallel_loop3A_2386 = arith.index_cast %parallel_loop3A_2385 : i32 to index
      %parallel_loop3A_2387 = tpu.vector_load %arg19[%parallel_loop3A_2386] {strides = array<i32>} : memref<256xf32, #tpu.memory_space<vmem>>, vector<16xf32>,
      tpu.vector_store %arg19[%parallel_loop3A_2386], %parallel_loop3A_2382 {strides = array<i32>} : memref<256xf32, #tpu.memory_space<vmem>>, vector<16xf32>,
    } {sc.loop_unroll_factor = 1 : i64, sc.parallel_access}
    %mul3A_454 = arith.constant 16 : i32
    %mul3A_455 = vector.broadcast %mul3A_454 : i32 to vector<16xi32>
    %mul3A_456 = arith.muli %iota3A, %mul3A_455 : vector<16xi32>
    %gather3A_457 = tpu.vector_load_idx %arg19[%mul3A_456] : memref<256xf32, #tpu.memory_space<vmem>>[vector<16xi32>], vector<16xf32>,
    %mul3A_458 = arith.constant 16 : i32
    %mul3A_459 = vector.broadcast %mul3A_458 : i32 to vector<16xi32>
    %mul3A_460 = arith.muli %iota3A, %mul3A_459 : vector<16xi32>
    %add3A_461 = arith.constant 1 : i32
    %add3A_462 = vector.broadcast %add3A_461 : i32 to vector<16xi32>
    %add3A_463 = arith.addi %mul3A_460, %add3A_462 : vector<16xi32>
    %gather3A_464 = tpu.vector_load_idx %arg19[%add3A_463] : memref<256xf32, #tpu.memory_space<vmem>>[vector<16xi32>], vector<16xf32>,
    %mul3A_465 = arith.mulf %gather3A_457, %gather3A_464 : vector<16xf32>
    %mul3A_466 = arith.constant 16 : i32
    %mul3A_467 = vector.broadcast %mul3A_466 : i32 to vector<16xi32>
    %mul3A_468 = arith.muli %iota3A, %mul3A_467 : vector<16xi32>
    %add3A_469 = arith.constant 2 : i32
    %add3A_470 = vector.broadcast %add3A_469 : i32 to vector<16xi32>
    %add3A_471 = arith.addi %mul3A_468, %add3A_470 : vector<16xi32>
    %gather3A_472 = tpu.vector_load_idx %arg19[%add3A_471] : memref<256xf32, #tpu.memory_space<vmem>>[vector<16xi32>], vector<16xf32>,
    %mul3A_473 = arith.mulf %mul3A_465, %gather3A_472 : vector<16xf32>
    %mul3A_474 = arith.constant 16 : i32
    %mul3A_475 = vector.broadcast %mul3A_474 : i32 to vector<16xi32>
    %mul3A_476 = arith.muli %iota3A, %mul3A_475 : vector<16xi32>
    %add3A_477 = arith.constant 3 : i32
    %add3A_478 = vector.broadcast %add3A_477 : i32 to vector<16xi32>
    %add3A_479 = arith.addi %mul3A_476, %add3A_478 : vector<16xi32>
    %gather3A_480 = tpu.vector_load_idx %arg19[%add3A_479] : memref<256xf32, #tpu.memory_space<vmem>>[vector<16xi32>], vector<16xf32>,
    %mul3A_481 = arith.mulf %mul3A_473, %gather3A_480 : vector<16xf32>
    %mul3A_482 = arith.constant 16 : i32
    %mul3A_483 = vector.broadcast %mul3A_482 : i32 to vector<16xi32>
    %mul3A_484 = arith.muli %iota3A, %mul3A_483 : vector<16xi32>
    %add3A_485 = arith.constant 4 : i32
    %add3A_486 = vector.broadcast %add3A_485 : i32 to vector<16xi32>
    %add3A_487 = arith.addi %mul3A_484, %add3A_486 : vector<16xi32>
    %gather3A_488 = tpu.vector_load_idx %arg19[%add3A_487] : memref<256xf32, #tpu.memory_space<vmem>>[vector<16xi32>], vector<16xf32>,
    %mul3A_489 = arith.mulf %mul3A_481, %gather3A_488 : vector<16xf32>
    %mul3A_490 = arith.constant 16 : i32
    %mul3A_491 = vector.broadcast %mul3A_490 : i32 to vector<16xi32>
    %mul3A_492 = arith.muli %iota3A, %mul3A_491 : vector<16xi32>
    %add3A_493 = arith.constant 5 : i32
    %add3A_494 = vector.broadcast %add3A_493 : i32 to vector<16xi32>
    %add3A_495 = arith.addi %mul3A_492, %add3A_494 : vector<16xi32>
    %gather3A_496 = tpu.vector_load_idx %arg19[%add3A_495] : memref<256xf32, #tpu.memory_space<vmem>>[vector<16xi32>], vector<16xf32>,
    %mul3A_497 = arith.mulf %mul3A_489, %gather3A_496 : vector<16xf32>
    %mul3A_498 = arith.constant 16 : i32
    %mul3A_499 = vector.broadcast %mul3A_498 : i32 to vector<16xi32>
    %mul3A_500 = arith.muli %iota3A, %mul3A_499 : vector<16xi32>
    %add3A_501 = arith.constant 6 : i32
    %add3A_502 = vector.broadcast %add3A_501 : i32 to vector<16xi32>
    %add3A_503 = arith.addi %mul3A_500, %add3A_502 : vector<16xi32>
    %gather3A_504 = tpu.vector_load_idx %arg19[%add3A_503] : memref<256xf32, #tpu.memory_space<vmem>>[vector<16xi32>], vector<16xf32>,
    %mul3A_505 = arith.mulf %mul3A_497, %gather3A_504 : vector<16xf32>
    %mul3A_506 = arith.constant 16 : i32
    %mul3A_507 = vector.broadcast %mul3A_506 : i32 to vector<16xi32>
    %mul3A_508 = arith.muli %iota3A, %mul3A_507 : vector<16xi32>
    %add3A_509 = arith.constant 7 : i32
    %add3A_510 = vector.broadcast %add3A_509 : i32 to vector<16xi32>
    %add3A_511 = arith.addi %mul3A_508, %add3A_510 : vector<16xi32>
    %gather3A_512 = tpu.vector_load_idx %arg19[%add3A_511] : memref<256xf32, #tpu.memory_space<vmem>>[vector<16xi32>], vector<16xf32>,
    %mul3A_513 = arith.mulf %mul3A_505, %gather3A_512 : vector<16xf32>
    %mul3A_514 = arith.constant 16 : i32
    %mul3A_515 = vector.broadcast %mul3A_514 : i32 to vector<16xi32>
    %mul3A_516 = arith.muli %iota3A, %mul3A_515 : vector<16xi32>
    %add3A_517 = arith.constant 8 : i32
    %add3A_518 = vector.broadcast %add3A_517 : i32 to vector<16xi32>
    %add3A_519 = arith.addi %mul3A_516, %add3A_518 : vector<16xi32>
    %gather3A_520 = tpu.vector_load_idx %arg19[%add3A_519] : memref<256xf32, #tpu.memory_space<vmem>>[vector<16xi32>], vector<16xf32>,
    %mul3A_521 = arith.mulf %mul3A_513, %gather3A_520 : vector<16xf32>
    %mul3A_522 = arith.constant 16 : i32
    %mul3A_523 = vector.broadcast %mul3A_522 : i32 to vector<16xi32>
    %mul3A_524 = arith.muli %iota3A, %mul3A_523 : vector<16xi32>
    %add3A_525 = arith.constant 9 : i32
    %add3A_526 = vector.broadcast %add3A_525 : i32 to vector<16xi32>
    %add3A_527 = arith.addi %mul3A_524, %add3A_526 : vector<16xi32>
    %gather3A_528 = tpu.vector_load_idx %arg19[%add3A_527] : memref<256xf32, #tpu.memory_space<vmem>>[vector<16xi32>], vector<16xf32>,
    %mul3A_529 = arith.mulf %mul3A_521, %gather3A_528 : vector<16xf32>
    %mul3A_530 = arith.constant 16 : i32
    %mul3A_531 = vector.broadcast %mul3A_530 : i32 to vector<16xi32>
    %mul3A_532 = arith.muli %iota3A, %mul3A_531 : vector<16xi32>
    %add3A_533 = arith.constant 10 : i32
    %add3A_534 = vector.broadcast %add3A_533 : i32 to vector<16xi32>
    %add3A_535 = arith.addi %mul3A_532, %add3A_534 : vector<16xi32>
    %gather3A_536 = tpu.vector_load_idx %arg19[%add3A_535] : memref<256xf32, #tpu.memory_space<vmem>>[vector<16xi32>], vector<16xf32>,
    %mul3A_537 = arith.mulf %mul3A_529, %gather3A_536 : vector<16xf32>
    %mul3A_538 = arith.constant 16 : i32
    %mul3A_539 = vector.broadcast %mul3A_538 : i32 to vector<16xi32>
    %mul3A_540 = arith.muli %iota3A, %mul3A_539 : vector<16xi32>
    %add3A_541 = arith.constant 11 : i32
    %add3A_542 = vector.broadcast %add3A_541 : i32 to vector<16xi32>
    %add3A_543 = arith.addi %mul3A_540, %add3A_542 : vector<16xi32>
    %gather3A_544 = tpu.vector_load_idx %arg19[%add3A_543] : memref<256xf32, #tpu.memory_space<vmem>>[vector<16xi32>], vector<16xf32>,
    %mul3A_545 = arith.mulf %mul3A_537, %gather3A_544 : vector<16xf32>
    %mul3A_546 = arith.constant 16 : i32
    %mul3A_547 = vector.broadcast %mul3A_546 : i32 to vector<16xi32>
    %mul3A_548 = arith.muli %iota3A, %mul3A_547 : vector<16xi32>
    %add3A_549 = arith.constant 12 : i32
    %add3A_550 = vector.broadcast %add3A_549 : i32 to vector<16xi32>
    %add3A_551 = arith.addi %mul3A_548, %add3A_550 : vector<16xi32>
    %gather3A_552 = tpu.vector_load_idx %arg19[%add3A_551] : memref<256xf32, #tpu.memory_space<vmem>>[vector<16xi32>], vector<16xf32>,
    %mul3A_553 = arith.mulf %mul3A_545, %gather3A_552 : vector<16xf32>
    %mul3A_554 = arith.constant 16 : i32
    %mul3A_555 = vector.broadcast %mul3A_554 : i32 to vector<16xi32>
    %mul3A_556 = arith.muli %iota3A, %mul3A_555 : vector<16xi32>
    %add3A_557 = arith.constant 13 : i32
    %add3A_558 = vector.broadcast %add3A_557 : i32 to vector<16xi32>
    %add3A_559 = arith.addi %mul3A_556, %add3A_558 : vector<16xi32>
    %gather3A_560 = tpu.vector_load_idx %arg19[%add3A_559] : memref<256xf32, #tpu.memory_space<vmem>>[vector<16xi32>], vector<16xf32>,
    %mul3A_561 = arith.mulf %mul3A_553, %gather3A_560 : vector<16xf32>
    %mul3A_562 = arith.constant 16 : i32
    %mul3A_563 = vector.broadcast %mul3A_562 : i32 to vector<16xi32>
    %mul3A_564 = arith.muli %iota3A, %mul3A_563 : vector<16xi32>
    %add3A_565 = arith.constant 14 : i32
    %add3A_566 = vector.broadcast %add3A_565 : i32 to vector<16xi32>
    %add3A_567 = arith.addi %mul3A_564, %add3A_566 : vector<16xi32>
    %gather3A_568 = tpu.vector_load_idx %arg19[%add3A_567] : memref<256xf32, #tpu.memory_space<vmem>>[vector<16xi32>], vector<16xf32>,
    %mul3A_569 = arith.mulf %mul3A_561, %gather3A_568 : vector<16xf32>
    %mul3A_570 = arith.constant 16 : i32
    %mul3A_571 = vector.broadcast %mul3A_570 : i32 to vector<16xi32>
    %mul3A_572 = arith.muli %iota3A, %mul3A_571 : vector<16xi32>
    %add3A_573 = arith.constant 15 : i32
    %add3A_574 = vector.broadcast %add3A_573 : i32 to vector<16xi32>
    %add3A_575 = arith.addi %mul3A_572, %add3A_574 : vector<16xi32>
    %gather3A_576 = tpu.vector_load_idx %arg19[%add3A_575] : memref<256xf32, #tpu.memory_space<vmem>>[vector<16xi32>], vector<16xf32>,
    %mul3A_577 = arith.mulf %mul3A_569, %gather3A_576 : vector<16xf32>
    %get3A_578 = arith.constant 16 : index
    %get3A_579 = tpu.vector_load %arg12[%get3A_578] {strides = array<i32>} : memref<128xi32, #tpu.memory_space<vmem>>, vector<16xi32>,
    %min3A_580 = arith.constant 999 : i32
    %min3A_581 = vector.broadcast %min3A_580 : i32 to vector<16xi32>
    %min3A_582 = arith.minsi %get3A_579, %min3A_581 : vector<16xi32>
    %max3A_583 = arith.constant 0 : i32
    %max3A_584 = vector.broadcast %max3A_583 : i32 to vector<16xi32>
    %max3A_585 = arith.maxsi %min3A_582, %max3A_584 : vector<16xi32>
    %add3A_586 = arith.addi %mul3A_7, %max3A_585 : vector<16xi32>
    %gather3A_587 = tpu.vector_load_idx %arg10[%add3A_586] : memref<16016xf32, #tpu.memory_space<vmem>>[vector<16xi32>], vector<16xf32>,
    %gather3A_588 = tpu.vector_load_idx %arg13[%max3A_585] : memref<1000xf32, #tpu.memory_space<vmem>>[vector<16xi32>], vector<16xf32>,
    %swap3A_589 = arith.constant 16 : index
    %swap3A_590 = tpu.vector_load %arg14[%swap3A_589] {strides = array<i32>} : memref<128xf32, #tpu.memory_space<vmem>>, vector<16xf32>,
    tpu.vector_store %arg14[%swap3A_589], %add3A_445 {strides = array<i32>} : memref<128xf32, #tpu.memory_space<vmem>>, vector<16xf32>,
    %swap3A_591 = arith.constant 16 : index
    %swap3A_592 = tpu.vector_load %arg15[%swap3A_591] {strides = array<i32>} : memref<128xf32, #tpu.memory_space<vmem>>, vector<16xf32>,
    tpu.vector_store %arg15[%swap3A_591], %mul3A_577 {strides = array<i32>} : memref<128xf32, #tpu.memory_space<vmem>>, vector<16xf32>,
    %swap3A_593 = arith.constant 16 : index
    %swap3A_594 = tpu.vector_load %arg16[%swap3A_593] {strides = array<i32>} : memref<128xf32, #tpu.memory_space<vmem>>, vector<16xf32>,
    tpu.vector_store %arg16[%swap3A_593], %gather3A_587 {strides = array<i32>} : memref<128xf32, #tpu.memory_space<vmem>>, vector<16xf32>,
    %swap3A_595 = arith.constant 16 : index
    %swap3A_596 = tpu.vector_load %arg17[%swap3A_595] {strides = array<i32>} : memref<128xf32, #tpu.memory_space<vmem>>, vector<16xf32>,
    tpu.vector_store %arg17[%swap3A_595], %gather3A_588 {strides = array<i32>} : memref<128xf32, #tpu.memory_space<vmem>>, vector<16xf32>,
    %add3A_597 = arith.constant 48 : i32
    %add3A_598 = arith.addi %add3A_4, %add3A_597 : i32
    %mul3A_599 = arith.constant 1000 : i32
    %mul3A_600 = arith.muli %add3A_598, %mul3A_599 : i32
    %dma_start3A_601 = arith.constant 0 : i32
    %dma_start3A_602 = tpu.memref_slice %arg10[%dma_start3A_601] : memref<16016xf32, #tpu.memory_space<vmem>> -> memref<16000xf32, #tpu.memory_space<vmem>>
    %dma_start3A_603 = tpu.memref_slice %arg2[%mul3A_600] : memref<16384000xf32, #tpu.memory_space<hbm>> -> memref<16000xf32, #tpu.memory_space<hbm>>
    %dma_start3A_604 = arith.constant 0 : i32
    %dma_start3A_605 = tpu.memref_slice %arg10[%dma_start3A_604] : memref<16016xf32, #tpu.memory_space<vmem>> -> memref<16000xf32, #tpu.memory_space<vmem>>
    %dma_start3A_606 = tpu.memref_slice %arg2[%mul3A_600] : memref<16384000xf32, #tpu.memory_space<hbm>> -> memref<16000xf32, #tpu.memory_space<hbm>>
    tpu.enqueue_dma source(%dma_start3A_606 : memref<16000xf32, #tpu.memory_space<hbm>>) target(%dma_start3A_605 : memref<16000xf32, #tpu.memory_space<vmem>>) target_semaphore(%arg21 : memref<!tpu.dma_semaphore, #tpu.memory_space<semaphore_mem>>)
    %dma_wait3A_607 = arith.constant 0 : i32
    %dma_wait3A_608 = tpu.memref_slice %arg9[%dma_wait3A_607] : memref<16016xf32, #tpu.memory_space<vmem>> -> memref<16000xf32, #tpu.memory_space<vmem>>
    %dma_wait3A_609 = tpu.memref_slice %arg2[%mul3A_306] : memref<16384000xf32, #tpu.memory_space<hbm>> -> memref<16000xf32, #tpu.memory_space<hbm>>
    %dma_wait3A_610 = arith.constant 0 : i32
    %dma_wait3A_611 = tpu.memref_slice %arg9[%dma_wait3A_610] : memref<16016xf32, #tpu.memory_space<vmem>> -> memref<16000xf32, #tpu.memory_space<vmem>>
    %dma_wait3A_612 = tpu.memref_slice %arg2[%mul3A_306] : memref<16384000xf32, #tpu.memory_space<hbm>> -> memref<16000xf32, #tpu.memory_space<hbm>>
    tpu.wait_dma2 semaphore(%arg21 : memref<!tpu.dma_semaphore, #tpu.memory_space<semaphore_mem>>) src(%dma_wait3A_612 : memref<16000xf32, #tpu.memory_space<hbm>>) dst(%dma_wait3A_611 : memref<16000xf32, #tpu.memory_space<vmem>>)
    %parallel_loop3A_613 = arith.constant 0 : i32
    %parallel_loop3A_614 = arith.constant 16 : i32
    %parallel_loop3A_615 = arith.constant 1 : i32
    scf.for %parallel_loop3A_2351 = %parallel_loop3A_613 to %parallel_loop3A_614 step %parallel_loop3A_615  : i32 {
      %parallel_loop3A_2352 = arith.constant 1000 : i32
      %parallel_loop3A_2353 = arith.muli %parallel_loop3A_2351, %parallel_loop3A_2352 : i32
      %parallel_loop3A_2354 = arith.constant 0.000000e+00 : f32
      %parallel_loop3A_2355 = vector.broadcast %parallel_loop3A_2354 : f32 to vector<16xf32>
      %parallel_loop3A_2356 = arith.constant 0 : i32
      %parallel_loop3A_2357 = arith.constant 992 : i32
      %parallel_loop3A_2358 = arith.constant 16 : i32
      %parallel_loop3A_2359 = scf.for %parallel_loop3A_2378 = %parallel_loop3A_2356 to %parallel_loop3A_2357 step %parallel_loop3A_2358 iter_args(%parallel_loop3A_2379 = %parallel_loop3A_2355) -> (vector<16xf32>)  : i32 {
        %parallel_loop3A_2380 = arith.addi %parallel_loop3A_2353, %parallel_loop3A_2378 : i32
        %parallel_loop3A_2381 = tpu.assume_multiple %parallel_loop3A_2380, 8 : i32
        %parallel_loop3A_2382 = arith.index_cast %parallel_loop3A_2381 : i32 to index
        %parallel_loop3A_2383 = tpu.vector_load %arg9[%parallel_loop3A_2382] {strides = array<i32>} : memref<16016xf32, #tpu.memory_space<vmem>>, vector<16xf32>,
        %parallel_loop3A_2384 = math.exp %parallel_loop3A_2383 : vector<16xf32>
        %parallel_loop3A_2385 = arith.index_cast %parallel_loop3A_2381 : i32 to index
        %parallel_loop3A_2386 = tpu.vector_load %arg11[%parallel_loop3A_2385] {strides = array<i32>} : memref<16016xf32, #tpu.memory_space<vmem>>, vector<16xf32>,
        tpu.vector_store %arg11[%parallel_loop3A_2385], %parallel_loop3A_2384 {strides = array<i32>} : memref<16016xf32, #tpu.memory_space<vmem>>, vector<16xf32>,
        %parallel_loop3A_2387 = arith.addf %parallel_loop3A_2379, %parallel_loop3A_2384 : vector<16xf32>
        scf.yield %parallel_loop3A_2387 : vector<16xf32>
      } {sc.loop_unroll_factor = 2 : i64, sc.parallel_access}
      %parallel_loop3A_2360 = arith.constant 992 : i32
      %parallel_loop3A_2361 = arith.addi %parallel_loop3A_2353, %parallel_loop3A_2360 : i32
      %parallel_loop3A_2362 = tpu.assume_multiple %parallel_loop3A_2361, 8 : i32
      %parallel_loop3A_2363 = arith.index_cast %parallel_loop3A_2362 : i32 to index
      %parallel_loop3A_2364 = tpu.vector_load %arg9[%parallel_loop3A_2363] {strides = array<i32>} : memref<16016xf32, #tpu.memory_space<vmem>>, vector<16xf32>,
      %parallel_loop3A_2365 = math.exp %parallel_loop3A_2364 : vector<16xf32>
      %parallel_loop3A_2366 = arith.constant 8 : i32
      %parallel_loop3A_2367 = vector.broadcast %parallel_loop3A_2366 : i32 to vector<16xi32>
      %parallel_loop3A_2368 = arith.cmpi slt, %iota3A, %parallel_loop3A_2367 : vector<16xi32>
      %parallel_loop3A_2369 = arith.constant 0.000000e+00 : f32
      %parallel_loop3A_2370 = vector.broadcast %parallel_loop3A_2369 : f32 to vector<16xf32>
      %parallel_loop3A_2371 = arith.select %parallel_loop3A_2368, %parallel_loop3A_2365, %parallel_loop3A_2370 : vector<16xi1>, vector<16xf32>
      %parallel_loop3A_2372 = arith.addf %parallel_loop3A_2359, %parallel_loop3A_2371 : vector<16xf32>
      %parallel_loop3A_2373 = arith.constant 16 : i32
      %parallel_loop3A_2374 = arith.muli %parallel_loop3A_2351, %parallel_loop3A_2373 : i32
      %parallel_loop3A_2375 = tpu.assume_multiple %parallel_loop3A_2374, 16 : i32
      %parallel_loop3A_2376 = arith.index_cast %parallel_loop3A_2375 : i32 to index
      %parallel_loop3A_2377 = tpu.vector_load %arg18[%parallel_loop3A_2376] {strides = array<i32>} : memref<256xf32, #tpu.memory_space<vmem>>, vector<16xf32>,
      tpu.vector_store %arg18[%parallel_loop3A_2376], %parallel_loop3A_2372 {strides = array<i32>} : memref<256xf32, #tpu.memory_space<vmem>>, vector<16xf32>,
    } {sc.loop_unroll_factor = 1 : i64, sc.parallel_access}
    %mul3A_616 = arith.constant 16 : i32
    %mul3A_617 = vector.broadcast %mul3A_616 : i32 to vector<16xi32>
    %mul3A_618 = arith.muli %iota3A, %mul3A_617 : vector<16xi32>
    %gather3A_619 = tpu.vector_load_idx %arg18[%mul3A_618] : memref<256xf32, #tpu.memory_space<vmem>>[vector<16xi32>], vector<16xf32>,
    %mul3A_620 = arith.constant 16 : i32
    %mul3A_621 = vector.broadcast %mul3A_620 : i32 to vector<16xi32>
    %mul3A_622 = arith.muli %iota3A, %mul3A_621 : vector<16xi32>
    %add3A_623 = arith.constant 1 : i32
    %add3A_624 = vector.broadcast %add3A_623 : i32 to vector<16xi32>
    %add3A_625 = arith.addi %mul3A_622, %add3A_624 : vector<16xi32>
    %gather3A_626 = tpu.vector_load_idx %arg18[%add3A_625] : memref<256xf32, #tpu.memory_space<vmem>>[vector<16xi32>], vector<16xf32>,
    %add3A_627 = arith.addf %gather3A_619, %gather3A_626 : vector<16xf32>
    %mul3A_628 = arith.constant 16 : i32
    %mul3A_629 = vector.broadcast %mul3A_628 : i32 to vector<16xi32>
    %mul3A_630 = arith.muli %iota3A, %mul3A_629 : vector<16xi32>
    %add3A_631 = arith.constant 2 : i32
    %add3A_632 = vector.broadcast %add3A_631 : i32 to vector<16xi32>
    %add3A_633 = arith.addi %mul3A_630, %add3A_632 : vector<16xi32>
    %gather3A_634 = tpu.vector_load_idx %arg18[%add3A_633] : memref<256xf32, #tpu.memory_space<vmem>>[vector<16xi32>], vector<16xf32>,
    %add3A_635 = arith.addf %add3A_627, %gather3A_634 : vector<16xf32>
    %mul3A_636 = arith.constant 16 : i32
    %mul3A_637 = vector.broadcast %mul3A_636 : i32 to vector<16xi32>
    %mul3A_638 = arith.muli %iota3A, %mul3A_637 : vector<16xi32>
    %add3A_639 = arith.constant 3 : i32
    %add3A_640 = vector.broadcast %add3A_639 : i32 to vector<16xi32>
    %add3A_641 = arith.addi %mul3A_638, %add3A_640 : vector<16xi32>
    %gather3A_642 = tpu.vector_load_idx %arg18[%add3A_641] : memref<256xf32, #tpu.memory_space<vmem>>[vector<16xi32>], vector<16xf32>,
    %add3A_643 = arith.addf %add3A_635, %gather3A_642 : vector<16xf32>
    %mul3A_644 = arith.constant 16 : i32
    %mul3A_645 = vector.broadcast %mul3A_644 : i32 to vector<16xi32>
    %mul3A_646 = arith.muli %iota3A, %mul3A_645 : vector<16xi32>
    %add3A_647 = arith.constant 4 : i32
    %add3A_648 = vector.broadcast %add3A_647 : i32 to vector<16xi32>
    %add3A_649 = arith.addi %mul3A_646, %add3A_648 : vector<16xi32>
    %gather3A_650 = tpu.vector_load_idx %arg18[%add3A_649] : memref<256xf32, #tpu.memory_space<vmem>>[vector<16xi32>], vector<16xf32>,
    %add3A_651 = arith.addf %add3A_643, %gather3A_650 : vector<16xf32>
    %mul3A_652 = arith.constant 16 : i32
    %mul3A_653 = vector.broadcast %mul3A_652 : i32 to vector<16xi32>
    %mul3A_654 = arith.muli %iota3A, %mul3A_653 : vector<16xi32>
    %add3A_655 = arith.constant 5 : i32
    %add3A_656 = vector.broadcast %add3A_655 : i32 to vector<16xi32>
    %add3A_657 = arith.addi %mul3A_654, %add3A_656 : vector<16xi32>
    %gather3A_658 = tpu.vector_load_idx %arg18[%add3A_657] : memref<256xf32, #tpu.memory_space<vmem>>[vector<16xi32>], vector<16xf32>,
    %add3A_659 = arith.addf %add3A_651, %gather3A_658 : vector<16xf32>
    %mul3A_660 = arith.constant 16 : i32
    %mul3A_661 = vector.broadcast %mul3A_660 : i32 to vector<16xi32>
    %mul3A_662 = arith.muli %iota3A, %mul3A_661 : vector<16xi32>
    %add3A_663 = arith.constant 6 : i32
    %add3A_664 = vector.broadcast %add3A_663 : i32 to vector<16xi32>
    %add3A_665 = arith.addi %mul3A_662, %add3A_664 : vector<16xi32>
    %gather3A_666 = tpu.vector_load_idx %arg18[%add3A_665] : memref<256xf32, #tpu.memory_space<vmem>>[vector<16xi32>], vector<16xf32>,
    %add3A_667 = arith.addf %add3A_659, %gather3A_666 : vector<16xf32>
    %mul3A_668 = arith.constant 16 : i32
    %mul3A_669 = vector.broadcast %mul3A_668 : i32 to vector<16xi32>
    %mul3A_670 = arith.muli %iota3A, %mul3A_669 : vector<16xi32>
    %add3A_671 = arith.constant 7 : i32
    %add3A_672 = vector.broadcast %add3A_671 : i32 to vector<16xi32>
    %add3A_673 = arith.addi %mul3A_670, %add3A_672 : vector<16xi32>
    %gather3A_674 = tpu.vector_load_idx %arg18[%add3A_673] : memref<256xf32, #tpu.memory_space<vmem>>[vector<16xi32>], vector<16xf32>,
    %add3A_675 = arith.addf %add3A_667, %gather3A_674 : vector<16xf32>
    %mul3A_676 = arith.constant 16 : i32
    %mul3A_677 = vector.broadcast %mul3A_676 : i32 to vector<16xi32>
    %mul3A_678 = arith.muli %iota3A, %mul3A_677 : vector<16xi32>
    %add3A_679 = arith.constant 8 : i32
    %add3A_680 = vector.broadcast %add3A_679 : i32 to vector<16xi32>
    %add3A_681 = arith.addi %mul3A_678, %add3A_680 : vector<16xi32>
    %gather3A_682 = tpu.vector_load_idx %arg18[%add3A_681] : memref<256xf32, #tpu.memory_space<vmem>>[vector<16xi32>], vector<16xf32>,
    %add3A_683 = arith.addf %add3A_675, %gather3A_682 : vector<16xf32>
    %mul3A_684 = arith.constant 16 : i32
    %mul3A_685 = vector.broadcast %mul3A_684 : i32 to vector<16xi32>
    %mul3A_686 = arith.muli %iota3A, %mul3A_685 : vector<16xi32>
    %add3A_687 = arith.constant 9 : i32
    %add3A_688 = vector.broadcast %add3A_687 : i32 to vector<16xi32>
    %add3A_689 = arith.addi %mul3A_686, %add3A_688 : vector<16xi32>
    %gather3A_690 = tpu.vector_load_idx %arg18[%add3A_689] : memref<256xf32, #tpu.memory_space<vmem>>[vector<16xi32>], vector<16xf32>,
    %add3A_691 = arith.addf %add3A_683, %gather3A_690 : vector<16xf32>
    %mul3A_692 = arith.constant 16 : i32
    %mul3A_693 = vector.broadcast %mul3A_692 : i32 to vector<16xi32>
    %mul3A_694 = arith.muli %iota3A, %mul3A_693 : vector<16xi32>
    %add3A_695 = arith.constant 10 : i32
    %add3A_696 = vector.broadcast %add3A_695 : i32 to vector<16xi32>
    %add3A_697 = arith.addi %mul3A_694, %add3A_696 : vector<16xi32>
    %gather3A_698 = tpu.vector_load_idx %arg18[%add3A_697] : memref<256xf32, #tpu.memory_space<vmem>>[vector<16xi32>], vector<16xf32>,
    %add3A_699 = arith.addf %add3A_691, %gather3A_698 : vector<16xf32>
    %mul3A_700 = arith.constant 16 : i32
    %mul3A_701 = vector.broadcast %mul3A_700 : i32 to vector<16xi32>
    %mul3A_702 = arith.muli %iota3A, %mul3A_701 : vector<16xi32>
    %add3A_703 = arith.constant 11 : i32
    %add3A_704 = vector.broadcast %add3A_703 : i32 to vector<16xi32>
    %add3A_705 = arith.addi %mul3A_702, %add3A_704 : vector<16xi32>
    %gather3A_706 = tpu.vector_load_idx %arg18[%add3A_705] : memref<256xf32, #tpu.memory_space<vmem>>[vector<16xi32>], vector<16xf32>,
    %add3A_707 = arith.addf %add3A_699, %gather3A_706 : vector<16xf32>
    %mul3A_708 = arith.constant 16 : i32
    %mul3A_709 = vector.broadcast %mul3A_708 : i32 to vector<16xi32>
    %mul3A_710 = arith.muli %iota3A, %mul3A_709 : vector<16xi32>
    %add3A_711 = arith.constant 12 : i32
    %add3A_712 = vector.broadcast %add3A_711 : i32 to vector<16xi32>
    %add3A_713 = arith.addi %mul3A_710, %add3A_712 : vector<16xi32>
    %gather3A_714 = tpu.vector_load_idx %arg18[%add3A_713] : memref<256xf32, #tpu.memory_space<vmem>>[vector<16xi32>], vector<16xf32>,
    %add3A_715 = arith.addf %add3A_707, %gather3A_714 : vector<16xf32>
    %mul3A_716 = arith.constant 16 : i32
    %mul3A_717 = vector.broadcast %mul3A_716 : i32 to vector<16xi32>
    %mul3A_718 = arith.muli %iota3A, %mul3A_717 : vector<16xi32>
    %add3A_719 = arith.constant 13 : i32
    %add3A_720 = vector.broadcast %add3A_719 : i32 to vector<16xi32>
    %add3A_721 = arith.addi %mul3A_718, %add3A_720 : vector<16xi32>
    %gather3A_722 = tpu.vector_load_idx %arg18[%add3A_721] : memref<256xf32, #tpu.memory_space<vmem>>[vector<16xi32>], vector<16xf32>,
    %add3A_723 = arith.addf %add3A_715, %gather3A_722 : vector<16xf32>
    %mul3A_724 = arith.constant 16 : i32
    %mul3A_725 = vector.broadcast %mul3A_724 : i32 to vector<16xi32>
    %mul3A_726 = arith.muli %iota3A, %mul3A_725 : vector<16xi32>
    %add3A_727 = arith.constant 14 : i32
    %add3A_728 = vector.broadcast %add3A_727 : i32 to vector<16xi32>
    %add3A_729 = arith.addi %mul3A_726, %add3A_728 : vector<16xi32>
    %gather3A_730 = tpu.vector_load_idx %arg18[%add3A_729] : memref<256xf32, #tpu.memory_space<vmem>>[vector<16xi32>], vector<16xf32>,
    %add3A_731 = arith.addf %add3A_723, %gather3A_730 : vector<16xf32>
    %mul3A_732 = arith.constant 16 : i32
    %mul3A_733 = vector.broadcast %mul3A_732 : i32 to vector<16xi32>
    %mul3A_734 = arith.muli %iota3A, %mul3A_733 : vector<16xi32>
    %add3A_735 = arith.constant 15 : i32
    %add3A_736 = vector.broadcast %add3A_735 : i32 to vector<16xi32>
    %add3A_737 = arith.addi %mul3A_734, %add3A_736 : vector<16xi32>
    %gather3A_738 = tpu.vector_load_idx %arg18[%add3A_737] : memref<256xf32, #tpu.memory_space<vmem>>[vector<16xi32>], vector<16xf32>,
    %add3A_739 = arith.addf %add3A_731, %gather3A_738 : vector<16xf32>
    %div3A_740 = arith.constant 1.000000e+00 : f32
    %div3A_741 = vector.broadcast %div3A_740 : f32 to vector<16xf32>
    %div3A_742 = arith.divf %div3A_741, %add3A_739 : vector<16xf32>
    %swap3A_743 = arith.constant 0 : index
    %swap3A_744 = tpu.vector_load %arg20[%swap3A_743] {strides = array<i32>} : memref<16xf32, #tpu.memory_space<vmem>>, vector<16xf32>,
    tpu.vector_store %arg20[%swap3A_743], %div3A_742 {strides = array<i32>} : memref<16xf32, #tpu.memory_space<vmem>>, vector<16xf32>,
    %parallel_loop3A_745 = arith.constant 0 : i32
    %parallel_loop3A_746 = arith.constant 16 : i32
    %parallel_loop3A_747 = arith.constant 1 : i32
    scf.for %parallel_loop3A_2351 = %parallel_loop3A_745 to %parallel_loop3A_746 step %parallel_loop3A_747  : i32 {
      %parallel_loop3A_2352 = arith.constant 1000 : i32
      %parallel_loop3A_2353 = arith.muli %parallel_loop3A_2351, %parallel_loop3A_2352 : i32
      %parallel_loop3A_2354 = arith.constant 0 : i32
      %parallel_loop3A_2355 = vector.broadcast %parallel_loop3A_2354 : i32 to vector<16xi32>
      %parallel_loop3A_2356 = arith.muli %iota3A, %parallel_loop3A_2355 : vector<16xi32>
      %parallel_loop3A_2357 = vector.broadcast %parallel_loop3A_2351 : i32 to vector<16xi32>
      %parallel_loop3A_2358 = arith.addi %parallel_loop3A_2356, %parallel_loop3A_2357 : vector<16xi32>
      %parallel_loop3A_2359 = tpu.vector_load_idx %arg20[%parallel_loop3A_2358] : memref<16xf32, #tpu.memory_space<vmem>>[vector<16xi32>], vector<16xf32>,
      %parallel_loop3A_2360 = arith.constant 1.000000e+00 : f32
      %parallel_loop3A_2361 = vector.broadcast %parallel_loop3A_2360 : f32 to vector<16xf32>
      %parallel_loop3A_2362 = arith.constant 0 : i32
      %parallel_loop3A_2363 = arith.constant 992 : i32
      %parallel_loop3A_2364 = arith.constant 16 : i32
      %parallel_loop3A_2365 = scf.for %parallel_loop3A_2388 = %parallel_loop3A_2362 to %parallel_loop3A_2363 step %parallel_loop3A_2364 iter_args(%parallel_loop3A_2389 = %parallel_loop3A_2361) -> (vector<16xf32>)  : i32 {
        %parallel_loop3A_2390 = arith.addi %parallel_loop3A_2353, %parallel_loop3A_2388 : i32
        %parallel_loop3A_2391 = tpu.assume_multiple %parallel_loop3A_2390, 8 : i32
        %parallel_loop3A_2392 = arith.index_cast %parallel_loop3A_2391 : i32 to index
        %parallel_loop3A_2393 = tpu.vector_load %arg11[%parallel_loop3A_2392] {strides = array<i32>} : memref<16016xf32, #tpu.memory_space<vmem>>, vector<16xf32>,
        %parallel_loop3A_2394 = arith.mulf %parallel_loop3A_2393, %parallel_loop3A_2359 : vector<16xf32>
        %parallel_loop3A_2395 = arith.constant 1.00000095 : f32
        %parallel_loop3A_2396 = vector.broadcast %parallel_loop3A_2395 : f32 to vector<16xf32>
        %parallel_loop3A_2397 = arith.subf %parallel_loop3A_2396, %parallel_loop3A_2394 : vector<16xf32>
        %parallel_loop3A_2398 = arith.mulf %parallel_loop3A_2389, %parallel_loop3A_2397 : vector<16xf32>
        scf.yield %parallel_loop3A_2398 : vector<16xf32>
      } {sc.loop_unroll_factor = 2 : i64, sc.parallel_access}
      %parallel_loop3A_2366 = arith.constant 992 : i32
      %parallel_loop3A_2367 = arith.addi %parallel_loop3A_2353, %parallel_loop3A_2366 : i32
      %parallel_loop3A_2368 = tpu.assume_multiple %parallel_loop3A_2367, 8 : i32
      %parallel_loop3A_2369 = arith.index_cast %parallel_loop3A_2368 : i32 to index
      %parallel_loop3A_2370 = tpu.vector_load %arg9[%parallel_loop3A_2369] {strides = array<i32>} : memref<16016xf32, #tpu.memory_space<vmem>>, vector<16xf32>,
      %parallel_loop3A_2371 = math.exp %parallel_loop3A_2370 : vector<16xf32>
      %parallel_loop3A_2372 = arith.constant 8 : i32
      %parallel_loop3A_2373 = vector.broadcast %parallel_loop3A_2372 : i32 to vector<16xi32>
      %parallel_loop3A_2374 = arith.cmpi slt, %iota3A, %parallel_loop3A_2373 : vector<16xi32>
      %parallel_loop3A_2375 = arith.mulf %parallel_loop3A_2371, %parallel_loop3A_2359 : vector<16xf32>
      %parallel_loop3A_2376 = arith.constant 1.00000095 : f32
      %parallel_loop3A_2377 = vector.broadcast %parallel_loop3A_2376 : f32 to vector<16xf32>
      %parallel_loop3A_2378 = arith.subf %parallel_loop3A_2377, %parallel_loop3A_2375 : vector<16xf32>
      %parallel_loop3A_2379 = arith.constant 1.000000e+00 : f32
      %parallel_loop3A_2380 = vector.broadcast %parallel_loop3A_2379 : f32 to vector<16xf32>
      %parallel_loop3A_2381 = arith.select %parallel_loop3A_2374, %parallel_loop3A_2378, %parallel_loop3A_2380 : vector<16xi1>, vector<16xf32>
      %parallel_loop3A_2382 = arith.mulf %parallel_loop3A_2365, %parallel_loop3A_2381 : vector<16xf32>
      %parallel_loop3A_2383 = arith.constant 16 : i32
      %parallel_loop3A_2384 = arith.muli %parallel_loop3A_2351, %parallel_loop3A_2383 : i32
      %parallel_loop3A_2385 = tpu.assume_multiple %parallel_loop3A_2384, 16 : i32
      %parallel_loop3A_2386 = arith.index_cast %parallel_loop3A_2385 : i32 to index
      %parallel_loop3A_2387 = tpu.vector_load %arg19[%parallel_loop3A_2386] {strides = array<i32>} : memref<256xf32, #tpu.memory_space<vmem>>, vector<16xf32>,
      tpu.vector_store %arg19[%parallel_loop3A_2386], %parallel_loop3A_2382 {strides = array<i32>} : memref<256xf32, #tpu.memory_space<vmem>>, vector<16xf32>,
    } {sc.loop_unroll_factor = 1 : i64, sc.parallel_access}
    %mul3A_748 = arith.constant 16 : i32
    %mul3A_749 = vector.broadcast %mul3A_748 : i32 to vector<16xi32>
    %mul3A_750 = arith.muli %iota3A, %mul3A_749 : vector<16xi32>
    %gather3A_751 = tpu.vector_load_idx %arg19[%mul3A_750] : memref<256xf32, #tpu.memory_space<vmem>>[vector<16xi32>], vector<16xf32>,
    %mul3A_752 = arith.constant 16 : i32
    %mul3A_753 = vector.broadcast %mul3A_752 : i32 to vector<16xi32>
    %mul3A_754 = arith.muli %iota3A, %mul3A_753 : vector<16xi32>
    %add3A_755 = arith.constant 1 : i32
    %add3A_756 = vector.broadcast %add3A_755 : i32 to vector<16xi32>
    %add3A_757 = arith.addi %mul3A_754, %add3A_756 : vector<16xi32>
    %gather3A_758 = tpu.vector_load_idx %arg19[%add3A_757] : memref<256xf32, #tpu.memory_space<vmem>>[vector<16xi32>], vector<16xf32>,
    %mul3A_759 = arith.mulf %gather3A_751, %gather3A_758 : vector<16xf32>
    %mul3A_760 = arith.constant 16 : i32
    %mul3A_761 = vector.broadcast %mul3A_760 : i32 to vector<16xi32>
    %mul3A_762 = arith.muli %iota3A, %mul3A_761 : vector<16xi32>
    %add3A_763 = arith.constant 2 : i32
    %add3A_764 = vector.broadcast %add3A_763 : i32 to vector<16xi32>
    %add3A_765 = arith.addi %mul3A_762, %add3A_764 : vector<16xi32>
    %gather3A_766 = tpu.vector_load_idx %arg19[%add3A_765] : memref<256xf32, #tpu.memory_space<vmem>>[vector<16xi32>], vector<16xf32>,
    %mul3A_767 = arith.mulf %mul3A_759, %gather3A_766 : vector<16xf32>
    %mul3A_768 = arith.constant 16 : i32
    %mul3A_769 = vector.broadcast %mul3A_768 : i32 to vector<16xi32>
    %mul3A_770 = arith.muli %iota3A, %mul3A_769 : vector<16xi32>
    %add3A_771 = arith.constant 3 : i32
    %add3A_772 = vector.broadcast %add3A_771 : i32 to vector<16xi32>
    %add3A_773 = arith.addi %mul3A_770, %add3A_772 : vector<16xi32>
    %gather3A_774 = tpu.vector_load_idx %arg19[%add3A_773] : memref<256xf32, #tpu.memory_space<vmem>>[vector<16xi32>], vector<16xf32>,
    %mul3A_775 = arith.mulf %mul3A_767, %gather3A_774 : vector<16xf32>
    %mul3A_776 = arith.constant 16 : i32
    %mul3A_777 = vector.broadcast %mul3A_776 : i32 to vector<16xi32>
    %mul3A_778 = arith.muli %iota3A, %mul3A_777 : vector<16xi32>
    %add3A_779 = arith.constant 4 : i32
    %add3A_780 = vector.broadcast %add3A_779 : i32 to vector<16xi32>
    %add3A_781 = arith.addi %mul3A_778, %add3A_780 : vector<16xi32>
    %gather3A_782 = tpu.vector_load_idx %arg19[%add3A_781] : memref<256xf32, #tpu.memory_space<vmem>>[vector<16xi32>], vector<16xf32>,
    %mul3A_783 = arith.mulf %mul3A_775, %gather3A_782 : vector<16xf32>
    %mul3A_784 = arith.constant 16 : i32
    %mul3A_785 = vector.broadcast %mul3A_784 : i32 to vector<16xi32>
    %mul3A_786 = arith.muli %iota3A, %mul3A_785 : vector<16xi32>
    %add3A_787 = arith.constant 5 : i32
    %add3A_788 = vector.broadcast %add3A_787 : i32 to vector<16xi32>
    %add3A_789 = arith.addi %mul3A_786, %add3A_788 : vector<16xi32>
    %gather3A_790 = tpu.vector_load_idx %arg19[%add3A_789] : memref<256xf32, #tpu.memory_space<vmem>>[vector<16xi32>], vector<16xf32>,
    %mul3A_791 = arith.mulf %mul3A_783, %gather3A_790 : vector<16xf32>
    %mul3A_792 = arith.constant 16 : i32
    %mul3A_793 = vector.broadcast %mul3A_792 : i32 to vector<16xi32>
    %mul3A_794 = arith.muli %iota3A, %mul3A_793 : vector<16xi32>
    %add3A_795 = arith.constant 6 : i32
    %add3A_796 = vector.broadcast %add3A_795 : i32 to vector<16xi32>
    %add3A_797 = arith.addi %mul3A_794, %add3A_796 : vector<16xi32>
    %gather3A_798 = tpu.vector_load_idx %arg19[%add3A_797] : memref<256xf32, #tpu.memory_space<vmem>>[vector<16xi32>], vector<16xf32>,
    %mul3A_799 = arith.mulf %mul3A_791, %gather3A_798 : vector<16xf32>
    %mul3A_800 = arith.constant 16 : i32
    %mul3A_801 = vector.broadcast %mul3A_800 : i32 to vector<16xi32>
    %mul3A_802 = arith.muli %iota3A, %mul3A_801 : vector<16xi32>
    %add3A_803 = arith.constant 7 : i32
    %add3A_804 = vector.broadcast %add3A_803 : i32 to vector<16xi32>
    %add3A_805 = arith.addi %mul3A_802, %add3A_804 : vector<16xi32>
    %gather3A_806 = tpu.vector_load_idx %arg19[%add3A_805] : memref<256xf32, #tpu.memory_space<vmem>>[vector<16xi32>], vector<16xf32>,
    %mul3A_807 = arith.mulf %mul3A_799, %gather3A_806 : vector<16xf32>
    %mul3A_808 = arith.constant 16 : i32
    %mul3A_809 = vector.broadcast %mul3A_808 : i32 to vector<16xi32>
    %mul3A_810 = arith.muli %iota3A, %mul3A_809 : vector<16xi32>
    %add3A_811 = arith.constant 8 : i32
    %add3A_812 = vector.broadcast %add3A_811 : i32 to vector<16xi32>
    %add3A_813 = arith.addi %mul3A_810, %add3A_812 : vector<16xi32>
    %gather3A_814 = tpu.vector_load_idx %arg19[%add3A_813] : memref<256xf32, #tpu.memory_space<vmem>>[vector<16xi32>], vector<16xf32>,
    %mul3A_815 = arith.mulf %mul3A_807, %gather3A_814 : vector<16xf32>
    %mul3A_816 = arith.constant 16 : i32
    %mul3A_817 = vector.broadcast %mul3A_816 : i32 to vector<16xi32>
    %mul3A_818 = arith.muli %iota3A, %mul3A_817 : vector<16xi32>
    %add3A_819 = arith.constant 9 : i32
    %add3A_820 = vector.broadcast %add3A_819 : i32 to vector<16xi32>
    %add3A_821 = arith.addi %mul3A_818, %add3A_820 : vector<16xi32>
    %gather3A_822 = tpu.vector_load_idx %arg19[%add3A_821] : memref<256xf32, #tpu.memory_space<vmem>>[vector<16xi32>], vector<16xf32>,
    %mul3A_823 = arith.mulf %mul3A_815, %gather3A_822 : vector<16xf32>
    %mul3A_824 = arith.constant 16 : i32
    %mul3A_825 = vector.broadcast %mul3A_824 : i32 to vector<16xi32>
    %mul3A_826 = arith.muli %iota3A, %mul3A_825 : vector<16xi32>
    %add3A_827 = arith.constant 10 : i32
    %add3A_828 = vector.broadcast %add3A_827 : i32 to vector<16xi32>
    %add3A_829 = arith.addi %mul3A_826, %add3A_828 : vector<16xi32>
    %gather3A_830 = tpu.vector_load_idx %arg19[%add3A_829] : memref<256xf32, #tpu.memory_space<vmem>>[vector<16xi32>], vector<16xf32>,
    %mul3A_831 = arith.mulf %mul3A_823, %gather3A_830 : vector<16xf32>
    %mul3A_832 = arith.constant 16 : i32
    %mul3A_833 = vector.broadcast %mul3A_832 : i32 to vector<16xi32>
    %mul3A_834 = arith.muli %iota3A, %mul3A_833 : vector<16xi32>
    %add3A_835 = arith.constant 11 : i32
    %add3A_836 = vector.broadcast %add3A_835 : i32 to vector<16xi32>
    %add3A_837 = arith.addi %mul3A_834, %add3A_836 : vector<16xi32>
    %gather3A_838 = tpu.vector_load_idx %arg19[%add3A_837] : memref<256xf32, #tpu.memory_space<vmem>>[vector<16xi32>], vector<16xf32>,
    %mul3A_839 = arith.mulf %mul3A_831, %gather3A_838 : vector<16xf32>
    %mul3A_840 = arith.constant 16 : i32
    %mul3A_841 = vector.broadcast %mul3A_840 : i32 to vector<16xi32>
    %mul3A_842 = arith.muli %iota3A, %mul3A_841 : vector<16xi32>
    %add3A_843 = arith.constant 12 : i32
    %add3A_844 = vector.broadcast %add3A_843 : i32 to vector<16xi32>
    %add3A_845 = arith.addi %mul3A_842, %add3A_844 : vector<16xi32>
    %gather3A_846 = tpu.vector_load_idx %arg19[%add3A_845] : memref<256xf32, #tpu.memory_space<vmem>>[vector<16xi32>], vector<16xf32>,
    %mul3A_847 = arith.mulf %mul3A_839, %gather3A_846 : vector<16xf32>
    %mul3A_848 = arith.constant 16 : i32
    %mul3A_849 = vector.broadcast %mul3A_848 : i32 to vector<16xi32>
    %mul3A_850 = arith.muli %iota3A, %mul3A_849 : vector<16xi32>
    %add3A_851 = arith.constant 13 : i32
    %add3A_852 = vector.broadcast %add3A_851 : i32 to vector<16xi32>
    %add3A_853 = arith.addi %mul3A_850, %add3A_852 : vector<16xi32>
    %gather3A_854 = tpu.vector_load_idx %arg19[%add3A_853] : memref<256xf32, #tpu.memory_space<vmem>>[vector<16xi32>], vector<16xf32>,
    %mul3A_855 = arith.mulf %mul3A_847, %gather3A_854 : vector<16xf32>
    %mul3A_856 = arith.constant 16 : i32
    %mul3A_857 = vector.broadcast %mul3A_856 : i32 to vector<16xi32>
    %mul3A_858 = arith.muli %iota3A, %mul3A_857 : vector<16xi32>
    %add3A_859 = arith.constant 14 : i32
    %add3A_860 = vector.broadcast %add3A_859 : i32 to vector<16xi32>
    %add3A_861 = arith.addi %mul3A_858, %add3A_860 : vector<16xi32>
    %gather3A_862 = tpu.vector_load_idx %arg19[%add3A_861] : memref<256xf32, #tpu.memory_space<vmem>>[vector<16xi32>], vector<16xf32>,
    %mul3A_863 = arith.mulf %mul3A_855, %gather3A_862 : vector<16xf32>
    %mul3A_864 = arith.constant 16 : i32
    %mul3A_865 = vector.broadcast %mul3A_864 : i32 to vector<16xi32>
    %mul3A_866 = arith.muli %iota3A, %mul3A_865 : vector<16xi32>
    %add3A_867 = arith.constant 15 : i32
    %add3A_868 = vector.broadcast %add3A_867 : i32 to vector<16xi32>
    %add3A_869 = arith.addi %mul3A_866, %add3A_868 : vector<16xi32>
    %gather3A_870 = tpu.vector_load_idx %arg19[%add3A_869] : memref<256xf32, #tpu.memory_space<vmem>>[vector<16xi32>], vector<16xf32>,
    %mul3A_871 = arith.mulf %mul3A_863, %gather3A_870 : vector<16xf32>
    %get3A_872 = arith.constant 32 : index
    %get3A_873 = tpu.vector_load %arg12[%get3A_872] {strides = array<i32>} : memref<128xi32, #tpu.memory_space<vmem>>, vector<16xi32>,
    %min3A_874 = arith.constant 999 : i32
    %min3A_875 = vector.broadcast %min3A_874 : i32 to vector<16xi32>
    %min3A_876 = arith.minsi %get3A_873, %min3A_875 : vector<16xi32>
    %max3A_877 = arith.constant 0 : i32
    %max3A_878 = vector.broadcast %max3A_877 : i32 to vector<16xi32>
    %max3A_879 = arith.maxsi %min3A_876, %max3A_878 : vector<16xi32>
    %add3A_880 = arith.addi %mul3A_7, %max3A_879 : vector<16xi32>
    %gather3A_881 = tpu.vector_load_idx %arg9[%add3A_880] : memref<16016xf32, #tpu.memory_space<vmem>>[vector<16xi32>], vector<16xf32>,
    %gather3A_882 = tpu.vector_load_idx %arg13[%max3A_879] : memref<1000xf32, #tpu.memory_space<vmem>>[vector<16xi32>], vector<16xf32>,
    %swap3A_883 = arith.constant 32 : index
    %swap3A_884 = tpu.vector_load %arg14[%swap3A_883] {strides = array<i32>} : memref<128xf32, #tpu.memory_space<vmem>>, vector<16xf32>,
    tpu.vector_store %arg14[%swap3A_883], %add3A_739 {strides = array<i32>} : memref<128xf32, #tpu.memory_space<vmem>>, vector<16xf32>,
    %swap3A_885 = arith.constant 32 : index
    %swap3A_886 = tpu.vector_load %arg15[%swap3A_885] {strides = array<i32>} : memref<128xf32, #tpu.memory_space<vmem>>, vector<16xf32>,
    tpu.vector_store %arg15[%swap3A_885], %mul3A_871 {strides = array<i32>} : memref<128xf32, #tpu.memory_space<vmem>>, vector<16xf32>,
    %swap3A_887 = arith.constant 32 : index
    %swap3A_888 = tpu.vector_load %arg16[%swap3A_887] {strides = array<i32>} : memref<128xf32, #tpu.memory_space<vmem>>, vector<16xf32>,
    tpu.vector_store %arg16[%swap3A_887], %gather3A_881 {strides = array<i32>} : memref<128xf32, #tpu.memory_space<vmem>>, vector<16xf32>,
    %swap3A_889 = arith.constant 32 : index
    %swap3A_890 = tpu.vector_load %arg17[%swap3A_889] {strides = array<i32>} : memref<128xf32, #tpu.memory_space<vmem>>, vector<16xf32>,
    tpu.vector_store %arg17[%swap3A_889], %gather3A_882 {strides = array<i32>} : memref<128xf32, #tpu.memory_space<vmem>>, vector<16xf32>,
    %add3A_891 = arith.constant 64 : i32
    %add3A_892 = arith.addi %add3A_4, %add3A_891 : i32
    %mul3A_893 = arith.constant 1000 : i32
    %mul3A_894 = arith.muli %add3A_892, %mul3A_893 : i32
    %dma_start3A_895 = arith.constant 0 : i32
    %dma_start3A_896 = tpu.memref_slice %arg9[%dma_start3A_895] : memref<16016xf32, #tpu.memory_space<vmem>> -> memref<16000xf32, #tpu.memory_space<vmem>>
    %dma_start3A_897 = tpu.memref_slice %arg2[%mul3A_894] : memref<16384000xf32, #tpu.memory_space<hbm>> -> memref<16000xf32, #tpu.memory_space<hbm>>
    %dma_start3A_898 = arith.constant 0 : i32
    %dma_start3A_899 = tpu.memref_slice %arg9[%dma_start3A_898] : memref<16016xf32, #tpu.memory_space<vmem>> -> memref<16000xf32, #tpu.memory_space<vmem>>
    %dma_start3A_900 = tpu.memref_slice %arg2[%mul3A_894] : memref<16384000xf32, #tpu.memory_space<hbm>> -> memref<16000xf32, #tpu.memory_space<hbm>>
    tpu.enqueue_dma source(%dma_start3A_900 : memref<16000xf32, #tpu.memory_space<hbm>>) target(%dma_start3A_899 : memref<16000xf32, #tpu.memory_space<vmem>>) target_semaphore(%arg21 : memref<!tpu.dma_semaphore, #tpu.memory_space<semaphore_mem>>)
    %dma_wait3A_901 = arith.constant 0 : i32
    %dma_wait3A_902 = tpu.memref_slice %arg10[%dma_wait3A_901] : memref<16016xf32, #tpu.memory_space<vmem>> -> memref<16000xf32, #tpu.memory_space<vmem>>
    %dma_wait3A_903 = tpu.memref_slice %arg2[%mul3A_600] : memref<16384000xf32, #tpu.memory_space<hbm>> -> memref<16000xf32, #tpu.memory_space<hbm>>
    %dma_wait3A_904 = arith.constant 0 : i32
    %dma_wait3A_905 = tpu.memref_slice %arg10[%dma_wait3A_904] : memref<16016xf32, #tpu.memory_space<vmem>> -> memref<16000xf32, #tpu.memory_space<vmem>>
    %dma_wait3A_906 = tpu.memref_slice %arg2[%mul3A_600] : memref<16384000xf32, #tpu.memory_space<hbm>> -> memref<16000xf32, #tpu.memory_space<hbm>>
    tpu.wait_dma2 semaphore(%arg21 : memref<!tpu.dma_semaphore, #tpu.memory_space<semaphore_mem>>) src(%dma_wait3A_906 : memref<16000xf32, #tpu.memory_space<hbm>>) dst(%dma_wait3A_905 : memref<16000xf32, #tpu.memory_space<vmem>>)
    %parallel_loop3A_907 = arith.constant 0 : i32
    %parallel_loop3A_908 = arith.constant 16 : i32
    %parallel_loop3A_909 = arith.constant 1 : i32
    scf.for %parallel_loop3A_2351 = %parallel_loop3A_907 to %parallel_loop3A_908 step %parallel_loop3A_909  : i32 {
      %parallel_loop3A_2352 = arith.constant 1000 : i32
      %parallel_loop3A_2353 = arith.muli %parallel_loop3A_2351, %parallel_loop3A_2352 : i32
      %parallel_loop3A_2354 = arith.constant 0.000000e+00 : f32
      %parallel_loop3A_2355 = vector.broadcast %parallel_loop3A_2354 : f32 to vector<16xf32>
      %parallel_loop3A_2356 = arith.constant 0 : i32
      %parallel_loop3A_2357 = arith.constant 992 : i32
      %parallel_loop3A_2358 = arith.constant 16 : i32
      %parallel_loop3A_2359 = scf.for %parallel_loop3A_2378 = %parallel_loop3A_2356 to %parallel_loop3A_2357 step %parallel_loop3A_2358 iter_args(%parallel_loop3A_2379 = %parallel_loop3A_2355) -> (vector<16xf32>)  : i32 {
        %parallel_loop3A_2380 = arith.addi %parallel_loop3A_2353, %parallel_loop3A_2378 : i32
        %parallel_loop3A_2381 = tpu.assume_multiple %parallel_loop3A_2380, 8 : i32
        %parallel_loop3A_2382 = arith.index_cast %parallel_loop3A_2381 : i32 to index
        %parallel_loop3A_2383 = tpu.vector_load %arg10[%parallel_loop3A_2382] {strides = array<i32>} : memref<16016xf32, #tpu.memory_space<vmem>>, vector<16xf32>,
        %parallel_loop3A_2384 = math.exp %parallel_loop3A_2383 : vector<16xf32>
        %parallel_loop3A_2385 = arith.index_cast %parallel_loop3A_2381 : i32 to index
        %parallel_loop3A_2386 = tpu.vector_load %arg11[%parallel_loop3A_2385] {strides = array<i32>} : memref<16016xf32, #tpu.memory_space<vmem>>, vector<16xf32>,
        tpu.vector_store %arg11[%parallel_loop3A_2385], %parallel_loop3A_2384 {strides = array<i32>} : memref<16016xf32, #tpu.memory_space<vmem>>, vector<16xf32>,
        %parallel_loop3A_2387 = arith.addf %parallel_loop3A_2379, %parallel_loop3A_2384 : vector<16xf32>
        scf.yield %parallel_loop3A_2387 : vector<16xf32>
      } {sc.loop_unroll_factor = 2 : i64, sc.parallel_access}
      %parallel_loop3A_2360 = arith.constant 992 : i32
      %parallel_loop3A_2361 = arith.addi %parallel_loop3A_2353, %parallel_loop3A_2360 : i32
      %parallel_loop3A_2362 = tpu.assume_multiple %parallel_loop3A_2361, 8 : i32
      %parallel_loop3A_2363 = arith.index_cast %parallel_loop3A_2362 : i32 to index
      %parallel_loop3A_2364 = tpu.vector_load %arg10[%parallel_loop3A_2363] {strides = array<i32>} : memref<16016xf32, #tpu.memory_space<vmem>>, vector<16xf32>,
      %parallel_loop3A_2365 = math.exp %parallel_loop3A_2364 : vector<16xf32>
      %parallel_loop3A_2366 = arith.constant 8 : i32
      %parallel_loop3A_2367 = vector.broadcast %parallel_loop3A_2366 : i32 to vector<16xi32>
      %parallel_loop3A_2368 = arith.cmpi slt, %iota3A, %parallel_loop3A_2367 : vector<16xi32>
      %parallel_loop3A_2369 = arith.constant 0.000000e+00 : f32
      %parallel_loop3A_2370 = vector.broadcast %parallel_loop3A_2369 : f32 to vector<16xf32>
      %parallel_loop3A_2371 = arith.select %parallel_loop3A_2368, %parallel_loop3A_2365, %parallel_loop3A_2370 : vector<16xi1>, vector<16xf32>
      %parallel_loop3A_2372 = arith.addf %parallel_loop3A_2359, %parallel_loop3A_2371 : vector<16xf32>
      %parallel_loop3A_2373 = arith.constant 16 : i32
      %parallel_loop3A_2374 = arith.muli %parallel_loop3A_2351, %parallel_loop3A_2373 : i32
      %parallel_loop3A_2375 = tpu.assume_multiple %parallel_loop3A_2374, 16 : i32
      %parallel_loop3A_2376 = arith.index_cast %parallel_loop3A_2375 : i32 to index
      %parallel_loop3A_2377 = tpu.vector_load %arg18[%parallel_loop3A_2376] {strides = array<i32>} : memref<256xf32, #tpu.memory_space<vmem>>, vector<16xf32>,
      tpu.vector_store %arg18[%parallel_loop3A_2376], %parallel_loop3A_2372 {strides = array<i32>} : memref<256xf32, #tpu.memory_space<vmem>>, vector<16xf32>,
    } {sc.loop_unroll_factor = 1 : i64, sc.parallel_access}
    %mul3A_910 = arith.constant 16 : i32
    %mul3A_911 = vector.broadcast %mul3A_910 : i32 to vector<16xi32>
    %mul3A_912 = arith.muli %iota3A, %mul3A_911 : vector<16xi32>
    %gather3A_913 = tpu.vector_load_idx %arg18[%mul3A_912] : memref<256xf32, #tpu.memory_space<vmem>>[vector<16xi32>], vector<16xf32>,
    %mul3A_914 = arith.constant 16 : i32
    %mul3A_915 = vector.broadcast %mul3A_914 : i32 to vector<16xi32>
    %mul3A_916 = arith.muli %iota3A, %mul3A_915 : vector<16xi32>
    %add3A_917 = arith.constant 1 : i32
    %add3A_918 = vector.broadcast %add3A_917 : i32 to vector<16xi32>
    %add3A_919 = arith.addi %mul3A_916, %add3A_918 : vector<16xi32>
    %gather3A_920 = tpu.vector_load_idx %arg18[%add3A_919] : memref<256xf32, #tpu.memory_space<vmem>>[vector<16xi32>], vector<16xf32>,
    %add3A_921 = arith.addf %gather3A_913, %gather3A_920 : vector<16xf32>
    %mul3A_922 = arith.constant 16 : i32
    %mul3A_923 = vector.broadcast %mul3A_922 : i32 to vector<16xi32>
    %mul3A_924 = arith.muli %iota3A, %mul3A_923 : vector<16xi32>
    %add3A_925 = arith.constant 2 : i32
    %add3A_926 = vector.broadcast %add3A_925 : i32 to vector<16xi32>
    %add3A_927 = arith.addi %mul3A_924, %add3A_926 : vector<16xi32>
    %gather3A_928 = tpu.vector_load_idx %arg18[%add3A_927] : memref<256xf32, #tpu.memory_space<vmem>>[vector<16xi32>], vector<16xf32>,
    %add3A_929 = arith.addf %add3A_921, %gather3A_928 : vector<16xf32>
    %mul3A_930 = arith.constant 16 : i32
    %mul3A_931 = vector.broadcast %mul3A_930 : i32 to vector<16xi32>
    %mul3A_932 = arith.muli %iota3A, %mul3A_931 : vector<16xi32>
    %add3A_933 = arith.constant 3 : i32
    %add3A_934 = vector.broadcast %add3A_933 : i32 to vector<16xi32>
    %add3A_935 = arith.addi %mul3A_932, %add3A_934 : vector<16xi32>
    %gather3A_936 = tpu.vector_load_idx %arg18[%add3A_935] : memref<256xf32, #tpu.memory_space<vmem>>[vector<16xi32>], vector<16xf32>,
    %add3A_937 = arith.addf %add3A_929, %gather3A_936 : vector<16xf32>
    %mul3A_938 = arith.constant 16 : i32
    %mul3A_939 = vector.broadcast %mul3A_938 : i32 to vector<16xi32>
    %mul3A_940 = arith.muli %iota3A, %mul3A_939 : vector<16xi32>
    %add3A_941 = arith.constant 4 : i32
    %add3A_942 = vector.broadcast %add3A_941 : i32 to vector<16xi32>
    %add3A_943 = arith.addi %mul3A_940, %add3A_942 : vector<16xi32>
    %gather3A_944 = tpu.vector_load_idx %arg18[%add3A_943] : memref<256xf32, #tpu.memory_space<vmem>>[vector<16xi32>], vector<16xf32>,
    %add3A_945 = arith.addf %add3A_937, %gather3A_944 : vector<16xf32>
    %mul3A_946 = arith.constant 16 : i32
    %mul3A_947 = vector.broadcast %mul3A_946 : i32 to vector<16xi32>
    %mul3A_948 = arith.muli %iota3A, %mul3A_947 : vector<16xi32>
    %add3A_949 = arith.constant 5 : i32
    %add3A_950 = vector.broadcast %add3A_949 : i32 to vector<16xi32>
    %add3A_951 = arith.addi %mul3A_948, %add3A_950 : vector<16xi32>
    %gather3A_952 = tpu.vector_load_idx %arg18[%add3A_951] : memref<256xf32, #tpu.memory_space<vmem>>[vector<16xi32>], vector<16xf32>,
    %add3A_953 = arith.addf %add3A_945, %gather3A_952 : vector<16xf32>
    %mul3A_954 = arith.constant 16 : i32
    %mul3A_955 = vector.broadcast %mul3A_954 : i32 to vector<16xi32>
    %mul3A_956 = arith.muli %iota3A, %mul3A_955 : vector<16xi32>
    %add3A_957 = arith.constant 6 : i32
    %add3A_958 = vector.broadcast %add3A_957 : i32 to vector<16xi32>
    %add3A_959 = arith.addi %mul3A_956, %add3A_958 : vector<16xi32>
    %gather3A_960 = tpu.vector_load_idx %arg18[%add3A_959] : memref<256xf32, #tpu.memory_space<vmem>>[vector<16xi32>], vector<16xf32>,
    %add3A_961 = arith.addf %add3A_953, %gather3A_960 : vector<16xf32>
    %mul3A_962 = arith.constant 16 : i32
    %mul3A_963 = vector.broadcast %mul3A_962 : i32 to vector<16xi32>
    %mul3A_964 = arith.muli %iota3A, %mul3A_963 : vector<16xi32>
    %add3A_965 = arith.constant 7 : i32
    %add3A_966 = vector.broadcast %add3A_965 : i32 to vector<16xi32>
    %add3A_967 = arith.addi %mul3A_964, %add3A_966 : vector<16xi32>
    %gather3A_968 = tpu.vector_load_idx %arg18[%add3A_967] : memref<256xf32, #tpu.memory_space<vmem>>[vector<16xi32>], vector<16xf32>,
    %add3A_969 = arith.addf %add3A_961, %gather3A_968 : vector<16xf32>
    %mul3A_970 = arith.constant 16 : i32
    %mul3A_971 = vector.broadcast %mul3A_970 : i32 to vector<16xi32>
    %mul3A_972 = arith.muli %iota3A, %mul3A_971 : vector<16xi32>
    %add3A_973 = arith.constant 8 : i32
    %add3A_974 = vector.broadcast %add3A_973 : i32 to vector<16xi32>
    %add3A_975 = arith.addi %mul3A_972, %add3A_974 : vector<16xi32>
    %gather3A_976 = tpu.vector_load_idx %arg18[%add3A_975] : memref<256xf32, #tpu.memory_space<vmem>>[vector<16xi32>], vector<16xf32>,
    %add3A_977 = arith.addf %add3A_969, %gather3A_976 : vector<16xf32>
    %mul3A_978 = arith.constant 16 : i32
    %mul3A_979 = vector.broadcast %mul3A_978 : i32 to vector<16xi32>
    %mul3A_980 = arith.muli %iota3A, %mul3A_979 : vector<16xi32>
    %add3A_981 = arith.constant 9 : i32
    %add3A_982 = vector.broadcast %add3A_981 : i32 to vector<16xi32>
    %add3A_983 = arith.addi %mul3A_980, %add3A_982 : vector<16xi32>
    %gather3A_984 = tpu.vector_load_idx %arg18[%add3A_983] : memref<256xf32, #tpu.memory_space<vmem>>[vector<16xi32>], vector<16xf32>,
    %add3A_985 = arith.addf %add3A_977, %gather3A_984 : vector<16xf32>
    %mul3A_986 = arith.constant 16 : i32
    %mul3A_987 = vector.broadcast %mul3A_986 : i32 to vector<16xi32>
    %mul3A_988 = arith.muli %iota3A, %mul3A_987 : vector<16xi32>
    %add3A_989 = arith.constant 10 : i32
    %add3A_990 = vector.broadcast %add3A_989 : i32 to vector<16xi32>
    %add3A_991 = arith.addi %mul3A_988, %add3A_990 : vector<16xi32>
    %gather3A_992 = tpu.vector_load_idx %arg18[%add3A_991] : memref<256xf32, #tpu.memory_space<vmem>>[vector<16xi32>], vector<16xf32>,
    %add3A_993 = arith.addf %add3A_985, %gather3A_992 : vector<16xf32>
    %mul3A_994 = arith.constant 16 : i32
    %mul3A_995 = vector.broadcast %mul3A_994 : i32 to vector<16xi32>
    %mul3A_996 = arith.muli %iota3A, %mul3A_995 : vector<16xi32>
    %add3A_997 = arith.constant 11 : i32
    %add3A_998 = vector.broadcast %add3A_997 : i32 to vector<16xi32>
    %add3A_999 = arith.addi %mul3A_996, %add3A_998 : vector<16xi32>
    %gather3A_1000 = tpu.vector_load_idx %arg18[%add3A_999] : memref<256xf32, #tpu.memory_space<vmem>>[vector<16xi32>], vector<16xf32>,
    %add3A_1001 = arith.addf %add3A_993, %gather3A_1000 : vector<16xf32>
    %mul3A_1002 = arith.constant 16 : i32
    %mul3A_1003 = vector.broadcast %mul3A_1002 : i32 to vector<16xi32>
    %mul3A_1004 = arith.muli %iota3A, %mul3A_1003 : vector<16xi32>
    %add3A_1005 = arith.constant 12 : i32
    %add3A_1006 = vector.broadcast %add3A_1005 : i32 to vector<16xi32>
    %add3A_1007 = arith.addi %mul3A_1004, %add3A_1006 : vector<16xi32>
    %gather3A_1008 = tpu.vector_load_idx %arg18[%add3A_1007] : memref<256xf32, #tpu.memory_space<vmem>>[vector<16xi32>], vector<16xf32>,
    %add3A_1009 = arith.addf %add3A_1001, %gather3A_1008 : vector<16xf32>
    %mul3A_1010 = arith.constant 16 : i32
    %mul3A_1011 = vector.broadcast %mul3A_1010 : i32 to vector<16xi32>
    %mul3A_1012 = arith.muli %iota3A, %mul3A_1011 : vector<16xi32>
    %add3A_1013 = arith.constant 13 : i32
    %add3A_1014 = vector.broadcast %add3A_1013 : i32 to vector<16xi32>
    %add3A_1015 = arith.addi %mul3A_1012, %add3A_1014 : vector<16xi32>
    %gather3A_1016 = tpu.vector_load_idx %arg18[%add3A_1015] : memref<256xf32, #tpu.memory_space<vmem>>[vector<16xi32>], vector<16xf32>,
    %add3A_1017 = arith.addf %add3A_1009, %gather3A_1016 : vector<16xf32>
    %mul3A_1018 = arith.constant 16 : i32
    %mul3A_1019 = vector.broadcast %mul3A_1018 : i32 to vector<16xi32>
    %mul3A_1020 = arith.muli %iota3A, %mul3A_1019 : vector<16xi32>
    %add3A_1021 = arith.constant 14 : i32
    %add3A_1022 = vector.broadcast %add3A_1021 : i32 to vector<16xi32>
    %add3A_1023 = arith.addi %mul3A_1020, %add3A_1022 : vector<16xi32>
    %gather3A_1024 = tpu.vector_load_idx %arg18[%add3A_1023] : memref<256xf32, #tpu.memory_space<vmem>>[vector<16xi32>], vector<16xf32>,
    %add3A_1025 = arith.addf %add3A_1017, %gather3A_1024 : vector<16xf32>
    %mul3A_1026 = arith.constant 16 : i32
    %mul3A_1027 = vector.broadcast %mul3A_1026 : i32 to vector<16xi32>
    %mul3A_1028 = arith.muli %iota3A, %mul3A_1027 : vector<16xi32>
    %add3A_1029 = arith.constant 15 : i32
    %add3A_1030 = vector.broadcast %add3A_1029 : i32 to vector<16xi32>
    %add3A_1031 = arith.addi %mul3A_1028, %add3A_1030 : vector<16xi32>
    %gather3A_1032 = tpu.vector_load_idx %arg18[%add3A_1031] : memref<256xf32, #tpu.memory_space<vmem>>[vector<16xi32>], vector<16xf32>,
    %add3A_1033 = arith.addf %add3A_1025, %gather3A_1032 : vector<16xf32>
    %div3A_1034 = arith.constant 1.000000e+00 : f32
    %div3A_1035 = vector.broadcast %div3A_1034 : f32 to vector<16xf32>
    %div3A_1036 = arith.divf %div3A_1035, %add3A_1033 : vector<16xf32>
    %swap3A_1037 = arith.constant 0 : index
    %swap3A_1038 = tpu.vector_load %arg20[%swap3A_1037] {strides = array<i32>} : memref<16xf32, #tpu.memory_space<vmem>>, vector<16xf32>,
    tpu.vector_store %arg20[%swap3A_1037], %div3A_1036 {strides = array<i32>} : memref<16xf32, #tpu.memory_space<vmem>>, vector<16xf32>,
    %parallel_loop3A_1039 = arith.constant 0 : i32
    %parallel_loop3A_1040 = arith.constant 16 : i32
    %parallel_loop3A_1041 = arith.constant 1 : i32
    scf.for %parallel_loop3A_2351 = %parallel_loop3A_1039 to %parallel_loop3A_1040 step %parallel_loop3A_1041  : i32 {
      %parallel_loop3A_2352 = arith.constant 1000 : i32
      %parallel_loop3A_2353 = arith.muli %parallel_loop3A_2351, %parallel_loop3A_2352 : i32
      %parallel_loop3A_2354 = arith.constant 0 : i32
      %parallel_loop3A_2355 = vector.broadcast %parallel_loop3A_2354 : i32 to vector<16xi32>
      %parallel_loop3A_2356 = arith.muli %iota3A, %parallel_loop3A_2355 : vector<16xi32>
      %parallel_loop3A_2357 = vector.broadcast %parallel_loop3A_2351 : i32 to vector<16xi32>
      %parallel_loop3A_2358 = arith.addi %parallel_loop3A_2356, %parallel_loop3A_2357 : vector<16xi32>
      %parallel_loop3A_2359 = tpu.vector_load_idx %arg20[%parallel_loop3A_2358] : memref<16xf32, #tpu.memory_space<vmem>>[vector<16xi32>], vector<16xf32>,
      %parallel_loop3A_2360 = arith.constant 1.000000e+00 : f32
      %parallel_loop3A_2361 = vector.broadcast %parallel_loop3A_2360 : f32 to vector<16xf32>
      %parallel_loop3A_2362 = arith.constant 0 : i32
      %parallel_loop3A_2363 = arith.constant 992 : i32
      %parallel_loop3A_2364 = arith.constant 16 : i32
      %parallel_loop3A_2365 = scf.for %parallel_loop3A_2388 = %parallel_loop3A_2362 to %parallel_loop3A_2363 step %parallel_loop3A_2364 iter_args(%parallel_loop3A_2389 = %parallel_loop3A_2361) -> (vector<16xf32>)  : i32 {
        %parallel_loop3A_2390 = arith.addi %parallel_loop3A_2353, %parallel_loop3A_2388 : i32
        %parallel_loop3A_2391 = tpu.assume_multiple %parallel_loop3A_2390, 8 : i32
        %parallel_loop3A_2392 = arith.index_cast %parallel_loop3A_2391 : i32 to index
        %parallel_loop3A_2393 = tpu.vector_load %arg11[%parallel_loop3A_2392] {strides = array<i32>} : memref<16016xf32, #tpu.memory_space<vmem>>, vector<16xf32>,
        %parallel_loop3A_2394 = arith.mulf %parallel_loop3A_2393, %parallel_loop3A_2359 : vector<16xf32>
        %parallel_loop3A_2395 = arith.constant 1.00000095 : f32
        %parallel_loop3A_2396 = vector.broadcast %parallel_loop3A_2395 : f32 to vector<16xf32>
        %parallel_loop3A_2397 = arith.subf %parallel_loop3A_2396, %parallel_loop3A_2394 : vector<16xf32>
        %parallel_loop3A_2398 = arith.mulf %parallel_loop3A_2389, %parallel_loop3A_2397 : vector<16xf32>
        scf.yield %parallel_loop3A_2398 : vector<16xf32>
      } {sc.loop_unroll_factor = 2 : i64, sc.parallel_access}
      %parallel_loop3A_2366 = arith.constant 992 : i32
      %parallel_loop3A_2367 = arith.addi %parallel_loop3A_2353, %parallel_loop3A_2366 : i32
      %parallel_loop3A_2368 = tpu.assume_multiple %parallel_loop3A_2367, 8 : i32
      %parallel_loop3A_2369 = arith.index_cast %parallel_loop3A_2368 : i32 to index
      %parallel_loop3A_2370 = tpu.vector_load %arg10[%parallel_loop3A_2369] {strides = array<i32>} : memref<16016xf32, #tpu.memory_space<vmem>>, vector<16xf32>,
      %parallel_loop3A_2371 = math.exp %parallel_loop3A_2370 : vector<16xf32>
      %parallel_loop3A_2372 = arith.constant 8 : i32
      %parallel_loop3A_2373 = vector.broadcast %parallel_loop3A_2372 : i32 to vector<16xi32>
      %parallel_loop3A_2374 = arith.cmpi slt, %iota3A, %parallel_loop3A_2373 : vector<16xi32>
      %parallel_loop3A_2375 = arith.mulf %parallel_loop3A_2371, %parallel_loop3A_2359 : vector<16xf32>
      %parallel_loop3A_2376 = arith.constant 1.00000095 : f32
      %parallel_loop3A_2377 = vector.broadcast %parallel_loop3A_2376 : f32 to vector<16xf32>
      %parallel_loop3A_2378 = arith.subf %parallel_loop3A_2377, %parallel_loop3A_2375 : vector<16xf32>
      %parallel_loop3A_2379 = arith.constant 1.000000e+00 : f32
      %parallel_loop3A_2380 = vector.broadcast %parallel_loop3A_2379 : f32 to vector<16xf32>
      %parallel_loop3A_2381 = arith.select %parallel_loop3A_2374, %parallel_loop3A_2378, %parallel_loop3A_2380 : vector<16xi1>, vector<16xf32>
      %parallel_loop3A_2382 = arith.mulf %parallel_loop3A_2365, %parallel_loop3A_2381 : vector<16xf32>
      %parallel_loop3A_2383 = arith.constant 16 : i32
      %parallel_loop3A_2384 = arith.muli %parallel_loop3A_2351, %parallel_loop3A_2383 : i32
      %parallel_loop3A_2385 = tpu.assume_multiple %parallel_loop3A_2384, 16 : i32
      %parallel_loop3A_2386 = arith.index_cast %parallel_loop3A_2385 : i32 to index
      %parallel_loop3A_2387 = tpu.vector_load %arg19[%parallel_loop3A_2386] {strides = array<i32>} : memref<256xf32, #tpu.memory_space<vmem>>, vector<16xf32>,
      tpu.vector_store %arg19[%parallel_loop3A_2386], %parallel_loop3A_2382 {strides = array<i32>} : memref<256xf32, #tpu.memory_space<vmem>>, vector<16xf32>,
    } {sc.loop_unroll_factor = 1 : i64, sc.parallel_access}
    %mul3A_1042 = arith.constant 16 : i32
    %mul3A_1043 = vector.broadcast %mul3A_1042 : i32 to vector<16xi32>
    %mul3A_1044 = arith.muli %iota3A, %mul3A_1043 : vector<16xi32>
    %gather3A_1045 = tpu.vector_load_idx %arg19[%mul3A_1044] : memref<256xf32, #tpu.memory_space<vmem>>[vector<16xi32>], vector<16xf32>,
    %mul3A_1046 = arith.constant 16 : i32
    %mul3A_1047 = vector.broadcast %mul3A_1046 : i32 to vector<16xi32>
    %mul3A_1048 = arith.muli %iota3A, %mul3A_1047 : vector<16xi32>
    %add3A_1049 = arith.constant 1 : i32
    %add3A_1050 = vector.broadcast %add3A_1049 : i32 to vector<16xi32>
    %add3A_1051 = arith.addi %mul3A_1048, %add3A_1050 : vector<16xi32>
    %gather3A_1052 = tpu.vector_load_idx %arg19[%add3A_1051] : memref<256xf32, #tpu.memory_space<vmem>>[vector<16xi32>], vector<16xf32>,
    %mul3A_1053 = arith.mulf %gather3A_1045, %gather3A_1052 : vector<16xf32>
    %mul3A_1054 = arith.constant 16 : i32
    %mul3A_1055 = vector.broadcast %mul3A_1054 : i32 to vector<16xi32>
    %mul3A_1056 = arith.muli %iota3A, %mul3A_1055 : vector<16xi32>
    %add3A_1057 = arith.constant 2 : i32
    %add3A_1058 = vector.broadcast %add3A_1057 : i32 to vector<16xi32>
    %add3A_1059 = arith.addi %mul3A_1056, %add3A_1058 : vector<16xi32>
    %gather3A_1060 = tpu.vector_load_idx %arg19[%add3A_1059] : memref<256xf32, #tpu.memory_space<vmem>>[vector<16xi32>], vector<16xf32>,
    %mul3A_1061 = arith.mulf %mul3A_1053, %gather3A_1060 : vector<16xf32>
    %mul3A_1062 = arith.constant 16 : i32
    %mul3A_1063 = vector.broadcast %mul3A_1062 : i32 to vector<16xi32>
    %mul3A_1064 = arith.muli %iota3A, %mul3A_1063 : vector<16xi32>
    %add3A_1065 = arith.constant 3 : i32
    %add3A_1066 = vector.broadcast %add3A_1065 : i32 to vector<16xi32>
    %add3A_1067 = arith.addi %mul3A_1064, %add3A_1066 : vector<16xi32>
    %gather3A_1068 = tpu.vector_load_idx %arg19[%add3A_1067] : memref<256xf32, #tpu.memory_space<vmem>>[vector<16xi32>], vector<16xf32>,
    %mul3A_1069 = arith.mulf %mul3A_1061, %gather3A_1068 : vector<16xf32>
    %mul3A_1070 = arith.constant 16 : i32
    %mul3A_1071 = vector.broadcast %mul3A_1070 : i32 to vector<16xi32>
    %mul3A_1072 = arith.muli %iota3A, %mul3A_1071 : vector<16xi32>
    %add3A_1073 = arith.constant 4 : i32
    %add3A_1074 = vector.broadcast %add3A_1073 : i32 to vector<16xi32>
    %add3A_1075 = arith.addi %mul3A_1072, %add3A_1074 : vector<16xi32>
    %gather3A_1076 = tpu.vector_load_idx %arg19[%add3A_1075] : memref<256xf32, #tpu.memory_space<vmem>>[vector<16xi32>], vector<16xf32>,
    %mul3A_1077 = arith.mulf %mul3A_1069, %gather3A_1076 : vector<16xf32>
    %mul3A_1078 = arith.constant 16 : i32
    %mul3A_1079 = vector.broadcast %mul3A_1078 : i32 to vector<16xi32>
    %mul3A_1080 = arith.muli %iota3A, %mul3A_1079 : vector<16xi32>
    %add3A_1081 = arith.constant 5 : i32
    %add3A_1082 = vector.broadcast %add3A_1081 : i32 to vector<16xi32>
    %add3A_1083 = arith.addi %mul3A_1080, %add3A_1082 : vector<16xi32>
    %gather3A_1084 = tpu.vector_load_idx %arg19[%add3A_1083] : memref<256xf32, #tpu.memory_space<vmem>>[vector<16xi32>], vector<16xf32>,
    %mul3A_1085 = arith.mulf %mul3A_1077, %gather3A_1084 : vector<16xf32>
    %mul3A_1086 = arith.constant 16 : i32
    %mul3A_1087 = vector.broadcast %mul3A_1086 : i32 to vector<16xi32>
    %mul3A_1088 = arith.muli %iota3A, %mul3A_1087 : vector<16xi32>
    %add3A_1089 = arith.constant 6 : i32
    %add3A_1090 = vector.broadcast %add3A_1089 : i32 to vector<16xi32>
    %add3A_1091 = arith.addi %mul3A_1088, %add3A_1090 : vector<16xi32>
    %gather3A_1092 = tpu.vector_load_idx %arg19[%add3A_1091] : memref<256xf32, #tpu.memory_space<vmem>>[vector<16xi32>], vector<16xf32>,
    %mul3A_1093 = arith.mulf %mul3A_1085, %gather3A_1092 : vector<16xf32>
    %mul3A_1094 = arith.constant 16 : i32
    %mul3A_1095 = vector.broadcast %mul3A_1094 : i32 to vector<16xi32>
    %mul3A_1096 = arith.muli %iota3A, %mul3A_1095 : vector<16xi32>
    %add3A_1097 = arith.constant 7 : i32
    %add3A_1098 = vector.broadcast %add3A_1097 : i32 to vector<16xi32>
    %add3A_1099 = arith.addi %mul3A_1096, %add3A_1098 : vector<16xi32>
    %gather3A_1100 = tpu.vector_load_idx %arg19[%add3A_1099] : memref<256xf32, #tpu.memory_space<vmem>>[vector<16xi32>], vector<16xf32>,
    %mul3A_1101 = arith.mulf %mul3A_1093, %gather3A_1100 : vector<16xf32>
    %mul3A_1102 = arith.constant 16 : i32
    %mul3A_1103 = vector.broadcast %mul3A_1102 : i32 to vector<16xi32>
    %mul3A_1104 = arith.muli %iota3A, %mul3A_1103 : vector<16xi32>
    %add3A_1105 = arith.constant 8 : i32
    %add3A_1106 = vector.broadcast %add3A_1105 : i32 to vector<16xi32>
    %add3A_1107 = arith.addi %mul3A_1104, %add3A_1106 : vector<16xi32>
    %gather3A_1108 = tpu.vector_load_idx %arg19[%add3A_1107] : memref<256xf32, #tpu.memory_space<vmem>>[vector<16xi32>], vector<16xf32>,
    %mul3A_1109 = arith.mulf %mul3A_1101, %gather3A_1108 : vector<16xf32>
    %mul3A_1110 = arith.constant 16 : i32
    %mul3A_1111 = vector.broadcast %mul3A_1110 : i32 to vector<16xi32>
    %mul3A_1112 = arith.muli %iota3A, %mul3A_1111 : vector<16xi32>
    %add3A_1113 = arith.constant 9 : i32
    %add3A_1114 = vector.broadcast %add3A_1113 : i32 to vector<16xi32>
    %add3A_1115 = arith.addi %mul3A_1112, %add3A_1114 : vector<16xi32>
    %gather3A_1116 = tpu.vector_load_idx %arg19[%add3A_1115] : memref<256xf32, #tpu.memory_space<vmem>>[vector<16xi32>], vector<16xf32>,
    %mul3A_1117 = arith.mulf %mul3A_1109, %gather3A_1116 : vector<16xf32>
    %mul3A_1118 = arith.constant 16 : i32
    %mul3A_1119 = vector.broadcast %mul3A_1118 : i32 to vector<16xi32>
    %mul3A_1120 = arith.muli %iota3A, %mul3A_1119 : vector<16xi32>
    %add3A_1121 = arith.constant 10 : i32
    %add3A_1122 = vector.broadcast %add3A_1121 : i32 to vector<16xi32>
    %add3A_1123 = arith.addi %mul3A_1120, %add3A_1122 : vector<16xi32>
    %gather3A_1124 = tpu.vector_load_idx %arg19[%add3A_1123] : memref<256xf32, #tpu.memory_space<vmem>>[vector<16xi32>], vector<16xf32>,
    %mul3A_1125 = arith.mulf %mul3A_1117, %gather3A_1124 : vector<16xf32>
    %mul3A_1126 = arith.constant 16 : i32
    %mul3A_1127 = vector.broadcast %mul3A_1126 : i32 to vector<16xi32>
    %mul3A_1128 = arith.muli %iota3A, %mul3A_1127 : vector<16xi32>
    %add3A_1129 = arith.constant 11 : i32
    %add3A_1130 = vector.broadcast %add3A_1129 : i32 to vector<16xi32>
    %add3A_1131 = arith.addi %mul3A_1128, %add3A_1130 : vector<16xi32>
    %gather3A_1132 = tpu.vector_load_idx %arg19[%add3A_1131] : memref<256xf32, #tpu.memory_space<vmem>>[vector<16xi32>], vector<16xf32>,
    %mul3A_1133 = arith.mulf %mul3A_1125, %gather3A_1132 : vector<16xf32>
    %mul3A_1134 = arith.constant 16 : i32
    %mul3A_1135 = vector.broadcast %mul3A_1134 : i32 to vector<16xi32>
    %mul3A_1136 = arith.muli %iota3A, %mul3A_1135 : vector<16xi32>
    %add3A_1137 = arith.constant 12 : i32
    %add3A_1138 = vector.broadcast %add3A_1137 : i32 to vector<16xi32>
    %add3A_1139 = arith.addi %mul3A_1136, %add3A_1138 : vector<16xi32>
    %gather3A_1140 = tpu.vector_load_idx %arg19[%add3A_1139] : memref<256xf32, #tpu.memory_space<vmem>>[vector<16xi32>], vector<16xf32>,
    %mul3A_1141 = arith.mulf %mul3A_1133, %gather3A_1140 : vector<16xf32>
    %mul3A_1142 = arith.constant 16 : i32
    %mul3A_1143 = vector.broadcast %mul3A_1142 : i32 to vector<16xi32>
    %mul3A_1144 = arith.muli %iota3A, %mul3A_1143 : vector<16xi32>
    %add3A_1145 = arith.constant 13 : i32
    %add3A_1146 = vector.broadcast %add3A_1145 : i32 to vector<16xi32>
    %add3A_1147 = arith.addi %mul3A_1144, %add3A_1146 : vector<16xi32>
    %gather3A_1148 = tpu.vector_load_idx %arg19[%add3A_1147] : memref<256xf32, #tpu.memory_space<vmem>>[vector<16xi32>], vector<16xf32>,
    %mul3A_1149 = arith.mulf %mul3A_1141, %gather3A_1148 : vector<16xf32>
    %mul3A_1150 = arith.constant 16 : i32
    %mul3A_1151 = vector.broadcast %mul3A_1150 : i32 to vector<16xi32>
    %mul3A_1152 = arith.muli %iota3A, %mul3A_1151 : vector<16xi32>
    %add3A_1153 = arith.constant 14 : i32
    %add3A_1154 = vector.broadcast %add3A_1153 : i32 to vector<16xi32>
    %add3A_1155 = arith.addi %mul3A_1152, %add3A_1154 : vector<16xi32>
    %gather3A_1156 = tpu.vector_load_idx %arg19[%add3A_1155] : memref<256xf32, #tpu.memory_space<vmem>>[vector<16xi32>], vector<16xf32>,
    %mul3A_1157 = arith.mulf %mul3A_1149, %gather3A_1156 : vector<16xf32>
    %mul3A_1158 = arith.constant 16 : i32
    %mul3A_1159 = vector.broadcast %mul3A_1158 : i32 to vector<16xi32>
    %mul3A_1160 = arith.muli %iota3A, %mul3A_1159 : vector<16xi32>
    %add3A_1161 = arith.constant 15 : i32
    %add3A_1162 = vector.broadcast %add3A_1161 : i32 to vector<16xi32>
    %add3A_1163 = arith.addi %mul3A_1160, %add3A_1162 : vector<16xi32>
    %gather3A_1164 = tpu.vector_load_idx %arg19[%add3A_1163] : memref<256xf32, #tpu.memory_space<vmem>>[vector<16xi32>], vector<16xf32>,
    %mul3A_1165 = arith.mulf %mul3A_1157, %gather3A_1164 : vector<16xf32>
    %get3A_1166 = arith.constant 48 : index
    %get3A_1167 = tpu.vector_load %arg12[%get3A_1166] {strides = array<i32>} : memref<128xi32, #tpu.memory_space<vmem>>, vector<16xi32>,
    %min3A_1168 = arith.constant 999 : i32
    %min3A_1169 = vector.broadcast %min3A_1168 : i32 to vector<16xi32>
    %min3A_1170 = arith.minsi %get3A_1167, %min3A_1169 : vector<16xi32>
    %max3A_1171 = arith.constant 0 : i32
    %max3A_1172 = vector.broadcast %max3A_1171 : i32 to vector<16xi32>
    %max3A_1173 = arith.maxsi %min3A_1170, %max3A_1172 : vector<16xi32>
    %add3A_1174 = arith.addi %mul3A_7, %max3A_1173 : vector<16xi32>
    %gather3A_1175 = tpu.vector_load_idx %arg10[%add3A_1174] : memref<16016xf32, #tpu.memory_space<vmem>>[vector<16xi32>], vector<16xf32>,
    %gather3A_1176 = tpu.vector_load_idx %arg13[%max3A_1173] : memref<1000xf32, #tpu.memory_space<vmem>>[vector<16xi32>], vector<16xf32>,
    %swap3A_1177 = arith.constant 48 : index
    %swap3A_1178 = tpu.vector_load %arg14[%swap3A_1177] {strides = array<i32>} : memref<128xf32, #tpu.memory_space<vmem>>, vector<16xf32>,
    tpu.vector_store %arg14[%swap3A_1177], %add3A_1033 {strides = array<i32>} : memref<128xf32, #tpu.memory_space<vmem>>, vector<16xf32>,
    %swap3A_1179 = arith.constant 48 : index
    %swap3A_1180 = tpu.vector_load %arg15[%swap3A_1179] {strides = array<i32>} : memref<128xf32, #tpu.memory_space<vmem>>, vector<16xf32>,
    tpu.vector_store %arg15[%swap3A_1179], %mul3A_1165 {strides = array<i32>} : memref<128xf32, #tpu.memory_space<vmem>>, vector<16xf32>,
    %swap3A_1181 = arith.constant 48 : index
    %swap3A_1182 = tpu.vector_load %arg16[%swap3A_1181] {strides = array<i32>} : memref<128xf32, #tpu.memory_space<vmem>>, vector<16xf32>,
    tpu.vector_store %arg16[%swap3A_1181], %gather3A_1175 {strides = array<i32>} : memref<128xf32, #tpu.memory_space<vmem>>, vector<16xf32>,
    %swap3A_1183 = arith.constant 48 : index
    %swap3A_1184 = tpu.vector_load %arg17[%swap3A_1183] {strides = array<i32>} : memref<128xf32, #tpu.memory_space<vmem>>, vector<16xf32>,
    tpu.vector_store %arg17[%swap3A_1183], %gather3A_1176 {strides = array<i32>} : memref<128xf32, #tpu.memory_space<vmem>>, vector<16xf32>,
    %add3A_1185 = arith.constant 80 : i32
    %add3A_1186 = arith.addi %add3A_4, %add3A_1185 : i32
    %mul3A_1187 = arith.constant 1000 : i32
    %mul3A_1188 = arith.muli %add3A_1186, %mul3A_1187 : i32
    %dma_start3A_1189 = arith.constant 0 : i32
    %dma_start3A_1190 = tpu.memref_slice %arg10[%dma_start3A_1189] : memref<16016xf32, #tpu.memory_space<vmem>> -> memref<16000xf32, #tpu.memory_space<vmem>>
    %dma_start3A_1191 = tpu.memref_slice %arg2[%mul3A_1188] : memref<16384000xf32, #tpu.memory_space<hbm>> -> memref<16000xf32, #tpu.memory_space<hbm>>
    %dma_start3A_1192 = arith.constant 0 : i32
    %dma_start3A_1193 = tpu.memref_slice %arg10[%dma_start3A_1192] : memref<16016xf32, #tpu.memory_space<vmem>> -> memref<16000xf32, #tpu.memory_space<vmem>>
    %dma_start3A_1194 = tpu.memref_slice %arg2[%mul3A_1188] : memref<16384000xf32, #tpu.memory_space<hbm>> -> memref<16000xf32, #tpu.memory_space<hbm>>
    tpu.enqueue_dma source(%dma_start3A_1194 : memref<16000xf32, #tpu.memory_space<hbm>>) target(%dma_start3A_1193 : memref<16000xf32, #tpu.memory_space<vmem>>) target_semaphore(%arg21 : memref<!tpu.dma_semaphore, #tpu.memory_space<semaphore_mem>>)
    %dma_wait3A_1195 = arith.constant 0 : i32
    %dma_wait3A_1196 = tpu.memref_slice %arg9[%dma_wait3A_1195] : memref<16016xf32, #tpu.memory_space<vmem>> -> memref<16000xf32, #tpu.memory_space<vmem>>
    %dma_wait3A_1197 = tpu.memref_slice %arg2[%mul3A_894] : memref<16384000xf32, #tpu.memory_space<hbm>> -> memref<16000xf32, #tpu.memory_space<hbm>>
    %dma_wait3A_1198 = arith.constant 0 : i32
    %dma_wait3A_1199 = tpu.memref_slice %arg9[%dma_wait3A_1198] : memref<16016xf32, #tpu.memory_space<vmem>> -> memref<16000xf32, #tpu.memory_space<vmem>>
    %dma_wait3A_1200 = tpu.memref_slice %arg2[%mul3A_894] : memref<16384000xf32, #tpu.memory_space<hbm>> -> memref<16000xf32, #tpu.memory_space<hbm>>
    tpu.wait_dma2 semaphore(%arg21 : memref<!tpu.dma_semaphore, #tpu.memory_space<semaphore_mem>>) src(%dma_wait3A_1200 : memref<16000xf32, #tpu.memory_space<hbm>>) dst(%dma_wait3A_1199 : memref<16000xf32, #tpu.memory_space<vmem>>)
    %parallel_loop3A_1201 = arith.constant 0 : i32
    %parallel_loop3A_1202 = arith.constant 16 : i32
    %parallel_loop3A_1203 = arith.constant 1 : i32
    scf.for %parallel_loop3A_2351 = %parallel_loop3A_1201 to %parallel_loop3A_1202 step %parallel_loop3A_1203  : i32 {
      %parallel_loop3A_2352 = arith.constant 1000 : i32
      %parallel_loop3A_2353 = arith.muli %parallel_loop3A_2351, %parallel_loop3A_2352 : i32
      %parallel_loop3A_2354 = arith.constant 0.000000e+00 : f32
      %parallel_loop3A_2355 = vector.broadcast %parallel_loop3A_2354 : f32 to vector<16xf32>
      %parallel_loop3A_2356 = arith.constant 0 : i32
      %parallel_loop3A_2357 = arith.constant 992 : i32
      %parallel_loop3A_2358 = arith.constant 16 : i32
      %parallel_loop3A_2359 = scf.for %parallel_loop3A_2378 = %parallel_loop3A_2356 to %parallel_loop3A_2357 step %parallel_loop3A_2358 iter_args(%parallel_loop3A_2379 = %parallel_loop3A_2355) -> (vector<16xf32>)  : i32 {
        %parallel_loop3A_2380 = arith.addi %parallel_loop3A_2353, %parallel_loop3A_2378 : i32
        %parallel_loop3A_2381 = tpu.assume_multiple %parallel_loop3A_2380, 8 : i32
        %parallel_loop3A_2382 = arith.index_cast %parallel_loop3A_2381 : i32 to index
        %parallel_loop3A_2383 = tpu.vector_load %arg9[%parallel_loop3A_2382] {strides = array<i32>} : memref<16016xf32, #tpu.memory_space<vmem>>, vector<16xf32>,
        %parallel_loop3A_2384 = math.exp %parallel_loop3A_2383 : vector<16xf32>
        %parallel_loop3A_2385 = arith.index_cast %parallel_loop3A_2381 : i32 to index
        %parallel_loop3A_2386 = tpu.vector_load %arg11[%parallel_loop3A_2385] {strides = array<i32>} : memref<16016xf32, #tpu.memory_space<vmem>>, vector<16xf32>,
        tpu.vector_store %arg11[%parallel_loop3A_2385], %parallel_loop3A_2384 {strides = array<i32>} : memref<16016xf32, #tpu.memory_space<vmem>>, vector<16xf32>,
        %parallel_loop3A_2387 = arith.addf %parallel_loop3A_2379, %parallel_loop3A_2384 : vector<16xf32>
        scf.yield %parallel_loop3A_2387 : vector<16xf32>
      } {sc.loop_unroll_factor = 2 : i64, sc.parallel_access}
      %parallel_loop3A_2360 = arith.constant 992 : i32
      %parallel_loop3A_2361 = arith.addi %parallel_loop3A_2353, %parallel_loop3A_2360 : i32
      %parallel_loop3A_2362 = tpu.assume_multiple %parallel_loop3A_2361, 8 : i32
      %parallel_loop3A_2363 = arith.index_cast %parallel_loop3A_2362 : i32 to index
      %parallel_loop3A_2364 = tpu.vector_load %arg9[%parallel_loop3A_2363] {strides = array<i32>} : memref<16016xf32, #tpu.memory_space<vmem>>, vector<16xf32>,
      %parallel_loop3A_2365 = math.exp %parallel_loop3A_2364 : vector<16xf32>
      %parallel_loop3A_2366 = arith.constant 8 : i32
      %parallel_loop3A_2367 = vector.broadcast %parallel_loop3A_2366 : i32 to vector<16xi32>
      %parallel_loop3A_2368 = arith.cmpi slt, %iota3A, %parallel_loop3A_2367 : vector<16xi32>
      %parallel_loop3A_2369 = arith.constant 0.000000e+00 : f32
      %parallel_loop3A_2370 = vector.broadcast %parallel_loop3A_2369 : f32 to vector<16xf32>
      %parallel_loop3A_2371 = arith.select %parallel_loop3A_2368, %parallel_loop3A_2365, %parallel_loop3A_2370 : vector<16xi1>, vector<16xf32>
      %parallel_loop3A_2372 = arith.addf %parallel_loop3A_2359, %parallel_loop3A_2371 : vector<16xf32>
      %parallel_loop3A_2373 = arith.constant 16 : i32
      %parallel_loop3A_2374 = arith.muli %parallel_loop3A_2351, %parallel_loop3A_2373 : i32
      %parallel_loop3A_2375 = tpu.assume_multiple %parallel_loop3A_2374, 16 : i32
      %parallel_loop3A_2376 = arith.index_cast %parallel_loop3A_2375 : i32 to index
      %parallel_loop3A_2377 = tpu.vector_load %arg18[%parallel_loop3A_2376] {strides = array<i32>} : memref<256xf32, #tpu.memory_space<vmem>>, vector<16xf32>,
      tpu.vector_store %arg18[%parallel_loop3A_2376], %parallel_loop3A_2372 {strides = array<i32>} : memref<256xf32, #tpu.memory_space<vmem>>, vector<16xf32>,
    } {sc.loop_unroll_factor = 1 : i64, sc.parallel_access}
    %mul3A_1204 = arith.constant 16 : i32
    %mul3A_1205 = vector.broadcast %mul3A_1204 : i32 to vector<16xi32>
    %mul3A_1206 = arith.muli %iota3A, %mul3A_1205 : vector<16xi32>
    %gather3A_1207 = tpu.vector_load_idx %arg18[%mul3A_1206] : memref<256xf32, #tpu.memory_space<vmem>>[vector<16xi32>], vector<16xf32>,
    %mul3A_1208 = arith.constant 16 : i32
    %mul3A_1209 = vector.broadcast %mul3A_1208 : i32 to vector<16xi32>
    %mul3A_1210 = arith.muli %iota3A, %mul3A_1209 : vector<16xi32>
    %add3A_1211 = arith.constant 1 : i32
    %add3A_1212 = vector.broadcast %add3A_1211 : i32 to vector<16xi32>
    %add3A_1213 = arith.addi %mul3A_1210, %add3A_1212 : vector<16xi32>
    %gather3A_1214 = tpu.vector_load_idx %arg18[%add3A_1213] : memref<256xf32, #tpu.memory_space<vmem>>[vector<16xi32>], vector<16xf32>,
    %add3A_1215 = arith.addf %gather3A_1207, %gather3A_1214 : vector<16xf32>
    %mul3A_1216 = arith.constant 16 : i32
    %mul3A_1217 = vector.broadcast %mul3A_1216 : i32 to vector<16xi32>
    %mul3A_1218 = arith.muli %iota3A, %mul3A_1217 : vector<16xi32>
    %add3A_1219 = arith.constant 2 : i32
    %add3A_1220 = vector.broadcast %add3A_1219 : i32 to vector<16xi32>
    %add3A_1221 = arith.addi %mul3A_1218, %add3A_1220 : vector<16xi32>
    %gather3A_1222 = tpu.vector_load_idx %arg18[%add3A_1221] : memref<256xf32, #tpu.memory_space<vmem>>[vector<16xi32>], vector<16xf32>,
    %add3A_1223 = arith.addf %add3A_1215, %gather3A_1222 : vector<16xf32>
    %mul3A_1224 = arith.constant 16 : i32
    %mul3A_1225 = vector.broadcast %mul3A_1224 : i32 to vector<16xi32>
    %mul3A_1226 = arith.muli %iota3A, %mul3A_1225 : vector<16xi32>
    %add3A_1227 = arith.constant 3 : i32
    %add3A_1228 = vector.broadcast %add3A_1227 : i32 to vector<16xi32>
    %add3A_1229 = arith.addi %mul3A_1226, %add3A_1228 : vector<16xi32>
    %gather3A_1230 = tpu.vector_load_idx %arg18[%add3A_1229] : memref<256xf32, #tpu.memory_space<vmem>>[vector<16xi32>], vector<16xf32>,
    %add3A_1231 = arith.addf %add3A_1223, %gather3A_1230 : vector<16xf32>
    %mul3A_1232 = arith.constant 16 : i32
    %mul3A_1233 = vector.broadcast %mul3A_1232 : i32 to vector<16xi32>
    %mul3A_1234 = arith.muli %iota3A, %mul3A_1233 : vector<16xi32>
    %add3A_1235 = arith.constant 4 : i32
    %add3A_1236 = vector.broadcast %add3A_1235 : i32 to vector<16xi32>
    %add3A_1237 = arith.addi %mul3A_1234, %add3A_1236 : vector<16xi32>
    %gather3A_1238 = tpu.vector_load_idx %arg18[%add3A_1237] : memref<256xf32, #tpu.memory_space<vmem>>[vector<16xi32>], vector<16xf32>,
    %add3A_1239 = arith.addf %add3A_1231, %gather3A_1238 : vector<16xf32>
    %mul3A_1240 = arith.constant 16 : i32
    %mul3A_1241 = vector.broadcast %mul3A_1240 : i32 to vector<16xi32>
    %mul3A_1242 = arith.muli %iota3A, %mul3A_1241 : vector<16xi32>
    %add3A_1243 = arith.constant 5 : i32
    %add3A_1244 = vector.broadcast %add3A_1243 : i32 to vector<16xi32>
    %add3A_1245 = arith.addi %mul3A_1242, %add3A_1244 : vector<16xi32>
    %gather3A_1246 = tpu.vector_load_idx %arg18[%add3A_1245] : memref<256xf32, #tpu.memory_space<vmem>>[vector<16xi32>], vector<16xf32>,
    %add3A_1247 = arith.addf %add3A_1239, %gather3A_1246 : vector<16xf32>
    %mul3A_1248 = arith.constant 16 : i32
    %mul3A_1249 = vector.broadcast %mul3A_1248 : i32 to vector<16xi32>
    %mul3A_1250 = arith.muli %iota3A, %mul3A_1249 : vector<16xi32>
    %add3A_1251 = arith.constant 6 : i32
    %add3A_1252 = vector.broadcast %add3A_1251 : i32 to vector<16xi32>
    %add3A_1253 = arith.addi %mul3A_1250, %add3A_1252 : vector<16xi32>
    %gather3A_1254 = tpu.vector_load_idx %arg18[%add3A_1253] : memref<256xf32, #tpu.memory_space<vmem>>[vector<16xi32>], vector<16xf32>,
    %add3A_1255 = arith.addf %add3A_1247, %gather3A_1254 : vector<16xf32>
    %mul3A_1256 = arith.constant 16 : i32
    %mul3A_1257 = vector.broadcast %mul3A_1256 : i32 to vector<16xi32>
    %mul3A_1258 = arith.muli %iota3A, %mul3A_1257 : vector<16xi32>
    %add3A_1259 = arith.constant 7 : i32
    %add3A_1260 = vector.broadcast %add3A_1259 : i32 to vector<16xi32>
    %add3A_1261 = arith.addi %mul3A_1258, %add3A_1260 : vector<16xi32>
    %gather3A_1262 = tpu.vector_load_idx %arg18[%add3A_1261] : memref<256xf32, #tpu.memory_space<vmem>>[vector<16xi32>], vector<16xf32>,
    %add3A_1263 = arith.addf %add3A_1255, %gather3A_1262 : vector<16xf32>
    %mul3A_1264 = arith.constant 16 : i32
    %mul3A_1265 = vector.broadcast %mul3A_1264 : i32 to vector<16xi32>
    %mul3A_1266 = arith.muli %iota3A, %mul3A_1265 : vector<16xi32>
    %add3A_1267 = arith.constant 8 : i32
    %add3A_1268 = vector.broadcast %add3A_1267 : i32 to vector<16xi32>
    %add3A_1269 = arith.addi %mul3A_1266, %add3A_1268 : vector<16xi32>
    %gather3A_1270 = tpu.vector_load_idx %arg18[%add3A_1269] : memref<256xf32, #tpu.memory_space<vmem>>[vector<16xi32>], vector<16xf32>,
    %add3A_1271 = arith.addf %add3A_1263, %gather3A_1270 : vector<16xf32>
    %mul3A_1272 = arith.constant 16 : i32
    %mul3A_1273 = vector.broadcast %mul3A_1272 : i32 to vector<16xi32>
    %mul3A_1274 = arith.muli %iota3A, %mul3A_1273 : vector<16xi32>
    %add3A_1275 = arith.constant 9 : i32
    %add3A_1276 = vector.broadcast %add3A_1275 : i32 to vector<16xi32>
    %add3A_1277 = arith.addi %mul3A_1274, %add3A_1276 : vector<16xi32>
    %gather3A_1278 = tpu.vector_load_idx %arg18[%add3A_1277] : memref<256xf32, #tpu.memory_space<vmem>>[vector<16xi32>], vector<16xf32>,
    %add3A_1279 = arith.addf %add3A_1271, %gather3A_1278 : vector<16xf32>
    %mul3A_1280 = arith.constant 16 : i32
    %mul3A_1281 = vector.broadcast %mul3A_1280 : i32 to vector<16xi32>
    %mul3A_1282 = arith.muli %iota3A, %mul3A_1281 : vector<16xi32>
    %add3A_1283 = arith.constant 10 : i32
    %add3A_1284 = vector.broadcast %add3A_1283 : i32 to vector<16xi32>
    %add3A_1285 = arith.addi %mul3A_1282, %add3A_1284 : vector<16xi32>
    %gather3A_1286 = tpu.vector_load_idx %arg18[%add3A_1285] : memref<256xf32, #tpu.memory_space<vmem>>[vector<16xi32>], vector<16xf32>,
    %add3A_1287 = arith.addf %add3A_1279, %gather3A_1286 : vector<16xf32>
    %mul3A_1288 = arith.constant 16 : i32
    %mul3A_1289 = vector.broadcast %mul3A_1288 : i32 to vector<16xi32>
    %mul3A_1290 = arith.muli %iota3A, %mul3A_1289 : vector<16xi32>
    %add3A_1291 = arith.constant 11 : i32
    %add3A_1292 = vector.broadcast %add3A_1291 : i32 to vector<16xi32>
    %add3A_1293 = arith.addi %mul3A_1290, %add3A_1292 : vector<16xi32>
    %gather3A_1294 = tpu.vector_load_idx %arg18[%add3A_1293] : memref<256xf32, #tpu.memory_space<vmem>>[vector<16xi32>], vector<16xf32>,
    %add3A_1295 = arith.addf %add3A_1287, %gather3A_1294 : vector<16xf32>
    %mul3A_1296 = arith.constant 16 : i32
    %mul3A_1297 = vector.broadcast %mul3A_1296 : i32 to vector<16xi32>
    %mul3A_1298 = arith.muli %iota3A, %mul3A_1297 : vector<16xi32>
    %add3A_1299 = arith.constant 12 : i32
    %add3A_1300 = vector.broadcast %add3A_1299 : i32 to vector<16xi32>
    %add3A_1301 = arith.addi %mul3A_1298, %add3A_1300 : vector<16xi32>
    %gather3A_1302 = tpu.vector_load_idx %arg18[%add3A_1301] : memref<256xf32, #tpu.memory_space<vmem>>[vector<16xi32>], vector<16xf32>,
    %add3A_1303 = arith.addf %add3A_1295, %gather3A_1302 : vector<16xf32>
    %mul3A_1304 = arith.constant 16 : i32
    %mul3A_1305 = vector.broadcast %mul3A_1304 : i32 to vector<16xi32>
    %mul3A_1306 = arith.muli %iota3A, %mul3A_1305 : vector<16xi32>
    %add3A_1307 = arith.constant 13 : i32
    %add3A_1308 = vector.broadcast %add3A_1307 : i32 to vector<16xi32>
    %add3A_1309 = arith.addi %mul3A_1306, %add3A_1308 : vector<16xi32>
    %gather3A_1310 = tpu.vector_load_idx %arg18[%add3A_1309] : memref<256xf32, #tpu.memory_space<vmem>>[vector<16xi32>], vector<16xf32>,
    %add3A_1311 = arith.addf %add3A_1303, %gather3A_1310 : vector<16xf32>
    %mul3A_1312 = arith.constant 16 : i32
    %mul3A_1313 = vector.broadcast %mul3A_1312 : i32 to vector<16xi32>
    %mul3A_1314 = arith.muli %iota3A, %mul3A_1313 : vector<16xi32>
    %add3A_1315 = arith.constant 14 : i32
    %add3A_1316 = vector.broadcast %add3A_1315 : i32 to vector<16xi32>
    %add3A_1317 = arith.addi %mul3A_1314, %add3A_1316 : vector<16xi32>
    %gather3A_1318 = tpu.vector_load_idx %arg18[%add3A_1317] : memref<256xf32, #tpu.memory_space<vmem>>[vector<16xi32>], vector<16xf32>,
    %add3A_1319 = arith.addf %add3A_1311, %gather3A_1318 : vector<16xf32>
    %mul3A_1320 = arith.constant 16 : i32
    %mul3A_1321 = vector.broadcast %mul3A_1320 : i32 to vector<16xi32>
    %mul3A_1322 = arith.muli %iota3A, %mul3A_1321 : vector<16xi32>
    %add3A_1323 = arith.constant 15 : i32
    %add3A_1324 = vector.broadcast %add3A_1323 : i32 to vector<16xi32>
    %add3A_1325 = arith.addi %mul3A_1322, %add3A_1324 : vector<16xi32>
    %gather3A_1326 = tpu.vector_load_idx %arg18[%add3A_1325] : memref<256xf32, #tpu.memory_space<vmem>>[vector<16xi32>], vector<16xf32>,
    %add3A_1327 = arith.addf %add3A_1319, %gather3A_1326 : vector<16xf32>
    %div3A_1328 = arith.constant 1.000000e+00 : f32
    %div3A_1329 = vector.broadcast %div3A_1328 : f32 to vector<16xf32>
    %div3A_1330 = arith.divf %div3A_1329, %add3A_1327 : vector<16xf32>
    %swap3A_1331 = arith.constant 0 : index
    %swap3A_1332 = tpu.vector_load %arg20[%swap3A_1331] {strides = array<i32>} : memref<16xf32, #tpu.memory_space<vmem>>, vector<16xf32>,
    tpu.vector_store %arg20[%swap3A_1331], %div3A_1330 {strides = array<i32>} : memref<16xf32, #tpu.memory_space<vmem>>, vector<16xf32>,
    %parallel_loop3A_1333 = arith.constant 0 : i32
    %parallel_loop3A_1334 = arith.constant 16 : i32
    %parallel_loop3A_1335 = arith.constant 1 : i32
    scf.for %parallel_loop3A_2351 = %parallel_loop3A_1333 to %parallel_loop3A_1334 step %parallel_loop3A_1335  : i32 {
      %parallel_loop3A_2352 = arith.constant 1000 : i32
      %parallel_loop3A_2353 = arith.muli %parallel_loop3A_2351, %parallel_loop3A_2352 : i32
      %parallel_loop3A_2354 = arith.constant 0 : i32
      %parallel_loop3A_2355 = vector.broadcast %parallel_loop3A_2354 : i32 to vector<16xi32>
      %parallel_loop3A_2356 = arith.muli %iota3A, %parallel_loop3A_2355 : vector<16xi32>
      %parallel_loop3A_2357 = vector.broadcast %parallel_loop3A_2351 : i32 to vector<16xi32>
      %parallel_loop3A_2358 = arith.addi %parallel_loop3A_2356, %parallel_loop3A_2357 : vector<16xi32>
      %parallel_loop3A_2359 = tpu.vector_load_idx %arg20[%parallel_loop3A_2358] : memref<16xf32, #tpu.memory_space<vmem>>[vector<16xi32>], vector<16xf32>,
      %parallel_loop3A_2360 = arith.constant 1.000000e+00 : f32
      %parallel_loop3A_2361 = vector.broadcast %parallel_loop3A_2360 : f32 to vector<16xf32>
      %parallel_loop3A_2362 = arith.constant 0 : i32
      %parallel_loop3A_2363 = arith.constant 992 : i32
      %parallel_loop3A_2364 = arith.constant 16 : i32
      %parallel_loop3A_2365 = scf.for %parallel_loop3A_2388 = %parallel_loop3A_2362 to %parallel_loop3A_2363 step %parallel_loop3A_2364 iter_args(%parallel_loop3A_2389 = %parallel_loop3A_2361) -> (vector<16xf32>)  : i32 {
        %parallel_loop3A_2390 = arith.addi %parallel_loop3A_2353, %parallel_loop3A_2388 : i32
        %parallel_loop3A_2391 = tpu.assume_multiple %parallel_loop3A_2390, 8 : i32
        %parallel_loop3A_2392 = arith.index_cast %parallel_loop3A_2391 : i32 to index
        %parallel_loop3A_2393 = tpu.vector_load %arg11[%parallel_loop3A_2392] {strides = array<i32>} : memref<16016xf32, #tpu.memory_space<vmem>>, vector<16xf32>,
        %parallel_loop3A_2394 = arith.mulf %parallel_loop3A_2393, %parallel_loop3A_2359 : vector<16xf32>
        %parallel_loop3A_2395 = arith.constant 1.00000095 : f32
        %parallel_loop3A_2396 = vector.broadcast %parallel_loop3A_2395 : f32 to vector<16xf32>
        %parallel_loop3A_2397 = arith.subf %parallel_loop3A_2396, %parallel_loop3A_2394 : vector<16xf32>
        %parallel_loop3A_2398 = arith.mulf %parallel_loop3A_2389, %parallel_loop3A_2397 : vector<16xf32>
        scf.yield %parallel_loop3A_2398 : vector<16xf32>
      } {sc.loop_unroll_factor = 2 : i64, sc.parallel_access}
      %parallel_loop3A_2366 = arith.constant 992 : i32
      %parallel_loop3A_2367 = arith.addi %parallel_loop3A_2353, %parallel_loop3A_2366 : i32
      %parallel_loop3A_2368 = tpu.assume_multiple %parallel_loop3A_2367, 8 : i32
      %parallel_loop3A_2369 = arith.index_cast %parallel_loop3A_2368 : i32 to index
      %parallel_loop3A_2370 = tpu.vector_load %arg9[%parallel_loop3A_2369] {strides = array<i32>} : memref<16016xf32, #tpu.memory_space<vmem>>, vector<16xf32>,
      %parallel_loop3A_2371 = math.exp %parallel_loop3A_2370 : vector<16xf32>
      %parallel_loop3A_2372 = arith.constant 8 : i32
      %parallel_loop3A_2373 = vector.broadcast %parallel_loop3A_2372 : i32 to vector<16xi32>
      %parallel_loop3A_2374 = arith.cmpi slt, %iota3A, %parallel_loop3A_2373 : vector<16xi32>
      %parallel_loop3A_2375 = arith.mulf %parallel_loop3A_2371, %parallel_loop3A_2359 : vector<16xf32>
      %parallel_loop3A_2376 = arith.constant 1.00000095 : f32
      %parallel_loop3A_2377 = vector.broadcast %parallel_loop3A_2376 : f32 to vector<16xf32>
      %parallel_loop3A_2378 = arith.subf %parallel_loop3A_2377, %parallel_loop3A_2375 : vector<16xf32>
      %parallel_loop3A_2379 = arith.constant 1.000000e+00 : f32
      %parallel_loop3A_2380 = vector.broadcast %parallel_loop3A_2379 : f32 to vector<16xf32>
      %parallel_loop3A_2381 = arith.select %parallel_loop3A_2374, %parallel_loop3A_2378, %parallel_loop3A_2380 : vector<16xi1>, vector<16xf32>
      %parallel_loop3A_2382 = arith.mulf %parallel_loop3A_2365, %parallel_loop3A_2381 : vector<16xf32>
      %parallel_loop3A_2383 = arith.constant 16 : i32
      %parallel_loop3A_2384 = arith.muli %parallel_loop3A_2351, %parallel_loop3A_2383 : i32
      %parallel_loop3A_2385 = tpu.assume_multiple %parallel_loop3A_2384, 16 : i32
      %parallel_loop3A_2386 = arith.index_cast %parallel_loop3A_2385 : i32 to index
      %parallel_loop3A_2387 = tpu.vector_load %arg19[%parallel_loop3A_2386] {strides = array<i32>} : memref<256xf32, #tpu.memory_space<vmem>>, vector<16xf32>,
      tpu.vector_store %arg19[%parallel_loop3A_2386], %parallel_loop3A_2382 {strides = array<i32>} : memref<256xf32, #tpu.memory_space<vmem>>, vector<16xf32>,
    } {sc.loop_unroll_factor = 1 : i64, sc.parallel_access}
    %mul3A_1336 = arith.constant 16 : i32
    %mul3A_1337 = vector.broadcast %mul3A_1336 : i32 to vector<16xi32>
    %mul3A_1338 = arith.muli %iota3A, %mul3A_1337 : vector<16xi32>
    %gather3A_1339 = tpu.vector_load_idx %arg19[%mul3A_1338] : memref<256xf32, #tpu.memory_space<vmem>>[vector<16xi32>], vector<16xf32>,
    %mul3A_1340 = arith.constant 16 : i32
    %mul3A_1341 = vector.broadcast %mul3A_1340 : i32 to vector<16xi32>
    %mul3A_1342 = arith.muli %iota3A, %mul3A_1341 : vector<16xi32>
    %add3A_1343 = arith.constant 1 : i32
    %add3A_1344 = vector.broadcast %add3A_1343 : i32 to vector<16xi32>
    %add3A_1345 = arith.addi %mul3A_1342, %add3A_1344 : vector<16xi32>
    %gather3A_1346 = tpu.vector_load_idx %arg19[%add3A_1345] : memref<256xf32, #tpu.memory_space<vmem>>[vector<16xi32>], vector<16xf32>,
    %mul3A_1347 = arith.mulf %gather3A_1339, %gather3A_1346 : vector<16xf32>
    %mul3A_1348 = arith.constant 16 : i32
    %mul3A_1349 = vector.broadcast %mul3A_1348 : i32 to vector<16xi32>
    %mul3A_1350 = arith.muli %iota3A, %mul3A_1349 : vector<16xi32>
    %add3A_1351 = arith.constant 2 : i32
    %add3A_1352 = vector.broadcast %add3A_1351 : i32 to vector<16xi32>
    %add3A_1353 = arith.addi %mul3A_1350, %add3A_1352 : vector<16xi32>
    %gather3A_1354 = tpu.vector_load_idx %arg19[%add3A_1353] : memref<256xf32, #tpu.memory_space<vmem>>[vector<16xi32>], vector<16xf32>,
    %mul3A_1355 = arith.mulf %mul3A_1347, %gather3A_1354 : vector<16xf32>
    %mul3A_1356 = arith.constant 16 : i32
    %mul3A_1357 = vector.broadcast %mul3A_1356 : i32 to vector<16xi32>
    %mul3A_1358 = arith.muli %iota3A, %mul3A_1357 : vector<16xi32>
    %add3A_1359 = arith.constant 3 : i32
    %add3A_1360 = vector.broadcast %add3A_1359 : i32 to vector<16xi32>
    %add3A_1361 = arith.addi %mul3A_1358, %add3A_1360 : vector<16xi32>
    %gather3A_1362 = tpu.vector_load_idx %arg19[%add3A_1361] : memref<256xf32, #tpu.memory_space<vmem>>[vector<16xi32>], vector<16xf32>,
    %mul3A_1363 = arith.mulf %mul3A_1355, %gather3A_1362 : vector<16xf32>
    %mul3A_1364 = arith.constant 16 : i32
    %mul3A_1365 = vector.broadcast %mul3A_1364 : i32 to vector<16xi32>
    %mul3A_1366 = arith.muli %iota3A, %mul3A_1365 : vector<16xi32>
    %add3A_1367 = arith.constant 4 : i32
    %add3A_1368 = vector.broadcast %add3A_1367 : i32 to vector<16xi32>
    %add3A_1369 = arith.addi %mul3A_1366, %add3A_1368 : vector<16xi32>
    %gather3A_1370 = tpu.vector_load_idx %arg19[%add3A_1369] : memref<256xf32, #tpu.memory_space<vmem>>[vector<16xi32>], vector<16xf32>,
    %mul3A_1371 = arith.mulf %mul3A_1363, %gather3A_1370 : vector<16xf32>
    %mul3A_1372 = arith.constant 16 : i32
    %mul3A_1373 = vector.broadcast %mul3A_1372 : i32 to vector<16xi32>
    %mul3A_1374 = arith.muli %iota3A, %mul3A_1373 : vector<16xi32>
    %add3A_1375 = arith.constant 5 : i32
    %add3A_1376 = vector.broadcast %add3A_1375 : i32 to vector<16xi32>
    %add3A_1377 = arith.addi %mul3A_1374, %add3A_1376 : vector<16xi32>
    %gather3A_1378 = tpu.vector_load_idx %arg19[%add3A_1377] : memref<256xf32, #tpu.memory_space<vmem>>[vector<16xi32>], vector<16xf32>,
    %mul3A_1379 = arith.mulf %mul3A_1371, %gather3A_1378 : vector<16xf32>
    %mul3A_1380 = arith.constant 16 : i32
    %mul3A_1381 = vector.broadcast %mul3A_1380 : i32 to vector<16xi32>
    %mul3A_1382 = arith.muli %iota3A, %mul3A_1381 : vector<16xi32>
    %add3A_1383 = arith.constant 6 : i32
    %add3A_1384 = vector.broadcast %add3A_1383 : i32 to vector<16xi32>
    %add3A_1385 = arith.addi %mul3A_1382, %add3A_1384 : vector<16xi32>
    %gather3A_1386 = tpu.vector_load_idx %arg19[%add3A_1385] : memref<256xf32, #tpu.memory_space<vmem>>[vector<16xi32>], vector<16xf32>,
    %mul3A_1387 = arith.mulf %mul3A_1379, %gather3A_1386 : vector<16xf32>
    %mul3A_1388 = arith.constant 16 : i32
    %mul3A_1389 = vector.broadcast %mul3A_1388 : i32 to vector<16xi32>
    %mul3A_1390 = arith.muli %iota3A, %mul3A_1389 : vector<16xi32>
    %add3A_1391 = arith.constant 7 : i32
    %add3A_1392 = vector.broadcast %add3A_1391 : i32 to vector<16xi32>
    %add3A_1393 = arith.addi %mul3A_1390, %add3A_1392 : vector<16xi32>
    %gather3A_1394 = tpu.vector_load_idx %arg19[%add3A_1393] : memref<256xf32, #tpu.memory_space<vmem>>[vector<16xi32>], vector<16xf32>,
    %mul3A_1395 = arith.mulf %mul3A_1387, %gather3A_1394 : vector<16xf32>
    %mul3A_1396 = arith.constant 16 : i32
    %mul3A_1397 = vector.broadcast %mul3A_1396 : i32 to vector<16xi32>
    %mul3A_1398 = arith.muli %iota3A, %mul3A_1397 : vector<16xi32>
    %add3A_1399 = arith.constant 8 : i32
    %add3A_1400 = vector.broadcast %add3A_1399 : i32 to vector<16xi32>
    %add3A_1401 = arith.addi %mul3A_1398, %add3A_1400 : vector<16xi32>
    %gather3A_1402 = tpu.vector_load_idx %arg19[%add3A_1401] : memref<256xf32, #tpu.memory_space<vmem>>[vector<16xi32>], vector<16xf32>,
    %mul3A_1403 = arith.mulf %mul3A_1395, %gather3A_1402 : vector<16xf32>
    %mul3A_1404 = arith.constant 16 : i32
    %mul3A_1405 = vector.broadcast %mul3A_1404 : i32 to vector<16xi32>
    %mul3A_1406 = arith.muli %iota3A, %mul3A_1405 : vector<16xi32>
    %add3A_1407 = arith.constant 9 : i32
    %add3A_1408 = vector.broadcast %add3A_1407 : i32 to vector<16xi32>
    %add3A_1409 = arith.addi %mul3A_1406, %add3A_1408 : vector<16xi32>
    %gather3A_1410 = tpu.vector_load_idx %arg19[%add3A_1409] : memref<256xf32, #tpu.memory_space<vmem>>[vector<16xi32>], vector<16xf32>,
    %mul3A_1411 = arith.mulf %mul3A_1403, %gather3A_1410 : vector<16xf32>
    %mul3A_1412 = arith.constant 16 : i32
    %mul3A_1413 = vector.broadcast %mul3A_1412 : i32 to vector<16xi32>
    %mul3A_1414 = arith.muli %iota3A, %mul3A_1413 : vector<16xi32>
    %add3A_1415 = arith.constant 10 : i32
    %add3A_1416 = vector.broadcast %add3A_1415 : i32 to vector<16xi32>
    %add3A_1417 = arith.addi %mul3A_1414, %add3A_1416 : vector<16xi32>
    %gather3A_1418 = tpu.vector_load_idx %arg19[%add3A_1417] : memref<256xf32, #tpu.memory_space<vmem>>[vector<16xi32>], vector<16xf32>,
    %mul3A_1419 = arith.mulf %mul3A_1411, %gather3A_1418 : vector<16xf32>
    %mul3A_1420 = arith.constant 16 : i32
    %mul3A_1421 = vector.broadcast %mul3A_1420 : i32 to vector<16xi32>
    %mul3A_1422 = arith.muli %iota3A, %mul3A_1421 : vector<16xi32>
    %add3A_1423 = arith.constant 11 : i32
    %add3A_1424 = vector.broadcast %add3A_1423 : i32 to vector<16xi32>
    %add3A_1425 = arith.addi %mul3A_1422, %add3A_1424 : vector<16xi32>
    %gather3A_1426 = tpu.vector_load_idx %arg19[%add3A_1425] : memref<256xf32, #tpu.memory_space<vmem>>[vector<16xi32>], vector<16xf32>,
    %mul3A_1427 = arith.mulf %mul3A_1419, %gather3A_1426 : vector<16xf32>
    %mul3A_1428 = arith.constant 16 : i32
    %mul3A_1429 = vector.broadcast %mul3A_1428 : i32 to vector<16xi32>
    %mul3A_1430 = arith.muli %iota3A, %mul3A_1429 : vector<16xi32>
    %add3A_1431 = arith.constant 12 : i32
    %add3A_1432 = vector.broadcast %add3A_1431 : i32 to vector<16xi32>
    %add3A_1433 = arith.addi %mul3A_1430, %add3A_1432 : vector<16xi32>
    %gather3A_1434 = tpu.vector_load_idx %arg19[%add3A_1433] : memref<256xf32, #tpu.memory_space<vmem>>[vector<16xi32>], vector<16xf32>,
    %mul3A_1435 = arith.mulf %mul3A_1427, %gather3A_1434 : vector<16xf32>
    %mul3A_1436 = arith.constant 16 : i32
    %mul3A_1437 = vector.broadcast %mul3A_1436 : i32 to vector<16xi32>
    %mul3A_1438 = arith.muli %iota3A, %mul3A_1437 : vector<16xi32>
    %add3A_1439 = arith.constant 13 : i32
    %add3A_1440 = vector.broadcast %add3A_1439 : i32 to vector<16xi32>
    %add3A_1441 = arith.addi %mul3A_1438, %add3A_1440 : vector<16xi32>
    %gather3A_1442 = tpu.vector_load_idx %arg19[%add3A_1441] : memref<256xf32, #tpu.memory_space<vmem>>[vector<16xi32>], vector<16xf32>,
    %mul3A_1443 = arith.mulf %mul3A_1435, %gather3A_1442 : vector<16xf32>
    %mul3A_1444 = arith.constant 16 : i32
    %mul3A_1445 = vector.broadcast %mul3A_1444 : i32 to vector<16xi32>
    %mul3A_1446 = arith.muli %iota3A, %mul3A_1445 : vector<16xi32>
    %add3A_1447 = arith.constant 14 : i32
    %add3A_1448 = vector.broadcast %add3A_1447 : i32 to vector<16xi32>
    %add3A_1449 = arith.addi %mul3A_1446, %add3A_1448 : vector<16xi32>
    %gather3A_1450 = tpu.vector_load_idx %arg19[%add3A_1449] : memref<256xf32, #tpu.memory_space<vmem>>[vector<16xi32>], vector<16xf32>,
    %mul3A_1451 = arith.mulf %mul3A_1443, %gather3A_1450 : vector<16xf32>
    %mul3A_1452 = arith.constant 16 : i32
    %mul3A_1453 = vector.broadcast %mul3A_1452 : i32 to vector<16xi32>
    %mul3A_1454 = arith.muli %iota3A, %mul3A_1453 : vector<16xi32>
    %add3A_1455 = arith.constant 15 : i32
    %add3A_1456 = vector.broadcast %add3A_1455 : i32 to vector<16xi32>
    %add3A_1457 = arith.addi %mul3A_1454, %add3A_1456 : vector<16xi32>
    %gather3A_1458 = tpu.vector_load_idx %arg19[%add3A_1457] : memref<256xf32, #tpu.memory_space<vmem>>[vector<16xi32>], vector<16xf32>,
    %mul3A_1459 = arith.mulf %mul3A_1451, %gather3A_1458 : vector<16xf32>
    %get3A_1460 = arith.constant 64 : index
    %get3A_1461 = tpu.vector_load %arg12[%get3A_1460] {strides = array<i32>} : memref<128xi32, #tpu.memory_space<vmem>>, vector<16xi32>,
    %min3A_1462 = arith.constant 999 : i32
    %min3A_1463 = vector.broadcast %min3A_1462 : i32 to vector<16xi32>
    %min3A_1464 = arith.minsi %get3A_1461, %min3A_1463 : vector<16xi32>
    %max3A_1465 = arith.constant 0 : i32
    %max3A_1466 = vector.broadcast %max3A_1465 : i32 to vector<16xi32>
    %max3A_1467 = arith.maxsi %min3A_1464, %max3A_1466 : vector<16xi32>
    %add3A_1468 = arith.addi %mul3A_7, %max3A_1467 : vector<16xi32>
    %gather3A_1469 = tpu.vector_load_idx %arg9[%add3A_1468] : memref<16016xf32, #tpu.memory_space<vmem>>[vector<16xi32>], vector<16xf32>,
    %gather3A_1470 = tpu.vector_load_idx %arg13[%max3A_1467] : memref<1000xf32, #tpu.memory_space<vmem>>[vector<16xi32>], vector<16xf32>,
    %swap3A_1471 = arith.constant 64 : index
    %swap3A_1472 = tpu.vector_load %arg14[%swap3A_1471] {strides = array<i32>} : memref<128xf32, #tpu.memory_space<vmem>>, vector<16xf32>,
    tpu.vector_store %arg14[%swap3A_1471], %add3A_1327 {strides = array<i32>} : memref<128xf32, #tpu.memory_space<vmem>>, vector<16xf32>,
    %swap3A_1473 = arith.constant 64 : index
    %swap3A_1474 = tpu.vector_load %arg15[%swap3A_1473] {strides = array<i32>} : memref<128xf32, #tpu.memory_space<vmem>>, vector<16xf32>,
    tpu.vector_store %arg15[%swap3A_1473], %mul3A_1459 {strides = array<i32>} : memref<128xf32, #tpu.memory_space<vmem>>, vector<16xf32>,
    %swap3A_1475 = arith.constant 64 : index
    %swap3A_1476 = tpu.vector_load %arg16[%swap3A_1475] {strides = array<i32>} : memref<128xf32, #tpu.memory_space<vmem>>, vector<16xf32>,
    tpu.vector_store %arg16[%swap3A_1475], %gather3A_1469 {strides = array<i32>} : memref<128xf32, #tpu.memory_space<vmem>>, vector<16xf32>,
    %swap3A_1477 = arith.constant 64 : index
    %swap3A_1478 = tpu.vector_load %arg17[%swap3A_1477] {strides = array<i32>} : memref<128xf32, #tpu.memory_space<vmem>>, vector<16xf32>,
    tpu.vector_store %arg17[%swap3A_1477], %gather3A_1470 {strides = array<i32>} : memref<128xf32, #tpu.memory_space<vmem>>, vector<16xf32>,
    %add3A_1479 = arith.constant 96 : i32
    %add3A_1480 = arith.addi %add3A_4, %add3A_1479 : i32
    %mul3A_1481 = arith.constant 1000 : i32
    %mul3A_1482 = arith.muli %add3A_1480, %mul3A_1481 : i32
    %dma_start3A_1483 = arith.constant 0 : i32
    %dma_start3A_1484 = tpu.memref_slice %arg9[%dma_start3A_1483] : memref<16016xf32, #tpu.memory_space<vmem>> -> memref<16000xf32, #tpu.memory_space<vmem>>
    %dma_start3A_1485 = tpu.memref_slice %arg2[%mul3A_1482] : memref<16384000xf32, #tpu.memory_space<hbm>> -> memref<16000xf32, #tpu.memory_space<hbm>>
    %dma_start3A_1486 = arith.constant 0 : i32
    %dma_start3A_1487 = tpu.memref_slice %arg9[%dma_start3A_1486] : memref<16016xf32, #tpu.memory_space<vmem>> -> memref<16000xf32, #tpu.memory_space<vmem>>
    %dma_start3A_1488 = tpu.memref_slice %arg2[%mul3A_1482] : memref<16384000xf32, #tpu.memory_space<hbm>> -> memref<16000xf32, #tpu.memory_space<hbm>>
    tpu.enqueue_dma source(%dma_start3A_1488 : memref<16000xf32, #tpu.memory_space<hbm>>) target(%dma_start3A_1487 : memref<16000xf32, #tpu.memory_space<vmem>>) target_semaphore(%arg21 : memref<!tpu.dma_semaphore, #tpu.memory_space<semaphore_mem>>)
    %dma_wait3A_1489 = arith.constant 0 : i32
    %dma_wait3A_1490 = tpu.memref_slice %arg10[%dma_wait3A_1489] : memref<16016xf32, #tpu.memory_space<vmem>> -> memref<16000xf32, #tpu.memory_space<vmem>>
    %dma_wait3A_1491 = tpu.memref_slice %arg2[%mul3A_1188] : memref<16384000xf32, #tpu.memory_space<hbm>> -> memref<16000xf32, #tpu.memory_space<hbm>>
    %dma_wait3A_1492 = arith.constant 0 : i32
    %dma_wait3A_1493 = tpu.memref_slice %arg10[%dma_wait3A_1492] : memref<16016xf32, #tpu.memory_space<vmem>> -> memref<16000xf32, #tpu.memory_space<vmem>>
    %dma_wait3A_1494 = tpu.memref_slice %arg2[%mul3A_1188] : memref<16384000xf32, #tpu.memory_space<hbm>> -> memref<16000xf32, #tpu.memory_space<hbm>>
    tpu.wait_dma2 semaphore(%arg21 : memref<!tpu.dma_semaphore, #tpu.memory_space<semaphore_mem>>) src(%dma_wait3A_1494 : memref<16000xf32, #tpu.memory_space<hbm>>) dst(%dma_wait3A_1493 : memref<16000xf32, #tpu.memory_space<vmem>>)
    %parallel_loop3A_1495 = arith.constant 0 : i32
    %parallel_loop3A_1496 = arith.constant 16 : i32
    %parallel_loop3A_1497 = arith.constant 1 : i32
    scf.for %parallel_loop3A_2351 = %parallel_loop3A_1495 to %parallel_loop3A_1496 step %parallel_loop3A_1497  : i32 {
      %parallel_loop3A_2352 = arith.constant 1000 : i32
      %parallel_loop3A_2353 = arith.muli %parallel_loop3A_2351, %parallel_loop3A_2352 : i32
      %parallel_loop3A_2354 = arith.constant 0.000000e+00 : f32
      %parallel_loop3A_2355 = vector.broadcast %parallel_loop3A_2354 : f32 to vector<16xf32>
      %parallel_loop3A_2356 = arith.constant 0 : i32
      %parallel_loop3A_2357 = arith.constant 992 : i32
      %parallel_loop3A_2358 = arith.constant 16 : i32
      %parallel_loop3A_2359 = scf.for %parallel_loop3A_2378 = %parallel_loop3A_2356 to %parallel_loop3A_2357 step %parallel_loop3A_2358 iter_args(%parallel_loop3A_2379 = %parallel_loop3A_2355) -> (vector<16xf32>)  : i32 {
        %parallel_loop3A_2380 = arith.addi %parallel_loop3A_2353, %parallel_loop3A_2378 : i32
        %parallel_loop3A_2381 = tpu.assume_multiple %parallel_loop3A_2380, 8 : i32
        %parallel_loop3A_2382 = arith.index_cast %parallel_loop3A_2381 : i32 to index
        %parallel_loop3A_2383 = tpu.vector_load %arg10[%parallel_loop3A_2382] {strides = array<i32>} : memref<16016xf32, #tpu.memory_space<vmem>>, vector<16xf32>,
        %parallel_loop3A_2384 = math.exp %parallel_loop3A_2383 : vector<16xf32>
        %parallel_loop3A_2385 = arith.index_cast %parallel_loop3A_2381 : i32 to index
        %parallel_loop3A_2386 = tpu.vector_load %arg11[%parallel_loop3A_2385] {strides = array<i32>} : memref<16016xf32, #tpu.memory_space<vmem>>, vector<16xf32>,
        tpu.vector_store %arg11[%parallel_loop3A_2385], %parallel_loop3A_2384 {strides = array<i32>} : memref<16016xf32, #tpu.memory_space<vmem>>, vector<16xf32>,
        %parallel_loop3A_2387 = arith.addf %parallel_loop3A_2379, %parallel_loop3A_2384 : vector<16xf32>
        scf.yield %parallel_loop3A_2387 : vector<16xf32>
      } {sc.loop_unroll_factor = 2 : i64, sc.parallel_access}
      %parallel_loop3A_2360 = arith.constant 992 : i32
      %parallel_loop3A_2361 = arith.addi %parallel_loop3A_2353, %parallel_loop3A_2360 : i32
      %parallel_loop3A_2362 = tpu.assume_multiple %parallel_loop3A_2361, 8 : i32
      %parallel_loop3A_2363 = arith.index_cast %parallel_loop3A_2362 : i32 to index
      %parallel_loop3A_2364 = tpu.vector_load %arg10[%parallel_loop3A_2363] {strides = array<i32>} : memref<16016xf32, #tpu.memory_space<vmem>>, vector<16xf32>,
      %parallel_loop3A_2365 = math.exp %parallel_loop3A_2364 : vector<16xf32>
      %parallel_loop3A_2366 = arith.constant 8 : i32
      %parallel_loop3A_2367 = vector.broadcast %parallel_loop3A_2366 : i32 to vector<16xi32>
      %parallel_loop3A_2368 = arith.cmpi slt, %iota3A, %parallel_loop3A_2367 : vector<16xi32>
      %parallel_loop3A_2369 = arith.constant 0.000000e+00 : f32
      %parallel_loop3A_2370 = vector.broadcast %parallel_loop3A_2369 : f32 to vector<16xf32>
      %parallel_loop3A_2371 = arith.select %parallel_loop3A_2368, %parallel_loop3A_2365, %parallel_loop3A_2370 : vector<16xi1>, vector<16xf32>
      %parallel_loop3A_2372 = arith.addf %parallel_loop3A_2359, %parallel_loop3A_2371 : vector<16xf32>
      %parallel_loop3A_2373 = arith.constant 16 : i32
      %parallel_loop3A_2374 = arith.muli %parallel_loop3A_2351, %parallel_loop3A_2373 : i32
      %parallel_loop3A_2375 = tpu.assume_multiple %parallel_loop3A_2374, 16 : i32
      %parallel_loop3A_2376 = arith.index_cast %parallel_loop3A_2375 : i32 to index
      %parallel_loop3A_2377 = tpu.vector_load %arg18[%parallel_loop3A_2376] {strides = array<i32>} : memref<256xf32, #tpu.memory_space<vmem>>, vector<16xf32>,
      tpu.vector_store %arg18[%parallel_loop3A_2376], %parallel_loop3A_2372 {strides = array<i32>} : memref<256xf32, #tpu.memory_space<vmem>>, vector<16xf32>,
    } {sc.loop_unroll_factor = 1 : i64, sc.parallel_access}
    %mul3A_1498 = arith.constant 16 : i32
    %mul3A_1499 = vector.broadcast %mul3A_1498 : i32 to vector<16xi32>
    %mul3A_1500 = arith.muli %iota3A, %mul3A_1499 : vector<16xi32>
    %gather3A_1501 = tpu.vector_load_idx %arg18[%mul3A_1500] : memref<256xf32, #tpu.memory_space<vmem>>[vector<16xi32>], vector<16xf32>,
    %mul3A_1502 = arith.constant 16 : i32
    %mul3A_1503 = vector.broadcast %mul3A_1502 : i32 to vector<16xi32>
    %mul3A_1504 = arith.muli %iota3A, %mul3A_1503 : vector<16xi32>
    %add3A_1505 = arith.constant 1 : i32
    %add3A_1506 = vector.broadcast %add3A_1505 : i32 to vector<16xi32>
    %add3A_1507 = arith.addi %mul3A_1504, %add3A_1506 : vector<16xi32>
    %gather3A_1508 = tpu.vector_load_idx %arg18[%add3A_1507] : memref<256xf32, #tpu.memory_space<vmem>>[vector<16xi32>], vector<16xf32>,
    %add3A_1509 = arith.addf %gather3A_1501, %gather3A_1508 : vector<16xf32>
    %mul3A_1510 = arith.constant 16 : i32
    %mul3A_1511 = vector.broadcast %mul3A_1510 : i32 to vector<16xi32>
    %mul3A_1512 = arith.muli %iota3A, %mul3A_1511 : vector<16xi32>
    %add3A_1513 = arith.constant 2 : i32
    %add3A_1514 = vector.broadcast %add3A_1513 : i32 to vector<16xi32>
    %add3A_1515 = arith.addi %mul3A_1512, %add3A_1514 : vector<16xi32>
    %gather3A_1516 = tpu.vector_load_idx %arg18[%add3A_1515] : memref<256xf32, #tpu.memory_space<vmem>>[vector<16xi32>], vector<16xf32>,
    %add3A_1517 = arith.addf %add3A_1509, %gather3A_1516 : vector<16xf32>
    %mul3A_1518 = arith.constant 16 : i32
    %mul3A_1519 = vector.broadcast %mul3A_1518 : i32 to vector<16xi32>
    %mul3A_1520 = arith.muli %iota3A, %mul3A_1519 : vector<16xi32>
    %add3A_1521 = arith.constant 3 : i32
    %add3A_1522 = vector.broadcast %add3A_1521 : i32 to vector<16xi32>
    %add3A_1523 = arith.addi %mul3A_1520, %add3A_1522 : vector<16xi32>
    %gather3A_1524 = tpu.vector_load_idx %arg18[%add3A_1523] : memref<256xf32, #tpu.memory_space<vmem>>[vector<16xi32>], vector<16xf32>,
    %add3A_1525 = arith.addf %add3A_1517, %gather3A_1524 : vector<16xf32>
    %mul3A_1526 = arith.constant 16 : i32
    %mul3A_1527 = vector.broadcast %mul3A_1526 : i32 to vector<16xi32>
    %mul3A_1528 = arith.muli %iota3A, %mul3A_1527 : vector<16xi32>
    %add3A_1529 = arith.constant 4 : i32
    %add3A_1530 = vector.broadcast %add3A_1529 : i32 to vector<16xi32>
    %add3A_1531 = arith.addi %mul3A_1528, %add3A_1530 : vector<16xi32>
    %gather3A_1532 = tpu.vector_load_idx %arg18[%add3A_1531] : memref<256xf32, #tpu.memory_space<vmem>>[vector<16xi32>], vector<16xf32>,
    %add3A_1533 = arith.addf %add3A_1525, %gather3A_1532 : vector<16xf32>
    %mul3A_1534 = arith.constant 16 : i32
    %mul3A_1535 = vector.broadcast %mul3A_1534 : i32 to vector<16xi32>
    %mul3A_1536 = arith.muli %iota3A, %mul3A_1535 : vector<16xi32>
    %add3A_1537 = arith.constant 5 : i32
    %add3A_1538 = vector.broadcast %add3A_1537 : i32 to vector<16xi32>
    %add3A_1539 = arith.addi %mul3A_1536, %add3A_1538 : vector<16xi32>
    %gather3A_1540 = tpu.vector_load_idx %arg18[%add3A_1539] : memref<256xf32, #tpu.memory_space<vmem>>[vector<16xi32>], vector<16xf32>,
    %add3A_1541 = arith.addf %add3A_1533, %gather3A_1540 : vector<16xf32>
    %mul3A_1542 = arith.constant 16 : i32
    %mul3A_1543 = vector.broadcast %mul3A_1542 : i32 to vector<16xi32>
    %mul3A_1544 = arith.muli %iota3A, %mul3A_1543 : vector<16xi32>
    %add3A_1545 = arith.constant 6 : i32
    %add3A_1546 = vector.broadcast %add3A_1545 : i32 to vector<16xi32>
    %add3A_1547 = arith.addi %mul3A_1544, %add3A_1546 : vector<16xi32>
    %gather3A_1548 = tpu.vector_load_idx %arg18[%add3A_1547] : memref<256xf32, #tpu.memory_space<vmem>>[vector<16xi32>], vector<16xf32>,
    %add3A_1549 = arith.addf %add3A_1541, %gather3A_1548 : vector<16xf32>
    %mul3A_1550 = arith.constant 16 : i32
    %mul3A_1551 = vector.broadcast %mul3A_1550 : i32 to vector<16xi32>
    %mul3A_1552 = arith.muli %iota3A, %mul3A_1551 : vector<16xi32>
    %add3A_1553 = arith.constant 7 : i32
    %add3A_1554 = vector.broadcast %add3A_1553 : i32 to vector<16xi32>
    %add3A_1555 = arith.addi %mul3A_1552, %add3A_1554 : vector<16xi32>
    %gather3A_1556 = tpu.vector_load_idx %arg18[%add3A_1555] : memref<256xf32, #tpu.memory_space<vmem>>[vector<16xi32>], vector<16xf32>,
    %add3A_1557 = arith.addf %add3A_1549, %gather3A_1556 : vector<16xf32>
    %mul3A_1558 = arith.constant 16 : i32
    %mul3A_1559 = vector.broadcast %mul3A_1558 : i32 to vector<16xi32>
    %mul3A_1560 = arith.muli %iota3A, %mul3A_1559 : vector<16xi32>
    %add3A_1561 = arith.constant 8 : i32
    %add3A_1562 = vector.broadcast %add3A_1561 : i32 to vector<16xi32>
    %add3A_1563 = arith.addi %mul3A_1560, %add3A_1562 : vector<16xi32>
    %gather3A_1564 = tpu.vector_load_idx %arg18[%add3A_1563] : memref<256xf32, #tpu.memory_space<vmem>>[vector<16xi32>], vector<16xf32>,
    %add3A_1565 = arith.addf %add3A_1557, %gather3A_1564 : vector<16xf32>
    %mul3A_1566 = arith.constant 16 : i32
    %mul3A_1567 = vector.broadcast %mul3A_1566 : i32 to vector<16xi32>
    %mul3A_1568 = arith.muli %iota3A, %mul3A_1567 : vector<16xi32>
    %add3A_1569 = arith.constant 9 : i32
    %add3A_1570 = vector.broadcast %add3A_1569 : i32 to vector<16xi32>
    %add3A_1571 = arith.addi %mul3A_1568, %add3A_1570 : vector<16xi32>
    %gather3A_1572 = tpu.vector_load_idx %arg18[%add3A_1571] : memref<256xf32, #tpu.memory_space<vmem>>[vector<16xi32>], vector<16xf32>,
    %add3A_1573 = arith.addf %add3A_1565, %gather3A_1572 : vector<16xf32>
    %mul3A_1574 = arith.constant 16 : i32
    %mul3A_1575 = vector.broadcast %mul3A_1574 : i32 to vector<16xi32>
    %mul3A_1576 = arith.muli %iota3A, %mul3A_1575 : vector<16xi32>
    %add3A_1577 = arith.constant 10 : i32
    %add3A_1578 = vector.broadcast %add3A_1577 : i32 to vector<16xi32>
    %add3A_1579 = arith.addi %mul3A_1576, %add3A_1578 : vector<16xi32>
    %gather3A_1580 = tpu.vector_load_idx %arg18[%add3A_1579] : memref<256xf32, #tpu.memory_space<vmem>>[vector<16xi32>], vector<16xf32>,
    %add3A_1581 = arith.addf %add3A_1573, %gather3A_1580 : vector<16xf32>
    %mul3A_1582 = arith.constant 16 : i32
    %mul3A_1583 = vector.broadcast %mul3A_1582 : i32 to vector<16xi32>
    %mul3A_1584 = arith.muli %iota3A, %mul3A_1583 : vector<16xi32>
    %add3A_1585 = arith.constant 11 : i32
    %add3A_1586 = vector.broadcast %add3A_1585 : i32 to vector<16xi32>
    %add3A_1587 = arith.addi %mul3A_1584, %add3A_1586 : vector<16xi32>
    %gather3A_1588 = tpu.vector_load_idx %arg18[%add3A_1587] : memref<256xf32, #tpu.memory_space<vmem>>[vector<16xi32>], vector<16xf32>,
    %add3A_1589 = arith.addf %add3A_1581, %gather3A_1588 : vector<16xf32>
    %mul3A_1590 = arith.constant 16 : i32
    %mul3A_1591 = vector.broadcast %mul3A_1590 : i32 to vector<16xi32>
    %mul3A_1592 = arith.muli %iota3A, %mul3A_1591 : vector<16xi32>
    %add3A_1593 = arith.constant 12 : i32
    %add3A_1594 = vector.broadcast %add3A_1593 : i32 to vector<16xi32>
    %add3A_1595 = arith.addi %mul3A_1592, %add3A_1594 : vector<16xi32>
    %gather3A_1596 = tpu.vector_load_idx %arg18[%add3A_1595] : memref<256xf32, #tpu.memory_space<vmem>>[vector<16xi32>], vector<16xf32>,
    %add3A_1597 = arith.addf %add3A_1589, %gather3A_1596 : vector<16xf32>
    %mul3A_1598 = arith.constant 16 : i32
    %mul3A_1599 = vector.broadcast %mul3A_1598 : i32 to vector<16xi32>
    %mul3A_1600 = arith.muli %iota3A, %mul3A_1599 : vector<16xi32>
    %add3A_1601 = arith.constant 13 : i32
    %add3A_1602 = vector.broadcast %add3A_1601 : i32 to vector<16xi32>
    %add3A_1603 = arith.addi %mul3A_1600, %add3A_1602 : vector<16xi32>
    %gather3A_1604 = tpu.vector_load_idx %arg18[%add3A_1603] : memref<256xf32, #tpu.memory_space<vmem>>[vector<16xi32>], vector<16xf32>,
    %add3A_1605 = arith.addf %add3A_1597, %gather3A_1604 : vector<16xf32>
    %mul3A_1606 = arith.constant 16 : i32
    %mul3A_1607 = vector.broadcast %mul3A_1606 : i32 to vector<16xi32>
    %mul3A_1608 = arith.muli %iota3A, %mul3A_1607 : vector<16xi32>
    %add3A_1609 = arith.constant 14 : i32
    %add3A_1610 = vector.broadcast %add3A_1609 : i32 to vector<16xi32>
    %add3A_1611 = arith.addi %mul3A_1608, %add3A_1610 : vector<16xi32>
    %gather3A_1612 = tpu.vector_load_idx %arg18[%add3A_1611] : memref<256xf32, #tpu.memory_space<vmem>>[vector<16xi32>], vector<16xf32>,
    %add3A_1613 = arith.addf %add3A_1605, %gather3A_1612 : vector<16xf32>
    %mul3A_1614 = arith.constant 16 : i32
    %mul3A_1615 = vector.broadcast %mul3A_1614 : i32 to vector<16xi32>
    %mul3A_1616 = arith.muli %iota3A, %mul3A_1615 : vector<16xi32>
    %add3A_1617 = arith.constant 15 : i32
    %add3A_1618 = vector.broadcast %add3A_1617 : i32 to vector<16xi32>
    %add3A_1619 = arith.addi %mul3A_1616, %add3A_1618 : vector<16xi32>
    %gather3A_1620 = tpu.vector_load_idx %arg18[%add3A_1619] : memref<256xf32, #tpu.memory_space<vmem>>[vector<16xi32>], vector<16xf32>,
    %add3A_1621 = arith.addf %add3A_1613, %gather3A_1620 : vector<16xf32>
    %div3A_1622 = arith.constant 1.000000e+00 : f32
    %div3A_1623 = vector.broadcast %div3A_1622 : f32 to vector<16xf32>
    %div3A_1624 = arith.divf %div3A_1623, %add3A_1621 : vector<16xf32>
    %swap3A_1625 = arith.constant 0 : index
    %swap3A_1626 = tpu.vector_load %arg20[%swap3A_1625] {strides = array<i32>} : memref<16xf32, #tpu.memory_space<vmem>>, vector<16xf32>,
    tpu.vector_store %arg20[%swap3A_1625], %div3A_1624 {strides = array<i32>} : memref<16xf32, #tpu.memory_space<vmem>>, vector<16xf32>,
    %parallel_loop3A_1627 = arith.constant 0 : i32
    %parallel_loop3A_1628 = arith.constant 16 : i32
    %parallel_loop3A_1629 = arith.constant 1 : i32
    scf.for %parallel_loop3A_2351 = %parallel_loop3A_1627 to %parallel_loop3A_1628 step %parallel_loop3A_1629  : i32 {
      %parallel_loop3A_2352 = arith.constant 1000 : i32
      %parallel_loop3A_2353 = arith.muli %parallel_loop3A_2351, %parallel_loop3A_2352 : i32
      %parallel_loop3A_2354 = arith.constant 0 : i32
      %parallel_loop3A_2355 = vector.broadcast %parallel_loop3A_2354 : i32 to vector<16xi32>
      %parallel_loop3A_2356 = arith.muli %iota3A, %parallel_loop3A_2355 : vector<16xi32>
      %parallel_loop3A_2357 = vector.broadcast %parallel_loop3A_2351 : i32 to vector<16xi32>
      %parallel_loop3A_2358 = arith.addi %parallel_loop3A_2356, %parallel_loop3A_2357 : vector<16xi32>
      %parallel_loop3A_2359 = tpu.vector_load_idx %arg20[%parallel_loop3A_2358] : memref<16xf32, #tpu.memory_space<vmem>>[vector<16xi32>], vector<16xf32>,
      %parallel_loop3A_2360 = arith.constant 1.000000e+00 : f32
      %parallel_loop3A_2361 = vector.broadcast %parallel_loop3A_2360 : f32 to vector<16xf32>
      %parallel_loop3A_2362 = arith.constant 0 : i32
      %parallel_loop3A_2363 = arith.constant 992 : i32
      %parallel_loop3A_2364 = arith.constant 16 : i32
      %parallel_loop3A_2365 = scf.for %parallel_loop3A_2388 = %parallel_loop3A_2362 to %parallel_loop3A_2363 step %parallel_loop3A_2364 iter_args(%parallel_loop3A_2389 = %parallel_loop3A_2361) -> (vector<16xf32>)  : i32 {
        %parallel_loop3A_2390 = arith.addi %parallel_loop3A_2353, %parallel_loop3A_2388 : i32
        %parallel_loop3A_2391 = tpu.assume_multiple %parallel_loop3A_2390, 8 : i32
        %parallel_loop3A_2392 = arith.index_cast %parallel_loop3A_2391 : i32 to index
        %parallel_loop3A_2393 = tpu.vector_load %arg11[%parallel_loop3A_2392] {strides = array<i32>} : memref<16016xf32, #tpu.memory_space<vmem>>, vector<16xf32>,
        %parallel_loop3A_2394 = arith.mulf %parallel_loop3A_2393, %parallel_loop3A_2359 : vector<16xf32>
        %parallel_loop3A_2395 = arith.constant 1.00000095 : f32
        %parallel_loop3A_2396 = vector.broadcast %parallel_loop3A_2395 : f32 to vector<16xf32>
        %parallel_loop3A_2397 = arith.subf %parallel_loop3A_2396, %parallel_loop3A_2394 : vector<16xf32>
        %parallel_loop3A_2398 = arith.mulf %parallel_loop3A_2389, %parallel_loop3A_2397 : vector<16xf32>
        scf.yield %parallel_loop3A_2398 : vector<16xf32>
      } {sc.loop_unroll_factor = 2 : i64, sc.parallel_access}
      %parallel_loop3A_2366 = arith.constant 992 : i32
      %parallel_loop3A_2367 = arith.addi %parallel_loop3A_2353, %parallel_loop3A_2366 : i32
      %parallel_loop3A_2368 = tpu.assume_multiple %parallel_loop3A_2367, 8 : i32
      %parallel_loop3A_2369 = arith.index_cast %parallel_loop3A_2368 : i32 to index
      %parallel_loop3A_2370 = tpu.vector_load %arg10[%parallel_loop3A_2369] {strides = array<i32>} : memref<16016xf32, #tpu.memory_space<vmem>>, vector<16xf32>,
      %parallel_loop3A_2371 = math.exp %parallel_loop3A_2370 : vector<16xf32>
      %parallel_loop3A_2372 = arith.constant 8 : i32
      %parallel_loop3A_2373 = vector.broadcast %parallel_loop3A_2372 : i32 to vector<16xi32>
      %parallel_loop3A_2374 = arith.cmpi slt, %iota3A, %parallel_loop3A_2373 : vector<16xi32>
      %parallel_loop3A_2375 = arith.mulf %parallel_loop3A_2371, %parallel_loop3A_2359 : vector<16xf32>
      %parallel_loop3A_2376 = arith.constant 1.00000095 : f32
      %parallel_loop3A_2377 = vector.broadcast %parallel_loop3A_2376 : f32 to vector<16xf32>
      %parallel_loop3A_2378 = arith.subf %parallel_loop3A_2377, %parallel_loop3A_2375 : vector<16xf32>
      %parallel_loop3A_2379 = arith.constant 1.000000e+00 : f32
      %parallel_loop3A_2380 = vector.broadcast %parallel_loop3A_2379 : f32 to vector<16xf32>
      %parallel_loop3A_2381 = arith.select %parallel_loop3A_2374, %parallel_loop3A_2378, %parallel_loop3A_2380 : vector<16xi1>, vector<16xf32>
      %parallel_loop3A_2382 = arith.mulf %parallel_loop3A_2365, %parallel_loop3A_2381 : vector<16xf32>
      %parallel_loop3A_2383 = arith.constant 16 : i32
      %parallel_loop3A_2384 = arith.muli %parallel_loop3A_2351, %parallel_loop3A_2383 : i32
      %parallel_loop3A_2385 = tpu.assume_multiple %parallel_loop3A_2384, 16 : i32
      %parallel_loop3A_2386 = arith.index_cast %parallel_loop3A_2385 : i32 to index
      %parallel_loop3A_2387 = tpu.vector_load %arg19[%parallel_loop3A_2386] {strides = array<i32>} : memref<256xf32, #tpu.memory_space<vmem>>, vector<16xf32>,
      tpu.vector_store %arg19[%parallel_loop3A_2386], %parallel_loop3A_2382 {strides = array<i32>} : memref<256xf32, #tpu.memory_space<vmem>>, vector<16xf32>,
    } {sc.loop_unroll_factor = 1 : i64, sc.parallel_access}
    %mul3A_1630 = arith.constant 16 : i32
    %mul3A_1631 = vector.broadcast %mul3A_1630 : i32 to vector<16xi32>
    %mul3A_1632 = arith.muli %iota3A, %mul3A_1631 : vector<16xi32>
    %gather3A_1633 = tpu.vector_load_idx %arg19[%mul3A_1632] : memref<256xf32, #tpu.memory_space<vmem>>[vector<16xi32>], vector<16xf32>,
    %mul3A_1634 = arith.constant 16 : i32
    %mul3A_1635 = vector.broadcast %mul3A_1634 : i32 to vector<16xi32>
    %mul3A_1636 = arith.muli %iota3A, %mul3A_1635 : vector<16xi32>
    %add3A_1637 = arith.constant 1 : i32
    %add3A_1638 = vector.broadcast %add3A_1637 : i32 to vector<16xi32>
    %add3A_1639 = arith.addi %mul3A_1636, %add3A_1638 : vector<16xi32>
    %gather3A_1640 = tpu.vector_load_idx %arg19[%add3A_1639] : memref<256xf32, #tpu.memory_space<vmem>>[vector<16xi32>], vector<16xf32>,
    %mul3A_1641 = arith.mulf %gather3A_1633, %gather3A_1640 : vector<16xf32>
    %mul3A_1642 = arith.constant 16 : i32
    %mul3A_1643 = vector.broadcast %mul3A_1642 : i32 to vector<16xi32>
    %mul3A_1644 = arith.muli %iota3A, %mul3A_1643 : vector<16xi32>
    %add3A_1645 = arith.constant 2 : i32
    %add3A_1646 = vector.broadcast %add3A_1645 : i32 to vector<16xi32>
    %add3A_1647 = arith.addi %mul3A_1644, %add3A_1646 : vector<16xi32>
    %gather3A_1648 = tpu.vector_load_idx %arg19[%add3A_1647] : memref<256xf32, #tpu.memory_space<vmem>>[vector<16xi32>], vector<16xf32>,
    %mul3A_1649 = arith.mulf %mul3A_1641, %gather3A_1648 : vector<16xf32>
    %mul3A_1650 = arith.constant 16 : i32
    %mul3A_1651 = vector.broadcast %mul3A_1650 : i32 to vector<16xi32>
    %mul3A_1652 = arith.muli %iota3A, %mul3A_1651 : vector<16xi32>
    %add3A_1653 = arith.constant 3 : i32
    %add3A_1654 = vector.broadcast %add3A_1653 : i32 to vector<16xi32>
    %add3A_1655 = arith.addi %mul3A_1652, %add3A_1654 : vector<16xi32>
    %gather3A_1656 = tpu.vector_load_idx %arg19[%add3A_1655] : memref<256xf32, #tpu.memory_space<vmem>>[vector<16xi32>], vector<16xf32>,
    %mul3A_1657 = arith.mulf %mul3A_1649, %gather3A_1656 : vector<16xf32>
    %mul3A_1658 = arith.constant 16 : i32
    %mul3A_1659 = vector.broadcast %mul3A_1658 : i32 to vector<16xi32>
    %mul3A_1660 = arith.muli %iota3A, %mul3A_1659 : vector<16xi32>
    %add3A_1661 = arith.constant 4 : i32
    %add3A_1662 = vector.broadcast %add3A_1661 : i32 to vector<16xi32>
    %add3A_1663 = arith.addi %mul3A_1660, %add3A_1662 : vector<16xi32>
    %gather3A_1664 = tpu.vector_load_idx %arg19[%add3A_1663] : memref<256xf32, #tpu.memory_space<vmem>>[vector<16xi32>], vector<16xf32>,
    %mul3A_1665 = arith.mulf %mul3A_1657, %gather3A_1664 : vector<16xf32>
    %mul3A_1666 = arith.constant 16 : i32
    %mul3A_1667 = vector.broadcast %mul3A_1666 : i32 to vector<16xi32>
    %mul3A_1668 = arith.muli %iota3A, %mul3A_1667 : vector<16xi32>
    %add3A_1669 = arith.constant 5 : i32
    %add3A_1670 = vector.broadcast %add3A_1669 : i32 to vector<16xi32>
    %add3A_1671 = arith.addi %mul3A_1668, %add3A_1670 : vector<16xi32>
    %gather3A_1672 = tpu.vector_load_idx %arg19[%add3A_1671] : memref<256xf32, #tpu.memory_space<vmem>>[vector<16xi32>], vector<16xf32>,
    %mul3A_1673 = arith.mulf %mul3A_1665, %gather3A_1672 : vector<16xf32>
    %mul3A_1674 = arith.constant 16 : i32
    %mul3A_1675 = vector.broadcast %mul3A_1674 : i32 to vector<16xi32>
    %mul3A_1676 = arith.muli %iota3A, %mul3A_1675 : vector<16xi32>
    %add3A_1677 = arith.constant 6 : i32
    %add3A_1678 = vector.broadcast %add3A_1677 : i32 to vector<16xi32>
    %add3A_1679 = arith.addi %mul3A_1676, %add3A_1678 : vector<16xi32>
    %gather3A_1680 = tpu.vector_load_idx %arg19[%add3A_1679] : memref<256xf32, #tpu.memory_space<vmem>>[vector<16xi32>], vector<16xf32>,
    %mul3A_1681 = arith.mulf %mul3A_1673, %gather3A_1680 : vector<16xf32>
    %mul3A_1682 = arith.constant 16 : i32
    %mul3A_1683 = vector.broadcast %mul3A_1682 : i32 to vector<16xi32>
    %mul3A_1684 = arith.muli %iota3A, %mul3A_1683 : vector<16xi32>
    %add3A_1685 = arith.constant 7 : i32
    %add3A_1686 = vector.broadcast %add3A_1685 : i32 to vector<16xi32>
    %add3A_1687 = arith.addi %mul3A_1684, %add3A_1686 : vector<16xi32>
    %gather3A_1688 = tpu.vector_load_idx %arg19[%add3A_1687] : memref<256xf32, #tpu.memory_space<vmem>>[vector<16xi32>], vector<16xf32>,
    %mul3A_1689 = arith.mulf %mul3A_1681, %gather3A_1688 : vector<16xf32>
    %mul3A_1690 = arith.constant 16 : i32
    %mul3A_1691 = vector.broadcast %mul3A_1690 : i32 to vector<16xi32>
    %mul3A_1692 = arith.muli %iota3A, %mul3A_1691 : vector<16xi32>
    %add3A_1693 = arith.constant 8 : i32
    %add3A_1694 = vector.broadcast %add3A_1693 : i32 to vector<16xi32>
    %add3A_1695 = arith.addi %mul3A_1692, %add3A_1694 : vector<16xi32>
    %gather3A_1696 = tpu.vector_load_idx %arg19[%add3A_1695] : memref<256xf32, #tpu.memory_space<vmem>>[vector<16xi32>], vector<16xf32>,
    %mul3A_1697 = arith.mulf %mul3A_1689, %gather3A_1696 : vector<16xf32>
    %mul3A_1698 = arith.constant 16 : i32
    %mul3A_1699 = vector.broadcast %mul3A_1698 : i32 to vector<16xi32>
    %mul3A_1700 = arith.muli %iota3A, %mul3A_1699 : vector<16xi32>
    %add3A_1701 = arith.constant 9 : i32
    %add3A_1702 = vector.broadcast %add3A_1701 : i32 to vector<16xi32>
    %add3A_1703 = arith.addi %mul3A_1700, %add3A_1702 : vector<16xi32>
    %gather3A_1704 = tpu.vector_load_idx %arg19[%add3A_1703] : memref<256xf32, #tpu.memory_space<vmem>>[vector<16xi32>], vector<16xf32>,
    %mul3A_1705 = arith.mulf %mul3A_1697, %gather3A_1704 : vector<16xf32>
    %mul3A_1706 = arith.constant 16 : i32
    %mul3A_1707 = vector.broadcast %mul3A_1706 : i32 to vector<16xi32>
    %mul3A_1708 = arith.muli %iota3A, %mul3A_1707 : vector<16xi32>
    %add3A_1709 = arith.constant 10 : i32
    %add3A_1710 = vector.broadcast %add3A_1709 : i32 to vector<16xi32>
    %add3A_1711 = arith.addi %mul3A_1708, %add3A_1710 : vector<16xi32>
    %gather3A_1712 = tpu.vector_load_idx %arg19[%add3A_1711] : memref<256xf32, #tpu.memory_space<vmem>>[vector<16xi32>], vector<16xf32>,
    %mul3A_1713 = arith.mulf %mul3A_1705, %gather3A_1712 : vector<16xf32>
    %mul3A_1714 = arith.constant 16 : i32
    %mul3A_1715 = vector.broadcast %mul3A_1714 : i32 to vector<16xi32>
    %mul3A_1716 = arith.muli %iota3A, %mul3A_1715 : vector<16xi32>
    %add3A_1717 = arith.constant 11 : i32
    %add3A_1718 = vector.broadcast %add3A_1717 : i32 to vector<16xi32>
    %add3A_1719 = arith.addi %mul3A_1716, %add3A_1718 : vector<16xi32>
    %gather3A_1720 = tpu.vector_load_idx %arg19[%add3A_1719] : memref<256xf32, #tpu.memory_space<vmem>>[vector<16xi32>], vector<16xf32>,
    %mul3A_1721 = arith.mulf %mul3A_1713, %gather3A_1720 : vector<16xf32>
    %mul3A_1722 = arith.constant 16 : i32
    %mul3A_1723 = vector.broadcast %mul3A_1722 : i32 to vector<16xi32>
    %mul3A_1724 = arith.muli %iota3A, %mul3A_1723 : vector<16xi32>
    %add3A_1725 = arith.constant 12 : i32
    %add3A_1726 = vector.broadcast %add3A_1725 : i32 to vector<16xi32>
    %add3A_1727 = arith.addi %mul3A_1724, %add3A_1726 : vector<16xi32>
    %gather3A_1728 = tpu.vector_load_idx %arg19[%add3A_1727] : memref<256xf32, #tpu.memory_space<vmem>>[vector<16xi32>], vector<16xf32>,
    %mul3A_1729 = arith.mulf %mul3A_1721, %gather3A_1728 : vector<16xf32>
    %mul3A_1730 = arith.constant 16 : i32
    %mul3A_1731 = vector.broadcast %mul3A_1730 : i32 to vector<16xi32>
    %mul3A_1732 = arith.muli %iota3A, %mul3A_1731 : vector<16xi32>
    %add3A_1733 = arith.constant 13 : i32
    %add3A_1734 = vector.broadcast %add3A_1733 : i32 to vector<16xi32>
    %add3A_1735 = arith.addi %mul3A_1732, %add3A_1734 : vector<16xi32>
    %gather3A_1736 = tpu.vector_load_idx %arg19[%add3A_1735] : memref<256xf32, #tpu.memory_space<vmem>>[vector<16xi32>], vector<16xf32>,
    %mul3A_1737 = arith.mulf %mul3A_1729, %gather3A_1736 : vector<16xf32>
    %mul3A_1738 = arith.constant 16 : i32
    %mul3A_1739 = vector.broadcast %mul3A_1738 : i32 to vector<16xi32>
    %mul3A_1740 = arith.muli %iota3A, %mul3A_1739 : vector<16xi32>
    %add3A_1741 = arith.constant 14 : i32
    %add3A_1742 = vector.broadcast %add3A_1741 : i32 to vector<16xi32>
    %add3A_1743 = arith.addi %mul3A_1740, %add3A_1742 : vector<16xi32>
    %gather3A_1744 = tpu.vector_load_idx %arg19[%add3A_1743] : memref<256xf32, #tpu.memory_space<vmem>>[vector<16xi32>], vector<16xf32>,
    %mul3A_1745 = arith.mulf %mul3A_1737, %gather3A_1744 : vector<16xf32>
    %mul3A_1746 = arith.constant 16 : i32
    %mul3A_1747 = vector.broadcast %mul3A_1746 : i32 to vector<16xi32>
    %mul3A_1748 = arith.muli %iota3A, %mul3A_1747 : vector<16xi32>
    %add3A_1749 = arith.constant 15 : i32
    %add3A_1750 = vector.broadcast %add3A_1749 : i32 to vector<16xi32>
    %add3A_1751 = arith.addi %mul3A_1748, %add3A_1750 : vector<16xi32>
    %gather3A_1752 = tpu.vector_load_idx %arg19[%add3A_1751] : memref<256xf32, #tpu.memory_space<vmem>>[vector<16xi32>], vector<16xf32>,
    %mul3A_1753 = arith.mulf %mul3A_1745, %gather3A_1752 : vector<16xf32>
    %get3A_1754 = arith.constant 80 : index
    %get3A_1755 = tpu.vector_load %arg12[%get3A_1754] {strides = array<i32>} : memref<128xi32, #tpu.memory_space<vmem>>, vector<16xi32>,
    %min3A_1756 = arith.constant 999 : i32
    %min3A_1757 = vector.broadcast %min3A_1756 : i32 to vector<16xi32>
    %min3A_1758 = arith.minsi %get3A_1755, %min3A_1757 : vector<16xi32>
    %max3A_1759 = arith.constant 0 : i32
    %max3A_1760 = vector.broadcast %max3A_1759 : i32 to vector<16xi32>
    %max3A_1761 = arith.maxsi %min3A_1758, %max3A_1760 : vector<16xi32>
    %add3A_1762 = arith.addi %mul3A_7, %max3A_1761 : vector<16xi32>
    %gather3A_1763 = tpu.vector_load_idx %arg10[%add3A_1762] : memref<16016xf32, #tpu.memory_space<vmem>>[vector<16xi32>], vector<16xf32>,
    %gather3A_1764 = tpu.vector_load_idx %arg13[%max3A_1761] : memref<1000xf32, #tpu.memory_space<vmem>>[vector<16xi32>], vector<16xf32>,
    %swap3A_1765 = arith.constant 80 : index
    %swap3A_1766 = tpu.vector_load %arg14[%swap3A_1765] {strides = array<i32>} : memref<128xf32, #tpu.memory_space<vmem>>, vector<16xf32>,
    tpu.vector_store %arg14[%swap3A_1765], %add3A_1621 {strides = array<i32>} : memref<128xf32, #tpu.memory_space<vmem>>, vector<16xf32>,
    %swap3A_1767 = arith.constant 80 : index
    %swap3A_1768 = tpu.vector_load %arg15[%swap3A_1767] {strides = array<i32>} : memref<128xf32, #tpu.memory_space<vmem>>, vector<16xf32>,
    tpu.vector_store %arg15[%swap3A_1767], %mul3A_1753 {strides = array<i32>} : memref<128xf32, #tpu.memory_space<vmem>>, vector<16xf32>,
    %swap3A_1769 = arith.constant 80 : index
    %swap3A_1770 = tpu.vector_load %arg16[%swap3A_1769] {strides = array<i32>} : memref<128xf32, #tpu.memory_space<vmem>>, vector<16xf32>,
    tpu.vector_store %arg16[%swap3A_1769], %gather3A_1763 {strides = array<i32>} : memref<128xf32, #tpu.memory_space<vmem>>, vector<16xf32>,
    %swap3A_1771 = arith.constant 80 : index
    %swap3A_1772 = tpu.vector_load %arg17[%swap3A_1771] {strides = array<i32>} : memref<128xf32, #tpu.memory_space<vmem>>, vector<16xf32>,
    tpu.vector_store %arg17[%swap3A_1771], %gather3A_1764 {strides = array<i32>} : memref<128xf32, #tpu.memory_space<vmem>>, vector<16xf32>,
    %add3A_1773 = arith.constant 112 : i32
    %add3A_1774 = arith.addi %add3A_4, %add3A_1773 : i32
    %mul3A_1775 = arith.constant 1000 : i32
    %mul3A_1776 = arith.muli %add3A_1774, %mul3A_1775 : i32
    %dma_start3A_1777 = arith.constant 0 : i32
    %dma_start3A_1778 = tpu.memref_slice %arg10[%dma_start3A_1777] : memref<16016xf32, #tpu.memory_space<vmem>> -> memref<16000xf32, #tpu.memory_space<vmem>>
    %dma_start3A_1779 = tpu.memref_slice %arg2[%mul3A_1776] : memref<16384000xf32, #tpu.memory_space<hbm>> -> memref<16000xf32, #tpu.memory_space<hbm>>
    %dma_start3A_1780 = arith.constant 0 : i32
    %dma_start3A_1781 = tpu.memref_slice %arg10[%dma_start3A_1780] : memref<16016xf32, #tpu.memory_space<vmem>> -> memref<16000xf32, #tpu.memory_space<vmem>>
    %dma_start3A_1782 = tpu.memref_slice %arg2[%mul3A_1776] : memref<16384000xf32, #tpu.memory_space<hbm>> -> memref<16000xf32, #tpu.memory_space<hbm>>
    tpu.enqueue_dma source(%dma_start3A_1782 : memref<16000xf32, #tpu.memory_space<hbm>>) target(%dma_start3A_1781 : memref<16000xf32, #tpu.memory_space<vmem>>) target_semaphore(%arg21 : memref<!tpu.dma_semaphore, #tpu.memory_space<semaphore_mem>>)
    %dma_wait3A_1783 = arith.constant 0 : i32
    %dma_wait3A_1784 = tpu.memref_slice %arg9[%dma_wait3A_1783] : memref<16016xf32, #tpu.memory_space<vmem>> -> memref<16000xf32, #tpu.memory_space<vmem>>
    %dma_wait3A_1785 = tpu.memref_slice %arg2[%mul3A_1482] : memref<16384000xf32, #tpu.memory_space<hbm>> -> memref<16000xf32, #tpu.memory_space<hbm>>
    %dma_wait3A_1786 = arith.constant 0 : i32
    %dma_wait3A_1787 = tpu.memref_slice %arg9[%dma_wait3A_1786] : memref<16016xf32, #tpu.memory_space<vmem>> -> memref<16000xf32, #tpu.memory_space<vmem>>
    %dma_wait3A_1788 = tpu.memref_slice %arg2[%mul3A_1482] : memref<16384000xf32, #tpu.memory_space<hbm>> -> memref<16000xf32, #tpu.memory_space<hbm>>
    tpu.wait_dma2 semaphore(%arg21 : memref<!tpu.dma_semaphore, #tpu.memory_space<semaphore_mem>>) src(%dma_wait3A_1788 : memref<16000xf32, #tpu.memory_space<hbm>>) dst(%dma_wait3A_1787 : memref<16000xf32, #tpu.memory_space<vmem>>)
    %parallel_loop3A_1789 = arith.constant 0 : i32
    %parallel_loop3A_1790 = arith.constant 16 : i32
    %parallel_loop3A_1791 = arith.constant 1 : i32
    scf.for %parallel_loop3A_2351 = %parallel_loop3A_1789 to %parallel_loop3A_1790 step %parallel_loop3A_1791  : i32 {
      %parallel_loop3A_2352 = arith.constant 1000 : i32
      %parallel_loop3A_2353 = arith.muli %parallel_loop3A_2351, %parallel_loop3A_2352 : i32
      %parallel_loop3A_2354 = arith.constant 0.000000e+00 : f32
      %parallel_loop3A_2355 = vector.broadcast %parallel_loop3A_2354 : f32 to vector<16xf32>
      %parallel_loop3A_2356 = arith.constant 0 : i32
      %parallel_loop3A_2357 = arith.constant 992 : i32
      %parallel_loop3A_2358 = arith.constant 16 : i32
      %parallel_loop3A_2359 = scf.for %parallel_loop3A_2378 = %parallel_loop3A_2356 to %parallel_loop3A_2357 step %parallel_loop3A_2358 iter_args(%parallel_loop3A_2379 = %parallel_loop3A_2355) -> (vector<16xf32>)  : i32 {
        %parallel_loop3A_2380 = arith.addi %parallel_loop3A_2353, %parallel_loop3A_2378 : i32
        %parallel_loop3A_2381 = tpu.assume_multiple %parallel_loop3A_2380, 8 : i32
        %parallel_loop3A_2382 = arith.index_cast %parallel_loop3A_2381 : i32 to index
        %parallel_loop3A_2383 = tpu.vector_load %arg9[%parallel_loop3A_2382] {strides = array<i32>} : memref<16016xf32, #tpu.memory_space<vmem>>, vector<16xf32>,
        %parallel_loop3A_2384 = math.exp %parallel_loop3A_2383 : vector<16xf32>
        %parallel_loop3A_2385 = arith.index_cast %parallel_loop3A_2381 : i32 to index
        %parallel_loop3A_2386 = tpu.vector_load %arg11[%parallel_loop3A_2385] {strides = array<i32>} : memref<16016xf32, #tpu.memory_space<vmem>>, vector<16xf32>,
        tpu.vector_store %arg11[%parallel_loop3A_2385], %parallel_loop3A_2384 {strides = array<i32>} : memref<16016xf32, #tpu.memory_space<vmem>>, vector<16xf32>,
        %parallel_loop3A_2387 = arith.addf %parallel_loop3A_2379, %parallel_loop3A_2384 : vector<16xf32>
        scf.yield %parallel_loop3A_2387 : vector<16xf32>
      } {sc.loop_unroll_factor = 2 : i64, sc.parallel_access}
      %parallel_loop3A_2360 = arith.constant 992 : i32
      %parallel_loop3A_2361 = arith.addi %parallel_loop3A_2353, %parallel_loop3A_2360 : i32
      %parallel_loop3A_2362 = tpu.assume_multiple %parallel_loop3A_2361, 8 : i32
      %parallel_loop3A_2363 = arith.index_cast %parallel_loop3A_2362 : i32 to index
      %parallel_loop3A_2364 = tpu.vector_load %arg9[%parallel_loop3A_2363] {strides = array<i32>} : memref<16016xf32, #tpu.memory_space<vmem>>, vector<16xf32>,
      %parallel_loop3A_2365 = math.exp %parallel_loop3A_2364 : vector<16xf32>
      %parallel_loop3A_2366 = arith.constant 8 : i32
      %parallel_loop3A_2367 = vector.broadcast %parallel_loop3A_2366 : i32 to vector<16xi32>
      %parallel_loop3A_2368 = arith.cmpi slt, %iota3A, %parallel_loop3A_2367 : vector<16xi32>
      %parallel_loop3A_2369 = arith.constant 0.000000e+00 : f32
      %parallel_loop3A_2370 = vector.broadcast %parallel_loop3A_2369 : f32 to vector<16xf32>
      %parallel_loop3A_2371 = arith.select %parallel_loop3A_2368, %parallel_loop3A_2365, %parallel_loop3A_2370 : vector<16xi1>, vector<16xf32>
      %parallel_loop3A_2372 = arith.addf %parallel_loop3A_2359, %parallel_loop3A_2371 : vector<16xf32>
      %parallel_loop3A_2373 = arith.constant 16 : i32
      %parallel_loop3A_2374 = arith.muli %parallel_loop3A_2351, %parallel_loop3A_2373 : i32
      %parallel_loop3A_2375 = tpu.assume_multiple %parallel_loop3A_2374, 16 : i32
      %parallel_loop3A_2376 = arith.index_cast %parallel_loop3A_2375 : i32 to index
      %parallel_loop3A_2377 = tpu.vector_load %arg18[%parallel_loop3A_2376] {strides = array<i32>} : memref<256xf32, #tpu.memory_space<vmem>>, vector<16xf32>,
      tpu.vector_store %arg18[%parallel_loop3A_2376], %parallel_loop3A_2372 {strides = array<i32>} : memref<256xf32, #tpu.memory_space<vmem>>, vector<16xf32>,
    } {sc.loop_unroll_factor = 1 : i64, sc.parallel_access}
    %mul3A_1792 = arith.constant 16 : i32
    %mul3A_1793 = vector.broadcast %mul3A_1792 : i32 to vector<16xi32>
    %mul3A_1794 = arith.muli %iota3A, %mul3A_1793 : vector<16xi32>
    %gather3A_1795 = tpu.vector_load_idx %arg18[%mul3A_1794] : memref<256xf32, #tpu.memory_space<vmem>>[vector<16xi32>], vector<16xf32>,
    %mul3A_1796 = arith.constant 16 : i32
    %mul3A_1797 = vector.broadcast %mul3A_1796 : i32 to vector<16xi32>
    %mul3A_1798 = arith.muli %iota3A, %mul3A_1797 : vector<16xi32>
    %add3A_1799 = arith.constant 1 : i32
    %add3A_1800 = vector.broadcast %add3A_1799 : i32 to vector<16xi32>
    %add3A_1801 = arith.addi %mul3A_1798, %add3A_1800 : vector<16xi32>
    %gather3A_1802 = tpu.vector_load_idx %arg18[%add3A_1801] : memref<256xf32, #tpu.memory_space<vmem>>[vector<16xi32>], vector<16xf32>,
    %add3A_1803 = arith.addf %gather3A_1795, %gather3A_1802 : vector<16xf32>
    %mul3A_1804 = arith.constant 16 : i32
    %mul3A_1805 = vector.broadcast %mul3A_1804 : i32 to vector<16xi32>
    %mul3A_1806 = arith.muli %iota3A, %mul3A_1805 : vector<16xi32>
    %add3A_1807 = arith.constant 2 : i32
    %add3A_1808 = vector.broadcast %add3A_1807 : i32 to vector<16xi32>
    %add3A_1809 = arith.addi %mul3A_1806, %add3A_1808 : vector<16xi32>
    %gather3A_1810 = tpu.vector_load_idx %arg18[%add3A_1809] : memref<256xf32, #tpu.memory_space<vmem>>[vector<16xi32>], vector<16xf32>,
    %add3A_1811 = arith.addf %add3A_1803, %gather3A_1810 : vector<16xf32>
    %mul3A_1812 = arith.constant 16 : i32
    %mul3A_1813 = vector.broadcast %mul3A_1812 : i32 to vector<16xi32>
    %mul3A_1814 = arith.muli %iota3A, %mul3A_1813 : vector<16xi32>
    %add3A_1815 = arith.constant 3 : i32
    %add3A_1816 = vector.broadcast %add3A_1815 : i32 to vector<16xi32>
    %add3A_1817 = arith.addi %mul3A_1814, %add3A_1816 : vector<16xi32>
    %gather3A_1818 = tpu.vector_load_idx %arg18[%add3A_1817] : memref<256xf32, #tpu.memory_space<vmem>>[vector<16xi32>], vector<16xf32>,
    %add3A_1819 = arith.addf %add3A_1811, %gather3A_1818 : vector<16xf32>
    %mul3A_1820 = arith.constant 16 : i32
    %mul3A_1821 = vector.broadcast %mul3A_1820 : i32 to vector<16xi32>
    %mul3A_1822 = arith.muli %iota3A, %mul3A_1821 : vector<16xi32>
    %add3A_1823 = arith.constant 4 : i32
    %add3A_1824 = vector.broadcast %add3A_1823 : i32 to vector<16xi32>
    %add3A_1825 = arith.addi %mul3A_1822, %add3A_1824 : vector<16xi32>
    %gather3A_1826 = tpu.vector_load_idx %arg18[%add3A_1825] : memref<256xf32, #tpu.memory_space<vmem>>[vector<16xi32>], vector<16xf32>,
    %add3A_1827 = arith.addf %add3A_1819, %gather3A_1826 : vector<16xf32>
    %mul3A_1828 = arith.constant 16 : i32
    %mul3A_1829 = vector.broadcast %mul3A_1828 : i32 to vector<16xi32>
    %mul3A_1830 = arith.muli %iota3A, %mul3A_1829 : vector<16xi32>
    %add3A_1831 = arith.constant 5 : i32
    %add3A_1832 = vector.broadcast %add3A_1831 : i32 to vector<16xi32>
    %add3A_1833 = arith.addi %mul3A_1830, %add3A_1832 : vector<16xi32>
    %gather3A_1834 = tpu.vector_load_idx %arg18[%add3A_1833] : memref<256xf32, #tpu.memory_space<vmem>>[vector<16xi32>], vector<16xf32>,
    %add3A_1835 = arith.addf %add3A_1827, %gather3A_1834 : vector<16xf32>
    %mul3A_1836 = arith.constant 16 : i32
    %mul3A_1837 = vector.broadcast %mul3A_1836 : i32 to vector<16xi32>
    %mul3A_1838 = arith.muli %iota3A, %mul3A_1837 : vector<16xi32>
    %add3A_1839 = arith.constant 6 : i32
    %add3A_1840 = vector.broadcast %add3A_1839 : i32 to vector<16xi32>
    %add3A_1841 = arith.addi %mul3A_1838, %add3A_1840 : vector<16xi32>
    %gather3A_1842 = tpu.vector_load_idx %arg18[%add3A_1841] : memref<256xf32, #tpu.memory_space<vmem>>[vector<16xi32>], vector<16xf32>,
    %add3A_1843 = arith.addf %add3A_1835, %gather3A_1842 : vector<16xf32>
    %mul3A_1844 = arith.constant 16 : i32
    %mul3A_1845 = vector.broadcast %mul3A_1844 : i32 to vector<16xi32>
    %mul3A_1846 = arith.muli %iota3A, %mul3A_1845 : vector<16xi32>
    %add3A_1847 = arith.constant 7 : i32
    %add3A_1848 = vector.broadcast %add3A_1847 : i32 to vector<16xi32>
    %add3A_1849 = arith.addi %mul3A_1846, %add3A_1848 : vector<16xi32>
    %gather3A_1850 = tpu.vector_load_idx %arg18[%add3A_1849] : memref<256xf32, #tpu.memory_space<vmem>>[vector<16xi32>], vector<16xf32>,
    %add3A_1851 = arith.addf %add3A_1843, %gather3A_1850 : vector<16xf32>
    %mul3A_1852 = arith.constant 16 : i32
    %mul3A_1853 = vector.broadcast %mul3A_1852 : i32 to vector<16xi32>
    %mul3A_1854 = arith.muli %iota3A, %mul3A_1853 : vector<16xi32>
    %add3A_1855 = arith.constant 8 : i32
    %add3A_1856 = vector.broadcast %add3A_1855 : i32 to vector<16xi32>
    %add3A_1857 = arith.addi %mul3A_1854, %add3A_1856 : vector<16xi32>
    %gather3A_1858 = tpu.vector_load_idx %arg18[%add3A_1857] : memref<256xf32, #tpu.memory_space<vmem>>[vector<16xi32>], vector<16xf32>,
    %add3A_1859 = arith.addf %add3A_1851, %gather3A_1858 : vector<16xf32>
    %mul3A_1860 = arith.constant 16 : i32
    %mul3A_1861 = vector.broadcast %mul3A_1860 : i32 to vector<16xi32>
    %mul3A_1862 = arith.muli %iota3A, %mul3A_1861 : vector<16xi32>
    %add3A_1863 = arith.constant 9 : i32
    %add3A_1864 = vector.broadcast %add3A_1863 : i32 to vector<16xi32>
    %add3A_1865 = arith.addi %mul3A_1862, %add3A_1864 : vector<16xi32>
    %gather3A_1866 = tpu.vector_load_idx %arg18[%add3A_1865] : memref<256xf32, #tpu.memory_space<vmem>>[vector<16xi32>], vector<16xf32>,
    %add3A_1867 = arith.addf %add3A_1859, %gather3A_1866 : vector<16xf32>
    %mul3A_1868 = arith.constant 16 : i32
    %mul3A_1869 = vector.broadcast %mul3A_1868 : i32 to vector<16xi32>
    %mul3A_1870 = arith.muli %iota3A, %mul3A_1869 : vector<16xi32>
    %add3A_1871 = arith.constant 10 : i32
    %add3A_1872 = vector.broadcast %add3A_1871 : i32 to vector<16xi32>
    %add3A_1873 = arith.addi %mul3A_1870, %add3A_1872 : vector<16xi32>
    %gather3A_1874 = tpu.vector_load_idx %arg18[%add3A_1873] : memref<256xf32, #tpu.memory_space<vmem>>[vector<16xi32>], vector<16xf32>,
    %add3A_1875 = arith.addf %add3A_1867, %gather3A_1874 : vector<16xf32>
    %mul3A_1876 = arith.constant 16 : i32
    %mul3A_1877 = vector.broadcast %mul3A_1876 : i32 to vector<16xi32>
    %mul3A_1878 = arith.muli %iota3A, %mul3A_1877 : vector<16xi32>
    %add3A_1879 = arith.constant 11 : i32
    %add3A_1880 = vector.broadcast %add3A_1879 : i32 to vector<16xi32>
    %add3A_1881 = arith.addi %mul3A_1878, %add3A_1880 : vector<16xi32>
    %gather3A_1882 = tpu.vector_load_idx %arg18[%add3A_1881] : memref<256xf32, #tpu.memory_space<vmem>>[vector<16xi32>], vector<16xf32>,
    %add3A_1883 = arith.addf %add3A_1875, %gather3A_1882 : vector<16xf32>
    %mul3A_1884 = arith.constant 16 : i32
    %mul3A_1885 = vector.broadcast %mul3A_1884 : i32 to vector<16xi32>
    %mul3A_1886 = arith.muli %iota3A, %mul3A_1885 : vector<16xi32>
    %add3A_1887 = arith.constant 12 : i32
    %add3A_1888 = vector.broadcast %add3A_1887 : i32 to vector<16xi32>
    %add3A_1889 = arith.addi %mul3A_1886, %add3A_1888 : vector<16xi32>
    %gather3A_1890 = tpu.vector_load_idx %arg18[%add3A_1889] : memref<256xf32, #tpu.memory_space<vmem>>[vector<16xi32>], vector<16xf32>,
    %add3A_1891 = arith.addf %add3A_1883, %gather3A_1890 : vector<16xf32>
    %mul3A_1892 = arith.constant 16 : i32
    %mul3A_1893 = vector.broadcast %mul3A_1892 : i32 to vector<16xi32>
    %mul3A_1894 = arith.muli %iota3A, %mul3A_1893 : vector<16xi32>
    %add3A_1895 = arith.constant 13 : i32
    %add3A_1896 = vector.broadcast %add3A_1895 : i32 to vector<16xi32>
    %add3A_1897 = arith.addi %mul3A_1894, %add3A_1896 : vector<16xi32>
    %gather3A_1898 = tpu.vector_load_idx %arg18[%add3A_1897] : memref<256xf32, #tpu.memory_space<vmem>>[vector<16xi32>], vector<16xf32>,
    %add3A_1899 = arith.addf %add3A_1891, %gather3A_1898 : vector<16xf32>
    %mul3A_1900 = arith.constant 16 : i32
    %mul3A_1901 = vector.broadcast %mul3A_1900 : i32 to vector<16xi32>
    %mul3A_1902 = arith.muli %iota3A, %mul3A_1901 : vector<16xi32>
    %add3A_1903 = arith.constant 14 : i32
    %add3A_1904 = vector.broadcast %add3A_1903 : i32 to vector<16xi32>
    %add3A_1905 = arith.addi %mul3A_1902, %add3A_1904 : vector<16xi32>
    %gather3A_1906 = tpu.vector_load_idx %arg18[%add3A_1905] : memref<256xf32, #tpu.memory_space<vmem>>[vector<16xi32>], vector<16xf32>,
    %add3A_1907 = arith.addf %add3A_1899, %gather3A_1906 : vector<16xf32>
    %mul3A_1908 = arith.constant 16 : i32
    %mul3A_1909 = vector.broadcast %mul3A_1908 : i32 to vector<16xi32>
    %mul3A_1910 = arith.muli %iota3A, %mul3A_1909 : vector<16xi32>
    %add3A_1911 = arith.constant 15 : i32
    %add3A_1912 = vector.broadcast %add3A_1911 : i32 to vector<16xi32>
    %add3A_1913 = arith.addi %mul3A_1910, %add3A_1912 : vector<16xi32>
    %gather3A_1914 = tpu.vector_load_idx %arg18[%add3A_1913] : memref<256xf32, #tpu.memory_space<vmem>>[vector<16xi32>], vector<16xf32>,
    %add3A_1915 = arith.addf %add3A_1907, %gather3A_1914 : vector<16xf32>
    %div3A_1916 = arith.constant 1.000000e+00 : f32
    %div3A_1917 = vector.broadcast %div3A_1916 : f32 to vector<16xf32>
    %div3A_1918 = arith.divf %div3A_1917, %add3A_1915 : vector<16xf32>
    %swap3A_1919 = arith.constant 0 : index
    %swap3A_1920 = tpu.vector_load %arg20[%swap3A_1919] {strides = array<i32>} : memref<16xf32, #tpu.memory_space<vmem>>, vector<16xf32>,
    tpu.vector_store %arg20[%swap3A_1919], %div3A_1918 {strides = array<i32>} : memref<16xf32, #tpu.memory_space<vmem>>, vector<16xf32>,
    %parallel_loop3A_1921 = arith.constant 0 : i32
    %parallel_loop3A_1922 = arith.constant 16 : i32
    %parallel_loop3A_1923 = arith.constant 1 : i32
    scf.for %parallel_loop3A_2351 = %parallel_loop3A_1921 to %parallel_loop3A_1922 step %parallel_loop3A_1923  : i32 {
      %parallel_loop3A_2352 = arith.constant 1000 : i32
      %parallel_loop3A_2353 = arith.muli %parallel_loop3A_2351, %parallel_loop3A_2352 : i32
      %parallel_loop3A_2354 = arith.constant 0 : i32
      %parallel_loop3A_2355 = vector.broadcast %parallel_loop3A_2354 : i32 to vector<16xi32>
      %parallel_loop3A_2356 = arith.muli %iota3A, %parallel_loop3A_2355 : vector<16xi32>
      %parallel_loop3A_2357 = vector.broadcast %parallel_loop3A_2351 : i32 to vector<16xi32>
      %parallel_loop3A_2358 = arith.addi %parallel_loop3A_2356, %parallel_loop3A_2357 : vector<16xi32>
      %parallel_loop3A_2359 = tpu.vector_load_idx %arg20[%parallel_loop3A_2358] : memref<16xf32, #tpu.memory_space<vmem>>[vector<16xi32>], vector<16xf32>,
      %parallel_loop3A_2360 = arith.constant 1.000000e+00 : f32
      %parallel_loop3A_2361 = vector.broadcast %parallel_loop3A_2360 : f32 to vector<16xf32>
      %parallel_loop3A_2362 = arith.constant 0 : i32
      %parallel_loop3A_2363 = arith.constant 992 : i32
      %parallel_loop3A_2364 = arith.constant 16 : i32
      %parallel_loop3A_2365 = scf.for %parallel_loop3A_2388 = %parallel_loop3A_2362 to %parallel_loop3A_2363 step %parallel_loop3A_2364 iter_args(%parallel_loop3A_2389 = %parallel_loop3A_2361) -> (vector<16xf32>)  : i32 {
        %parallel_loop3A_2390 = arith.addi %parallel_loop3A_2353, %parallel_loop3A_2388 : i32
        %parallel_loop3A_2391 = tpu.assume_multiple %parallel_loop3A_2390, 8 : i32
        %parallel_loop3A_2392 = arith.index_cast %parallel_loop3A_2391 : i32 to index
        %parallel_loop3A_2393 = tpu.vector_load %arg11[%parallel_loop3A_2392] {strides = array<i32>} : memref<16016xf32, #tpu.memory_space<vmem>>, vector<16xf32>,
        %parallel_loop3A_2394 = arith.mulf %parallel_loop3A_2393, %parallel_loop3A_2359 : vector<16xf32>
        %parallel_loop3A_2395 = arith.constant 1.00000095 : f32
        %parallel_loop3A_2396 = vector.broadcast %parallel_loop3A_2395 : f32 to vector<16xf32>
        %parallel_loop3A_2397 = arith.subf %parallel_loop3A_2396, %parallel_loop3A_2394 : vector<16xf32>
        %parallel_loop3A_2398 = arith.mulf %parallel_loop3A_2389, %parallel_loop3A_2397 : vector<16xf32>
        scf.yield %parallel_loop3A_2398 : vector<16xf32>
      } {sc.loop_unroll_factor = 2 : i64, sc.parallel_access}
      %parallel_loop3A_2366 = arith.constant 992 : i32
      %parallel_loop3A_2367 = arith.addi %parallel_loop3A_2353, %parallel_loop3A_2366 : i32
      %parallel_loop3A_2368 = tpu.assume_multiple %parallel_loop3A_2367, 8 : i32
      %parallel_loop3A_2369 = arith.index_cast %parallel_loop3A_2368 : i32 to index
      %parallel_loop3A_2370 = tpu.vector_load %arg9[%parallel_loop3A_2369] {strides = array<i32>} : memref<16016xf32, #tpu.memory_space<vmem>>, vector<16xf32>,
      %parallel_loop3A_2371 = math.exp %parallel_loop3A_2370 : vector<16xf32>
      %parallel_loop3A_2372 = arith.constant 8 : i32
      %parallel_loop3A_2373 = vector.broadcast %parallel_loop3A_2372 : i32 to vector<16xi32>
      %parallel_loop3A_2374 = arith.cmpi slt, %iota3A, %parallel_loop3A_2373 : vector<16xi32>
      %parallel_loop3A_2375 = arith.mulf %parallel_loop3A_2371, %parallel_loop3A_2359 : vector<16xf32>
      %parallel_loop3A_2376 = arith.constant 1.00000095 : f32
      %parallel_loop3A_2377 = vector.broadcast %parallel_loop3A_2376 : f32 to vector<16xf32>
      %parallel_loop3A_2378 = arith.subf %parallel_loop3A_2377, %parallel_loop3A_2375 : vector<16xf32>
      %parallel_loop3A_2379 = arith.constant 1.000000e+00 : f32
      %parallel_loop3A_2380 = vector.broadcast %parallel_loop3A_2379 : f32 to vector<16xf32>
      %parallel_loop3A_2381 = arith.select %parallel_loop3A_2374, %parallel_loop3A_2378, %parallel_loop3A_2380 : vector<16xi1>, vector<16xf32>
      %parallel_loop3A_2382 = arith.mulf %parallel_loop3A_2365, %parallel_loop3A_2381 : vector<16xf32>
      %parallel_loop3A_2383 = arith.constant 16 : i32
      %parallel_loop3A_2384 = arith.muli %parallel_loop3A_2351, %parallel_loop3A_2383 : i32
      %parallel_loop3A_2385 = tpu.assume_multiple %parallel_loop3A_2384, 16 : i32
      %parallel_loop3A_2386 = arith.index_cast %parallel_loop3A_2385 : i32 to index
      %parallel_loop3A_2387 = tpu.vector_load %arg19[%parallel_loop3A_2386] {strides = array<i32>} : memref<256xf32, #tpu.memory_space<vmem>>, vector<16xf32>,
      tpu.vector_store %arg19[%parallel_loop3A_2386], %parallel_loop3A_2382 {strides = array<i32>} : memref<256xf32, #tpu.memory_space<vmem>>, vector<16xf32>,
    } {sc.loop_unroll_factor = 1 : i64, sc.parallel_access}
    %mul3A_1924 = arith.constant 16 : i32
    %mul3A_1925 = vector.broadcast %mul3A_1924 : i32 to vector<16xi32>
    %mul3A_1926 = arith.muli %iota3A, %mul3A_1925 : vector<16xi32>
    %gather3A_1927 = tpu.vector_load_idx %arg19[%mul3A_1926] : memref<256xf32, #tpu.memory_space<vmem>>[vector<16xi32>], vector<16xf32>,
    %mul3A_1928 = arith.constant 16 : i32
    %mul3A_1929 = vector.broadcast %mul3A_1928 : i32 to vector<16xi32>
    %mul3A_1930 = arith.muli %iota3A, %mul3A_1929 : vector<16xi32>
    %add3A_1931 = arith.constant 1 : i32
    %add3A_1932 = vector.broadcast %add3A_1931 : i32 to vector<16xi32>
    %add3A_1933 = arith.addi %mul3A_1930, %add3A_1932 : vector<16xi32>
    %gather3A_1934 = tpu.vector_load_idx %arg19[%add3A_1933] : memref<256xf32, #tpu.memory_space<vmem>>[vector<16xi32>], vector<16xf32>,
    %mul3A_1935 = arith.mulf %gather3A_1927, %gather3A_1934 : vector<16xf32>
    %mul3A_1936 = arith.constant 16 : i32
    %mul3A_1937 = vector.broadcast %mul3A_1936 : i32 to vector<16xi32>
    %mul3A_1938 = arith.muli %iota3A, %mul3A_1937 : vector<16xi32>
    %add3A_1939 = arith.constant 2 : i32
    %add3A_1940 = vector.broadcast %add3A_1939 : i32 to vector<16xi32>
    %add3A_1941 = arith.addi %mul3A_1938, %add3A_1940 : vector<16xi32>
    %gather3A_1942 = tpu.vector_load_idx %arg19[%add3A_1941] : memref<256xf32, #tpu.memory_space<vmem>>[vector<16xi32>], vector<16xf32>,
    %mul3A_1943 = arith.mulf %mul3A_1935, %gather3A_1942 : vector<16xf32>
    %mul3A_1944 = arith.constant 16 : i32
    %mul3A_1945 = vector.broadcast %mul3A_1944 : i32 to vector<16xi32>
    %mul3A_1946 = arith.muli %iota3A, %mul3A_1945 : vector<16xi32>
    %add3A_1947 = arith.constant 3 : i32
    %add3A_1948 = vector.broadcast %add3A_1947 : i32 to vector<16xi32>
    %add3A_1949 = arith.addi %mul3A_1946, %add3A_1948 : vector<16xi32>
    %gather3A_1950 = tpu.vector_load_idx %arg19[%add3A_1949] : memref<256xf32, #tpu.memory_space<vmem>>[vector<16xi32>], vector<16xf32>,
    %mul3A_1951 = arith.mulf %mul3A_1943, %gather3A_1950 : vector<16xf32>
    %mul3A_1952 = arith.constant 16 : i32
    %mul3A_1953 = vector.broadcast %mul3A_1952 : i32 to vector<16xi32>
    %mul3A_1954 = arith.muli %iota3A, %mul3A_1953 : vector<16xi32>
    %add3A_1955 = arith.constant 4 : i32
    %add3A_1956 = vector.broadcast %add3A_1955 : i32 to vector<16xi32>
    %add3A_1957 = arith.addi %mul3A_1954, %add3A_1956 : vector<16xi32>
    %gather3A_1958 = tpu.vector_load_idx %arg19[%add3A_1957] : memref<256xf32, #tpu.memory_space<vmem>>[vector<16xi32>], vector<16xf32>,
    %mul3A_1959 = arith.mulf %mul3A_1951, %gather3A_1958 : vector<16xf32>
    %mul3A_1960 = arith.constant 16 : i32
    %mul3A_1961 = vector.broadcast %mul3A_1960 : i32 to vector<16xi32>
    %mul3A_1962 = arith.muli %iota3A, %mul3A_1961 : vector<16xi32>
    %add3A_1963 = arith.constant 5 : i32
    %add3A_1964 = vector.broadcast %add3A_1963 : i32 to vector<16xi32>
    %add3A_1965 = arith.addi %mul3A_1962, %add3A_1964 : vector<16xi32>
    %gather3A_1966 = tpu.vector_load_idx %arg19[%add3A_1965] : memref<256xf32, #tpu.memory_space<vmem>>[vector<16xi32>], vector<16xf32>,
    %mul3A_1967 = arith.mulf %mul3A_1959, %gather3A_1966 : vector<16xf32>
    %mul3A_1968 = arith.constant 16 : i32
    %mul3A_1969 = vector.broadcast %mul3A_1968 : i32 to vector<16xi32>
    %mul3A_1970 = arith.muli %iota3A, %mul3A_1969 : vector<16xi32>
    %add3A_1971 = arith.constant 6 : i32
    %add3A_1972 = vector.broadcast %add3A_1971 : i32 to vector<16xi32>
    %add3A_1973 = arith.addi %mul3A_1970, %add3A_1972 : vector<16xi32>
    %gather3A_1974 = tpu.vector_load_idx %arg19[%add3A_1973] : memref<256xf32, #tpu.memory_space<vmem>>[vector<16xi32>], vector<16xf32>,
    %mul3A_1975 = arith.mulf %mul3A_1967, %gather3A_1974 : vector<16xf32>
    %mul3A_1976 = arith.constant 16 : i32
    %mul3A_1977 = vector.broadcast %mul3A_1976 : i32 to vector<16xi32>
    %mul3A_1978 = arith.muli %iota3A, %mul3A_1977 : vector<16xi32>
    %add3A_1979 = arith.constant 7 : i32
    %add3A_1980 = vector.broadcast %add3A_1979 : i32 to vector<16xi32>
    %add3A_1981 = arith.addi %mul3A_1978, %add3A_1980 : vector<16xi32>
    %gather3A_1982 = tpu.vector_load_idx %arg19[%add3A_1981] : memref<256xf32, #tpu.memory_space<vmem>>[vector<16xi32>], vector<16xf32>,
    %mul3A_1983 = arith.mulf %mul3A_1975, %gather3A_1982 : vector<16xf32>
    %mul3A_1984 = arith.constant 16 : i32
    %mul3A_1985 = vector.broadcast %mul3A_1984 : i32 to vector<16xi32>
    %mul3A_1986 = arith.muli %iota3A, %mul3A_1985 : vector<16xi32>
    %add3A_1987 = arith.constant 8 : i32
    %add3A_1988 = vector.broadcast %add3A_1987 : i32 to vector<16xi32>
    %add3A_1989 = arith.addi %mul3A_1986, %add3A_1988 : vector<16xi32>
    %gather3A_1990 = tpu.vector_load_idx %arg19[%add3A_1989] : memref<256xf32, #tpu.memory_space<vmem>>[vector<16xi32>], vector<16xf32>,
    %mul3A_1991 = arith.mulf %mul3A_1983, %gather3A_1990 : vector<16xf32>
    %mul3A_1992 = arith.constant 16 : i32
    %mul3A_1993 = vector.broadcast %mul3A_1992 : i32 to vector<16xi32>
    %mul3A_1994 = arith.muli %iota3A, %mul3A_1993 : vector<16xi32>
    %add3A_1995 = arith.constant 9 : i32
    %add3A_1996 = vector.broadcast %add3A_1995 : i32 to vector<16xi32>
    %add3A_1997 = arith.addi %mul3A_1994, %add3A_1996 : vector<16xi32>
    %gather3A_1998 = tpu.vector_load_idx %arg19[%add3A_1997] : memref<256xf32, #tpu.memory_space<vmem>>[vector<16xi32>], vector<16xf32>,
    %mul3A_1999 = arith.mulf %mul3A_1991, %gather3A_1998 : vector<16xf32>
    %mul3A_2000 = arith.constant 16 : i32
    %mul3A_2001 = vector.broadcast %mul3A_2000 : i32 to vector<16xi32>
    %mul3A_2002 = arith.muli %iota3A, %mul3A_2001 : vector<16xi32>
    %add3A_2003 = arith.constant 10 : i32
    %add3A_2004 = vector.broadcast %add3A_2003 : i32 to vector<16xi32>
    %add3A_2005 = arith.addi %mul3A_2002, %add3A_2004 : vector<16xi32>
    %gather3A_2006 = tpu.vector_load_idx %arg19[%add3A_2005] : memref<256xf32, #tpu.memory_space<vmem>>[vector<16xi32>], vector<16xf32>,
    %mul3A_2007 = arith.mulf %mul3A_1999, %gather3A_2006 : vector<16xf32>
    %mul3A_2008 = arith.constant 16 : i32
    %mul3A_2009 = vector.broadcast %mul3A_2008 : i32 to vector<16xi32>
    %mul3A_2010 = arith.muli %iota3A, %mul3A_2009 : vector<16xi32>
    %add3A_2011 = arith.constant 11 : i32
    %add3A_2012 = vector.broadcast %add3A_2011 : i32 to vector<16xi32>
    %add3A_2013 = arith.addi %mul3A_2010, %add3A_2012 : vector<16xi32>
    %gather3A_2014 = tpu.vector_load_idx %arg19[%add3A_2013] : memref<256xf32, #tpu.memory_space<vmem>>[vector<16xi32>], vector<16xf32>,
    %mul3A_2015 = arith.mulf %mul3A_2007, %gather3A_2014 : vector<16xf32>
    %mul3A_2016 = arith.constant 16 : i32
    %mul3A_2017 = vector.broadcast %mul3A_2016 : i32 to vector<16xi32>
    %mul3A_2018 = arith.muli %iota3A, %mul3A_2017 : vector<16xi32>
    %add3A_2019 = arith.constant 12 : i32
    %add3A_2020 = vector.broadcast %add3A_2019 : i32 to vector<16xi32>
    %add3A_2021 = arith.addi %mul3A_2018, %add3A_2020 : vector<16xi32>
    %gather3A_2022 = tpu.vector_load_idx %arg19[%add3A_2021] : memref<256xf32, #tpu.memory_space<vmem>>[vector<16xi32>], vector<16xf32>,
    %mul3A_2023 = arith.mulf %mul3A_2015, %gather3A_2022 : vector<16xf32>
    %mul3A_2024 = arith.constant 16 : i32
    %mul3A_2025 = vector.broadcast %mul3A_2024 : i32 to vector<16xi32>
    %mul3A_2026 = arith.muli %iota3A, %mul3A_2025 : vector<16xi32>
    %add3A_2027 = arith.constant 13 : i32
    %add3A_2028 = vector.broadcast %add3A_2027 : i32 to vector<16xi32>
    %add3A_2029 = arith.addi %mul3A_2026, %add3A_2028 : vector<16xi32>
    %gather3A_2030 = tpu.vector_load_idx %arg19[%add3A_2029] : memref<256xf32, #tpu.memory_space<vmem>>[vector<16xi32>], vector<16xf32>,
    %mul3A_2031 = arith.mulf %mul3A_2023, %gather3A_2030 : vector<16xf32>
    %mul3A_2032 = arith.constant 16 : i32
    %mul3A_2033 = vector.broadcast %mul3A_2032 : i32 to vector<16xi32>
    %mul3A_2034 = arith.muli %iota3A, %mul3A_2033 : vector<16xi32>
    %add3A_2035 = arith.constant 14 : i32
    %add3A_2036 = vector.broadcast %add3A_2035 : i32 to vector<16xi32>
    %add3A_2037 = arith.addi %mul3A_2034, %add3A_2036 : vector<16xi32>
    %gather3A_2038 = tpu.vector_load_idx %arg19[%add3A_2037] : memref<256xf32, #tpu.memory_space<vmem>>[vector<16xi32>], vector<16xf32>,
    %mul3A_2039 = arith.mulf %mul3A_2031, %gather3A_2038 : vector<16xf32>
    %mul3A_2040 = arith.constant 16 : i32
    %mul3A_2041 = vector.broadcast %mul3A_2040 : i32 to vector<16xi32>
    %mul3A_2042 = arith.muli %iota3A, %mul3A_2041 : vector<16xi32>
    %add3A_2043 = arith.constant 15 : i32
    %add3A_2044 = vector.broadcast %add3A_2043 : i32 to vector<16xi32>
    %add3A_2045 = arith.addi %mul3A_2042, %add3A_2044 : vector<16xi32>
    %gather3A_2046 = tpu.vector_load_idx %arg19[%add3A_2045] : memref<256xf32, #tpu.memory_space<vmem>>[vector<16xi32>], vector<16xf32>,
    %mul3A_2047 = arith.mulf %mul3A_2039, %gather3A_2046 : vector<16xf32>
    %get3A_2048 = arith.constant 96 : index
    %get3A_2049 = tpu.vector_load %arg12[%get3A_2048] {strides = array<i32>} : memref<128xi32, #tpu.memory_space<vmem>>, vector<16xi32>,
    %min3A_2050 = arith.constant 999 : i32
    %min3A_2051 = vector.broadcast %min3A_2050 : i32 to vector<16xi32>
    %min3A_2052 = arith.minsi %get3A_2049, %min3A_2051 : vector<16xi32>
    %max3A_2053 = arith.constant 0 : i32
    %max3A_2054 = vector.broadcast %max3A_2053 : i32 to vector<16xi32>
    %max3A_2055 = arith.maxsi %min3A_2052, %max3A_2054 : vector<16xi32>
    %add3A_2056 = arith.addi %mul3A_7, %max3A_2055 : vector<16xi32>
    %gather3A_2057 = tpu.vector_load_idx %arg9[%add3A_2056] : memref<16016xf32, #tpu.memory_space<vmem>>[vector<16xi32>], vector<16xf32>,
    %gather3A_2058 = tpu.vector_load_idx %arg13[%max3A_2055] : memref<1000xf32, #tpu.memory_space<vmem>>[vector<16xi32>], vector<16xf32>,
    %swap3A_2059 = arith.constant 96 : index
    %swap3A_2060 = tpu.vector_load %arg14[%swap3A_2059] {strides = array<i32>} : memref<128xf32, #tpu.memory_space<vmem>>, vector<16xf32>,
    tpu.vector_store %arg14[%swap3A_2059], %add3A_1915 {strides = array<i32>} : memref<128xf32, #tpu.memory_space<vmem>>, vector<16xf32>,
    %swap3A_2061 = arith.constant 96 : index
    %swap3A_2062 = tpu.vector_load %arg15[%swap3A_2061] {strides = array<i32>} : memref<128xf32, #tpu.memory_space<vmem>>, vector<16xf32>,
    tpu.vector_store %arg15[%swap3A_2061], %mul3A_2047 {strides = array<i32>} : memref<128xf32, #tpu.memory_space<vmem>>, vector<16xf32>,
    %swap3A_2063 = arith.constant 96 : index
    %swap3A_2064 = tpu.vector_load %arg16[%swap3A_2063] {strides = array<i32>} : memref<128xf32, #tpu.memory_space<vmem>>, vector<16xf32>,
    tpu.vector_store %arg16[%swap3A_2063], %gather3A_2057 {strides = array<i32>} : memref<128xf32, #tpu.memory_space<vmem>>, vector<16xf32>,
    %swap3A_2065 = arith.constant 96 : index
    %swap3A_2066 = tpu.vector_load %arg17[%swap3A_2065] {strides = array<i32>} : memref<128xf32, #tpu.memory_space<vmem>>, vector<16xf32>,
    tpu.vector_store %arg17[%swap3A_2065], %gather3A_2058 {strides = array<i32>} : memref<128xf32, #tpu.memory_space<vmem>>, vector<16xf32>,
    %dma_wait3A_2067 = arith.constant 0 : i32
    %dma_wait3A_2068 = tpu.memref_slice %arg10[%dma_wait3A_2067] : memref<16016xf32, #tpu.memory_space<vmem>> -> memref<16000xf32, #tpu.memory_space<vmem>>
    %dma_wait3A_2069 = tpu.memref_slice %arg2[%mul3A_1776] : memref<16384000xf32, #tpu.memory_space<hbm>> -> memref<16000xf32, #tpu.memory_space<hbm>>
    %dma_wait3A_2070 = arith.constant 0 : i32
    %dma_wait3A_2071 = tpu.memref_slice %arg10[%dma_wait3A_2070] : memref<16016xf32, #tpu.memory_space<vmem>> -> memref<16000xf32, #tpu.memory_space<vmem>>
    %dma_wait3A_2072 = tpu.memref_slice %arg2[%mul3A_1776] : memref<16384000xf32, #tpu.memory_space<hbm>> -> memref<16000xf32, #tpu.memory_space<hbm>>
    tpu.wait_dma2 semaphore(%arg21 : memref<!tpu.dma_semaphore, #tpu.memory_space<semaphore_mem>>) src(%dma_wait3A_2072 : memref<16000xf32, #tpu.memory_space<hbm>>) dst(%dma_wait3A_2071 : memref<16000xf32, #tpu.memory_space<vmem>>)
    %parallel_loop3A_2073 = arith.constant 0 : i32
    %parallel_loop3A_2074 = arith.constant 16 : i32
    %parallel_loop3A_2075 = arith.constant 1 : i32
    scf.for %parallel_loop3A_2351 = %parallel_loop3A_2073 to %parallel_loop3A_2074 step %parallel_loop3A_2075  : i32 {
      %parallel_loop3A_2352 = arith.constant 1000 : i32
      %parallel_loop3A_2353 = arith.muli %parallel_loop3A_2351, %parallel_loop3A_2352 : i32
      %parallel_loop3A_2354 = arith.constant 0.000000e+00 : f32
      %parallel_loop3A_2355 = vector.broadcast %parallel_loop3A_2354 : f32 to vector<16xf32>
      %parallel_loop3A_2356 = arith.constant 0 : i32
      %parallel_loop3A_2357 = arith.constant 992 : i32
      %parallel_loop3A_2358 = arith.constant 16 : i32
      %parallel_loop3A_2359 = scf.for %parallel_loop3A_2378 = %parallel_loop3A_2356 to %parallel_loop3A_2357 step %parallel_loop3A_2358 iter_args(%parallel_loop3A_2379 = %parallel_loop3A_2355) -> (vector<16xf32>)  : i32 {
        %parallel_loop3A_2380 = arith.addi %parallel_loop3A_2353, %parallel_loop3A_2378 : i32
        %parallel_loop3A_2381 = tpu.assume_multiple %parallel_loop3A_2380, 8 : i32
        %parallel_loop3A_2382 = arith.index_cast %parallel_loop3A_2381 : i32 to index
        %parallel_loop3A_2383 = tpu.vector_load %arg10[%parallel_loop3A_2382] {strides = array<i32>} : memref<16016xf32, #tpu.memory_space<vmem>>, vector<16xf32>,
        %parallel_loop3A_2384 = math.exp %parallel_loop3A_2383 : vector<16xf32>
        %parallel_loop3A_2385 = arith.index_cast %parallel_loop3A_2381 : i32 to index
        %parallel_loop3A_2386 = tpu.vector_load %arg11[%parallel_loop3A_2385] {strides = array<i32>} : memref<16016xf32, #tpu.memory_space<vmem>>, vector<16xf32>,
        tpu.vector_store %arg11[%parallel_loop3A_2385], %parallel_loop3A_2384 {strides = array<i32>} : memref<16016xf32, #tpu.memory_space<vmem>>, vector<16xf32>,
        %parallel_loop3A_2387 = arith.addf %parallel_loop3A_2379, %parallel_loop3A_2384 : vector<16xf32>
        scf.yield %parallel_loop3A_2387 : vector<16xf32>
      } {sc.loop_unroll_factor = 2 : i64, sc.parallel_access}
      %parallel_loop3A_2360 = arith.constant 992 : i32
      %parallel_loop3A_2361 = arith.addi %parallel_loop3A_2353, %parallel_loop3A_2360 : i32
      %parallel_loop3A_2362 = tpu.assume_multiple %parallel_loop3A_2361, 8 : i32
      %parallel_loop3A_2363 = arith.index_cast %parallel_loop3A_2362 : i32 to index
      %parallel_loop3A_2364 = tpu.vector_load %arg10[%parallel_loop3A_2363] {strides = array<i32>} : memref<16016xf32, #tpu.memory_space<vmem>>, vector<16xf32>,
      %parallel_loop3A_2365 = math.exp %parallel_loop3A_2364 : vector<16xf32>
      %parallel_loop3A_2366 = arith.constant 8 : i32
      %parallel_loop3A_2367 = vector.broadcast %parallel_loop3A_2366 : i32 to vector<16xi32>
      %parallel_loop3A_2368 = arith.cmpi slt, %iota3A, %parallel_loop3A_2367 : vector<16xi32>
      %parallel_loop3A_2369 = arith.constant 0.000000e+00 : f32
      %parallel_loop3A_2370 = vector.broadcast %parallel_loop3A_2369 : f32 to vector<16xf32>
      %parallel_loop3A_2371 = arith.select %parallel_loop3A_2368, %parallel_loop3A_2365, %parallel_loop3A_2370 : vector<16xi1>, vector<16xf32>
      %parallel_loop3A_2372 = arith.addf %parallel_loop3A_2359, %parallel_loop3A_2371 : vector<16xf32>
      %parallel_loop3A_2373 = arith.constant 16 : i32
      %parallel_loop3A_2374 = arith.muli %parallel_loop3A_2351, %parallel_loop3A_2373 : i32
      %parallel_loop3A_2375 = tpu.assume_multiple %parallel_loop3A_2374, 16 : i32
      %parallel_loop3A_2376 = arith.index_cast %parallel_loop3A_2375 : i32 to index
      %parallel_loop3A_2377 = tpu.vector_load %arg18[%parallel_loop3A_2376] {strides = array<i32>} : memref<256xf32, #tpu.memory_space<vmem>>, vector<16xf32>,
      tpu.vector_store %arg18[%parallel_loop3A_2376], %parallel_loop3A_2372 {strides = array<i32>} : memref<256xf32, #tpu.memory_space<vmem>>, vector<16xf32>,
    } {sc.loop_unroll_factor = 1 : i64, sc.parallel_access}
    %mul3A_2076 = arith.constant 16 : i32
    %mul3A_2077 = vector.broadcast %mul3A_2076 : i32 to vector<16xi32>
    %mul3A_2078 = arith.muli %iota3A, %mul3A_2077 : vector<16xi32>
    %gather3A_2079 = tpu.vector_load_idx %arg18[%mul3A_2078] : memref<256xf32, #tpu.memory_space<vmem>>[vector<16xi32>], vector<16xf32>,
    %mul3A_2080 = arith.constant 16 : i32
    %mul3A_2081 = vector.broadcast %mul3A_2080 : i32 to vector<16xi32>
    %mul3A_2082 = arith.muli %iota3A, %mul3A_2081 : vector<16xi32>
    %add3A_2083 = arith.constant 1 : i32
    %add3A_2084 = vector.broadcast %add3A_2083 : i32 to vector<16xi32>
    %add3A_2085 = arith.addi %mul3A_2082, %add3A_2084 : vector<16xi32>
    %gather3A_2086 = tpu.vector_load_idx %arg18[%add3A_2085] : memref<256xf32, #tpu.memory_space<vmem>>[vector<16xi32>], vector<16xf32>,
    %add3A_2087 = arith.addf %gather3A_2079, %gather3A_2086 : vector<16xf32>
    %mul3A_2088 = arith.constant 16 : i32
    %mul3A_2089 = vector.broadcast %mul3A_2088 : i32 to vector<16xi32>
    %mul3A_2090 = arith.muli %iota3A, %mul3A_2089 : vector<16xi32>
    %add3A_2091 = arith.constant 2 : i32
    %add3A_2092 = vector.broadcast %add3A_2091 : i32 to vector<16xi32>
    %add3A_2093 = arith.addi %mul3A_2090, %add3A_2092 : vector<16xi32>
    %gather3A_2094 = tpu.vector_load_idx %arg18[%add3A_2093] : memref<256xf32, #tpu.memory_space<vmem>>[vector<16xi32>], vector<16xf32>,
    %add3A_2095 = arith.addf %add3A_2087, %gather3A_2094 : vector<16xf32>
    %mul3A_2096 = arith.constant 16 : i32
    %mul3A_2097 = vector.broadcast %mul3A_2096 : i32 to vector<16xi32>
    %mul3A_2098 = arith.muli %iota3A, %mul3A_2097 : vector<16xi32>
    %add3A_2099 = arith.constant 3 : i32
    %add3A_2100 = vector.broadcast %add3A_2099 : i32 to vector<16xi32>
    %add3A_2101 = arith.addi %mul3A_2098, %add3A_2100 : vector<16xi32>
    %gather3A_2102 = tpu.vector_load_idx %arg18[%add3A_2101] : memref<256xf32, #tpu.memory_space<vmem>>[vector<16xi32>], vector<16xf32>,
    %add3A_2103 = arith.addf %add3A_2095, %gather3A_2102 : vector<16xf32>
    %mul3A_2104 = arith.constant 16 : i32
    %mul3A_2105 = vector.broadcast %mul3A_2104 : i32 to vector<16xi32>
    %mul3A_2106 = arith.muli %iota3A, %mul3A_2105 : vector<16xi32>
    %add3A_2107 = arith.constant 4 : i32
    %add3A_2108 = vector.broadcast %add3A_2107 : i32 to vector<16xi32>
    %add3A_2109 = arith.addi %mul3A_2106, %add3A_2108 : vector<16xi32>
    %gather3A_2110 = tpu.vector_load_idx %arg18[%add3A_2109] : memref<256xf32, #tpu.memory_space<vmem>>[vector<16xi32>], vector<16xf32>,
    %add3A_2111 = arith.addf %add3A_2103, %gather3A_2110 : vector<16xf32>
    %mul3A_2112 = arith.constant 16 : i32
    %mul3A_2113 = vector.broadcast %mul3A_2112 : i32 to vector<16xi32>
    %mul3A_2114 = arith.muli %iota3A, %mul3A_2113 : vector<16xi32>
    %add3A_2115 = arith.constant 5 : i32
    %add3A_2116 = vector.broadcast %add3A_2115 : i32 to vector<16xi32>
    %add3A_2117 = arith.addi %mul3A_2114, %add3A_2116 : vector<16xi32>
    %gather3A_2118 = tpu.vector_load_idx %arg18[%add3A_2117] : memref<256xf32, #tpu.memory_space<vmem>>[vector<16xi32>], vector<16xf32>,
    %add3A_2119 = arith.addf %add3A_2111, %gather3A_2118 : vector<16xf32>
    %mul3A_2120 = arith.constant 16 : i32
    %mul3A_2121 = vector.broadcast %mul3A_2120 : i32 to vector<16xi32>
    %mul3A_2122 = arith.muli %iota3A, %mul3A_2121 : vector<16xi32>
    %add3A_2123 = arith.constant 6 : i32
    %add3A_2124 = vector.broadcast %add3A_2123 : i32 to vector<16xi32>
    %add3A_2125 = arith.addi %mul3A_2122, %add3A_2124 : vector<16xi32>
    %gather3A_2126 = tpu.vector_load_idx %arg18[%add3A_2125] : memref<256xf32, #tpu.memory_space<vmem>>[vector<16xi32>], vector<16xf32>,
    %add3A_2127 = arith.addf %add3A_2119, %gather3A_2126 : vector<16xf32>
    %mul3A_2128 = arith.constant 16 : i32
    %mul3A_2129 = vector.broadcast %mul3A_2128 : i32 to vector<16xi32>
    %mul3A_2130 = arith.muli %iota3A, %mul3A_2129 : vector<16xi32>
    %add3A_2131 = arith.constant 7 : i32
    %add3A_2132 = vector.broadcast %add3A_2131 : i32 to vector<16xi32>
    %add3A_2133 = arith.addi %mul3A_2130, %add3A_2132 : vector<16xi32>
    %gather3A_2134 = tpu.vector_load_idx %arg18[%add3A_2133] : memref<256xf32, #tpu.memory_space<vmem>>[vector<16xi32>], vector<16xf32>,
    %add3A_2135 = arith.addf %add3A_2127, %gather3A_2134 : vector<16xf32>
    %mul3A_2136 = arith.constant 16 : i32
    %mul3A_2137 = vector.broadcast %mul3A_2136 : i32 to vector<16xi32>
    %mul3A_2138 = arith.muli %iota3A, %mul3A_2137 : vector<16xi32>
    %add3A_2139 = arith.constant 8 : i32
    %add3A_2140 = vector.broadcast %add3A_2139 : i32 to vector<16xi32>
    %add3A_2141 = arith.addi %mul3A_2138, %add3A_2140 : vector<16xi32>
    %gather3A_2142 = tpu.vector_load_idx %arg18[%add3A_2141] : memref<256xf32, #tpu.memory_space<vmem>>[vector<16xi32>], vector<16xf32>,
    %add3A_2143 = arith.addf %add3A_2135, %gather3A_2142 : vector<16xf32>
    %mul3A_2144 = arith.constant 16 : i32
    %mul3A_2145 = vector.broadcast %mul3A_2144 : i32 to vector<16xi32>
    %mul3A_2146 = arith.muli %iota3A, %mul3A_2145 : vector<16xi32>
    %add3A_2147 = arith.constant 9 : i32
    %add3A_2148 = vector.broadcast %add3A_2147 : i32 to vector<16xi32>
    %add3A_2149 = arith.addi %mul3A_2146, %add3A_2148 : vector<16xi32>
    %gather3A_2150 = tpu.vector_load_idx %arg18[%add3A_2149] : memref<256xf32, #tpu.memory_space<vmem>>[vector<16xi32>], vector<16xf32>,
    %add3A_2151 = arith.addf %add3A_2143, %gather3A_2150 : vector<16xf32>
    %mul3A_2152 = arith.constant 16 : i32
    %mul3A_2153 = vector.broadcast %mul3A_2152 : i32 to vector<16xi32>
    %mul3A_2154 = arith.muli %iota3A, %mul3A_2153 : vector<16xi32>
    %add3A_2155 = arith.constant 10 : i32
    %add3A_2156 = vector.broadcast %add3A_2155 : i32 to vector<16xi32>
    %add3A_2157 = arith.addi %mul3A_2154, %add3A_2156 : vector<16xi32>
    %gather3A_2158 = tpu.vector_load_idx %arg18[%add3A_2157] : memref<256xf32, #tpu.memory_space<vmem>>[vector<16xi32>], vector<16xf32>,
    %add3A_2159 = arith.addf %add3A_2151, %gather3A_2158 : vector<16xf32>
    %mul3A_2160 = arith.constant 16 : i32
    %mul3A_2161 = vector.broadcast %mul3A_2160 : i32 to vector<16xi32>
    %mul3A_2162 = arith.muli %iota3A, %mul3A_2161 : vector<16xi32>
    %add3A_2163 = arith.constant 11 : i32
    %add3A_2164 = vector.broadcast %add3A_2163 : i32 to vector<16xi32>
    %add3A_2165 = arith.addi %mul3A_2162, %add3A_2164 : vector<16xi32>
    %gather3A_2166 = tpu.vector_load_idx %arg18[%add3A_2165] : memref<256xf32, #tpu.memory_space<vmem>>[vector<16xi32>], vector<16xf32>,
    %add3A_2167 = arith.addf %add3A_2159, %gather3A_2166 : vector<16xf32>
    %mul3A_2168 = arith.constant 16 : i32
    %mul3A_2169 = vector.broadcast %mul3A_2168 : i32 to vector<16xi32>
    %mul3A_2170 = arith.muli %iota3A, %mul3A_2169 : vector<16xi32>
    %add3A_2171 = arith.constant 12 : i32
    %add3A_2172 = vector.broadcast %add3A_2171 : i32 to vector<16xi32>
    %add3A_2173 = arith.addi %mul3A_2170, %add3A_2172 : vector<16xi32>
    %gather3A_2174 = tpu.vector_load_idx %arg18[%add3A_2173] : memref<256xf32, #tpu.memory_space<vmem>>[vector<16xi32>], vector<16xf32>,
    %add3A_2175 = arith.addf %add3A_2167, %gather3A_2174 : vector<16xf32>
    %mul3A_2176 = arith.constant 16 : i32
    %mul3A_2177 = vector.broadcast %mul3A_2176 : i32 to vector<16xi32>
    %mul3A_2178 = arith.muli %iota3A, %mul3A_2177 : vector<16xi32>
    %add3A_2179 = arith.constant 13 : i32
    %add3A_2180 = vector.broadcast %add3A_2179 : i32 to vector<16xi32>
    %add3A_2181 = arith.addi %mul3A_2178, %add3A_2180 : vector<16xi32>
    %gather3A_2182 = tpu.vector_load_idx %arg18[%add3A_2181] : memref<256xf32, #tpu.memory_space<vmem>>[vector<16xi32>], vector<16xf32>,
    %add3A_2183 = arith.addf %add3A_2175, %gather3A_2182 : vector<16xf32>
    %mul3A_2184 = arith.constant 16 : i32
    %mul3A_2185 = vector.broadcast %mul3A_2184 : i32 to vector<16xi32>
    %mul3A_2186 = arith.muli %iota3A, %mul3A_2185 : vector<16xi32>
    %add3A_2187 = arith.constant 14 : i32
    %add3A_2188 = vector.broadcast %add3A_2187 : i32 to vector<16xi32>
    %add3A_2189 = arith.addi %mul3A_2186, %add3A_2188 : vector<16xi32>
    %gather3A_2190 = tpu.vector_load_idx %arg18[%add3A_2189] : memref<256xf32, #tpu.memory_space<vmem>>[vector<16xi32>], vector<16xf32>,
    %add3A_2191 = arith.addf %add3A_2183, %gather3A_2190 : vector<16xf32>
    %mul3A_2192 = arith.constant 16 : i32
    %mul3A_2193 = vector.broadcast %mul3A_2192 : i32 to vector<16xi32>
    %mul3A_2194 = arith.muli %iota3A, %mul3A_2193 : vector<16xi32>
    %add3A_2195 = arith.constant 15 : i32
    %add3A_2196 = vector.broadcast %add3A_2195 : i32 to vector<16xi32>
    %add3A_2197 = arith.addi %mul3A_2194, %add3A_2196 : vector<16xi32>
    %gather3A_2198 = tpu.vector_load_idx %arg18[%add3A_2197] : memref<256xf32, #tpu.memory_space<vmem>>[vector<16xi32>], vector<16xf32>,
    %add3A_2199 = arith.addf %add3A_2191, %gather3A_2198 : vector<16xf32>
    %div3A_2200 = arith.constant 1.000000e+00 : f32
    %div3A_2201 = vector.broadcast %div3A_2200 : f32 to vector<16xf32>
    %div3A_2202 = arith.divf %div3A_2201, %add3A_2199 : vector<16xf32>
    %swap3A_2203 = arith.constant 0 : index
    %swap3A_2204 = tpu.vector_load %arg20[%swap3A_2203] {strides = array<i32>} : memref<16xf32, #tpu.memory_space<vmem>>, vector<16xf32>,
    tpu.vector_store %arg20[%swap3A_2203], %div3A_2202 {strides = array<i32>} : memref<16xf32, #tpu.memory_space<vmem>>, vector<16xf32>,
    %parallel_loop3A_2205 = arith.constant 0 : i32
    %parallel_loop3A_2206 = arith.constant 16 : i32
    %parallel_loop3A_2207 = arith.constant 1 : i32
    scf.for %parallel_loop3A_2351 = %parallel_loop3A_2205 to %parallel_loop3A_2206 step %parallel_loop3A_2207  : i32 {
      %parallel_loop3A_2352 = arith.constant 1000 : i32
      %parallel_loop3A_2353 = arith.muli %parallel_loop3A_2351, %parallel_loop3A_2352 : i32
      %parallel_loop3A_2354 = arith.constant 0 : i32
      %parallel_loop3A_2355 = vector.broadcast %parallel_loop3A_2354 : i32 to vector<16xi32>
      %parallel_loop3A_2356 = arith.muli %iota3A, %parallel_loop3A_2355 : vector<16xi32>
      %parallel_loop3A_2357 = vector.broadcast %parallel_loop3A_2351 : i32 to vector<16xi32>
      %parallel_loop3A_2358 = arith.addi %parallel_loop3A_2356, %parallel_loop3A_2357 : vector<16xi32>
      %parallel_loop3A_2359 = tpu.vector_load_idx %arg20[%parallel_loop3A_2358] : memref<16xf32, #tpu.memory_space<vmem>>[vector<16xi32>], vector<16xf32>,
      %parallel_loop3A_2360 = arith.constant 1.000000e+00 : f32
      %parallel_loop3A_2361 = vector.broadcast %parallel_loop3A_2360 : f32 to vector<16xf32>
      %parallel_loop3A_2362 = arith.constant 0 : i32
      %parallel_loop3A_2363 = arith.constant 992 : i32
      %parallel_loop3A_2364 = arith.constant 16 : i32
      %parallel_loop3A_2365 = scf.for %parallel_loop3A_2388 = %parallel_loop3A_2362 to %parallel_loop3A_2363 step %parallel_loop3A_2364 iter_args(%parallel_loop3A_2389 = %parallel_loop3A_2361) -> (vector<16xf32>)  : i32 {
        %parallel_loop3A_2390 = arith.addi %parallel_loop3A_2353, %parallel_loop3A_2388 : i32
        %parallel_loop3A_2391 = tpu.assume_multiple %parallel_loop3A_2390, 8 : i32
        %parallel_loop3A_2392 = arith.index_cast %parallel_loop3A_2391 : i32 to index
        %parallel_loop3A_2393 = tpu.vector_load %arg11[%parallel_loop3A_2392] {strides = array<i32>} : memref<16016xf32, #tpu.memory_space<vmem>>, vector<16xf32>,
        %parallel_loop3A_2394 = arith.mulf %parallel_loop3A_2393, %parallel_loop3A_2359 : vector<16xf32>
        %parallel_loop3A_2395 = arith.constant 1.00000095 : f32
        %parallel_loop3A_2396 = vector.broadcast %parallel_loop3A_2395 : f32 to vector<16xf32>
        %parallel_loop3A_2397 = arith.subf %parallel_loop3A_2396, %parallel_loop3A_2394 : vector<16xf32>
        %parallel_loop3A_2398 = arith.mulf %parallel_loop3A_2389, %parallel_loop3A_2397 : vector<16xf32>
        scf.yield %parallel_loop3A_2398 : vector<16xf32>
      } {sc.loop_unroll_factor = 2 : i64, sc.parallel_access}
      %parallel_loop3A_2366 = arith.constant 992 : i32
      %parallel_loop3A_2367 = arith.addi %parallel_loop3A_2353, %parallel_loop3A_2366 : i32
      %parallel_loop3A_2368 = tpu.assume_multiple %parallel_loop3A_2367, 8 : i32
      %parallel_loop3A_2369 = arith.index_cast %parallel_loop3A_2368 : i32 to index
      %parallel_loop3A_2370 = tpu.vector_load %arg10[%parallel_loop3A_2369] {strides = array<i32>} : memref<16016xf32, #tpu.memory_space<vmem>>, vector<16xf32>,
      %parallel_loop3A_2371 = math.exp %parallel_loop3A_2370 : vector<16xf32>
      %parallel_loop3A_2372 = arith.constant 8 : i32
      %parallel_loop3A_2373 = vector.broadcast %parallel_loop3A_2372 : i32 to vector<16xi32>
      %parallel_loop3A_2374 = arith.cmpi slt, %iota3A, %parallel_loop3A_2373 : vector<16xi32>
      %parallel_loop3A_2375 = arith.mulf %parallel_loop3A_2371, %parallel_loop3A_2359 : vector<16xf32>
      %parallel_loop3A_2376 = arith.constant 1.00000095 : f32
      %parallel_loop3A_2377 = vector.broadcast %parallel_loop3A_2376 : f32 to vector<16xf32>
      %parallel_loop3A_2378 = arith.subf %parallel_loop3A_2377, %parallel_loop3A_2375 : vector<16xf32>
      %parallel_loop3A_2379 = arith.constant 1.000000e+00 : f32
      %parallel_loop3A_2380 = vector.broadcast %parallel_loop3A_2379 : f32 to vector<16xf32>
      %parallel_loop3A_2381 = arith.select %parallel_loop3A_2374, %parallel_loop3A_2378, %parallel_loop3A_2380 : vector<16xi1>, vector<16xf32>
      %parallel_loop3A_2382 = arith.mulf %parallel_loop3A_2365, %parallel_loop3A_2381 : vector<16xf32>
      %parallel_loop3A_2383 = arith.constant 16 : i32
      %parallel_loop3A_2384 = arith.muli %parallel_loop3A_2351, %parallel_loop3A_2383 : i32
      %parallel_loop3A_2385 = tpu.assume_multiple %parallel_loop3A_2384, 16 : i32
      %parallel_loop3A_2386 = arith.index_cast %parallel_loop3A_2385 : i32 to index
      %parallel_loop3A_2387 = tpu.vector_load %arg19[%parallel_loop3A_2386] {strides = array<i32>} : memref<256xf32, #tpu.memory_space<vmem>>, vector<16xf32>,
      tpu.vector_store %arg19[%parallel_loop3A_2386], %parallel_loop3A_2382 {strides = array<i32>} : memref<256xf32, #tpu.memory_space<vmem>>, vector<16xf32>,
    } {sc.loop_unroll_factor = 1 : i64, sc.parallel_access}
    %mul3A_2208 = arith.constant 16 : i32
    %mul3A_2209 = vector.broadcast %mul3A_2208 : i32 to vector<16xi32>
    %mul3A_2210 = arith.muli %iota3A, %mul3A_2209 : vector<16xi32>
    %gather3A_2211 = tpu.vector_load_idx %arg19[%mul3A_2210] : memref<256xf32, #tpu.memory_space<vmem>>[vector<16xi32>], vector<16xf32>,
    %mul3A_2212 = arith.constant 16 : i32
    %mul3A_2213 = vector.broadcast %mul3A_2212 : i32 to vector<16xi32>
    %mul3A_2214 = arith.muli %iota3A, %mul3A_2213 : vector<16xi32>
    %add3A_2215 = arith.constant 1 : i32
    %add3A_2216 = vector.broadcast %add3A_2215 : i32 to vector<16xi32>
    %add3A_2217 = arith.addi %mul3A_2214, %add3A_2216 : vector<16xi32>
    %gather3A_2218 = tpu.vector_load_idx %arg19[%add3A_2217] : memref<256xf32, #tpu.memory_space<vmem>>[vector<16xi32>], vector<16xf32>,
    %mul3A_2219 = arith.mulf %gather3A_2211, %gather3A_2218 : vector<16xf32>
    %mul3A_2220 = arith.constant 16 : i32
    %mul3A_2221 = vector.broadcast %mul3A_2220 : i32 to vector<16xi32>
    %mul3A_2222 = arith.muli %iota3A, %mul3A_2221 : vector<16xi32>
    %add3A_2223 = arith.constant 2 : i32
    %add3A_2224 = vector.broadcast %add3A_2223 : i32 to vector<16xi32>
    %add3A_2225 = arith.addi %mul3A_2222, %add3A_2224 : vector<16xi32>
    %gather3A_2226 = tpu.vector_load_idx %arg19[%add3A_2225] : memref<256xf32, #tpu.memory_space<vmem>>[vector<16xi32>], vector<16xf32>,
    %mul3A_2227 = arith.mulf %mul3A_2219, %gather3A_2226 : vector<16xf32>
    %mul3A_2228 = arith.constant 16 : i32
    %mul3A_2229 = vector.broadcast %mul3A_2228 : i32 to vector<16xi32>
    %mul3A_2230 = arith.muli %iota3A, %mul3A_2229 : vector<16xi32>
    %add3A_2231 = arith.constant 3 : i32
    %add3A_2232 = vector.broadcast %add3A_2231 : i32 to vector<16xi32>
    %add3A_2233 = arith.addi %mul3A_2230, %add3A_2232 : vector<16xi32>
    %gather3A_2234 = tpu.vector_load_idx %arg19[%add3A_2233] : memref<256xf32, #tpu.memory_space<vmem>>[vector<16xi32>], vector<16xf32>,
    %mul3A_2235 = arith.mulf %mul3A_2227, %gather3A_2234 : vector<16xf32>
    %mul3A_2236 = arith.constant 16 : i32
    %mul3A_2237 = vector.broadcast %mul3A_2236 : i32 to vector<16xi32>
    %mul3A_2238 = arith.muli %iota3A, %mul3A_2237 : vector<16xi32>
    %add3A_2239 = arith.constant 4 : i32
    %add3A_2240 = vector.broadcast %add3A_2239 : i32 to vector<16xi32>
    %add3A_2241 = arith.addi %mul3A_2238, %add3A_2240 : vector<16xi32>
    %gather3A_2242 = tpu.vector_load_idx %arg19[%add3A_2241] : memref<256xf32, #tpu.memory_space<vmem>>[vector<16xi32>], vector<16xf32>,
    %mul3A_2243 = arith.mulf %mul3A_2235, %gather3A_2242 : vector<16xf32>
    %mul3A_2244 = arith.constant 16 : i32
    %mul3A_2245 = vector.broadcast %mul3A_2244 : i32 to vector<16xi32>
    %mul3A_2246 = arith.muli %iota3A, %mul3A_2245 : vector<16xi32>
    %add3A_2247 = arith.constant 5 : i32
    %add3A_2248 = vector.broadcast %add3A_2247 : i32 to vector<16xi32>
    %add3A_2249 = arith.addi %mul3A_2246, %add3A_2248 : vector<16xi32>
    %gather3A_2250 = tpu.vector_load_idx %arg19[%add3A_2249] : memref<256xf32, #tpu.memory_space<vmem>>[vector<16xi32>], vector<16xf32>,
    %mul3A_2251 = arith.mulf %mul3A_2243, %gather3A_2250 : vector<16xf32>
    %mul3A_2252 = arith.constant 16 : i32
    %mul3A_2253 = vector.broadcast %mul3A_2252 : i32 to vector<16xi32>
    %mul3A_2254 = arith.muli %iota3A, %mul3A_2253 : vector<16xi32>
    %add3A_2255 = arith.constant 6 : i32
    %add3A_2256 = vector.broadcast %add3A_2255 : i32 to vector<16xi32>
    %add3A_2257 = arith.addi %mul3A_2254, %add3A_2256 : vector<16xi32>
    %gather3A_2258 = tpu.vector_load_idx %arg19[%add3A_2257] : memref<256xf32, #tpu.memory_space<vmem>>[vector<16xi32>], vector<16xf32>,
    %mul3A_2259 = arith.mulf %mul3A_2251, %gather3A_2258 : vector<16xf32>
    %mul3A_2260 = arith.constant 16 : i32
    %mul3A_2261 = vector.broadcast %mul3A_2260 : i32 to vector<16xi32>
    %mul3A_2262 = arith.muli %iota3A, %mul3A_2261 : vector<16xi32>
    %add3A_2263 = arith.constant 7 : i32
    %add3A_2264 = vector.broadcast %add3A_2263 : i32 to vector<16xi32>
    %add3A_2265 = arith.addi %mul3A_2262, %add3A_2264 : vector<16xi32>
    %gather3A_2266 = tpu.vector_load_idx %arg19[%add3A_2265] : memref<256xf32, #tpu.memory_space<vmem>>[vector<16xi32>], vector<16xf32>,
    %mul3A_2267 = arith.mulf %mul3A_2259, %gather3A_2266 : vector<16xf32>
    %mul3A_2268 = arith.constant 16 : i32
    %mul3A_2269 = vector.broadcast %mul3A_2268 : i32 to vector<16xi32>
    %mul3A_2270 = arith.muli %iota3A, %mul3A_2269 : vector<16xi32>
    %add3A_2271 = arith.constant 8 : i32
    %add3A_2272 = vector.broadcast %add3A_2271 : i32 to vector<16xi32>
    %add3A_2273 = arith.addi %mul3A_2270, %add3A_2272 : vector<16xi32>
    %gather3A_2274 = tpu.vector_load_idx %arg19[%add3A_2273] : memref<256xf32, #tpu.memory_space<vmem>>[vector<16xi32>], vector<16xf32>,
    %mul3A_2275 = arith.mulf %mul3A_2267, %gather3A_2274 : vector<16xf32>
    %mul3A_2276 = arith.constant 16 : i32
    %mul3A_2277 = vector.broadcast %mul3A_2276 : i32 to vector<16xi32>
    %mul3A_2278 = arith.muli %iota3A, %mul3A_2277 : vector<16xi32>
    %add3A_2279 = arith.constant 9 : i32
    %add3A_2280 = vector.broadcast %add3A_2279 : i32 to vector<16xi32>
    %add3A_2281 = arith.addi %mul3A_2278, %add3A_2280 : vector<16xi32>
    %gather3A_2282 = tpu.vector_load_idx %arg19[%add3A_2281] : memref<256xf32, #tpu.memory_space<vmem>>[vector<16xi32>], vector<16xf32>,
    %mul3A_2283 = arith.mulf %mul3A_2275, %gather3A_2282 : vector<16xf32>
    %mul3A_2284 = arith.constant 16 : i32
    %mul3A_2285 = vector.broadcast %mul3A_2284 : i32 to vector<16xi32>
    %mul3A_2286 = arith.muli %iota3A, %mul3A_2285 : vector<16xi32>
    %add3A_2287 = arith.constant 10 : i32
    %add3A_2288 = vector.broadcast %add3A_2287 : i32 to vector<16xi32>
    %add3A_2289 = arith.addi %mul3A_2286, %add3A_2288 : vector<16xi32>
    %gather3A_2290 = tpu.vector_load_idx %arg19[%add3A_2289] : memref<256xf32, #tpu.memory_space<vmem>>[vector<16xi32>], vector<16xf32>,
    %mul3A_2291 = arith.mulf %mul3A_2283, %gather3A_2290 : vector<16xf32>
    %mul3A_2292 = arith.constant 16 : i32
    %mul3A_2293 = vector.broadcast %mul3A_2292 : i32 to vector<16xi32>
    %mul3A_2294 = arith.muli %iota3A, %mul3A_2293 : vector<16xi32>
    %add3A_2295 = arith.constant 11 : i32
    %add3A_2296 = vector.broadcast %add3A_2295 : i32 to vector<16xi32>
    %add3A_2297 = arith.addi %mul3A_2294, %add3A_2296 : vector<16xi32>
    %gather3A_2298 = tpu.vector_load_idx %arg19[%add3A_2297] : memref<256xf32, #tpu.memory_space<vmem>>[vector<16xi32>], vector<16xf32>,
    %mul3A_2299 = arith.mulf %mul3A_2291, %gather3A_2298 : vector<16xf32>
    %mul3A_2300 = arith.constant 16 : i32
    %mul3A_2301 = vector.broadcast %mul3A_2300 : i32 to vector<16xi32>
    %mul3A_2302 = arith.muli %iota3A, %mul3A_2301 : vector<16xi32>
    %add3A_2303 = arith.constant 12 : i32
    %add3A_2304 = vector.broadcast %add3A_2303 : i32 to vector<16xi32>
    %add3A_2305 = arith.addi %mul3A_2302, %add3A_2304 : vector<16xi32>
    %gather3A_2306 = tpu.vector_load_idx %arg19[%add3A_2305] : memref<256xf32, #tpu.memory_space<vmem>>[vector<16xi32>], vector<16xf32>,
    %mul3A_2307 = arith.mulf %mul3A_2299, %gather3A_2306 : vector<16xf32>
    %mul3A_2308 = arith.constant 16 : i32
    %mul3A_2309 = vector.broadcast %mul3A_2308 : i32 to vector<16xi32>
    %mul3A_2310 = arith.muli %iota3A, %mul3A_2309 : vector<16xi32>
    %add3A_2311 = arith.constant 13 : i32
    %add3A_2312 = vector.broadcast %add3A_2311 : i32 to vector<16xi32>
    %add3A_2313 = arith.addi %mul3A_2310, %add3A_2312 : vector<16xi32>
    %gather3A_2314 = tpu.vector_load_idx %arg19[%add3A_2313] : memref<256xf32, #tpu.memory_space<vmem>>[vector<16xi32>], vector<16xf32>,
    %mul3A_2315 = arith.mulf %mul3A_2307, %gather3A_2314 : vector<16xf32>
    %mul3A_2316 = arith.constant 16 : i32
    %mul3A_2317 = vector.broadcast %mul3A_2316 : i32 to vector<16xi32>
    %mul3A_2318 = arith.muli %iota3A, %mul3A_2317 : vector<16xi32>
    %add3A_2319 = arith.constant 14 : i32
    %add3A_2320 = vector.broadcast %add3A_2319 : i32 to vector<16xi32>
    %add3A_2321 = arith.addi %mul3A_2318, %add3A_2320 : vector<16xi32>
    %gather3A_2322 = tpu.vector_load_idx %arg19[%add3A_2321] : memref<256xf32, #tpu.memory_space<vmem>>[vector<16xi32>], vector<16xf32>,
    %mul3A_2323 = arith.mulf %mul3A_2315, %gather3A_2322 : vector<16xf32>
    %mul3A_2324 = arith.constant 16 : i32
    %mul3A_2325 = vector.broadcast %mul3A_2324 : i32 to vector<16xi32>
    %mul3A_2326 = arith.muli %iota3A, %mul3A_2325 : vector<16xi32>
    %add3A_2327 = arith.constant 15 : i32
    %add3A_2328 = vector.broadcast %add3A_2327 : i32 to vector<16xi32>
    %add3A_2329 = arith.addi %mul3A_2326, %add3A_2328 : vector<16xi32>
    %gather3A_2330 = tpu.vector_load_idx %arg19[%add3A_2329] : memref<256xf32, #tpu.memory_space<vmem>>[vector<16xi32>], vector<16xf32>,
    %mul3A_2331 = arith.mulf %mul3A_2323, %gather3A_2330 : vector<16xf32>
    %get3A_2332 = arith.constant 112 : index
    %get3A_2333 = tpu.vector_load %arg12[%get3A_2332] {strides = array<i32>} : memref<128xi32, #tpu.memory_space<vmem>>, vector<16xi32>,
    %min3A_2334 = arith.constant 999 : i32
    %min3A_2335 = vector.broadcast %min3A_2334 : i32 to vector<16xi32>
    %min3A_2336 = arith.minsi %get3A_2333, %min3A_2335 : vector<16xi32>
    %max3A_2337 = arith.constant 0 : i32
    %max3A_2338 = vector.broadcast %max3A_2337 : i32 to vector<16xi32>
    %max3A_2339 = arith.maxsi %min3A_2336, %max3A_2338 : vector<16xi32>
    %add3A_2340 = arith.addi %mul3A_7, %max3A_2339 : vector<16xi32>
    %gather3A_2341 = tpu.vector_load_idx %arg10[%add3A_2340] : memref<16016xf32, #tpu.memory_space<vmem>>[vector<16xi32>], vector<16xf32>,
    %gather3A_2342 = tpu.vector_load_idx %arg13[%max3A_2339] : memref<1000xf32, #tpu.memory_space<vmem>>[vector<16xi32>], vector<16xf32>,
    %swap3A_2343 = arith.constant 112 : index
    %swap3A_2344 = tpu.vector_load %arg14[%swap3A_2343] {strides = array<i32>} : memref<128xf32, #tpu.memory_space<vmem>>, vector<16xf32>,
    tpu.vector_store %arg14[%swap3A_2343], %add3A_2199 {strides = array<i32>} : memref<128xf32, #tpu.memory_space<vmem>>, vector<16xf32>,
    %swap3A_2345 = arith.constant 112 : index
    %swap3A_2346 = tpu.vector_load %arg15[%swap3A_2345] {strides = array<i32>} : memref<128xf32, #tpu.memory_space<vmem>>, vector<16xf32>,
    tpu.vector_store %arg15[%swap3A_2345], %mul3A_2331 {strides = array<i32>} : memref<128xf32, #tpu.memory_space<vmem>>, vector<16xf32>,
    %swap3A_2347 = arith.constant 112 : index
    %swap3A_2348 = tpu.vector_load %arg16[%swap3A_2347] {strides = array<i32>} : memref<128xf32, #tpu.memory_space<vmem>>, vector<16xf32>,
    tpu.vector_store %arg16[%swap3A_2347], %gather3A_2341 {strides = array<i32>} : memref<128xf32, #tpu.memory_space<vmem>>, vector<16xf32>,
    %swap3A_2349 = arith.constant 112 : index
    %swap3A_2350 = tpu.vector_load %arg17[%swap3A_2349] {strides = array<i32>} : memref<128xf32, #tpu.memory_space<vmem>>, vector<16xf32>,
    tpu.vector_store %arg17[%swap3A_2349], %gather3A_2342 {strides = array<i32>} : memref<128xf32, #tpu.memory_space<vmem>>, vector<16xf32>,
    "tpu.region"() ({
      %run_scoped3A = tpu.sem_alloc : memref<!tpu.dma_semaphore, #tpu.memory_space<semaphore_mem>>
      %dma_start3A_2351 = arith.constant 0 : i32
      %dma_start3A_2352 = tpu.memref_slice %arg5[%add3A, %dma_start3A_2351] : memref<32x128xf32, #tpu.memory_space<hbm>> -> memref<1x128xf32, #tpu.memory_space<hbm>>
      %dma_start3A_2353 = tpu.memref_squeeze %dma_start3A_2352 : memref<1x128xf32, #tpu.memory_space<hbm>> -> memref<128xf32, #tpu.memory_space<hbm>>
      %dma_start3A_2354 = arith.constant 0 : i32
      %dma_start3A_2355 = tpu.memref_slice %arg5[%add3A, %dma_start3A_2354] : memref<32x128xf32, #tpu.memory_space<hbm>> -> memref<1x128xf32, #tpu.memory_space<hbm>>
      %dma_start3A_2356 = tpu.memref_squeeze %dma_start3A_2355 : memref<1x128xf32, #tpu.memory_space<hbm>> -> memref<128xf32, #tpu.memory_space<hbm>>
      tpu.enqueue_dma source(%arg14 : memref<128xf32, #tpu.memory_space<vmem>>) target(%dma_start3A_2356 : memref<128xf32, #tpu.memory_space<hbm>>) target_semaphore(%run_scoped3A : memref<!tpu.dma_semaphore, #tpu.memory_space<semaphore_mem>>)
      %dma_wait3A_2357 = arith.constant 0 : i32
      %dma_wait3A_2358 = tpu.memref_slice %arg5[%add3A, %dma_wait3A_2357] : memref<32x128xf32, #tpu.memory_space<hbm>> -> memref<1x128xf32, #tpu.memory_space<hbm>>
      %dma_wait3A_2359 = tpu.memref_squeeze %dma_wait3A_2358 : memref<1x128xf32, #tpu.memory_space<hbm>> -> memref<128xf32, #tpu.memory_space<hbm>>
      %dma_wait3A_2360 = arith.constant 0 : i32
      %dma_wait3A_2361 = tpu.memref_slice %arg5[%add3A, %dma_wait3A_2360] : memref<32x128xf32, #tpu.memory_space<hbm>> -> memref<1x128xf32, #tpu.memory_space<hbm>>
      %dma_wait3A_2362 = tpu.memref_squeeze %dma_wait3A_2361 : memref<1x128xf32, #tpu.memory_space<hbm>> -> memref<128xf32, #tpu.memory_space<hbm>>
      tpu.wait_dma2 semaphore(%run_scoped3A : memref<!tpu.dma_semaphore, #tpu.memory_space<semaphore_mem>>) src(%arg14 : memref<128xf32, #tpu.memory_space<vmem>>) dst(%dma_wait3A_2362 : memref<128xf32, #tpu.memory_space<hbm>>)
      tpu.yield
    }) : () -> ()
    "tpu.region"() ({
      %run_scoped3A = tpu.sem_alloc : memref<!tpu.dma_semaphore, #tpu.memory_space<semaphore_mem>>
      %dma_start3A_2351 = arith.constant 0 : i32
      %dma_start3A_2352 = tpu.memref_slice %arg6[%add3A, %dma_start3A_2351] : memref<32x128xf32, #tpu.memory_space<hbm>> -> memref<1x128xf32, #tpu.memory_space<hbm>>
      %dma_start3A_2353 = tpu.memref_squeeze %dma_start3A_2352 : memref<1x128xf32, #tpu.memory_space<hbm>> -> memref<128xf32, #tpu.memory_space<hbm>>
      %dma_start3A_2354 = arith.constant 0 : i32
      %dma_start3A_2355 = tpu.memref_slice %arg6[%add3A, %dma_start3A_2354] : memref<32x128xf32, #tpu.memory_space<hbm>> -> memref<1x128xf32, #tpu.memory_space<hbm>>
      %dma_start3A_2356 = tpu.memref_squeeze %dma_start3A_2355 : memref<1x128xf32, #tpu.memory_space<hbm>> -> memref<128xf32, #tpu.memory_space<hbm>>
      tpu.enqueue_dma source(%arg15 : memref<128xf32, #tpu.memory_space<vmem>>) target(%dma_start3A_2356 : memref<128xf32, #tpu.memory_space<hbm>>) target_semaphore(%run_scoped3A : memref<!tpu.dma_semaphore, #tpu.memory_space<semaphore_mem>>)
      %dma_wait3A_2357 = arith.constant 0 : i32
      %dma_wait3A_2358 = tpu.memref_slice %arg6[%add3A, %dma_wait3A_2357] : memref<32x128xf32, #tpu.memory_space<hbm>> -> memref<1x128xf32, #tpu.memory_space<hbm>>
      %dma_wait3A_2359 = tpu.memref_squeeze %dma_wait3A_2358 : memref<1x128xf32, #tpu.memory_space<hbm>> -> memref<128xf32, #tpu.memory_space<hbm>>
      %dma_wait3A_2360 = arith.constant 0 : i32
      %dma_wait3A_2361 = tpu.memref_slice %arg6[%add3A, %dma_wait3A_2360] : memref<32x128xf32, #tpu.memory_space<hbm>> -> memref<1x128xf32, #tpu.memory_space<hbm>>
      %dma_wait3A_2362 = tpu.memref_squeeze %dma_wait3A_2361 : memref<1x128xf32, #tpu.memory_space<hbm>> -> memref<128xf32, #tpu.memory_space<hbm>>
      tpu.wait_dma2 semaphore(%run_scoped3A : memref<!tpu.dma_semaphore, #tpu.memory_space<semaphore_mem>>) src(%arg15 : memref<128xf32, #tpu.memory_space<vmem>>) dst(%dma_wait3A_2362 : memref<128xf32, #tpu.memory_space<hbm>>)
      tpu.yield
    }) : () -> ()
    "tpu.region"() ({
      %run_scoped3A = tpu.sem_alloc : memref<!tpu.dma_semaphore, #tpu.memory_space<semaphore_mem>>
      %dma_start3A_2351 = arith.constant 0 : i32
      %dma_start3A_2352 = tpu.memref_slice %arg7[%add3A, %dma_start3A_2351] : memref<32x128xf32, #tpu.memory_space<hbm>> -> memref<1x128xf32, #tpu.memory_space<hbm>>
      %dma_start3A_2353 = tpu.memref_squeeze %dma_start3A_2352 : memref<1x128xf32, #tpu.memory_space<hbm>> -> memref<128xf32, #tpu.memory_space<hbm>>
      %dma_start3A_2354 = arith.constant 0 : i32
      %dma_start3A_2355 = tpu.memref_slice %arg7[%add3A, %dma_start3A_2354] : memref<32x128xf32, #tpu.memory_space<hbm>> -> memref<1x128xf32, #tpu.memory_space<hbm>>
      %dma_start3A_2356 = tpu.memref_squeeze %dma_start3A_2355 : memref<1x128xf32, #tpu.memory_space<hbm>> -> memref<128xf32, #tpu.memory_space<hbm>>
      tpu.enqueue_dma source(%arg16 : memref<128xf32, #tpu.memory_space<vmem>>) target(%dma_start3A_2356 : memref<128xf32, #tpu.memory_space<hbm>>) target_semaphore(%run_scoped3A : memref<!tpu.dma_semaphore, #tpu.memory_space<semaphore_mem>>)
      %dma_wait3A_2357 = arith.constant 0 : i32
      %dma_wait3A_2358 = tpu.memref_slice %arg7[%add3A, %dma_wait3A_2357] : memref<32x128xf32, #tpu.memory_space<hbm>> -> memref<1x128xf32, #tpu.memory_space<hbm>>
      %dma_wait3A_2359 = tpu.memref_squeeze %dma_wait3A_2358 : memref<1x128xf32, #tpu.memory_space<hbm>> -> memref<128xf32, #tpu.memory_space<hbm>>
      %dma_wait3A_2360 = arith.constant 0 : i32
      %dma_wait3A_2361 = tpu.memref_slice %arg7[%add3A, %dma_wait3A_2360] : memref<32x128xf32, #tpu.memory_space<hbm>> -> memref<1x128xf32, #tpu.memory_space<hbm>>
      %dma_wait3A_2362 = tpu.memref_squeeze %dma_wait3A_2361 : memref<1x128xf32, #tpu.memory_space<hbm>> -> memref<128xf32, #tpu.memory_space<hbm>>
      tpu.wait_dma2 semaphore(%run_scoped3A : memref<!tpu.dma_semaphore, #tpu.memory_space<semaphore_mem>>) src(%arg16 : memref<128xf32, #tpu.memory_space<vmem>>) dst(%dma_wait3A_2362 : memref<128xf32, #tpu.memory_space<hbm>>)
      tpu.yield
    }) : () -> ()
    "tpu.region"() ({
      %run_scoped3A = tpu.sem_alloc : memref<!tpu.dma_semaphore, #tpu.memory_space<semaphore_mem>>
      %dma_start3A_2351 = arith.constant 0 : i32
      %dma_start3A_2352 = tpu.memref_slice %arg8[%add3A, %dma_start3A_2351] : memref<32x128xf32, #tpu.memory_space<hbm>> -> memref<1x128xf32, #tpu.memory_space<hbm>>
      %dma_start3A_2353 = tpu.memref_squeeze %dma_start3A_2352 : memref<1x128xf32, #tpu.memory_space<hbm>> -> memref<128xf32, #tpu.memory_space<hbm>>
      %dma_start3A_2354 = arith.constant 0 : i32
      %dma_start3A_2355 = tpu.memref_slice %arg8[%add3A, %dma_start3A_2354] : memref<32x128xf32, #tpu.memory_space<hbm>> -> memref<1x128xf32, #tpu.memory_space<hbm>>
      %dma_start3A_2356 = tpu.memref_squeeze %dma_start3A_2355 : memref<1x128xf32, #tpu.memory_space<hbm>> -> memref<128xf32, #tpu.memory_space<hbm>>
      tpu.enqueue_dma source(%arg17 : memref<128xf32, #tpu.memory_space<vmem>>) target(%dma_start3A_2356 : memref<128xf32, #tpu.memory_space<hbm>>) target_semaphore(%run_scoped3A : memref<!tpu.dma_semaphore, #tpu.memory_space<semaphore_mem>>)
      %dma_wait3A_2357 = arith.constant 0 : i32
      %dma_wait3A_2358 = tpu.memref_slice %arg8[%add3A, %dma_wait3A_2357] : memref<32x128xf32, #tpu.memory_space<hbm>> -> memref<1x128xf32, #tpu.memory_space<hbm>>
      %dma_wait3A_2359 = tpu.memref_squeeze %dma_wait3A_2358 : memref<1x128xf32, #tpu.memory_space<hbm>> -> memref<128xf32, #tpu.memory_space<hbm>>
      %dma_wait3A_2360 = arith.constant 0 : i32
      %dma_wait3A_2361 = tpu.memref_slice %arg8[%add3A, %dma_wait3A_2360] : memref<32x128xf32, #tpu.memory_space<hbm>> -> memref<1x128xf32, #tpu.memory_space<hbm>>
      %dma_wait3A_2362 = tpu.memref_squeeze %dma_wait3A_2361 : memref<1x128xf32, #tpu.memory_space<hbm>> -> memref<128xf32, #tpu.memory_space<hbm>>
      tpu.wait_dma2 semaphore(%run_scoped3A : memref<!tpu.dma_semaphore, #tpu.memory_space<semaphore_mem>>) src(%arg17 : memref<128xf32, #tpu.memory_space<vmem>>) dst(%dma_wait3A_2362 : memref<128xf32, #tpu.memory_space<hbm>>)
      tpu.yield
    }) : () -> ()
    return
  }
}

module attributes {stable_mosaic.version = 14 : i64} {
  func.func @_tc_body(%arg0: i32, %arg1: memref<2048x1000xf32, #tpu.memory_space<vmem>>, %arg2: memref<2048x1xi32, #tpu.memory_space<vmem>>, %arg3: memref<1x1000xf32, #tpu.memory_space<vmem>>, %arg4: memref<1x1x1xf32, #tpu.memory_space<vmem>>, %arg5: memref<1x1x1xf32, #tpu.memory_space<vmem>>, %arg6: memref<1x1x1xf32, #tpu.memory_space<vmem>>, %arg7: memref<1x1x1xf32, #tpu.memory_space<vmem>>, %arg8: memref<1x1x1xf32, #tpu.memory_space<vmem>>, %arg9: memref<1x1x1xf32, #tpu.memory_space<vmem>>) attributes {dimension_semantics = [#tpu.dimension_semantics<arbitrary>], iteration_bounds = array<i64: 6>, scalar_prefetch = 0 : i64, scratch_operands = 0 : i64, tpu.core_type = #tpu.core_type<tc>, window_params = [{transform_indices = @transform_0, window_bounds = array<i64: 2048, 1000>}, {transform_indices = @transform_1, window_bounds = array<i64: 2048, 1>}, {pipeline_mode = #tpu.pipeline_mode<synchronous>, transform_indices = @transform_2, window_bounds = array<i64: 1, 1000>}, {pipeline_mode = #tpu.pipeline_mode<synchronous>, transform_indices = @transform_3, window_bounds = array<i64: 1, 1, 1>}, {pipeline_mode = #tpu.pipeline_mode<synchronous>, transform_indices = @transform_4, window_bounds = array<i64: 1, 1, 1>}, {pipeline_mode = #tpu.pipeline_mode<synchronous>, transform_indices = @transform_5, window_bounds = array<i64: 1, 1, 1>}, {pipeline_mode = #tpu.pipeline_mode<synchronous>, transform_indices = @transform_6, window_bounds = array<i64: 1, 1, 1>}, {pipeline_mode = #tpu.pipeline_mode<synchronous>, transform_indices = @transform_7, window_bounds = array<i64: 1, 1, 1>}, {pipeline_mode = #tpu.pipeline_mode<synchronous>, transform_indices = @transform_8, window_bounds = array<i64: 1, 1, 1>}]} {
    %get3A = arith.constant 0 : index
    %get3A_0 = arith.constant 0 : index
    %get3A_1 = vector.load %arg1[%get3A, %get3A_0] : memref<2048x1000xf32, #tpu.memory_space<vmem>>, vector<2048x1000xf32>
    %get3A_2 = arith.constant 0 : index
    %get3A_3 = arith.constant 0 : index
    %get3A_4 = vector.load %arg2[%get3A_2, %get3A_3] : memref<2048x1xi32, #tpu.memory_space<vmem>>, vector<2048x1xi32>
    %get3A_5 = arith.constant 0 : index
    %get3A_6 = arith.constant 0 : index
    %get3A_7 = vector.load %arg3[%get3A_5, %get3A_6] : memref<1x1000xf32, #tpu.memory_space<vmem>>, vector<1x1000xf32>
    %reduce_max3A = arith.constant dense<0xFF800000> : vector<2048xf32>
    %reduce_max3A_8 = vector.multi_reduction <maximumf>, %get3A_1, %reduce_max3A [1] : vector<2048x1000xf32> to vector<2048xf32>
    %broadcast_in_dim3A = vector.shape_cast %reduce_max3A_8 : vector<2048xf32> to vector<2048x1xf32>
    %sub3A = vector.broadcast %broadcast_in_dim3A : vector<2048x1xf32> to vector<2048x1000xf32>
    %sub3A_9 = arith.subf %get3A_1, %sub3A : vector<2048x1000xf32>
    %exp3A = math.exp %sub3A_9 : vector<2048x1000xf32>
    %reduce_sum3A = arith.constant dense<0.000000e+00> : vector<2048xf32>
    %reduce_sum3A_10 = vector.multi_reduction <add>, %exp3A, %reduce_sum3A [1] : vector<2048x1000xf32> to vector<2048xf32>
    %broadcast_in_dim3A_11 = vector.shape_cast %reduce_sum3A_10 : vector<2048xf32> to vector<2048x1xf32>
    %div3A = arith.constant 1.000000e+00 : f32
    %div3A_12 = vector.broadcast %div3A : f32 to vector<2048x1xf32>
    %div3A_13 = arith.divf %div3A_12, %broadcast_in_dim3A_11 : vector<2048x1xf32>
    %mul3A = vector.broadcast %div3A_13 : vector<2048x1xf32> to vector<2048x1000xf32>
    %mul3A_14 = arith.mulf %exp3A, %mul3A : vector<2048x1000xf32>
    %log3A = math.log %broadcast_in_dim3A_11 : vector<2048x1xf32>
    %sub3A_15 = arith.constant 1.00000095 : f32
    %sub3A_16 = vector.broadcast %sub3A_15 : f32 to vector<2048x1000xf32>
    %sub3A_17 = arith.subf %sub3A_16, %mul3A_14 : vector<2048x1000xf32>
    %slice3A = vector.extract_strided_slice %sub3A_17 {offsets = [0, 0], sizes = [2048, 128], strides = [1, 1]} : vector<2048x1000xf32> to vector<2048x128xf32>
    %slice3A_18 = vector.extract_strided_slice %sub3A_17 {offsets = [0, 128], sizes = [2048, 128], strides = [1, 1]} : vector<2048x1000xf32> to vector<2048x128xf32>
    %mul3A_19 = arith.mulf %slice3A, %slice3A_18 : vector<2048x128xf32>
    %slice3A_20 = vector.extract_strided_slice %sub3A_17 {offsets = [0, 256], sizes = [2048, 128], strides = [1, 1]} : vector<2048x1000xf32> to vector<2048x128xf32>
    %mul3A_21 = arith.mulf %mul3A_19, %slice3A_20 : vector<2048x128xf32>
    %slice3A_22 = vector.extract_strided_slice %sub3A_17 {offsets = [0, 384], sizes = [2048, 128], strides = [1, 1]} : vector<2048x1000xf32> to vector<2048x128xf32>
    %mul3A_23 = arith.mulf %mul3A_21, %slice3A_22 : vector<2048x128xf32>
    %slice3A_24 = vector.extract_strided_slice %sub3A_17 {offsets = [0, 512], sizes = [2048, 128], strides = [1, 1]} : vector<2048x1000xf32> to vector<2048x128xf32>
    %mul3A_25 = arith.mulf %mul3A_23, %slice3A_24 : vector<2048x128xf32>
    %slice3A_26 = vector.extract_strided_slice %sub3A_17 {offsets = [0, 640], sizes = [2048, 128], strides = [1, 1]} : vector<2048x1000xf32> to vector<2048x128xf32>
    %mul3A_27 = arith.mulf %mul3A_25, %slice3A_26 : vector<2048x128xf32>
    %slice3A_28 = vector.extract_strided_slice %sub3A_17 {offsets = [0, 768], sizes = [2048, 128], strides = [1, 1]} : vector<2048x1000xf32> to vector<2048x128xf32>
    %mul3A_29 = arith.mulf %mul3A_27, %slice3A_28 : vector<2048x128xf32>
    %slice3A_30 = vector.extract_strided_slice %sub3A_17 {offsets = [0, 896], sizes = [2048, 104], strides = [1, 1]} : vector<2048x1000xf32> to vector<2048x104xf32>
    %broadcast_in_dim3A_31 = arith.constant 1.000000e+00 : f32
    %broadcast_in_dim3A_32 = vector.broadcast %broadcast_in_dim3A_31 : f32 to vector<2048x24xf32>
    %concatenate3A = tpu.concatenate %slice3A_30, %broadcast_in_dim3A_32 in 1 : vector<2048x104xf32>, vector<2048x24xf32> -> vector<2048x128xf32>
    %mul3A_33 = arith.mulf %mul3A_29, %concatenate3A : vector<2048x128xf32>
    %log3A_34 = math.log %mul3A_33 : vector<2048x128xf32>
    %neg3A = arith.constant 0.000000e+00 : f32
    %neg3A_35 = vector.broadcast %neg3A : f32 to vector<2048x128xf32>
    %neg3A_36 = arith.subf %neg3A_35, %log3A_34 : vector<2048x128xf32>
    %reduce_sum3A_37 = arith.constant dense<0.000000e+00> : vector<2048xf32>
    %reduce_sum3A_38 = vector.multi_reduction <add>, %neg3A_36, %reduce_sum3A_37 [1] : vector<2048x128xf32> to vector<2048xf32>
    %broadcast_in_dim3A_39 = vector.shape_cast %reduce_sum3A_38 : vector<2048xf32> to vector<2048x1xf32>
    %jit3A = arith.constant 0 : i32
    %jit3A_40 = arith.constant 999 : i32
    %max3A = vector.broadcast %jit3A : i32 to vector<2048x1xi32>
    %max3A_41 = arith.maxsi %max3A, %get3A_4 : vector<2048x1xi32>
    %min3A = vector.broadcast %jit3A_40 : i32 to vector<2048x1xi32>
    %min3A_42 = arith.minsi %min3A, %max3A_41 : vector<2048x1xi32>
    %iota3A = tpu.iota {dimensions = array<i32: 1>} : vector<2048x1000xi32>
    %eq3A = vector.broadcast %min3A_42 : vector<2048x1xi32> to vector<2048x1000xi32>
    %eq3A_43 = arith.cmpi eq, %iota3A, %eq3A : vector<2048x1000xi32>
    %convert_element_type3A = arith.extui %eq3A_43 : vector<2048x1000xi1> to vector<2048x1000xi32>
    %convert_element_type3A_44 = arith.sitofp %convert_element_type3A : vector<2048x1000xi32> to vector<2048x1000xf32>
    %mul3A_45 = arith.mulf %get3A_1, %convert_element_type3A_44 : vector<2048x1000xf32>
    %reduce_sum3A_46 = arith.constant dense<0.000000e+00> : vector<2048xf32>
    %reduce_sum3A_47 = vector.multi_reduction <add>, %mul3A_45, %reduce_sum3A_46 [1] : vector<2048x1000xf32> to vector<2048xf32>
    %broadcast_in_dim3A_48 = vector.shape_cast %reduce_sum3A_47 : vector<2048xf32> to vector<2048x1xf32>
    %mul3A_49 = vector.broadcast %get3A_7 : vector<1x1000xf32> to vector<2048x1000xf32>
    %mul3A_50 = arith.mulf %mul3A_49, %convert_element_type3A_44 : vector<2048x1000xf32>
    %reduce_sum3A_51 = arith.constant dense<0.000000e+00> : vector<2048xf32>
    %reduce_sum3A_52 = vector.multi_reduction <add>, %mul3A_50, %reduce_sum3A_51 [1] : vector<2048x1000xf32> to vector<2048xf32>
    %broadcast_in_dim3A_53 = vector.shape_cast %reduce_sum3A_52 : vector<2048xf32> to vector<2048x1xf32>
    %sub3A_54 = arith.subf %broadcast_in_dim3A_48, %broadcast_in_dim3A : vector<2048x1xf32>
    %exp3A_55 = math.exp %sub3A_54 : vector<2048x1xf32>
    %mul3A_56 = arith.mulf %exp3A_55, %div3A_13 : vector<2048x1xf32>
    %le3A = arith.constant 999 : i32
    %le3A_57 = vector.broadcast %le3A : i32 to vector<2048x1xi32>
    %le3A_58 = arith.cmpi sle, %get3A_4, %le3A_57 : vector<2048x1xi32>
    %convert_element_type3A_59 = arith.extui %le3A_58 : vector<2048x1xi1> to vector<2048x1xi32>
    %convert_element_type3A_60 = arith.sitofp %convert_element_type3A_59 : vector<2048x1xi32> to vector<2048x1xf32>
    %sub3A_61 = arith.constant 1.000000e+00 : f32
    %sub3A_62 = vector.broadcast %sub3A_61 : f32 to vector<2048x1xf32>
    %sub3A_63 = arith.subf %sub3A_62, %convert_element_type3A_60 : vector<2048x1xf32>
    %log3A_64 = arith.constant 1.00000095 : f32
    %log3A_65 = math.log %log3A_64 : f32
    %neg3A_66 = arith.constant 0.000000e+00 : f32
    %neg3A_67 = arith.subf %neg3A_66, %log3A_65 : f32
    %mul3A_68 = arith.mulf %sub3A_63, %broadcast_in_dim3A_39 : vector<2048x1xf32>
    %reduce_sum3A_69 = vector.shape_cast %mul3A_68 : vector<2048x1xf32> to vector<1x2048x1xf32>
    %reduce_sum3A_70 = arith.constant dense<0.000000e+00> : vector<1xf32>
    %reduce_sum3A_71 = vector.multi_reduction <add>, %reduce_sum3A_69, %reduce_sum3A_70 [1, 2] : vector<1x2048x1xf32> to vector<1xf32>
    %reduce_sum3A_72 = vector.shape_cast %reduce_sum3A_71 : vector<1xf32> to vector<1x1x1xf32>
    %reduce_sum3A_73 = vector.extract %reduce_sum3A_72[0, 0, 0] : f32 from vector<1x1x1xf32>
    %reshape3A = vector.broadcast %reduce_sum3A_73 : f32 to vector<1x1x1xf32>
    %reduce_sum3A_74 = vector.shape_cast %sub3A_63 : vector<2048x1xf32> to vector<1x2048x1xf32>
    %reduce_sum3A_75 = arith.constant dense<0.000000e+00> : vector<1xf32>
    %reduce_sum3A_76 = vector.multi_reduction <add>, %reduce_sum3A_74, %reduce_sum3A_75 [1, 2] : vector<1x2048x1xf32> to vector<1xf32>
    %reduce_sum3A_77 = vector.shape_cast %reduce_sum3A_76 : vector<1xf32> to vector<1x1x1xf32>
    %reduce_sum3A_78 = vector.extract %reduce_sum3A_77[0, 0, 0] : f32 from vector<1x1x1xf32>
    %reshape3A_79 = vector.broadcast %reduce_sum3A_78 : f32 to vector<1x1x1xf32>
    %reduce_sum3A_80 = vector.shape_cast %convert_element_type3A_60 : vector<2048x1xf32> to vector<1x2048x1xf32>
    %reduce_sum3A_81 = arith.constant dense<0.000000e+00> : vector<1xf32>
    %reduce_sum3A_82 = vector.multi_reduction <add>, %reduce_sum3A_80, %reduce_sum3A_81 [1, 2] : vector<1x2048x1xf32> to vector<1xf32>
    %reduce_sum3A_83 = vector.shape_cast %reduce_sum3A_82 : vector<1xf32> to vector<1x1x1xf32>
    %reduce_sum3A_84 = vector.extract %reduce_sum3A_83[0, 0, 0] : f32 from vector<1x1x1xf32>
    %reshape3A_85 = vector.broadcast %reduce_sum3A_84 : f32 to vector<1x1x1xf32>
    %mul3A_86 = arith.mulf %convert_element_type3A_60, %broadcast_in_dim3A_53 : vector<2048x1xf32>
    %sub3A_87 = arith.constant 1.00000095 : f32
    %sub3A_88 = vector.broadcast %sub3A_87 : f32 to vector<2048x1xf32>
    %sub3A_89 = arith.subf %sub3A_88, %mul3A_56 : vector<2048x1xf32>
    %log3A_90 = math.log %sub3A_89 : vector<2048x1xf32>
    %neg3A_91 = arith.constant 0.000000e+00 : f32
    %neg3A_92 = vector.broadcast %neg3A_91 : f32 to vector<2048x1xf32>
    %neg3A_93 = arith.subf %neg3A_92, %log3A_90 : vector<2048x1xf32>
    %sub3A_94 = vector.broadcast %neg3A_67 : f32 to vector<2048x1xf32>
    %sub3A_95 = arith.subf %neg3A_93, %sub3A_94 : vector<2048x1xf32>
    %mul3A_96 = arith.mulf %mul3A_86, %sub3A_95 : vector<2048x1xf32>
    %reduce_sum3A_97 = vector.shape_cast %mul3A_96 : vector<2048x1xf32> to vector<1x2048x1xf32>
    %reduce_sum3A_98 = arith.constant dense<0.000000e+00> : vector<1xf32>
    %reduce_sum3A_99 = vector.multi_reduction <add>, %reduce_sum3A_97, %reduce_sum3A_98 [1, 2] : vector<1x2048x1xf32> to vector<1xf32>
    %reduce_sum3A_100 = vector.shape_cast %reduce_sum3A_99 : vector<1xf32> to vector<1x1x1xf32>
    %reduce_sum3A_101 = vector.extract %reduce_sum3A_100[0, 0, 0] : f32 from vector<1x1x1xf32>
    %reshape3A_102 = vector.broadcast %reduce_sum3A_101 : f32 to vector<1x1x1xf32>
    %sub3A_103 = arith.subf %broadcast_in_dim3A_48, %broadcast_in_dim3A : vector<2048x1xf32>
    %sub3A_104 = arith.subf %sub3A_103, %log3A : vector<2048x1xf32>
    %mul3A_105 = arith.mulf %convert_element_type3A_60, %sub3A_104 : vector<2048x1xf32>
    %reduce_sum3A_106 = vector.shape_cast %mul3A_105 : vector<2048x1xf32> to vector<1x2048x1xf32>
    %reduce_sum3A_107 = arith.constant dense<0.000000e+00> : vector<1xf32>
    %reduce_sum3A_108 = vector.multi_reduction <add>, %reduce_sum3A_106, %reduce_sum3A_107 [1, 2] : vector<1x2048x1xf32> to vector<1xf32>
    %reduce_sum3A_109 = vector.shape_cast %reduce_sum3A_108 : vector<1xf32> to vector<1x1x1xf32>
    %reduce_sum3A_110 = vector.extract %reduce_sum3A_109[0, 0, 0] : f32 from vector<1x1x1xf32>
    %reshape3A_111 = vector.broadcast %reduce_sum3A_110 : f32 to vector<1x1x1xf32>
    %eq3A_112 = arith.constant 0 : i32
    %eq3A_113 = arith.cmpi eq, %arg0, %eq3A_112 : i32
    %convert_element_type3A_114 = arith.extui %eq3A_113 : i1 to i32
    %cond3A = arith.constant 0 : i32
    %cond3A_115 = arith.cmpi ne, %convert_element_type3A_114, %cond3A : i32
    scf.if %cond3A_115 {
      %swap3A = arith.constant 0 : index
      %swap3A_120 = arith.constant 0 : index
      %swap3A_121 = arith.constant 0 : index
      %swap3A_122 = vector.load %arg4[%swap3A, %swap3A_120, %swap3A_121] : memref<1x1x1xf32, #tpu.memory_space<vmem>>, vector<1x1x1xf32>
      tpu.vector_store %arg4[%swap3A, %swap3A_120, %swap3A_121], %reshape3A {strides = array<i32>} : memref<1x1x1xf32, #tpu.memory_space<vmem>>, vector<1x1x1xf32>,
      %swap3A_123 = arith.constant 0 : index
      %swap3A_124 = arith.constant 0 : index
      %swap3A_125 = arith.constant 0 : index
      %swap3A_126 = vector.load %arg5[%swap3A_123, %swap3A_124, %swap3A_125] : memref<1x1x1xf32, #tpu.memory_space<vmem>>, vector<1x1x1xf32>
      tpu.vector_store %arg5[%swap3A_123, %swap3A_124, %swap3A_125], %reshape3A_79 {strides = array<i32>} : memref<1x1x1xf32, #tpu.memory_space<vmem>>, vector<1x1x1xf32>,
      %swap3A_127 = arith.constant 0 : index
      %swap3A_128 = arith.constant 0 : index
      %swap3A_129 = arith.constant 0 : index
      %swap3A_130 = vector.load %arg6[%swap3A_127, %swap3A_128, %swap3A_129] : memref<1x1x1xf32, #tpu.memory_space<vmem>>, vector<1x1x1xf32>
      tpu.vector_store %arg6[%swap3A_127, %swap3A_128, %swap3A_129], %reshape3A_85 {strides = array<i32>} : memref<1x1x1xf32, #tpu.memory_space<vmem>>, vector<1x1x1xf32>,
      %swap3A_131 = arith.constant 0 : index
      %swap3A_132 = arith.constant 0 : index
      %swap3A_133 = arith.constant 0 : index
      %swap3A_134 = vector.load %arg7[%swap3A_131, %swap3A_132, %swap3A_133] : memref<1x1x1xf32, #tpu.memory_space<vmem>>, vector<1x1x1xf32>
      tpu.vector_store %arg7[%swap3A_131, %swap3A_132, %swap3A_133], %reshape3A_102 {strides = array<i32>} : memref<1x1x1xf32, #tpu.memory_space<vmem>>, vector<1x1x1xf32>,
      %swap3A_135 = arith.constant 0 : index
      %swap3A_136 = arith.constant 0 : index
      %swap3A_137 = arith.constant 0 : index
      %swap3A_138 = vector.load %arg8[%swap3A_135, %swap3A_136, %swap3A_137] : memref<1x1x1xf32, #tpu.memory_space<vmem>>, vector<1x1x1xf32>
      tpu.vector_store %arg8[%swap3A_135, %swap3A_136, %swap3A_137], %reshape3A_111 {strides = array<i32>} : memref<1x1x1xf32, #tpu.memory_space<vmem>>, vector<1x1x1xf32>,
      %reduce_sum3A_139 = vector.shape_cast %get3A_7 : vector<1x1000xf32> to vector<1x1x1000xf32>
      %reduce_sum3A_140 = arith.constant dense<0.000000e+00> : vector<1xf32>
      %reduce_sum3A_141 = vector.multi_reduction <add>, %reduce_sum3A_139, %reduce_sum3A_140 [1, 2] : vector<1x1x1000xf32> to vector<1xf32>
      %reduce_sum3A_142 = vector.shape_cast %reduce_sum3A_141 : vector<1xf32> to vector<1x1x1xf32>
      %reduce_sum3A_143 = vector.extract %reduce_sum3A_142[0, 0, 0] : f32 from vector<1x1x1xf32>
      %reshape3A_144 = vector.broadcast %reduce_sum3A_143 : f32 to vector<1x1x1xf32>
      %swap3A_145 = arith.constant 0 : index
      %swap3A_146 = arith.constant 0 : index
      %swap3A_147 = arith.constant 0 : index
      %swap3A_148 = vector.load %arg9[%swap3A_145, %swap3A_146, %swap3A_147] : memref<1x1x1xf32, #tpu.memory_space<vmem>>, vector<1x1x1xf32>
      tpu.vector_store %arg9[%swap3A_145, %swap3A_146, %swap3A_147], %reshape3A_144 {strides = array<i32>} : memref<1x1x1xf32, #tpu.memory_space<vmem>>, vector<1x1x1xf32>,
    } else {
    }
    %ne3A = arith.constant 0 : i32
    %ne3A_116 = arith.cmpi ne, %arg0, %ne3A : i32
    %convert_element_type3A_117 = arith.extui %ne3A_116 : i1 to i32
    %cond3A_118 = arith.constant 0 : i32
    %cond3A_119 = arith.cmpi ne, %convert_element_type3A_117, %cond3A_118 : i32
    scf.if %cond3A_119 {
      %get3A_120 = arith.constant 0 : index
      %get3A_121 = arith.constant 0 : index
      %get3A_122 = arith.constant 0 : index
      %get3A_123 = vector.load %arg4[%get3A_120, %get3A_121, %get3A_122] : memref<1x1x1xf32, #tpu.memory_space<vmem>>, vector<1x1x1xf32>
      %add3A = arith.addf %get3A_123, %reshape3A : vector<1x1x1xf32>
      %swap3A = arith.constant 0 : index
      %swap3A_124 = arith.constant 0 : index
      %swap3A_125 = arith.constant 0 : index
      %swap3A_126 = vector.load %arg4[%swap3A, %swap3A_124, %swap3A_125] : memref<1x1x1xf32, #tpu.memory_space<vmem>>, vector<1x1x1xf32>
      tpu.vector_store %arg4[%swap3A, %swap3A_124, %swap3A_125], %add3A {strides = array<i32>} : memref<1x1x1xf32, #tpu.memory_space<vmem>>, vector<1x1x1xf32>,
      %get3A_127 = arith.constant 0 : index
      %get3A_128 = arith.constant 0 : index
      %get3A_129 = arith.constant 0 : index
      %get3A_130 = vector.load %arg5[%get3A_127, %get3A_128, %get3A_129] : memref<1x1x1xf32, #tpu.memory_space<vmem>>, vector<1x1x1xf32>
      %add3A_131 = arith.addf %get3A_130, %reshape3A_79 : vector<1x1x1xf32>
      %swap3A_132 = arith.constant 0 : index
      %swap3A_133 = arith.constant 0 : index
      %swap3A_134 = arith.constant 0 : index
      %swap3A_135 = vector.load %arg5[%swap3A_132, %swap3A_133, %swap3A_134] : memref<1x1x1xf32, #tpu.memory_space<vmem>>, vector<1x1x1xf32>
      tpu.vector_store %arg5[%swap3A_132, %swap3A_133, %swap3A_134], %add3A_131 {strides = array<i32>} : memref<1x1x1xf32, #tpu.memory_space<vmem>>, vector<1x1x1xf32>,
      %get3A_136 = arith.constant 0 : index
      %get3A_137 = arith.constant 0 : index
      %get3A_138 = arith.constant 0 : index
      %get3A_139 = vector.load %arg6[%get3A_136, %get3A_137, %get3A_138] : memref<1x1x1xf32, #tpu.memory_space<vmem>>, vector<1x1x1xf32>
      %add3A_140 = arith.addf %get3A_139, %reshape3A_85 : vector<1x1x1xf32>
      %swap3A_141 = arith.constant 0 : index
      %swap3A_142 = arith.constant 0 : index
      %swap3A_143 = arith.constant 0 : index
      %swap3A_144 = vector.load %arg6[%swap3A_141, %swap3A_142, %swap3A_143] : memref<1x1x1xf32, #tpu.memory_space<vmem>>, vector<1x1x1xf32>
      tpu.vector_store %arg6[%swap3A_141, %swap3A_142, %swap3A_143], %add3A_140 {strides = array<i32>} : memref<1x1x1xf32, #tpu.memory_space<vmem>>, vector<1x1x1xf32>,
      %get3A_145 = arith.constant 0 : index
      %get3A_146 = arith.constant 0 : index
      %get3A_147 = arith.constant 0 : index
      %get3A_148 = vector.load %arg7[%get3A_145, %get3A_146, %get3A_147] : memref<1x1x1xf32, #tpu.memory_space<vmem>>, vector<1x1x1xf32>
      %add3A_149 = arith.addf %get3A_148, %reshape3A_102 : vector<1x1x1xf32>
      %swap3A_150 = arith.constant 0 : index
      %swap3A_151 = arith.constant 0 : index
      %swap3A_152 = arith.constant 0 : index
      %swap3A_153 = vector.load %arg7[%swap3A_150, %swap3A_151, %swap3A_152] : memref<1x1x1xf32, #tpu.memory_space<vmem>>, vector<1x1x1xf32>
      tpu.vector_store %arg7[%swap3A_150, %swap3A_151, %swap3A_152], %add3A_149 {strides = array<i32>} : memref<1x1x1xf32, #tpu.memory_space<vmem>>, vector<1x1x1xf32>,
      %get3A_154 = arith.constant 0 : index
      %get3A_155 = arith.constant 0 : index
      %get3A_156 = arith.constant 0 : index
      %get3A_157 = vector.load %arg8[%get3A_154, %get3A_155, %get3A_156] : memref<1x1x1xf32, #tpu.memory_space<vmem>>, vector<1x1x1xf32>
      %add3A_158 = arith.addf %get3A_157, %reshape3A_111 : vector<1x1x1xf32>
      %swap3A_159 = arith.constant 0 : index
      %swap3A_160 = arith.constant 0 : index
      %swap3A_161 = arith.constant 0 : index
      %swap3A_162 = vector.load %arg8[%swap3A_159, %swap3A_160, %swap3A_161] : memref<1x1x1xf32, #tpu.memory_space<vmem>>, vector<1x1x1xf32>
      tpu.vector_store %arg8[%swap3A_159, %swap3A_160, %swap3A_161], %add3A_158 {strides = array<i32>} : memref<1x1x1xf32, #tpu.memory_space<vmem>>, vector<1x1x1xf32>,
    } else {
    }
    return
  }
  func.func @transform_0(%arg0: i32) -> (i32, i32) {
    %c0_i32 = arith.constant 0 : i32
    %c0_i32_0 = arith.constant 0 : i32
    return %arg0, %c0_i32 : i32, i32
  }
  func.func @transform_1(%arg0: i32) -> (i32, i32) {
    %c0_i32 = arith.constant 0 : i32
    %c0_i32_0 = arith.constant 0 : i32
    return %arg0, %c0_i32 : i32, i32
  }
  func.func @transform_2(%arg0: i32) -> (i32, i32) {
    %c0_i32 = arith.constant 0 : i32
    %c0_i32_0 = arith.constant 0 : i32
    %c0_i32_1 = arith.constant 0 : i32
    return %c0_i32, %c0_i32_0 : i32, i32
  }
  func.func @transform_3(%arg0: i32) -> (i32, i32, i32) {
    %c0_i32 = arith.constant 0 : i32
    %c0_i32_0 = arith.constant 0 : i32
    %c0_i32_1 = arith.constant 0 : i32
    %c0_i32_2 = arith.constant 0 : i32
    return %c0_i32, %c0_i32_0, %c0_i32_1 : i32, i32, i32
  }
  func.func @transform_4(%arg0: i32) -> (i32, i32, i32) {
    %c0_i32 = arith.constant 0 : i32
    %c0_i32_0 = arith.constant 0 : i32
    %c0_i32_1 = arith.constant 0 : i32
    %c0_i32_2 = arith.constant 0 : i32
    return %c0_i32, %c0_i32_0, %c0_i32_1 : i32, i32, i32
  }
  func.func @transform_5(%arg0: i32) -> (i32, i32, i32) {
    %c0_i32 = arith.constant 0 : i32
    %c0_i32_0 = arith.constant 0 : i32
    %c0_i32_1 = arith.constant 0 : i32
    %c0_i32_2 = arith.constant 0 : i32
    return %c0_i32, %c0_i32_0, %c0_i32_1 : i32, i32, i32
  }
  func.func @transform_6(%arg0: i32) -> (i32, i32, i32) {
    %c0_i32 = arith.constant 0 : i32
    %c0_i32_0 = arith.constant 0 : i32
    %c0_i32_1 = arith.constant 0 : i32
    %c0_i32_2 = arith.constant 0 : i32
    return %c0_i32, %c0_i32_0, %c0_i32_1 : i32, i32, i32
  }
  func.func @transform_7(%arg0: i32) -> (i32, i32, i32) {
    %c0_i32 = arith.constant 0 : i32
    %c0_i32_0 = arith.constant 0 : i32
    %c0_i32_1 = arith.constant 0 : i32
    %c0_i32_2 = arith.constant 0 : i32
    return %c0_i32, %c0_i32_0, %c0_i32_1 : i32, i32, i32
  }
  func.func @transform_8(%arg0: i32) -> (i32, i32, i32) {
    %c0_i32 = arith.constant 0 : i32
    %c0_i32_0 = arith.constant 0 : i32
    %c0_i32_1 = arith.constant 0 : i32
    %c0_i32_2 = arith.constant 0 : i32
    return %c0_i32, %c0_i32_0, %c0_i32_1 : i32, i32, i32
  }
}

module attributes {stable_mosaic.version = 14 : i64} {
  func.func @_comb_body(%arg0: i32, %arg1: memref<32x128xf32, #tpu.memory_space<vmem>>, %arg2: memref<32x128xf32, #tpu.memory_space<vmem>>, %arg3: memref<32x128xf32, #tpu.memory_space<vmem>>, %arg4: memref<32x128xf32, #tpu.memory_space<vmem>>, %arg5: memref<32x128xi32, #tpu.memory_space<vmem>>, %arg6: memref<1x1x1xf32, #tpu.memory_space<vmem>>, %arg7: memref<1x1x1xf32, #tpu.memory_space<vmem>>, %arg8: memref<1x1x1xf32, #tpu.memory_space<vmem>>, %arg9: memref<1x1x1xf32, #tpu.memory_space<vmem>>, %arg10: memref<1x1x1xf32, #tpu.memory_space<vmem>>) attributes {dimension_semantics = [#tpu.dimension_semantics<arbitrary>], iteration_bounds = array<i64: 1>, scalar_prefetch = 0 : i64, scratch_operands = 0 : i64, tpu.core_type = #tpu.core_type<tc>, window_params = [{pipeline_mode = #tpu.pipeline_mode<synchronous>, transform_indices = @transform_0, window_bounds = array<i64: 32, 128>}, {pipeline_mode = #tpu.pipeline_mode<synchronous>, transform_indices = @transform_1, window_bounds = array<i64: 32, 128>}, {pipeline_mode = #tpu.pipeline_mode<synchronous>, transform_indices = @transform_2, window_bounds = array<i64: 32, 128>}, {pipeline_mode = #tpu.pipeline_mode<synchronous>, transform_indices = @transform_3, window_bounds = array<i64: 32, 128>}, {pipeline_mode = #tpu.pipeline_mode<synchronous>, transform_indices = @transform_4, window_bounds = array<i64: 32, 128>}, {pipeline_mode = #tpu.pipeline_mode<synchronous>, transform_indices = @transform_5, window_bounds = array<i64: 1, 1, 1>}, {pipeline_mode = #tpu.pipeline_mode<synchronous>, transform_indices = @transform_6, window_bounds = array<i64: 1, 1, 1>}, {pipeline_mode = #tpu.pipeline_mode<synchronous>, transform_indices = @transform_7, window_bounds = array<i64: 1, 1, 1>}, {pipeline_mode = #tpu.pipeline_mode<synchronous>, transform_indices = @transform_8, window_bounds = array<i64: 1, 1, 1>}, {pipeline_mode = #tpu.pipeline_mode<synchronous>, transform_indices = @transform_9, window_bounds = array<i64: 1, 1, 1>}]} {
    %get3A = arith.constant 0 : index
    %get3A_0 = arith.constant 0 : index
    %get3A_1 = vector.load %arg1[%get3A, %get3A_0] : memref<32x128xf32, #tpu.memory_space<vmem>>, vector<32x128xf32>
    %get3A_2 = arith.constant 0 : index
    %get3A_3 = arith.constant 0 : index
    %get3A_4 = vector.load %arg2[%get3A_2, %get3A_3] : memref<32x128xf32, #tpu.memory_space<vmem>>, vector<32x128xf32>
    %get3A_5 = arith.constant 0 : index
    %get3A_6 = arith.constant 0 : index
    %get3A_7 = vector.load %arg3[%get3A_5, %get3A_6] : memref<32x128xf32, #tpu.memory_space<vmem>>, vector<32x128xf32>
    %get3A_8 = arith.constant 0 : index
    %get3A_9 = arith.constant 0 : index
    %get3A_10 = vector.load %arg4[%get3A_8, %get3A_9] : memref<32x128xf32, #tpu.memory_space<vmem>>, vector<32x128xf32>
    %get3A_11 = arith.constant 0 : index
    %get3A_12 = arith.constant 0 : index
    %get3A_13 = vector.load %arg5[%get3A_11, %get3A_12] : memref<32x128xi32, #tpu.memory_space<vmem>>, vector<32x128xi32>
    %log3A = math.log %get3A_1 : vector<32x128xf32>
    %log3A_14 = math.log %get3A_4 : vector<32x128xf32>
    %neg3A = arith.constant 0.000000e+00 : f32
    %neg3A_15 = vector.broadcast %neg3A : f32 to vector<32x128xf32>
    %neg3A_16 = arith.subf %neg3A_15, %log3A_14 : vector<32x128xf32>
    %exp3A = math.exp %get3A_7 : vector<32x128xf32>
    %div3A = arith.divf %exp3A, %get3A_1 : vector<32x128xf32>
    %le3A = arith.constant 999 : i32
    %le3A_17 = vector.broadcast %le3A : i32 to vector<32x128xi32>
    %le3A_18 = arith.cmpi sle, %get3A_13, %le3A_17 : vector<32x128xi32>
    %convert_element_type3A = arith.extui %le3A_18 : vector<32x128xi1> to vector<32x128xi32>
    %convert_element_type3A_19 = arith.sitofp %convert_element_type3A : vector<32x128xi32> to vector<32x128xf32>
    %sub3A = arith.constant 1.000000e+00 : f32
    %sub3A_20 = vector.broadcast %sub3A : f32 to vector<32x128xf32>
    %sub3A_21 = arith.subf %sub3A_20, %convert_element_type3A_19 : vector<32x128xf32>
    %log3A_22 = arith.constant 1.00000095 : f32
    %log3A_23 = math.log %log3A_22 : f32
    %neg3A_24 = arith.constant 0.000000e+00 : f32
    %neg3A_25 = arith.subf %neg3A_24, %log3A_23 : f32
    %mul3A = arith.mulf %sub3A_21, %neg3A_16 : vector<32x128xf32>
    %reduce_sum3A = vector.shape_cast %mul3A : vector<32x128xf32> to vector<1x32x128xf32>
    %reduce_sum3A_26 = arith.constant dense<0.000000e+00> : vector<1xf32>
    %reduce_sum3A_27 = vector.multi_reduction <add>, %reduce_sum3A, %reduce_sum3A_26 [1, 2] : vector<1x32x128xf32> to vector<1xf32>
    %reduce_sum3A_28 = vector.shape_cast %reduce_sum3A_27 : vector<1xf32> to vector<1x1x1xf32>
    %reduce_sum3A_29 = vector.extract %reduce_sum3A_28[0, 0, 0] : f32 from vector<1x1x1xf32>
    %reshape3A = vector.broadcast %reduce_sum3A_29 : f32 to vector<1x1x1xf32>
    %swap3A = arith.constant 0 : index
    %swap3A_30 = arith.constant 0 : index
    %swap3A_31 = arith.constant 0 : index
    %swap3A_32 = vector.load %arg6[%swap3A, %swap3A_30, %swap3A_31] : memref<1x1x1xf32, #tpu.memory_space<vmem>>, vector<1x1x1xf32>
    tpu.vector_store %arg6[%swap3A, %swap3A_30, %swap3A_31], %reshape3A {strides = array<i32>} : memref<1x1x1xf32, #tpu.memory_space<vmem>>, vector<1x1x1xf32>,
    %reduce_sum3A_33 = vector.shape_cast %sub3A_21 : vector<32x128xf32> to vector<1x32x128xf32>
    %reduce_sum3A_34 = arith.constant dense<0.000000e+00> : vector<1xf32>
    %reduce_sum3A_35 = vector.multi_reduction <add>, %reduce_sum3A_33, %reduce_sum3A_34 [1, 2] : vector<1x32x128xf32> to vector<1xf32>
    %reduce_sum3A_36 = vector.shape_cast %reduce_sum3A_35 : vector<1xf32> to vector<1x1x1xf32>
    %reduce_sum3A_37 = vector.extract %reduce_sum3A_36[0, 0, 0] : f32 from vector<1x1x1xf32>
    %reshape3A_38 = vector.broadcast %reduce_sum3A_37 : f32 to vector<1x1x1xf32>
    %swap3A_39 = arith.constant 0 : index
    %swap3A_40 = arith.constant 0 : index
    %swap3A_41 = arith.constant 0 : index
    %swap3A_42 = vector.load %arg7[%swap3A_39, %swap3A_40, %swap3A_41] : memref<1x1x1xf32, #tpu.memory_space<vmem>>, vector<1x1x1xf32>
    tpu.vector_store %arg7[%swap3A_39, %swap3A_40, %swap3A_41], %reshape3A_38 {strides = array<i32>} : memref<1x1x1xf32, #tpu.memory_space<vmem>>, vector<1x1x1xf32>,
    %reduce_sum3A_43 = vector.shape_cast %convert_element_type3A_19 : vector<32x128xf32> to vector<1x32x128xf32>
    %reduce_sum3A_44 = arith.constant dense<0.000000e+00> : vector<1xf32>
    %reduce_sum3A_45 = vector.multi_reduction <add>, %reduce_sum3A_43, %reduce_sum3A_44 [1, 2] : vector<1x32x128xf32> to vector<1xf32>
    %reduce_sum3A_46 = vector.shape_cast %reduce_sum3A_45 : vector<1xf32> to vector<1x1x1xf32>
    %reduce_sum3A_47 = vector.extract %reduce_sum3A_46[0, 0, 0] : f32 from vector<1x1x1xf32>
    %reshape3A_48 = vector.broadcast %reduce_sum3A_47 : f32 to vector<1x1x1xf32>
    %swap3A_49 = arith.constant 0 : index
    %swap3A_50 = arith.constant 0 : index
    %swap3A_51 = arith.constant 0 : index
    %swap3A_52 = vector.load %arg8[%swap3A_49, %swap3A_50, %swap3A_51] : memref<1x1x1xf32, #tpu.memory_space<vmem>>, vector<1x1x1xf32>
    tpu.vector_store %arg8[%swap3A_49, %swap3A_50, %swap3A_51], %reshape3A_48 {strides = array<i32>} : memref<1x1x1xf32, #tpu.memory_space<vmem>>, vector<1x1x1xf32>,
    %mul3A_53 = arith.mulf %convert_element_type3A_19, %get3A_10 : vector<32x128xf32>
    %sub3A_54 = arith.constant 1.00000095 : f32
    %sub3A_55 = vector.broadcast %sub3A_54 : f32 to vector<32x128xf32>
    %sub3A_56 = arith.subf %sub3A_55, %div3A : vector<32x128xf32>
    %log3A_57 = math.log %sub3A_56 : vector<32x128xf32>
    %neg3A_58 = arith.constant 0.000000e+00 : f32
    %neg3A_59 = vector.broadcast %neg3A_58 : f32 to vector<32x128xf32>
    %neg3A_60 = arith.subf %neg3A_59, %log3A_57 : vector<32x128xf32>
    %sub3A_61 = vector.broadcast %neg3A_25 : f32 to vector<32x128xf32>
    %sub3A_62 = arith.subf %neg3A_60, %sub3A_61 : vector<32x128xf32>
    %mul3A_63 = arith.mulf %mul3A_53, %sub3A_62 : vector<32x128xf32>
    %reduce_sum3A_64 = vector.shape_cast %mul3A_63 : vector<32x128xf32> to vector<1x32x128xf32>
    %reduce_sum3A_65 = arith.constant dense<0.000000e+00> : vector<1xf32>
    %reduce_sum3A_66 = vector.multi_reduction <add>, %reduce_sum3A_64, %reduce_sum3A_65 [1, 2] : vector<1x32x128xf32> to vector<1xf32>
    %reduce_sum3A_67 = vector.shape_cast %reduce_sum3A_66 : vector<1xf32> to vector<1x1x1xf32>
    %reduce_sum3A_68 = vector.extract %reduce_sum3A_67[0, 0, 0] : f32 from vector<1x1x1xf32>
    %reshape3A_69 = vector.broadcast %reduce_sum3A_68 : f32 to vector<1x1x1xf32>
    %swap3A_70 = arith.constant 0 : index
    %swap3A_71 = arith.constant 0 : index
    %swap3A_72 = arith.constant 0 : index
    %swap3A_73 = vector.load %arg9[%swap3A_70, %swap3A_71, %swap3A_72] : memref<1x1x1xf32, #tpu.memory_space<vmem>>, vector<1x1x1xf32>
    tpu.vector_store %arg9[%swap3A_70, %swap3A_71, %swap3A_72], %reshape3A_69 {strides = array<i32>} : memref<1x1x1xf32, #tpu.memory_space<vmem>>, vector<1x1x1xf32>,
    %sub3A_74 = arith.subf %get3A_7, %log3A : vector<32x128xf32>
    %mul3A_75 = arith.mulf %convert_element_type3A_19, %sub3A_74 : vector<32x128xf32>
    %reduce_sum3A_76 = vector.shape_cast %mul3A_75 : vector<32x128xf32> to vector<1x32x128xf32>
    %reduce_sum3A_77 = arith.constant dense<0.000000e+00> : vector<1xf32>
    %reduce_sum3A_78 = vector.multi_reduction <add>, %reduce_sum3A_76, %reduce_sum3A_77 [1, 2] : vector<1x32x128xf32> to vector<1xf32>
    %reduce_sum3A_79 = vector.shape_cast %reduce_sum3A_78 : vector<1xf32> to vector<1x1x1xf32>
    %reduce_sum3A_80 = vector.extract %reduce_sum3A_79[0, 0, 0] : f32 from vector<1x1x1xf32>
    %reshape3A_81 = vector.broadcast %reduce_sum3A_80 : f32 to vector<1x1x1xf32>
    %swap3A_82 = arith.constant 0 : index
    %swap3A_83 = arith.constant 0 : index
    %swap3A_84 = arith.constant 0 : index
    %swap3A_85 = vector.load %arg10[%swap3A_82, %swap3A_83, %swap3A_84] : memref<1x1x1xf32, #tpu.memory_space<vmem>>, vector<1x1x1xf32>
    tpu.vector_store %arg10[%swap3A_82, %swap3A_83, %swap3A_84], %reshape3A_81 {strides = array<i32>} : memref<1x1x1xf32, #tpu.memory_space<vmem>>, vector<1x1x1xf32>,
    return
  }
  func.func @transform_0(%arg0: i32) -> (i32, i32) {
    %c0_i32 = arith.constant 0 : i32
    %c0_i32_0 = arith.constant 0 : i32
    %c0_i32_1 = arith.constant 0 : i32
    return %c0_i32, %c0_i32_0 : i32, i32
  }
  func.func @transform_1(%arg0: i32) -> (i32, i32) {
    %c0_i32 = arith.constant 0 : i32
    %c0_i32_0 = arith.constant 0 : i32
    %c0_i32_1 = arith.constant 0 : i32
    return %c0_i32, %c0_i32_0 : i32, i32
  }
  func.func @transform_2(%arg0: i32) -> (i32, i32) {
    %c0_i32 = arith.constant 0 : i32
    %c0_i32_0 = arith.constant 0 : i32
    %c0_i32_1 = arith.constant 0 : i32
    return %c0_i32, %c0_i32_0 : i32, i32
  }
  func.func @transform_3(%arg0: i32) -> (i32, i32) {
    %c0_i32 = arith.constant 0 : i32
    %c0_i32_0 = arith.constant 0 : i32
    %c0_i32_1 = arith.constant 0 : i32
    return %c0_i32, %c0_i32_0 : i32, i32
  }
  func.func @transform_4(%arg0: i32) -> (i32, i32) {
    %c0_i32 = arith.constant 0 : i32
    %c0_i32_0 = arith.constant 0 : i32
    %c0_i32_1 = arith.constant 0 : i32
    return %c0_i32, %c0_i32_0 : i32, i32
  }
  func.func @transform_5(%arg0: i32) -> (i32, i32, i32) {
    %c0_i32 = arith.constant 0 : i32
    %c0_i32_0 = arith.constant 0 : i32
    %c0_i32_1 = arith.constant 0 : i32
    %c0_i32_2 = arith.constant 0 : i32
    return %c0_i32, %c0_i32_0, %c0_i32_1 : i32, i32, i32
  }
  func.func @transform_6(%arg0: i32) -> (i32, i32, i32) {
    %c0_i32 = arith.constant 0 : i32
    %c0_i32_0 = arith.constant 0 : i32
    %c0_i32_1 = arith.constant 0 : i32
    %c0_i32_2 = arith.constant 0 : i32
    return %c0_i32, %c0_i32_0, %c0_i32_1 : i32, i32, i32
  }
  func.func @transform_7(%arg0: i32) -> (i32, i32, i32) {
    %c0_i32 = arith.constant 0 : i32
    %c0_i32_0 = arith.constant 0 : i32
    %c0_i32_1 = arith.constant 0 : i32
    %c0_i32_2 = arith.constant 0 : i32
    return %c0_i32, %c0_i32_0, %c0_i32_1 : i32, i32, i32
  }
  func.func @transform_8(%arg0: i32) -> (i32, i32, i32) {
    %c0_i32 = arith.constant 0 : i32
    %c0_i32_0 = arith.constant 0 : i32
    %c0_i32_1 = arith.constant 0 : i32
    %c0_i32_2 = arith.constant 0 : i32
    return %c0_i32, %c0_i32_0, %c0_i32_1 : i32, i32, i32
  }
  func.func @transform_9(%arg0: i32) -> (i32, i32, i32) {
    %c0_i32 = arith.constant 0 : i32
    %c0_i32_0 = arith.constant 0 : i32
    %c0_i32_1 = arith.constant 0 : i32
    %c0_i32_2 = arith.constant 0 : i32
    return %c0_i32, %c0_i32_0, %c0_i32_1 : i32, i32, i32
  }
}

</mosaic_0001>

<sc_bundles>
// kernel: kernel.5.cloned.1.call-start
scs
__scs_entry_jumppad:
0x0: {  	(pc) =	sbr.rel $0x88, $3  }
0x1: {  	(tag) =	ssettag $0x0;
	lr =	simm.s32 $0x1  }
0x2: {  	[smem:$0x3F9E] =	sst lr;
	_ =	strace $0xD0000000  }
0x3: {  	_ = 	snop  }
0x4: {  	_ = 	snop  }
0x5: {  	_ = 	snop  }
0x6: {  	_ = 	snop  }
0x7: {  	_ = 	snop  }
__scs_overlays_trampoline_lowered:
0x8: {  	[smem:$0x3FAD] =	sst s0  }
0x9: {  	[smem:$0x3FAE] =	sst s1  }
0xa: {  	[smem:$0x3FAF] =	sst s2  }
0xb: {  	[smem:$0x3FB0] =	sst s3  }
0xc: {  	[smem:$0x3FB1] =	sst s4  }
0xd: {  	[smem:$0x3FB2] =	sst s5  }
0xe: {  	[smem:$0x3FB3] =	sst s6  }
0xf: {  	[smem:$0x3FB4] =	sst s7  }
0x10: {  	[smem:$0x3FB5] =	sst s8  }
0x11: {  	[smem:$0x3FB6] =	sst s9;
	s0 =	simm.s32 @!p0 $0x0  }
0x12: {  	s1 =	sld [smem:$0x3F9C];
	s0 =	simm.s32 @p0 $0x1  }
0x13: {  	[smem:$0x3FB7] =	sst s0;
	s0 =	simm.s32 @!p1 $0x0  }
0x14: {  	s2 =	sld [smem:$0x3F9B];
	s0 =	simm.s32 @p1 $0x1  }
0x15: {  	[smem:$0x3FB8] =	sst s0;
	s0 =	simm.s32 @!p2 $0x0  }
0x16: {  	s3 =	sld [smem:$0x3FDB];
	s0 =	simm.s32 @p2 $0x1  }
0x17: {  	s4 =	simm.s32 $0x1BF5;
	[smem:$0x3FBA] =	sst s0  }
0x18: {  	s0 =	sld [smem:$0x3F9D];
	_ =	swait.ge [sflag:s4], $0x0  }
0x19: {  	s7 =	sld [smem:$0x3F9E]  }
0x1a: {  	s8 =	sadd.s32 $0xFFFFE003, lr  }
0x1b: {  	s9 =	sadd.s32 $0xFFFFFEF7, lr;
	s5 =	simm.s32 $0xFFFFFFFF;
	p2 =	slt.u32 s8, $0xFFFFF086  }
0x1c: {  	p1 =	slt.u32 s9, $0xF7A;
	s5 =	simm.s32 @!p2 $0x0  }
0x1d: {  	s5 =	simm.s32 @p1 $0x1;
	p0 =	seq.s32 s7, s2  }
0x1e: {  	s7 =	smul.u32 @!p0 $0xF7A, s2;
	p2 =	seq.s32 @!p0 s5, $0x0  }
0x1f: {  	s9 =	smul.u32 $0xF7A, s1;
	s8 =	simm.s32 @!p0 $0x1BF5;
	p2 =	por !p2, p0  }
0x20: {  	[sflag:s8] =	ssyncset.s32 @!p0 $0xFFFFF086;
	s6 =	sadd.s32 @!p0 s3, s7;
	s7 =	simm.s32 @!p0 $0x108  }
0x21: {  	s3 =	sadd.s32 s3, s9;
	s6 =	sadd.s32 @!p0 $0x88, s6;
	s7 =	simm.s32 @p2 $0x1082  }
0x22: {  	[simem:s7], [sflag:s8] =	dma.local @!p0 [hbm:s6], $0xF7A  }
0x23: {  	s9 =	sor.u32 $0xD0000000, s2;
	s6 =	simm.s32 $0x108;
	_ =	swait.ge @!p0 [sflag:s8], $0x0  }
0x24: {  	s3 =	sadd.s32 $0x88, s3;
	s6 =	simm.s32 @!p1 $0x1082;
	[sflag:s4] =	ssyncset.s32 $0xFFFFF086  }
0x25: {  	[simem:s6], [sflag:s4] =	dma.local [hbm:s3], $0xF7A  }
0x26: {  	[smem:$0x3F9E] =	sst s1;
	(tag) =	ssettag s2;
	_ =	strace s9  }
0x27: {  	s1 =	sld [smem:$0x3FAE]  }
0x28: {  	s2 =	sld [smem:$0x3FAF]  }
0x29: {  	s4 =	sld [smem:$0x3FB1]  }
0x2a: {  	p0 =	seq.s32 s5, $0x0;
	s5 =	sld [smem:$0x3FB2]  }
0x2b: {  	s6 =	sld [smem:$0x3FB3]  }
0x2c: {  	s7 =	sld [smem:$0x3FB4]  }
0x2d: {  	s3 =	simm.s32 $0x108;
	s8 =	sld [smem:$0x3FB5]  }
0x2e: {  	s3 =	simm.s32 @!p0 $0x1082;
	s9 =	sld [smem:$0x3FB6]  }
0x2f: {  	lr =	sadd.s32 s0, s3;
	s0 =	sld [smem:$0x3FAD]  }
0x30: {  	s3 =	sld [smem:$0x3FB0]  }
0x31: {  	[smem:$0x3FB9] =	sst s10  }
0x32: {  	s10 =	sld [smem:$0x3FB7];
	_ =	sdelay $0x3  }
0x33: {  	p0 =	seq.s32 s10, $0x1;
	s10 =	sld [smem:$0x3FB9];
	_ =	sdelay $0x3  }
0x34: {  	[smem:$0x3FB9] =	sst s10  }
0x35: {  	s10 =	sld [smem:$0x3FB8];
	_ =	sdelay $0x3  }
0x36: {  	p1 =	seq.s32 s10, $0x1;
	s10 =	sld [smem:$0x3FB9];
	_ =	sdelay $0x3  }
0x37: {  	[smem:$0x3FB9] =	sst s10  }
0x38: {  	s10 =	sld [smem:$0x3FBA]  }
0x39: {  	_ = 	snop;
	(pc) =	sbr.ind lr, $3  }
0x3a: {  	_ = 	snop  }
0x3b: {  	_ = 	snop  }
0x3c: {  	p2 =	seq.s32 s10, $0x1;
	s10 =	sld [smem:$0x3FB9]  }
0x3d: {  	_ =	shalt  }
0x3e: {  	_ =	shalt  }
0x3f: {  	_ =	shalt  }
0x40: {  	_ =	shalt  }
0x41: {  	_ =	shalt  }
0x42: {  	_ =	shalt  }
0x43: {  	_ =	shalt  }
0x44: {  	_ =	shalt  }
0x45: {  	_ =	shalt  }
0x46: {  	_ =	shalt  }
0x47: {  	_ =	shalt  }
0x48: {  	_ =	shalt  }
0x49: {  	_ =	shalt  }
0x4a: {  	_ =	shalt  }
0x4b: {  	_ =	shalt  }
0x4c: {  	_ =	shalt  }
0x4d: {  	_ =	shalt  }
0x4e: {  	_ =	shalt  }
0x4f: {  	_ =	shalt  }
0x50: {  	_ =	shalt  }
0x51: {  	_ =	shalt  }
0x52: {  	_ =	shalt  }
0x53: {  	_ =	shalt  }
0x54: {  	_ =	shalt  }
0x55: {  	_ =	shalt  }
0x56: {  	_ =	shalt  }
0x57: {  	_ =	shalt  }
0x58: {  	_ =	shalt  }
0x59: {  	_ =	shalt  }
0x5a: {  	_ =	shalt  }
0x5b: {  	_ =	shalt  }
0x5c: {  	_ =	shalt  }
0x5d: {  	_ =	shalt  }
0x5e: {  	_ =	shalt  }
0x5f: {  	_ =	shalt  }
0x60: {  	_ =	shalt  }
0x61: {  	_ =	shalt  }
0x62: {  	_ =	shalt  }
0x63: {  	_ =	shalt  }
0x64: {  	_ =	shalt  }
0x65: {  	_ =	shalt  }
0x66: {  	_ =	shalt  }
0x67: {  	_ =	shalt  }
0x68: {  	_ =	shalt  }
0x69: {  	_ =	shalt  }
0x6a: {  	_ =	shalt  }
0x6b: {  	_ =	shalt  }
0x6c: {  	_ =	shalt  }
0x6d: {  	_ =	shalt  }
0x6e: {  	_ =	shalt  }
0x6f: {  	_ =	shalt  }
0x70: {  	_ =	shalt  }
0x71: {  	_ =	shalt  }
0x72: {  	_ =	shalt  }
0x73: {  	_ =	shalt  }
0x74: {  	_ =	shalt  }
0x75: {  	_ =	shalt  }
0x76: {  	_ =	shalt  }
0x77: {  	_ =	shalt  }
0x78: {  	_ =	shalt  }
0x79: {  	_ =	shalt  }
0x7a: {  	_ =	shalt  }
0x7b: {  	_ =	shalt  }
0x7c: {  	_ =	shalt  }
0x7d: {  	_ =	shalt  }
0x7e: {  	_ =	shalt  }
0x7f: {  	_ =	shalt  }
0x80: {  	_ =	shalt  }
0x81: {  	_ =	shalt  }
0x82: {  	_ =	shalt  }
0x83: {  	_ =	shalt  }
0x84: {  	_ =	shalt  }
0x85: {  	_ =	shalt  }
0x86: {  	_ =	shalt  }
0x87: {  	_ =	shalt  }
.Lfunc_end0:
.L_simem_size_0:
called_computation_lowered:
.L_overlay_start_0:
0x88: {  	s2 =	sld [smem:$0x3FD9]  }
0x89: {  	s3 =	sld [smem:$0x3FFE];
	_ =	sdelay $0x1  }
0x8a: {  	s1 =	srdreg.scid  }
0x8b: {  	s0 =	sand.u32 $0x1, s1  }
0x8c: {  	s17 =	sshll.u32 s0, $0xA;
	s2 =	sadd.s32 s3, s2  }
0x8d: {  	s2 =	sadd.s32 s2, s17  }
0x8e: {  	[smem:$0x3FC5] =	sst s2  }
0x8f: {  	_ = 	snop  }
0x90: {  	s2 =	sld [smem:$0x3FC8]  }
0x91: {  	s18 =	sld [smem:$0x3FC7];
	(tm) =	ssettm $0x1  }
0x92: {  	s4 =	sld [smem:$0x3FFB];
	_ =	sdelay $0x3  }
0x93: {  	_ =	strace s4  }
0x94: {  	s4 =	sld [smem:$0x3FFC];
	_ =	sdelay $0x3  }
0x95: {  	_ =	strace s4  }
0x96: {  	s4 =	sld [smem:$0x3FFD];
	_ =	sdelay $0x3  }
0x97: {  	_ =	strace s4  }
0x98: {  	_ =	strace $0x8FFFFFFF  }
0x99: {  	s19 =	sld [smem:$0x3FDB];
	_ =	sdelay $0x1  }
0x9a: {  	s5 =	simm.s32 $_scs_section_size  }
0x9b: {  	s6 =	simm.s32 $_size__tile_overlayer_lowered;
	s7 =	simm.s32 $_tile_overlayer_lowered  }
0x9c: {  	s22 =	simm.s32 $0x1BFF;
	s21 =	sshll.u32 s7, $0x1;
	s4 =	sadd.s32 s5, s19  }
0x9d: {  	s8 =	simm.s32 $0x0;
	s20 =	sshll.u32 s6, $0x1;
	s6 =	sadd.s32 s21, s4  }
0x9e: {  	[timem:s8], [sflag:s22] =	dma.local [hbm:s6], s20  }
0x9f: {  	_ =	swait.ge [sflag:s22], s20  }
0xa0: {  	s5 =	ssub.s32 $0x0, s20;
	[sflag:s22] =	ssyncset.done $0x0  }
0xa1: {  	[sflag:s22] =	ssyncadd.s32 s5;
	_ =	sdelay $0x1  }
0xa2: {  	s23 =	simm.s32 $0x1B8B  }
0xa3: {  	_ =	swait.ge [sflag:s23], $0x1  }
0xa4: {  	[sflag:s23] =	ssyncset.done $0x0  }
0xa5: {  	s25 =	simm.s32 $0x1B8E;
	s24 =	sld [smem:$0x3FFE];
	[sflag:s23] =	ssyncadd.s32 $0xFFFFFFFF  }
0xa6: {  	s26 =	simm.s32 $execute0_lowered;
	[smem:$0x3FD2] =	sst s25  }
0xa7: {  	s6 =	sshll.u32 s26, $0x1;
	_ =	strace $0x80000046;
	[dreg:$0x1] =	wrdreg $0xFFFFFFFF  }
0xa8: {  	s28 =	simm.s32 $_size_execute0_lowered;
	s4 =	sadd.s32 s4, s6;
	[dreg:$0x0] =	wrdreg $0x0  }
0xa9: {  	s6 =	sshll.u32 s28, $0x1;
	[dreg:$0x2] =	wrdreg s4  }
0xaa: {  	[dreg:$0x3] =	wrdreg s6  }
0xab: {  	[dreg:$0x4] =	wrdreg $0xC0  }
0xac: {  	_ =	task [dreg:s8], $0x5FFFF  }
0xad: {  	[dreg:$0x1] =	wrdreg $0xFFFFFFFF  }
0xae: {  	[dreg:$0x0] =	wrdreg $0x60  }
0xaf: {  	[dreg:$0x2] =	wrdreg s24  }
0xb0: {  	[dreg:$0x3] =	wrdreg s2  }
0xb1: {  	[dreg:$0x4] =	wrdreg s18  }
0xb2: {  	[dreg:$0x5] =	wrdreg $0x9  }
0xb3: {  	_ =	task.clear_ibuf [dreg:s8], $0x6FFFF;
	_ =	strace $0x90000046  }
0xb4: {  	s29 =	simm.s32 $0x9;
	_ =	strace $0x80000048  }
0xb5: {  	_ =	swait.ge [sflag:s29], $0x1  }
0xb6: {  	[sflag:s29] =	ssyncadd.s32 $0xFFFFFFFF  }
0xb7: {  	_ =	strace $0x90000048  }
0xb8: {  	_ =	sfence  }
0xb9: {  	s30 =	sld [smem:$0x0];
	_ =	sdelay $0x2  }
0xba: {  	s31 =	sshll.u32 s1, $0xD;
	s1 =	sshrl.u32 s1, $0x2  }
0xbb: {  	s3 =	sand.u32 $0x4000, s31;
	s1 =	sadd.s32 s1, s30  }
0xbc: {  	s0 =	sor.u32 s3, s0;
	s1 =	sshll.u32 s1, $0x11  }
0xbd: {  	s0 =	sor.u32 s1, s0  }
0xbe: {  	s0 =	sadd.s32 $0x8F2B, s0  }
0xbf: {  	[sflag:s0] =	ssyncadd.remote.s32 $0x1  }
0xc0: {  	_ =	sfence.sel $0xFFFF  }
0xc1: {  	[dreg:$0x0] =	wrdreg $0xFFFFFFFF;
	(pc) =	sbr.abs _section_cstart, $3  }
0xc2: {  	[dreg:$0x1] =	wrdreg $0xFFFFFFFF  }
0xc3: {  	_ =	task.clear_ibuf [dreg:s8], $0x2FFFF;
	_ =	strace $0x9FFFFFFF  }
0xc4: {  	(tm) =	ssettm $0x7FFFFFFF  }
0xc5: {  	_ =	shalt  }
tec
execute0_lowered:
.L_overlay_start_1:
0x0: {  	(tag) =	ssettag $0x1  }
0x1: {  	s0 =	rddreg [dreg:$0x0]  }
0x2: {  	s1 =	rddreg [dreg:$0x1]  }
0x3: {  	s2 =	srdreg.scid;
	s4 =	stileid.u32  }
0x4: {  	s3 =	simm.s32 $0x0;
	s19 =	simm.s32 $0x2;
	s20 =	simm.s32 $0xBD80  }
0x5: {  	s21 =	simm.s32 $0x3F00;
	s22 =	simm.s32 $0x1;
	s23 =	simm.s32 $0xC380  }
0x6: {  	s24 =	simm.s32 $0xC580;
	s25 =	simm.s32 $0xC480;
	s30 =	simm.s32 $0xC300  }
0x7: {  	s31 =	simm.s32 $0x0;
	s2 =	sand.u32 $0x1, s2;
	s4 =	sshll.u32 s4, $0x1  }
0x8: {  	[smem:$0x7FF] =	sst s3;
	s13 =	sadd.s32 $0x201800, s0;
	s4 =	sor.u32 s2, s4  }
0x9: {  	_ =	strace $0x80000047;
	s2 =	ssub.s32 $0x2, s2;
	s5 =	smul.u32 $0x1F400, s4  }
0xa: {  	v16 =	vlaneseq.u32;
	s6 =	sshll.u32 s4, $0x4;
	s4 =	sshll.u32 s4, $0x7;
	s29 =	sshrl.u32 s2, $0x1  }
0xb: {  	v0 =	vmul.u32 $0x10, v16;
	s0 =	sadd.s32 s6, s0;
	s8 =	sor.u32 $0x3000, s4;
	s2 =	ssub.s32 s2, s29  }
0xc: {  	vm0 =	vmmov $0xff;
	v16 =	vmul.u32 $0x3E8, v16;
	s28 =	sshrl.u32 s5, $0x3;
	s14 =	smul.u32 $0x7D, s8;
	s12 =	sadd.s32 $0x3F5800, s0  }
0xd: {  	v1 =	vor.u32 $0x1, v0;
	v2 =	vor.u32 $0x2, v0;
	v3 =	vor.u32 $0x3, v0;
	s15 =	sadd.s32 $0x3F5C00, s0;
	s16 =	sadd.s32 $0x3F5E00, s0;
	s11 =	sadd.s32 s13, s28  }
0xe: {  	v4 =	vor.u32 $0x4, v0;
	v5 =	vor.u32 $0x5, v0;
	v9 =	vor.u32 $0x9, v0;
	s10 =	sshrl.u32 s8, $0x3;
	s4 =	sadd.s32 $0x1777D0, s11;
	s5 =	sadd.s32 $0x177FA0, s11  }
0xf: {  	v6 =	vor.u32 $0x6, v0;
	v10 =	vor.u32 $0xA, v0;
	v11 =	vor.u32 $0xB, v0;
	s17 =	smax.u32 s2, $0x1;
	s6 =	sadd.s32 $0x178770, s11;
	s7 =	sadd.s32 $0x178F40, s11  }
0x10: {  	v7 =	vor.u32 $0x7, v0;
	v12 =	vor.u32 $0xC, v0;
	v13 =	vor.u32 $0xD, v0;
	s10 =	sadd.s32 s1, s10;
	s8 =	sadd.s32 $0x179710, s11;
	s9 =	sadd.s32 $0x179EE0, s11  }
0x11: {  	v8 =	vor.u32 $0x8, v0;
	v14 =	vor.u32 $0xE, v0;
	v15 =	vor.u32 $0xF, v0;
	s11 =	sadd.s32 $0x17A6B0, s11;
	s13 =	sadd.s32 s13, s14;
	s14 =	sadd.s32 $0x3F5A00, s0  }
.LBB2_1:
0x12: {  	s0 =	simm.s32 $0xBD00  }
0x13: {  	[tilespmem:s0], [sflag:$0x2] =	stream.linear.gather [hbm4b:s10+s3], $0x80, $0x38;
	[tilespmem:$0xC600] =	vst v63  }
0x14: {  	_ =	swait.ge [sflag:s19], $0x80  }
0x15: {  	[sflag:s19] =	ssyncset.done $0x0  }
0x16: {  	[sflag:s19] =	ssyncadd.s32 $0xFFFFFF80  }
0x17: {  	s29 =	rddreg [dreg:$0x2]  }
0x18: {  	[tilespmem:s20], [sflag:$0x2] =	stream.linear.gather [hbm4b:s29+s3], $0x400, $0x38;
	[tilespmem:$0xC600] =	vst v63  }
0x19: {  	_ =	swait.ge [sflag:s19], $0x400  }
0x1a: {  	[sflag:s19] =	ssyncset.done $0x0  }
0x1b: {  	[sflag:s19] =	ssyncadd.s32 $0xFFFFFC00  }
0x1c: {  	[tilespmem:s3], [sflag:$0x1] =	stream.linear.gather [hbm4b:s13+s3], $0x3E80, $0x38;
	[tilespmem:$0xC600] =	vst v63  }
0x1d: {  	_ = 	snop  }
0x1e: {  	[tilespmem:s21], [sflag:$0x1] =	stream.linear.gather [hbm4b:s4+s3], $0x3E80, $0x38;
	[tilespmem:$0xC600] =	vst v63  }
0x1f: {  	_ =	swait.ge [sflag:s22], $0x3E80  }
0x20: {  	s26 =	simm.s32 $0x7E10;
	[sflag:s22] =	ssyncset.done $0x0  }
0x21: {  	s2 =	simm.s32 $0x0;
	s0 =	simm.s32 $0x10;
	[sflag:s22] =	ssyncadd.s32 $0xFFFFC180  }
.LBB2_2:
0x22: {  	v17 =	vld [tilespmem:s0+$0xFFFFFFF0];
	_ =	sdelay $0x1  }
0x23: {  	v18 =	vld [tilespmem:s0+$0x0];
	_ =	sdelay $0x2  }
0x24: {  	v17 =	vmul.f32 $1.442695020e+00, v17  }
0x25: {  	s1 =	sadd.s32 $0x20, s0  }
0x26: {  	v18 =	vmul.f32 $1.442695020e+00, v18;
	(erf) = vpow2.f32 v17;
	v17 =	vld [tilespmem:s1+$0xFFFFFFF0];
	_ =	sdelay $0x1  }
0x27: {  	(erf) = vpow2.f32 v18;
	v18 =	vld [tilespmem:s1+$0x0];
	_ =	sdelay $0x2  }
0x28: {  	s1 =	sadd.s32 $0x20, s1;
	v17 =	vmul.f32 $1.442695020e+00, v17  }
0x29: {  	v20 =	vld [tilespmem:s1+$0xFFFFFFF0]  }
0x2a: {  	v18 =	vmul.f32 $1.442695020e+00, v18;
	(erf) = vpow2.f32 v17  }
0x2b: {  	v19 =	vld [tilespmem:s1+$0x0]  }
0x2c: {  	v17 =	vpop (erf);
	(erf) = vpow2.f32 v18  }
0x2d: {  	v22 =	vimm.f32 $0.0e+00;
	s28 =	sadd.s32 $0x20, s1  }
0x2e: {  	s18 =	smul.u32 $0x3E8, s2;
	s29 =	simm.s32 $0x60;
	s1 =	smov.u32 s26;
	v21 =	vmul.f32 $1.442695020e+00, v20;
	v20 =	vld [tilespmem:s28+$0xFFFFFFF0];
	[tilespmem:s26+$0xFFFFFFF0] =	vst v17;
	v17 =	vadd.f32 v17, v22;
	v18 =	vpop (erf)  }
.LBB2_3:
0x2f: {  	s29 =	sadd.s32 $0x20, s29  }
0x30: {  	v22 =	vmul.f32 $1.442695020e+00, v19;
	(erf) = vpow2.f32 v21;
	[tilespmem:s1+$0x0] =	vst v18;
	v17 =	vadd.f32 v18, v17;
	s1 =	sadd.s32 $0x20, s1;
	p0 =	slt.u32 s29, $0x3C0  }
.Ltmp0:
0x31: {  	v19 =	vld [tilespmem:s28+$0x0];
	(pc) =	sbr.rel @p0 .LBB2_3-.Ltmp0, $4  }
0x32: {  	(erf) = vpow2.f32 v22  }
0x33: {  	v18 =	vpop (erf)  }
0x34: {  	s28 =	sadd.s32 $0x20, s28;
	v21 =	vmul.f32 $1.442695020e+00, v20;
	[tilespmem:s1+$0xFFFFFFF0] =	vst v18;
	v17 =	vadd.f32 v18, v17  }
0x35: {  	v20 =	vld [tilespmem:s28+$0xFFFFFFF0];
	v18 =	vpop (erf)  }
0x36: {  	v22 =	vld [tilespmem:s28+$0x0];
	_ =	sdelay $0x2  }
0x37: {  	v19 =	vmul.f32 $1.442695020e+00, v19  }
0x38: {  	(erf) = vpow2.f32 v21;
	v20 =	vmul.f32 $1.442695020e+00, v20  }
0x39: {  	(erf) = vpow2.f32 v19;
	v19 =	vmul.f32 $1.442695020e+00, v22  }
0x3a: {  	(erf) = vpow2.f32 v20  }
0x3b: {  	(erf) = vpow2.f32 v19;
	_ =	sdelay $0x3  }
0x3c: {  	[tilespmem:s1+$0x0] =	vst v18;
	s28 =	sadd.s32 $0x20, s1;
	v19 =	vpop (erf)  }
0x3d: {  	v62 =	vpop (erf);
	[tilespmem:s28+$0xFFFFFFF0] =	vst v19  }
0x3e: {  	s1 =	sadd.s32 $0x20, s28;
	[tilespmem:s28+$0x0] =	vst v62;
	v21 =	vpop (erf)  }
0x3f: {  	[tilespmem:s1+$0xFFFFFFF0] =	vst v21;
	v63 =	vpop (erf)  }
0x40: {  	[tilespmem:s1+$0x0] =	vst v63;
	s1 =	sadd.s32 $0x20, s1;
	v23 =	vpop (erf)  }
0x41: {  	[tilespmem:s1+$0xFFFFFFF0] =	vst v23;
	v24 =	vpop (erf)  }
0x42: {  	[tilespmem:s1+$0x0] =	vst v24  }
0x43: {  	v25 =	vld [tilespmem:s18+$0x3E0];
	_ =	sdelay $0x3  }
0x44: {  	v17 =	vadd.f32 v18, v17  }
0x45: {  	v18 =	vmul.f32 $1.442695020e+00, v25  }
0x46: {  	v17 =	vadd.f32 v19, v17  }
0x47: {  	(erf) = vpow2.f32 v18  }
0x48: {  	v17 =	vadd.f32 v62, v17;
	_ =	sdelay $0x1  }
0x49: {  	v17 =	vadd.f32 v21, v17;
	_ =	sdelay $0x1  }
0x4a: {  	v17 =	vadd.f32 v63, v17;
	_ =	sdelay $0x1  }
0x4b: {  	s29 =	sshll.u32 s2, $0x4;
	s2 =	sadd.s32 $0x1, s2;
	v17 =	vadd.f32 v23, v17  }
0x4c: {  	p0 =	sne.s32 s2, $0x10  }
.Ltmp1:
0x4d: {  	v17 =	vadd.f32 v24, v17;
	v18 =	vpop (erf);
	(pc) =	sbr.rel @p0 .LBB2_2-.Ltmp1, $4  }
0x4e: {  	v18 =	vnsel vm0, $0x0, v18  }
0x4f: {  	v17 =	vadd.f32 v18, v17  }
0x50: {  	s1 =	sand.u32 $0x3FFFFFF0, s29  }
0x51: {  	s0 =	sadd.s32 $0x3E8, s0;
	s26 =	sadd.s32 $0x3E8, s26;
	[tilespmem:s1+$0xC380] =	vst v17  }
0x52: {  	_ =	sdelay $0x3  }
0x53: {  	v17 =	vld.idx.msk [tilespmem:v0+s23+$0x0], $0xffff  }
0x54: {  	v18 =	vld.idx.msk [tilespmem:v1+s23+$0x0], $0xffff;
	_ =	sdelay $0x1  }
0x55: {  	v19 =	vld.idx.msk [tilespmem:v2+s23+$0x0], $0xffff;
	_ =	sdelay $0x1  }
0x56: {  	v20 =	vld.idx.msk [tilespmem:v3+s23+$0x0], $0xffff  }
0x57: {  	v17 =	vadd.f32 v18, v17  }
0x58: {  	v18 =	vld.idx.msk [tilespmem:v4+s23+$0x0], $0xffff  }
0x59: {  	v17 =	vadd.f32 v19, v17  }
0x5a: {  	v19 =	vld.idx.msk [tilespmem:v5+s23+$0x0], $0xffff  }
0x5b: {  	v17 =	vadd.f32 v20, v17  }
0x5c: {  	v60 =	vld.idx.msk [tilespmem:v6+s23+$0x0], $0xffff  }
0x5d: {  	v17 =	vadd.f32 v18, v17  }
0x5e: {  	v18 =	vld.idx.msk [tilespmem:v7+s23+$0x0], $0xffff  }
0x5f: {  	v17 =	vadd.f32 v19, v17  }
0x60: {  	v19 =	vld.idx.msk [tilespmem:v8+s23+$0x0], $0xffff  }
0x61: {  	v17 =	vadd.f32 v60, v17  }
0x62: {  	v61 =	vld.idx.msk [tilespmem:v9+s23+$0x0], $0xffff  }
0x63: {  	v17 =	vadd.f32 v18, v17  }
0x64: {  	v18 =	vld.idx.msk [tilespmem:v10+s23+$0x0], $0xffff  }
0x65: {  	v17 =	vadd.f32 v19, v17  }
0x66: {  	v19 =	vld.idx.msk [tilespmem:v11+s23+$0x0], $0xffff  }
0x67: {  	v17 =	vadd.f32 v61, v17  }
0x68: {  	v62 =	vld.idx.msk [tilespmem:v12+s23+$0x0], $0xffff  }
0x69: {  	v17 =	vadd.f32 v18, v17  }
0x6a: {  	v18 =	vld.idx.msk [tilespmem:v13+s23+$0x0], $0xffff  }
0x6b: {  	v17 =	vadd.f32 v19, v17  }
0x6c: {  	v19 =	vld.idx.msk [tilespmem:v14+s23+$0x0], $0xffff  }
0x6d: {  	v17 =	vadd.f32 v62, v17  }
0x6e: {  	v63 =	vld.idx.msk [tilespmem:v15+s23+$0x0], $0xffff  }
0x6f: {  	v17 =	vadd.f32 v18, v17;
	_ =	sdelay $0x1  }
0x70: {  	v17 =	vadd.f32 v19, v17;
	_ =	sdelay $0x1  }
0x71: {  	v17 =	vadd.f32 v63, v17;
	_ =	sdelay $0x1  }
0x72: {  	(erf) = vrcp.f32 v17;
	_ =	sdelay $0x8  }
0x73: {  	v18 =	vpop (erf)  }
0x74: {  	s0 =	simm.s32 $0x0;
	s1 =	simm.s32 $0x7E10;
	[tilespmem:$0xC580] =	vst v18  }
.LBB2_6:
0x75: {  	v18 =	vmov s0;
	_ =	sdelay $0x3  }
0x76: {  	v19 =	vld [tilespmem:s1+$0xFFFFFFF0]  }
0x77: {  	v18 =	vld.idx.msk [tilespmem:v18+s24+$0x0], $0xffff;
	_ =	sdelay $0x1  }
0x78: {  	v20 =	vld [tilespmem:s1+$0x0];
	_ =	sdelay $0x2  }
0x79: {  	v19 =	vmul.f32 v19, v18  }
0x7a: {  	s2 =	sadd.s32 $0x20, s1  }
0x7b: {  	v22 =	vmul.f32 v20, v18;
	v20 =	vld [tilespmem:s2+$0xFFFFFFF0];
	v21 =	vsub.f32 $1.000000950e+00, v19  }
0x7c: {  	v23 =	vimm.f32 $1.000000000e+00  }
0x7d: {  	s18 =	smul.u32 $0x3E8, s0;
	s26 =	simm.s32 $0x20;
	v19 =	vld [tilespmem:s2+$0x0];
	v22 =	vsub.f32 $1.000000950e+00, v22;
	v21 =	vmul.f32 v21, v23  }
.LBB2_7:
0x7e: {  	s26 =	sadd.s32 $0x20, s26  }
0x7f: {  	p0 =	slt.u32 s26, $0x3C0  }
.Ltmp2:
0x80: {  	s2 =	sadd.s32 $0x20, s2;
	v23 =	vmul.f32 v20, v18;
	v21 =	vmul.f32 v22, v21;
	(pc) =	sbr.rel @p0 .LBB2_7-.Ltmp2, $4  }
0x81: {  	v20 =	vld [tilespmem:s2+$0xFFFFFFF0]  }
0x82: {  	v22 =	vsub.f32 $1.000000950e+00, v23;
	v23 =	vmul.f32 v19, v18  }
0x83: {  	v19 =	vld [tilespmem:s2+$0x0]  }
0x84: {  	v21 =	vmul.f32 v22, v21;
	v22 =	vsub.f32 $1.000000950e+00, v23  }
0x85: {  	v23 =	vld [tilespmem:s18+$0x3E0];
	_ =	sdelay $0x4  }
0x86: {  	v23 =	vmul.f32 $1.442695020e+00, v23;
	_ =	sdelay $0x1  }
0x87: {  	(erf) = vpow2.f32 v23;
	_ =	sdelay $0x6  }
0x88: {  	v20 =	vmul.f32 v20, v18;
	_ =	sdelay $0x1  }
0x89: {  	v21 =	vmul.f32 v22, v21;
	v20 =	vsub.f32 $1.000000950e+00, v20;
	v19 =	vmul.f32 v19, v18;
	v63 =	vpop (erf)  }
0x8a: {  	v18 =	vmul.f32 v63, v18  }
0x8b: {  	s2 =	sshll.u32 s0, $0x4;
	s0 =	sadd.s32 $0x1, s0;
	v20 =	vmul.f32 v20, v21;
	v19 =	vsub.f32 $1.000000950e+00, v19  }
0x8c: {  	p0 =	sne.s32 s0, $0x10;
	v18 =	vsub.f32 $1.000000950e+00, v18  }
.Ltmp3:
0x8d: {  	v19 =	vmul.f32 v19, v20;
	(pc) =	sbr.rel @p0 .LBB2_6-.Ltmp3, $4  }
0x8e: {  	v18 =	vnsel vm0, $0x3F800000, v18  }
0x8f: {  	v18 =	vmul.f32 v18, v19  }
0x90: {  	s2 =	sand.u32 $0x3FFFFFF0, s2  }
0x91: {  	s1 =	sadd.s32 $0x3E8, s1;
	[tilespmem:s2+$0xC480] =	vst v18  }
0x92: {  	_ =	sdelay $0x3  }
0x93: {  	v18 =	vld.idx.msk [tilespmem:v0+s25+$0x0], $0xffff  }
0x94: {  	v19 =	vld.idx.msk [tilespmem:v1+s25+$0x0], $0xffff;
	_ =	sdelay $0x1  }
0x95: {  	v20 =	vld.idx.msk [tilespmem:v2+s25+$0x0], $0xffff;
	_ =	sdelay $0x1  }
0x96: {  	v21 =	vld.idx.msk [tilespmem:v3+s25+$0x0], $0xffff  }
0x97: {  	v18 =	vmul.f32 v19, v18  }
0x98: {  	v19 =	vld.idx.msk [tilespmem:v4+s25+$0x0], $0xffff  }
0x99: {  	v18 =	vmul.f32 v20, v18  }
0x9a: {  	v55 =	vld.idx.msk [tilespmem:v5+s25+$0x0], $0xffff  }
0x9b: {  	v18 =	vmul.f32 v21, v18  }
0x9c: {  	v56 =	vld.idx.msk [tilespmem:v6+s25+$0x0], $0xffff  }
0x9d: {  	v18 =	vmul.f32 v19, v18  }
0x9e: {  	v19 =	vld.idx.msk [tilespmem:v7+s25+$0x0], $0xffff  }
0x9f: {  	v18 =	vmul.f32 v55, v18  }
0xa0: {  	v57 =	vld.idx.msk [tilespmem:v8+s25+$0x0], $0xffff  }
0xa1: {  	v58 =	vld.idx.msk [tilespmem:v9+s25+$0x0], $0xffff;
	v18 =	vmul.f32 v56, v18  }
0xa2: {  	v22 =	vld [tilespmem:$0xBD00]  }
0xa3: {  	v18 =	vmul.f32 v19, v18  }
0xa4: {  	v19 =	vld.idx.msk [tilespmem:v10+s25+$0x0], $0xffff  }
0xa5: {  	v18 =	vmul.f32 v57, v18  }
0xa6: {  	v59 =	vld.idx.msk [tilespmem:v11+s25+$0x0], $0xffff  }
0xa7: {  	vm1 =	vgt.s32 v22, $0x0;
	v18 =	vmul.f32 v58, v18  }
0xa8: {  	v60 =	vld.idx.msk [tilespmem:v12+s25+$0x0], $0xffff;
	v22 =	vnsel vm1, $0x0, v22  }
0xa9: {  	v61 =	vmin.u32 v22, $0x3E7;
	v18 =	vmul.f32 v19, v18  }
0xaa: {  	v23 =	vadd.s32 v16, v61;
	v19 =	vld.idx.msk [tilespmem:v13+s25+$0x0], $0xffff  }
0xab: {  	v18 =	vmul.f32 v59, v18  }
0xac: {  	v62 =	vld.idx.msk [tilespmem:v14+s25+$0x0], $0xffff  }
0xad: {  	v63 =	vld.idx.msk [tilespmem:v15+s25+$0x0], $0xffff;
	v18 =	vmul.f32 v60, v18  }
0xae: {  	s0 =	simm.s32 $0x0;
	v20 =	vld.idx.msk [tilespmem:v61+s20+$0x0], $0xffff  }
0xaf: {  	v18 =	vmul.f32 v19, v18;
	v19 =	vld.idx.msk [tilespmem:v23+s0+$0x0], $0xffff;
	_ =	sdelay $0x1  }
0xb0: {  	v18 =	vmul.f32 v62, v18  }
0xb1: {  	[tilespmem:$0xC180] =	vst v17  }
0xb2: {  	[tilespmem:$0xC300] =	vst v20;
	v18 =	vmul.f32 v63, v18  }
0xb3: {  	[tilespmem:$0xC280] =	vst v19  }
0xb4: {  	[tilespmem:$0xC200] =	vst v18  }
0xb5: {  	[tilespmem:s0], [sflag:$0x1] =	stream.linear.gather [hbm4b:s5+s0], $0x3E80, $0x38;
	[tilespmem:$0xC600] =	vst v63  }
0xb6: {  	_ =	swait.ge [sflag:s22], $0x3E80  }
0xb7: {  	[sflag:s22] =	ssyncset.done $0x0  }
0xb8: {  	s1 =	simm.s32 $0x3F10;
	s2 =	simm.s32 $0x7E10;
	[sflag:s22] =	ssyncadd.s32 $0xFFFFC180  }
.LBB2_10:
0xb9: {  	v17 =	vld [tilespmem:s1+$0xFFFFFFF0];
	_ =	sdelay $0x1  }
0xba: {  	v18 =	vld [tilespmem:s1+$0x0];
	_ =	sdelay $0x2  }
0xbb: {  	v17 =	vmul.f32 $1.442695020e+00, v17  }
0xbc: {  	s18 =	sadd.s32 $0x20, s1  }
0xbd: {  	v18 =	vmul.f32 $1.442695020e+00, v18;
	(erf) = vpow2.f32 v17;
	v17 =	vld [tilespmem:s18+$0xFFFFFFF0];
	_ =	sdelay $0x1  }
0xbe: {  	(erf) = vpow2.f32 v18;
	v18 =	vld [tilespmem:s18+$0x0];
	_ =	sdelay $0x2  }
0xbf: {  	s18 =	sadd.s32 $0x20, s18;
	v17 =	vmul.f32 $1.442695020e+00, v17  }
0xc0: {  	v20 =	vld [tilespmem:s18+$0xFFFFFFF0]  }
0xc1: {  	v18 =	vmul.f32 $1.442695020e+00, v18;
	(erf) = vpow2.f32 v17  }
0xc2: {  	v19 =	vld [tilespmem:s18+$0x0]  }
0xc3: {  	v17 =	vpop (erf);
	(erf) = vpow2.f32 v18  }
0xc4: {  	v22 =	vimm.f32 $0.0e+00;
	s28 =	sadd.s32 $0x20, s18  }
0xc5: {  	s29 =	simm.s32 $0x60;
	s26 =	smov.u32 s2;
	s18 =	smul.u32 $0x3E8, s0;
	v21 =	vmul.f32 $1.442695020e+00, v20;
	v20 =	vld [tilespmem:s28+$0xFFFFFFF0];
	[tilespmem:s2+$0xFFFFFFF0] =	vst v17;
	v17 =	vadd.f32 v17, v22;
	v18 =	vpop (erf)  }
.LBB2_11:
0xc6: {  	s29 =	sadd.s32 $0x20, s29  }
0xc7: {  	v22 =	vmul.f32 $1.442695020e+00, v19;
	(erf) = vpow2.f32 v21;
	[tilespmem:s26+$0x0] =	vst v18;
	v17 =	vadd.f32 v18, v17;
	s26 =	sadd.s32 $0x20, s26;
	p0 =	slt.u32 s29, $0x3C0  }
.Ltmp4:
0xc8: {  	v19 =	vld [tilespmem:s28+$0x0];
	(pc) =	sbr.rel @p0 .LBB2_11-.Ltmp4, $4  }
0xc9: {  	(erf) = vpow2.f32 v22  }
0xca: {  	v18 =	vpop (erf)  }
0xcb: {  	s28 =	sadd.s32 $0x20, s28;
	v21 =	vmul.f32 $1.442695020e+00, v20;
	[tilespmem:s26+$0xFFFFFFF0] =	vst v18;
	v17 =	vadd.f32 v18, v17  }
0xcc: {  	v20 =	vld [tilespmem:s28+$0xFFFFFFF0];
	v18 =	vpop (erf)  }
0xcd: {  	v22 =	vld [tilespmem:s28+$0x0];
	_ =	sdelay $0x2  }
0xce: {  	v19 =	vmul.f32 $1.442695020e+00, v19  }
0xcf: {  	(erf) = vpow2.f32 v21;
	v20 =	vmul.f32 $1.442695020e+00, v20  }
0xd0: {  	(erf) = vpow2.f32 v19;
	v19 =	vmul.f32 $1.442695020e+00, v22  }
0xd1: {  	(erf) = vpow2.f32 v20  }
0xd2: {  	(erf) = vpow2.f32 v19;
	_ =	sdelay $0x3  }
0xd3: {  	[tilespmem:s26+$0x0] =	vst v18;
	s28 =	sadd.s32 $0x20, s26;
	v19 =	vpop (erf)  }
0xd4: {  	v62 =	vpop (erf);
	[tilespmem:s28+$0xFFFFFFF0] =	vst v19  }
0xd5: {  	s26 =	sadd.s32 $0x20, s28;
	[tilespmem:s28+$0x0] =	vst v62;
	v21 =	vpop (erf)  }
0xd6: {  	[tilespmem:s26+$0xFFFFFFF0] =	vst v21;
	v63 =	vpop (erf)  }
0xd7: {  	[tilespmem:s26+$0x0] =	vst v63;
	s26 =	sadd.s32 $0x20, s26;
	v23 =	vpop (erf)  }
0xd8: {  	[tilespmem:s26+$0xFFFFFFF0] =	vst v23;
	v24 =	vpop (erf)  }
0xd9: {  	[tilespmem:s26+$0x0] =	vst v24  }
0xda: {  	v25 =	vld [tilespmem:s18+$0x42E0];
	_ =	sdelay $0x3  }
0xdb: {  	v17 =	vadd.f32 v18, v17  }
0xdc: {  	v18 =	vmul.f32 $1.442695020e+00, v25  }
0xdd: {  	v17 =	vadd.f32 v19, v17  }
0xde: {  	(erf) = vpow2.f32 v18  }
0xdf: {  	v17 =	vadd.f32 v62, v17;
	_ =	sdelay $0x1  }
0xe0: {  	v17 =	vadd.f32 v21, v17;
	_ =	sdelay $0x1  }
0xe1: {  	v17 =	vadd.f32 v63, v17;
	_ =	sdelay $0x1  }
0xe2: {  	s29 =	sshll.u32 s0, $0x4;
	s0 =	sadd.s32 $0x1, s0;
	v17 =	vadd.f32 v23, v17  }
0xe3: {  	p0 =	sne.s32 s0, $0x10  }
.Ltmp5:
0xe4: {  	v17 =	vadd.f32 v24, v17;
	v18 =	vpop (erf);
	(pc) =	sbr.rel @p0 .LBB2_10-.Ltmp5, $4  }
0xe5: {  	v18 =	vnsel vm0, $0x0, v18  }
0xe6: {  	v17 =	vadd.f32 v18, v17  }
0xe7: {  	s18 =	sand.u32 $0x3FFFFFF0, s29  }
0xe8: {  	s1 =	sadd.s32 $0x3E8, s1;
	s2 =	sadd.s32 $0x3E8, s2;
	[tilespmem:s18+$0xC380] =	vst v17  }
0xe9: {  	_ =	sdelay $0x3  }
0xea: {  	v17 =	vld.idx.msk [tilespmem:v0+s23+$0x0], $0xffff  }
0xeb: {  	v18 =	vld.idx.msk [tilespmem:v1+s23+$0x0], $0xffff;
	_ =	sdelay $0x1  }
0xec: {  	v19 =	vld.idx.msk [tilespmem:v2+s23+$0x0], $0xffff;
	_ =	sdelay $0x1  }
0xed: {  	v20 =	vld.idx.msk [tilespmem:v3+s23+$0x0], $0xffff  }
0xee: {  	v17 =	vadd.f32 v18, v17  }
0xef: {  	v18 =	vld.idx.msk [tilespmem:v4+s23+$0x0], $0xffff  }
0xf0: {  	v17 =	vadd.f32 v19, v17  }
0xf1: {  	v19 =	vld.idx.msk [tilespmem:v5+s23+$0x0], $0xffff  }
0xf2: {  	v17 =	vadd.f32 v20, v17  }
0xf3: {  	v60 =	vld.idx.msk [tilespmem:v6+s23+$0x0], $0xffff  }
0xf4: {  	v17 =	vadd.f32 v18, v17  }
0xf5: {  	v18 =	vld.idx.msk [tilespmem:v7+s23+$0x0], $0xffff  }
0xf6: {  	v17 =	vadd.f32 v19, v17  }
0xf7: {  	v19 =	vld.idx.msk [tilespmem:v8+s23+$0x0], $0xffff  }
0xf8: {  	v17 =	vadd.f32 v60, v17  }
0xf9: {  	v61 =	vld.idx.msk [tilespmem:v9+s23+$0x0], $0xffff  }
0xfa: {  	v17 =	vadd.f32 v18, v17  }
0xfb: {  	v18 =	vld.idx.msk [tilespmem:v10+s23+$0x0], $0xffff  }
0xfc: {  	v17 =	vadd.f32 v19, v17  }
0xfd: {  	v19 =	vld.idx.msk [tilespmem:v11+s23+$0x0], $0xffff  }
0xfe: {  	v17 =	vadd.f32 v61, v17  }
0xff: {  	v62 =	vld.idx.msk [tilespmem:v12+s23+$0x0], $0xffff  }
0x100: {  	v17 =	vadd.f32 v18, v17  }
0x101: {  	v18 =	vld.idx.msk [tilespmem:v13+s23+$0x0], $0xffff  }
0x102: {  	v17 =	vadd.f32 v19, v17  }
0x103: {  	v19 =	vld.idx.msk [tilespmem:v14+s23+$0x0], $0xffff  }
0x104: {  	v17 =	vadd.f32 v62, v17  }
0x105: {  	v63 =	vld.idx.msk [tilespmem:v15+s23+$0x0], $0xffff  }
0x106: {  	v17 =	vadd.f32 v18, v17;
	_ =	sdelay $0x1  }
0x107: {  	v17 =	vadd.f32 v19, v17;
	_ =	sdelay $0x1  }
0x108: {  	v17 =	vadd.f32 v63, v17;
	_ =	sdelay $0x1  }
0x109: {  	(erf) = vrcp.f32 v17;
	_ =	sdelay $0x8  }
0x10a: {  	v18 =	vpop (erf)  }
0x10b: {  	s0 =	simm.s32 $0x0;
	s1 =	simm.s32 $0x7E10;
	[tilespmem:$0xC580] =	vst v18  }
.LBB2_14:
0x10c: {  	v18 =	vmov s0;
	_ =	sdelay $0x3  }
0x10d: {  	v19 =	vld [tilespmem:s1+$0xFFFFFFF0]  }
0x10e: {  	v18 =	vld.idx.msk [tilespmem:v18+s24+$0x0], $0xffff;
	_ =	sdelay $0x1  }
0x10f: {  	v20 =	vld [tilespmem:s1+$0x0];
	_ =	sdelay $0x2  }
0x110: {  	v19 =	vmul.f32 v19, v18  }
0x111: {  	s2 =	sadd.s32 $0x20, s1  }
0x112: {  	v22 =	vmul.f32 v20, v18;
	v20 =	vld [tilespmem:s2+$0xFFFFFFF0];
	v21 =	vsub.f32 $1.000000950e+00, v19  }
0x113: {  	v23 =	vimm.f32 $1.000000000e+00  }
0x114: {  	s18 =	smul.u32 $0x3E8, s0;
	s26 =	simm.s32 $0x20;
	v19 =	vld [tilespmem:s2+$0x0];
	v22 =	vsub.f32 $1.000000950e+00, v22;
	v21 =	vmul.f32 v21, v23  }
.LBB2_15:
0x115: {  	s26 =	sadd.s32 $0x20, s26  }
0x116: {  	p0 =	slt.u32 s26, $0x3C0  }
.Ltmp6:
0x117: {  	s2 =	sadd.s32 $0x20, s2;
	v23 =	vmul.f32 v20, v18;
	v21 =	vmul.f32 v22, v21;
	(pc) =	sbr.rel @p0 .LBB2_15-.Ltmp6, $4  }
0x118: {  	v20 =	vld [tilespmem:s2+$0xFFFFFFF0]  }
0x119: {  	v22 =	vsub.f32 $1.000000950e+00, v23;
	v23 =	vmul.f32 v19, v18  }
0x11a: {  	v19 =	vld [tilespmem:s2+$0x0]  }
0x11b: {  	v21 =	vmul.f32 v22, v21;
	v22 =	vsub.f32 $1.000000950e+00, v23  }
0x11c: {  	v23 =	vld [tilespmem:s18+$0x42E0];
	_ =	sdelay $0x4  }
0x11d: {  	v23 =	vmul.f32 $1.442695020e+00, v23;
	_ =	sdelay $0x1  }
0x11e: {  	(erf) = vpow2.f32 v23;
	_ =	sdelay $0x6  }
0x11f: {  	v20 =	vmul.f32 v20, v18;
	_ =	sdelay $0x1  }
0x120: {  	v21 =	vmul.f32 v22, v21;
	v20 =	vsub.f32 $1.000000950e+00, v20;
	v19 =	vmul.f32 v19, v18;
	v63 =	vpop (erf)  }
0x121: {  	v18 =	vmul.f32 v63, v18  }
0x122: {  	s2 =	sshll.u32 s0, $0x4;
	s0 =	sadd.s32 $0x1, s0;
	v20 =	vmul.f32 v20, v21;
	v19 =	vsub.f32 $1.000000950e+00, v19  }
0x123: {  	p0 =	sne.s32 s0, $0x10;
	v18 =	vsub.f32 $1.000000950e+00, v18  }
.Ltmp7:
0x124: {  	v19 =	vmul.f32 v19, v20;
	(pc) =	sbr.rel @p0 .LBB2_14-.Ltmp7, $4  }
0x125: {  	v18 =	vnsel vm0, $0x3F800000, v18  }
0x126: {  	v18 =	vmul.f32 v18, v19  }
0x127: {  	s2 =	sand.u32 $0x3FFFFFF0, s2  }
0x128: {  	s1 =	sadd.s32 $0x3E8, s1;
	[tilespmem:s2+$0xC480] =	vst v18  }
0x129: {  	_ =	sdelay $0x3  }
0x12a: {  	v18 =	vld.idx.msk [tilespmem:v0+s25+$0x0], $0xffff  }
0x12b: {  	v19 =	vld.idx.msk [tilespmem:v1+s25+$0x0], $0xffff;
	_ =	sdelay $0x1  }
0x12c: {  	v20 =	vld.idx.msk [tilespmem:v2+s25+$0x0], $0xffff;
	_ =	sdelay $0x1  }
0x12d: {  	v21 =	vld.idx.msk [tilespmem:v3+s25+$0x0], $0xffff  }
0x12e: {  	v18 =	vmul.f32 v19, v18  }
0x12f: {  	v19 =	vld.idx.msk [tilespmem:v4+s25+$0x0], $0xffff  }
0x130: {  	v18 =	vmul.f32 v20, v18  }
0x131: {  	v55 =	vld.idx.msk [tilespmem:v5+s25+$0x0], $0xffff  }
0x132: {  	v18 =	vmul.f32 v21, v18  }
0x133: {  	v56 =	vld.idx.msk [tilespmem:v6+s25+$0x0], $0xffff  }
0x134: {  	v18 =	vmul.f32 v19, v18  }
0x135: {  	v19 =	vld.idx.msk [tilespmem:v7+s25+$0x0], $0xffff  }
0x136: {  	v18 =	vmul.f32 v55, v18  }
0x137: {  	v57 =	vld.idx.msk [tilespmem:v8+s25+$0x0], $0xffff  }
0x138: {  	v58 =	vld.idx.msk [tilespmem:v9+s25+$0x0], $0xffff;
	v18 =	vmul.f32 v56, v18  }
0x139: {  	v22 =	vld [tilespmem:$0xBD10]  }
0x13a: {  	v18 =	vmul.f32 v19, v18  }
0x13b: {  	v19 =	vld.idx.msk [tilespmem:v10+s25+$0x0], $0xffff  }
0x13c: {  	v18 =	vmul.f32 v57, v18  }
0x13d: {  	v59 =	vld.idx.msk [tilespmem:v11+s25+$0x0], $0xffff  }
0x13e: {  	vm1 =	vgt.s32 v22, $0x0;
	v18 =	vmul.f32 v58, v18  }
0x13f: {  	v60 =	vld.idx.msk [tilespmem:v12+s25+$0x0], $0xffff;
	v22 =	vnsel vm1, $0x0, v22  }
0x140: {  	v61 =	vmin.u32 v22, $0x3E7;
	v18 =	vmul.f32 v19, v18  }
0x141: {  	v23 =	vadd.s32 v16, v61;
	v19 =	vld.idx.msk [tilespmem:v13+s25+$0x0], $0xffff  }
0x142: {  	v18 =	vmul.f32 v59, v18  }
0x143: {  	v62 =	vld.idx.msk [tilespmem:v14+s25+$0x0], $0xffff  }
0x144: {  	v63 =	vld.idx.msk [tilespmem:v15+s25+$0x0], $0xffff;
	v18 =	vmul.f32 v60, v18  }
0x145: {  	v20 =	vld.idx.msk [tilespmem:v61+s20+$0x0], $0xffff  }
0x146: {  	v18 =	vmul.f32 v19, v18;
	v19 =	vld.idx.msk [tilespmem:v23+s21+$0x0], $0xffff;
	_ =	sdelay $0x1  }
0x147: {  	v18 =	vmul.f32 v62, v18  }
0x148: {  	[tilespmem:$0xC190] =	vst v17  }
0x149: {  	[tilespmem:$0xC310] =	vst v20;
	v18 =	vmul.f32 v63, v18  }
0x14a: {  	[tilespmem:$0xC290] =	vst v19  }
0x14b: {  	s0 =	simm.s32 $0x0;
	[tilespmem:$0xC210] =	vst v18  }
0x14c: {  	[tilespmem:s21], [sflag:$0x1] =	stream.linear.gather [hbm4b:s6+s0], $0x3E80, $0x38;
	[tilespmem:$0xC600] =	vst v63  }
0x14d: {  	_ =	swait.ge [sflag:s22], $0x3E80  }
0x14e: {  	[sflag:s22] =	ssyncset.done $0x0  }
0x14f: {  	s1 =	simm.s32 $0x10;
	s2 =	simm.s32 $0x7E10;
	[sflag:s22] =	ssyncadd.s32 $0xFFFFC180  }
.LBB2_18:
0x150: {  	v17 =	vld [tilespmem:s1+$0xFFFFFFF0];
	_ =	sdelay $0x1  }
0x151: {  	v18 =	vld [tilespmem:s1+$0x0];
	_ =	sdelay $0x2  }
0x152: {  	v17 =	vmul.f32 $1.442695020e+00, v17  }
0x153: {  	s18 =	sadd.s32 $0x20, s1  }
0x154: {  	v18 =	vmul.f32 $1.442695020e+00, v18;
	(erf) = vpow2.f32 v17;
	v17 =	vld [tilespmem:s18+$0xFFFFFFF0];
	_ =	sdelay $0x1  }
0x155: {  	(erf) = vpow2.f32 v18;
	v18 =	vld [tilespmem:s18+$0x0];
	_ =	sdelay $0x2  }
0x156: {  	s18 =	sadd.s32 $0x20, s18;
	v17 =	vmul.f32 $1.442695020e+00, v17  }
0x157: {  	v20 =	vld [tilespmem:s18+$0xFFFFFFF0]  }
0x158: {  	v18 =	vmul.f32 $1.442695020e+00, v18;
	(erf) = vpow2.f32 v17  }
0x159: {  	v19 =	vld [tilespmem:s18+$0x0]  }
0x15a: {  	v17 =	vpop (erf);
	(erf) = vpow2.f32 v18  }
0x15b: {  	v22 =	vimm.f32 $0.0e+00;
	s28 =	sadd.s32 $0x20, s18  }
0x15c: {  	s29 =	simm.s32 $0x60;
	s26 =	smov.u32 s2;
	s18 =	smul.u32 $0x3E8, s0;
	v21 =	vmul.f32 $1.442695020e+00, v20;
	v20 =	vld [tilespmem:s28+$0xFFFFFFF0];
	[tilespmem:s2+$0xFFFFFFF0] =	vst v17;
	v17 =	vadd.f32 v17, v22;
	v18 =	vpop (erf)  }
.LBB2_19:
0x15d: {  	s29 =	sadd.s32 $0x20, s29  }
0x15e: {  	v22 =	vmul.f32 $1.442695020e+00, v19;
	(erf) = vpow2.f32 v21;
	[tilespmem:s26+$0x0] =	vst v18;
	v17 =	vadd.f32 v18, v17;
	s26 =	sadd.s32 $0x20, s26;
	p0 =	slt.u32 s29, $0x3C0  }
.Ltmp8:
0x15f: {  	v19 =	vld [tilespmem:s28+$0x0];
	(pc) =	sbr.rel @p0 .LBB2_19-.Ltmp8, $4  }
0x160: {  	(erf) = vpow2.f32 v22  }
0x161: {  	v18 =	vpop (erf)  }
0x162: {  	s28 =	sadd.s32 $0x20, s28;
	v21 =	vmul.f32 $1.442695020e+00, v20;
	[tilespmem:s26+$0xFFFFFFF0] =	vst v18;
	v17 =	vadd.f32 v18, v17  }
0x163: {  	v20 =	vld [tilespmem:s28+$0xFFFFFFF0];
	v18 =	vpop (erf)  }
0x164: {  	v22 =	vld [tilespmem:s28+$0x0];
	_ =	sdelay $0x2  }
0x165: {  	v19 =	vmul.f32 $1.442695020e+00, v19  }
0x166: {  	(erf) = vpow2.f32 v21;
	v20 =	vmul.f32 $1.442695020e+00, v20  }
0x167: {  	(erf) = vpow2.f32 v19;
	v19 =	vmul.f32 $1.442695020e+00, v22  }
0x168: {  	(erf) = vpow2.f32 v20  }
0x169: {  	(erf) = vpow2.f32 v19;
	_ =	sdelay $0x3  }
0x16a: {  	[tilespmem:s26+$0x0] =	vst v18;
	s28 =	sadd.s32 $0x20, s26;
	v19 =	vpop (erf)  }
0x16b: {  	v62 =	vpop (erf);
	[tilespmem:s28+$0xFFFFFFF0] =	vst v19  }
0x16c: {  	s26 =	sadd.s32 $0x20, s28;
	[tilespmem:s28+$0x0] =	vst v62;
	v21 =	vpop (erf)  }
0x16d: {  	[tilespmem:s26+$0xFFFFFFF0] =	vst v21;
	v63 =	vpop (erf)  }
0x16e: {  	[tilespmem:s26+$0x0] =	vst v63;
	s26 =	sadd.s32 $0x20, s26;
	v23 =	vpop (erf)  }
0x16f: {  	[tilespmem:s26+$0xFFFFFFF0] =	vst v23;
	v24 =	vpop (erf)  }
0x170: {  	[tilespmem:s26+$0x0] =	vst v24  }
0x171: {  	v25 =	vld [tilespmem:s18+$0x3E0];
	_ =	sdelay $0x3  }
0x172: {  	v17 =	vadd.f32 v18, v17  }
0x173: {  	v18 =	vmul.f32 $1.442695020e+00, v25  }
0x174: {  	v17 =	vadd.f32 v19, v17  }
0x175: {  	(erf) = vpow2.f32 v18  }
0x176: {  	v17 =	vadd.f32 v62, v17;
	_ =	sdelay $0x1  }
0x177: {  	v17 =	vadd.f32 v21, v17;
	_ =	sdelay $0x1  }
0x178: {  	v17 =	vadd.f32 v63, v17;
	_ =	sdelay $0x1  }
0x179: {  	s29 =	sshll.u32 s0, $0x4;
	s0 =	sadd.s32 $0x1, s0;
	v17 =	vadd.f32 v23, v17  }
0x17a: {  	p0 =	sne.s32 s0, $0x10  }
.Ltmp9:
0x17b: {  	v17 =	vadd.f32 v24, v17;
	v18 =	vpop (erf);
	(pc) =	sbr.rel @p0 .LBB2_18-.Ltmp9, $4  }
0x17c: {  	v18 =	vnsel vm0, $0x0, v18  }
0x17d: {  	v17 =	vadd.f32 v18, v17  }
0x17e: {  	s18 =	sand.u32 $0x3FFFFFF0, s29  }
0x17f: {  	s1 =	sadd.s32 $0x3E8, s1;
	s2 =	sadd.s32 $0x3E8, s2;
	[tilespmem:s18+$0xC380] =	vst v17  }
0x180: {  	_ =	sdelay $0x3  }
0x181: {  	v17 =	vld.idx.msk [tilespmem:v0+s23+$0x0], $0xffff  }
0x182: {  	v18 =	vld.idx.msk [tilespmem:v1+s23+$0x0], $0xffff;
	_ =	sdelay $0x1  }
0x183: {  	v19 =	vld.idx.msk [tilespmem:v2+s23+$0x0], $0xffff;
	_ =	sdelay $0x1  }
0x184: {  	v20 =	vld.idx.msk [tilespmem:v3+s23+$0x0], $0xffff  }
0x185: {  	v17 =	vadd.f32 v18, v17  }
0x186: {  	v18 =	vld.idx.msk [tilespmem:v4+s23+$0x0], $0xffff  }
0x187: {  	v17 =	vadd.f32 v19, v17  }
0x188: {  	v19 =	vld.idx.msk [tilespmem:v5+s23+$0x0], $0xffff  }
0x189: {  	v17 =	vadd.f32 v20, v17  }
0x18a: {  	v60 =	vld.idx.msk [tilespmem:v6+s23+$0x0], $0xffff  }
0x18b: {  	v17 =	vadd.f32 v18, v17  }
0x18c: {  	v18 =	vld.idx.msk [tilespmem:v7+s23+$0x0], $0xffff  }
0x18d: {  	v17 =	vadd.f32 v19, v17  }
0x18e: {  	v19 =	vld.idx.msk [tilespmem:v8+s23+$0x0], $0xffff  }
0x18f: {  	v17 =	vadd.f32 v60, v17  }
0x190: {  	v61 =	vld.idx.msk [tilespmem:v9+s23+$0x0], $0xffff  }
0x191: {  	v17 =	vadd.f32 v18, v17  }
0x192: {  	v18 =	vld.idx.msk [tilespmem:v10+s23+$0x0], $0xffff  }
0x193: {  	v17 =	vadd.f32 v19, v17  }
0x194: {  	v19 =	vld.idx.msk [tilespmem:v11+s23+$0x0], $0xffff  }
0x195: {  	v17 =	vadd.f32 v61, v17  }
0x196: {  	v62 =	vld.idx.msk [tilespmem:v12+s23+$0x0], $0xffff  }
0x197: {  	v17 =	vadd.f32 v18, v17  }
0x198: {  	v18 =	vld.idx.msk [tilespmem:v13+s23+$0x0], $0xffff  }
0x199: {  	v17 =	vadd.f32 v19, v17  }
0x19a: {  	v19 =	vld.idx.msk [tilespmem:v14+s23+$0x0], $0xffff  }
0x19b: {  	v17 =	vadd.f32 v62, v17  }
0x19c: {  	v63 =	vld.idx.msk [tilespmem:v15+s23+$0x0], $0xffff  }
0x19d: {  	v17 =	vadd.f32 v18, v17;
	_ =	sdelay $0x1  }
0x19e: {  	v17 =	vadd.f32 v19, v17;
	_ =	sdelay $0x1  }
0x19f: {  	v17 =	vadd.f32 v63, v17;
	_ =	sdelay $0x1  }
0x1a0: {  	(erf) = vrcp.f32 v17;
	_ =	sdelay $0x8  }
0x1a1: {  	v18 =	vpop (erf)  }
0x1a2: {  	s0 =	simm.s32 $0x0;
	s1 =	simm.s32 $0x7E10;
	[tilespmem:$0xC580] =	vst v18  }
.LBB2_22:
0x1a3: {  	v18 =	vmov s0;
	_ =	sdelay $0x3  }
0x1a4: {  	v19 =	vld [tilespmem:s1+$0xFFFFFFF0]  }
0x1a5: {  	v18 =	vld.idx.msk [tilespmem:v18+s24+$0x0], $0xffff;
	_ =	sdelay $0x1  }
0x1a6: {  	v20 =	vld [tilespmem:s1+$0x0];
	_ =	sdelay $0x2  }
0x1a7: {  	v19 =	vmul.f32 v19, v18  }
0x1a8: {  	s2 =	sadd.s32 $0x20, s1  }
0x1a9: {  	v22 =	vmul.f32 v20, v18;
	v20 =	vld [tilespmem:s2+$0xFFFFFFF0];
	v21 =	vsub.f32 $1.000000950e+00, v19  }
0x1aa: {  	v23 =	vimm.f32 $1.000000000e+00  }
0x1ab: {  	s18 =	smul.u32 $0x3E8, s0;
	s26 =	simm.s32 $0x20;
	v19 =	vld [tilespmem:s2+$0x0];
	v22 =	vsub.f32 $1.000000950e+00, v22;
	v21 =	vmul.f32 v21, v23  }
.LBB2_23:
0x1ac: {  	s26 =	sadd.s32 $0x20, s26  }
0x1ad: {  	p0 =	slt.u32 s26, $0x3C0  }
.Ltmp10:
0x1ae: {  	s2 =	sadd.s32 $0x20, s2;
	v23 =	vmul.f32 v20, v18;
	v21 =	vmul.f32 v22, v21;
	(pc) =	sbr.rel @p0 .LBB2_23-.Ltmp10, $4  }
0x1af: {  	v20 =	vld [tilespmem:s2+$0xFFFFFFF0]  }
0x1b0: {  	v22 =	vsub.f32 $1.000000950e+00, v23;
	v23 =	vmul.f32 v19, v18  }
0x1b1: {  	v19 =	vld [tilespmem:s2+$0x0]  }
0x1b2: {  	v21 =	vmul.f32 v22, v21;
	v22 =	vsub.f32 $1.000000950e+00, v23  }
0x1b3: {  	v23 =	vld [tilespmem:s18+$0x3E0];
	_ =	sdelay $0x4  }
0x1b4: {  	v23 =	vmul.f32 $1.442695020e+00, v23;
	_ =	sdelay $0x1  }
0x1b5: {  	(erf) = vpow2.f32 v23;
	_ =	sdelay $0x6  }
0x1b6: {  	v20 =	vmul.f32 v20, v18;
	_ =	sdelay $0x1  }
0x1b7: {  	v21 =	vmul.f32 v22, v21;
	v20 =	vsub.f32 $1.000000950e+00, v20;
	v19 =	vmul.f32 v19, v18;
	v63 =	vpop (erf)  }
0x1b8: {  	v18 =	vmul.f32 v63, v18  }
0x1b9: {  	s2 =	sshll.u32 s0, $0x4;
	s0 =	sadd.s32 $0x1, s0;
	v20 =	vmul.f32 v20, v21;
	v19 =	vsub.f32 $1.000000950e+00, v19  }
0x1ba: {  	p0 =	sne.s32 s0, $0x10;
	v18 =	vsub.f32 $1.000000950e+00, v18  }
.Ltmp11:
0x1bb: {  	v19 =	vmul.f32 v19, v20;
	(pc) =	sbr.rel @p0 .LBB2_22-.Ltmp11, $4  }
0x1bc: {  	v18 =	vnsel vm0, $0x3F800000, v18  }
0x1bd: {  	v18 =	vmul.f32 v18, v19  }
0x1be: {  	s2 =	sand.u32 $0x3FFFFFF0, s2  }
0x1bf: {  	s1 =	sadd.s32 $0x3E8, s1;
	[tilespmem:s2+$0xC480] =	vst v18  }
0x1c0: {  	_ =	sdelay $0x3  }
0x1c1: {  	v18 =	vld.idx.msk [tilespmem:v0+s25+$0x0], $0xffff  }
0x1c2: {  	v19 =	vld.idx.msk [tilespmem:v1+s25+$0x0], $0xffff;
	_ =	sdelay $0x1  }
0x1c3: {  	v20 =	vld.idx.msk [tilespmem:v2+s25+$0x0], $0xffff;
	_ =	sdelay $0x1  }
0x1c4: {  	v21 =	vld.idx.msk [tilespmem:v3+s25+$0x0], $0xffff  }
0x1c5: {  	v18 =	vmul.f32 v19, v18  }
0x1c6: {  	v19 =	vld.idx.msk [tilespmem:v4+s25+$0x0], $0xffff  }
0x1c7: {  	v18 =	vmul.f32 v20, v18  }
0x1c8: {  	v55 =	vld.idx.msk [tilespmem:v5+s25+$0x0], $0xffff  }
0x1c9: {  	v18 =	vmul.f32 v21, v18  }
0x1ca: {  	v56 =	vld.idx.msk [tilespmem:v6+s25+$0x0], $0xffff  }
0x1cb: {  	v18 =	vmul.f32 v19, v18  }
0x1cc: {  	v19 =	vld.idx.msk [tilespmem:v7+s25+$0x0], $0xffff  }
0x1cd: {  	v18 =	vmul.f32 v55, v18  }
0x1ce: {  	v57 =	vld.idx.msk [tilespmem:v8+s25+$0x0], $0xffff  }
0x1cf: {  	v58 =	vld.idx.msk [tilespmem:v9+s25+$0x0], $0xffff;
	v18 =	vmul.f32 v56, v18  }
0x1d0: {  	v22 =	vld [tilespmem:$0xBD20]  }
0x1d1: {  	v18 =	vmul.f32 v19, v18  }
0x1d2: {  	v19 =	vld.idx.msk [tilespmem:v10+s25+$0x0], $0xffff  }
0x1d3: {  	v18 =	vmul.f32 v57, v18  }
0x1d4: {  	v59 =	vld.idx.msk [tilespmem:v11+s25+$0x0], $0xffff  }
0x1d5: {  	vm1 =	vgt.s32 v22, $0x0;
	v18 =	vmul.f32 v58, v18  }
0x1d6: {  	v60 =	vld.idx.msk [tilespmem:v12+s25+$0x0], $0xffff;
	v22 =	vnsel vm1, $0x0, v22  }
0x1d7: {  	v61 =	vmin.u32 v22, $0x3E7;
	v18 =	vmul.f32 v19, v18  }
0x1d8: {  	v23 =	vadd.s32 v16, v61;
	v19 =	vld.idx.msk [tilespmem:v13+s25+$0x0], $0xffff  }
0x1d9: {  	v18 =	vmul.f32 v59, v18  }
0x1da: {  	v62 =	vld.idx.msk [tilespmem:v14+s25+$0x0], $0xffff  }
0x1db: {  	v63 =	vld.idx.msk [tilespmem:v15+s25+$0x0], $0xffff;
	v18 =	vmul.f32 v60, v18  }
0x1dc: {  	s0 =	simm.s32 $0x0;
	v20 =	vld.idx.msk [tilespmem:v61+s20+$0x0], $0xffff  }
0x1dd: {  	v18 =	vmul.f32 v19, v18;
	v19 =	vld.idx.msk [tilespmem:v23+s0+$0x0], $0xffff;
	_ =	sdelay $0x1  }
0x1de: {  	v18 =	vmul.f32 v62, v18  }
0x1df: {  	[tilespmem:$0xC1A0] =	vst v17  }
0x1e0: {  	[tilespmem:$0xC320] =	vst v20;
	v18 =	vmul.f32 v63, v18  }
0x1e1: {  	[tilespmem:$0xC2A0] =	vst v19  }
0x1e2: {  	[tilespmem:$0xC220] =	vst v18  }
0x1e3: {  	[tilespmem:s0], [sflag:$0x1] =	stream.linear.gather [hbm4b:s7+s0], $0x3E80, $0x38;
	[tilespmem:$0xC600] =	vst v63  }
0x1e4: {  	_ =	swait.ge [sflag:s22], $0x3E80  }
0x1e5: {  	[sflag:s22] =	ssyncset.done $0x0  }
0x1e6: {  	s1 =	simm.s32 $0x3F10;
	s2 =	simm.s32 $0x7E10;
	[sflag:s22] =	ssyncadd.s32 $0xFFFFC180  }
.LBB2_26:
0x1e7: {  	v17 =	vld [tilespmem:s1+$0xFFFFFFF0];
	_ =	sdelay $0x1  }
0x1e8: {  	v18 =	vld [tilespmem:s1+$0x0];
	_ =	sdelay $0x2  }
0x1e9: {  	v17 =	vmul.f32 $1.442695020e+00, v17  }
0x1ea: {  	s18 =	sadd.s32 $0x20, s1  }
0x1eb: {  	v18 =	vmul.f32 $1.442695020e+00, v18;
	(erf) = vpow2.f32 v17;
	v17 =	vld [tilespmem:s18+$0xFFFFFFF0];
	_ =	sdelay $0x1  }
0x1ec: {  	(erf) = vpow2.f32 v18;
	v18 =	vld [tilespmem:s18+$0x0];
	_ =	sdelay $0x2  }
0x1ed: {  	s18 =	sadd.s32 $0x20, s18;
	v17 =	vmul.f32 $1.442695020e+00, v17  }
0x1ee: {  	v20 =	vld [tilespmem:s18+$0xFFFFFFF0]  }
0x1ef: {  	v18 =	vmul.f32 $1.442695020e+00, v18;
	(erf) = vpow2.f32 v17  }
0x1f0: {  	v19 =	vld [tilespmem:s18+$0x0]  }
0x1f1: {  	v17 =	vpop (erf);
	(erf) = vpow2.f32 v18  }
0x1f2: {  	v22 =	vimm.f32 $0.0e+00;
	s28 =	sadd.s32 $0x20, s18  }
0x1f3: {  	s29 =	simm.s32 $0x60;
	s26 =	smov.u32 s2;
	s18 =	smul.u32 $0x3E8, s0;
	v21 =	vmul.f32 $1.442695020e+00, v20;
	v20 =	vld [tilespmem:s28+$0xFFFFFFF0];
	[tilespmem:s2+$0xFFFFFFF0] =	vst v17;
	v17 =	vadd.f32 v17, v22;
	v18 =	vpop (erf)  }
.LBB2_27:
0x1f4: {  	s29 =	sadd.s32 $0x20, s29  }
0x1f5: {  	v22 =	vmul.f32 $1.442695020e+00, v19;
	(erf) = vpow2.f32 v21;
	[tilespmem:s26+$0x0] =	vst v18;
	v17 =	vadd.f32 v18, v17;
	s26 =	sadd.s32 $0x20, s26;
	p0 =	slt.u32 s29, $0x3C0  }
.Ltmp12:
0x1f6: {  	v19 =	vld [tilespmem:s28+$0x0];
	(pc) =	sbr.rel @p0 .LBB2_27-.Ltmp12, $4  }
0x1f7: {  	(erf) = vpow2.f32 v22  }
0x1f8: {  	v18 =	vpop (erf)  }
0x1f9: {  	s28 =	sadd.s32 $0x20, s28;
	v21 =	vmul.f32 $1.442695020e+00, v20;
	[tilespmem:s26+$0xFFFFFFF0] =	vst v18;
	v17 =	vadd.f32 v18, v17  }
0x1fa: {  	v20 =	vld [tilespmem:s28+$0xFFFFFFF0];
	v18 =	vpop (erf)  }
0x1fb: {  	v22 =	vld [tilespmem:s28+$0x0];
	_ =	sdelay $0x2  }
0x1fc: {  	v19 =	vmul.f32 $1.442695020e+00, v19  }
0x1fd: {  	(erf) = vpow2.f32 v21;
	v20 =	vmul.f32 $1.442695020e+00, v20  }
0x1fe: {  	(erf) = vpow2.f32 v19;
	v19 =	vmul.f32 $1.442695020e+00, v22  }
0x1ff: {  	(erf) = vpow2.f32 v20  }
0x200: {  	(erf) = vpow2.f32 v19;
	_ =	sdelay $0x3  }
0x201: {  	[tilespmem:s26+$0x0] =	vst v18;
	s28 =	sadd.s32 $0x20, s26;
	v19 =	vpop (erf)  }
0x202: {  	v62 =	vpop (erf);
	[tilespmem:s28+$0xFFFFFFF0] =	vst v19  }
0x203: {  	s26 =	sadd.s32 $0x20, s28;
	[tilespmem:s28+$0x0] =	vst v62;
	v21 =	vpop (erf)  }
0x204: {  	[tilespmem:s26+$0xFFFFFFF0] =	vst v21;
	v63 =	vpop (erf)  }
0x205: {  	[tilespmem:s26+$0x0] =	vst v63;
	s26 =	sadd.s32 $0x20, s26;
	v23 =	vpop (erf)  }
0x206: {  	[tilespmem:s26+$0xFFFFFFF0] =	vst v23;
	v24 =	vpop (erf)  }
0x207: {  	[tilespmem:s26+$0x0] =	vst v24  }
0x208: {  	v25 =	vld [tilespmem:s18+$0x42E0];
	_ =	sdelay $0x3  }
0x209: {  	v17 =	vadd.f32 v18, v17  }
0x20a: {  	v18 =	vmul.f32 $1.442695020e+00, v25  }
0x20b: {  	v17 =	vadd.f32 v19, v17  }
0x20c: {  	(erf) = vpow2.f32 v18  }
0x20d: {  	v17 =	vadd.f32 v62, v17;
	_ =	sdelay $0x1  }
0x20e: {  	v17 =	vadd.f32 v21, v17;
	_ =	sdelay $0x1  }
0x20f: {  	v17 =	vadd.f32 v63, v17;
	_ =	sdelay $0x1  }
0x210: {  	s29 =	sshll.u32 s0, $0x4;
	s0 =	sadd.s32 $0x1, s0;
	v17 =	vadd.f32 v23, v17  }
0x211: {  	p0 =	sne.s32 s0, $0x10  }
.Ltmp13:
0x212: {  	v17 =	vadd.f32 v24, v17;
	v18 =	vpop (erf);
	(pc) =	sbr.rel @p0 .LBB2_26-.Ltmp13, $4  }
0x213: {  	v18 =	vnsel vm0, $0x0, v18  }
0x214: {  	v17 =	vadd.f32 v18, v17  }
0x215: {  	s18 =	sand.u32 $0x3FFFFFF0, s29  }
0x216: {  	s1 =	sadd.s32 $0x3E8, s1;
	s2 =	sadd.s32 $0x3E8, s2;
	[tilespmem:s18+$0xC380] =	vst v17  }
0x217: {  	_ =	sdelay $0x3  }
0x218: {  	v17 =	vld.idx.msk [tilespmem:v0+s23+$0x0], $0xffff  }
0x219: {  	v18 =	vld.idx.msk [tilespmem:v1+s23+$0x0], $0xffff;
	_ =	sdelay $0x1  }
0x21a: {  	v19 =	vld.idx.msk [tilespmem:v2+s23+$0x0], $0xffff;
	_ =	sdelay $0x1  }
0x21b: {  	v20 =	vld.idx.msk [tilespmem:v3+s23+$0x0], $0xffff  }
0x21c: {  	v17 =	vadd.f32 v18, v17  }
0x21d: {  	v18 =	vld.idx.msk [tilespmem:v4+s23+$0x0], $0xffff  }
0x21e: {  	v17 =	vadd.f32 v19, v17  }
0x21f: {  	v19 =	vld.idx.msk [tilespmem:v5+s23+$0x0], $0xffff  }
0x220: {  	v17 =	vadd.f32 v20, v17  }
0x221: {  	v60 =	vld.idx.msk [tilespmem:v6+s23+$0x0], $0xffff  }
0x222: {  	v17 =	vadd.f32 v18, v17  }
0x223: {  	v18 =	vld.idx.msk [tilespmem:v7+s23+$0x0], $0xffff  }
0x224: {  	v17 =	vadd.f32 v19, v17  }
0x225: {  	v19 =	vld.idx.msk [tilespmem:v8+s23+$0x0], $0xffff  }
0x226: {  	v17 =	vadd.f32 v60, v17  }
0x227: {  	v61 =	vld.idx.msk [tilespmem:v9+s23+$0x0], $0xffff  }
0x228: {  	v17 =	vadd.f32 v18, v17  }
0x229: {  	v18 =	vld.idx.msk [tilespmem:v10+s23+$0x0], $0xffff  }
0x22a: {  	v17 =	vadd.f32 v19, v17  }
0x22b: {  	v19 =	vld.idx.msk [tilespmem:v11+s23+$0x0], $0xffff  }
0x22c: {  	v17 =	vadd.f32 v61, v17  }
0x22d: {  	v62 =	vld.idx.msk [tilespmem:v12+s23+$0x0], $0xffff  }
0x22e: {  	v17 =	vadd.f32 v18, v17  }
0x22f: {  	v18 =	vld.idx.msk [tilespmem:v13+s23+$0x0], $0xffff  }
0x230: {  	v17 =	vadd.f32 v19, v17  }
0x231: {  	v19 =	vld.idx.msk [tilespmem:v14+s23+$0x0], $0xffff  }
0x232: {  	v17 =	vadd.f32 v62, v17  }
0x233: {  	v63 =	vld.idx.msk [tilespmem:v15+s23+$0x0], $0xffff  }
0x234: {  	v17 =	vadd.f32 v18, v17;
	_ =	sdelay $0x1  }
0x235: {  	v17 =	vadd.f32 v19, v17;
	_ =	sdelay $0x1  }
0x236: {  	v17 =	vadd.f32 v63, v17;
	_ =	sdelay $0x1  }
0x237: {  	(erf) = vrcp.f32 v17;
	_ =	sdelay $0x8  }
0x238: {  	v18 =	vpop (erf)  }
0x239: {  	s0 =	simm.s32 $0x0;
	s1 =	simm.s32 $0x7E10;
	[tilespmem:$0xC580] =	vst v18  }
.LBB2_30:
0x23a: {  	v18 =	vmov s0;
	_ =	sdelay $0x3  }
0x23b: {  	v19 =	vld [tilespmem:s1+$0xFFFFFFF0]  }
0x23c: {  	v18 =	vld.idx.msk [tilespmem:v18+s24+$0x0], $0xffff;
	_ =	sdelay $0x1  }
0x23d: {  	v20 =	vld [tilespmem:s1+$0x0];
	_ =	sdelay $0x2  }
0x23e: {  	v19 =	vmul.f32 v19, v18  }
0x23f: {  	s2 =	sadd.s32 $0x20, s1  }
0x240: {  	v22 =	vmul.f32 v20, v18;
	v20 =	vld [tilespmem:s2+$0xFFFFFFF0];
	v21 =	vsub.f32 $1.000000950e+00, v19  }
0x241: {  	v23 =	vimm.f32 $1.000000000e+00  }
0x242: {  	s18 =	smul.u32 $0x3E8, s0;
	s26 =	simm.s32 $0x20;
	v19 =	vld [tilespmem:s2+$0x0];
	v22 =	vsub.f32 $1.000000950e+00, v22;
	v21 =	vmul.f32 v21, v23  }
.LBB2_31:
0x243: {  	s26 =	sadd.s32 $0x20, s26  }
0x244: {  	p0 =	slt.u32 s26, $0x3C0  }
.Ltmp14:
0x245: {  	s2 =	sadd.s32 $0x20, s2;
	v23 =	vmul.f32 v20, v18;
	v21 =	vmul.f32 v22, v21;
	(pc) =	sbr.rel @p0 .LBB2_31-.Ltmp14, $4  }
0x246: {  	v20 =	vld [tilespmem:s2+$0xFFFFFFF0]  }
0x247: {  	v22 =	vsub.f32 $1.000000950e+00, v23;
	v23 =	vmul.f32 v19, v18  }
0x248: {  	v19 =	vld [tilespmem:s2+$0x0]  }
0x249: {  	v21 =	vmul.f32 v22, v21;
	v22 =	vsub.f32 $1.000000950e+00, v23  }
0x24a: {  	v23 =	vld [tilespmem:s18+$0x42E0];
	_ =	sdelay $0x4  }
0x24b: {  	v23 =	vmul.f32 $1.442695020e+00, v23;
	_ =	sdelay $0x1  }
0x24c: {  	(erf) = vpow2.f32 v23;
	_ =	sdelay $0x6  }
0x24d: {  	v20 =	vmul.f32 v20, v18;
	_ =	sdelay $0x1  }
0x24e: {  	v21 =	vmul.f32 v22, v21;
	v20 =	vsub.f32 $1.000000950e+00, v20;
	v19 =	vmul.f32 v19, v18;
	v63 =	vpop (erf)  }
0x24f: {  	v18 =	vmul.f32 v63, v18  }
0x250: {  	s2 =	sshll.u32 s0, $0x4;
	s0 =	sadd.s32 $0x1, s0;
	v20 =	vmul.f32 v20, v21;
	v19 =	vsub.f32 $1.000000950e+00, v19  }
0x251: {  	p0 =	sne.s32 s0, $0x10;
	v18 =	vsub.f32 $1.000000950e+00, v18  }
.Ltmp15:
0x252: {  	v19 =	vmul.f32 v19, v20;
	(pc) =	sbr.rel @p0 .LBB2_30-.Ltmp15, $4  }
0x253: {  	v18 =	vnsel vm0, $0x3F800000, v18  }
0x254: {  	v18 =	vmul.f32 v18, v19  }
0x255: {  	s2 =	sand.u32 $0x3FFFFFF0, s2  }
0x256: {  	s1 =	sadd.s32 $0x3E8, s1;
	[tilespmem:s2+$0xC480] =	vst v18  }
0x257: {  	_ =	sdelay $0x3  }
0x258: {  	v18 =	vld.idx.msk [tilespmem:v0+s25+$0x0], $0xffff  }
0x259: {  	v19 =	vld.idx.msk [tilespmem:v1+s25+$0x0], $0xffff;
	_ =	sdelay $0x1  }
0x25a: {  	v20 =	vld.idx.msk [tilespmem:v2+s25+$0x0], $0xffff;
	_ =	sdelay $0x1  }
0x25b: {  	v21 =	vld.idx.msk [tilespmem:v3+s25+$0x0], $0xffff  }
0x25c: {  	v18 =	vmul.f32 v19, v18  }
0x25d: {  	v19 =	vld.idx.msk [tilespmem:v4+s25+$0x0], $0xffff  }
0x25e: {  	v18 =	vmul.f32 v20, v18  }
0x25f: {  	v55 =	vld.idx.msk [tilespmem:v5+s25+$0x0], $0xffff  }
0x260: {  	v18 =	vmul.f32 v21, v18  }
0x261: {  	v56 =	vld.idx.msk [tilespmem:v6+s25+$0x0], $0xffff  }
0x262: {  	v18 =	vmul.f32 v19, v18  }
0x263: {  	v19 =	vld.idx.msk [tilespmem:v7+s25+$0x0], $0xffff  }
0x264: {  	v18 =	vmul.f32 v55, v18  }
0x265: {  	v57 =	vld.idx.msk [tilespmem:v8+s25+$0x0], $0xffff  }
0x266: {  	v58 =	vld.idx.msk [tilespmem:v9+s25+$0x0], $0xffff;
	v18 =	vmul.f32 v56, v18  }
0x267: {  	v22 =	vld [tilespmem:$0xBD30]  }
0x268: {  	v18 =	vmul.f32 v19, v18  }
0x269: {  	v19 =	vld.idx.msk [tilespmem:v10+s25+$0x0], $0xffff  }
0x26a: {  	v18 =	vmul.f32 v57, v18  }
0x26b: {  	v59 =	vld.idx.msk [tilespmem:v11+s25+$0x0], $0xffff  }
0x26c: {  	vm1 =	vgt.s32 v22, $0x0;
	v18 =	vmul.f32 v58, v18  }
0x26d: {  	v60 =	vld.idx.msk [tilespmem:v12+s25+$0x0], $0xffff;
	v22 =	vnsel vm1, $0x0, v22  }
0x26e: {  	v61 =	vmin.u32 v22, $0x3E7;
	v18 =	vmul.f32 v19, v18  }
0x26f: {  	v23 =	vadd.s32 v16, v61;
	v19 =	vld.idx.msk [tilespmem:v13+s25+$0x0], $0xffff  }
0x270: {  	v18 =	vmul.f32 v59, v18  }
0x271: {  	v62 =	vld.idx.msk [tilespmem:v14+s25+$0x0], $0xffff  }
0x272: {  	v63 =	vld.idx.msk [tilespmem:v15+s25+$0x0], $0xffff;
	v18 =	vmul.f32 v60, v18  }
0x273: {  	v20 =	vld.idx.msk [tilespmem:v61+s20+$0x0], $0xffff  }
0x274: {  	v18 =	vmul.f32 v19, v18;
	v19 =	vld.idx.msk [tilespmem:v23+s21+$0x0], $0xffff;
	_ =	sdelay $0x1  }
0x275: {  	v18 =	vmul.f32 v62, v18  }
0x276: {  	[tilespmem:$0xC1B0] =	vst v17  }
0x277: {  	[tilespmem:$0xC330] =	vst v20;
	v18 =	vmul.f32 v63, v18  }
0x278: {  	[tilespmem:$0xC2B0] =	vst v19  }
0x279: {  	s0 =	simm.s32 $0x0;
	[tilespmem:$0xC230] =	vst v18  }
0x27a: {  	[tilespmem:s21], [sflag:$0x1] =	stream.linear.gather [hbm4b:s8+s0], $0x3E80, $0x38;
	[tilespmem:$0xC600] =	vst v63  }
0x27b: {  	_ =	swait.ge [sflag:s22], $0x3E80  }
0x27c: {  	[sflag:s22] =	ssyncset.done $0x0  }
0x27d: {  	s1 =	simm.s32 $0x10;
	s2 =	simm.s32 $0x7E10;
	[sflag:s22] =	ssyncadd.s32 $0xFFFFC180  }
.LBB2_34:
0x27e: {  	v17 =	vld [tilespmem:s1+$0xFFFFFFF0];
	_ =	sdelay $0x1  }
0x27f: {  	v18 =	vld [tilespmem:s1+$0x0];
	_ =	sdelay $0x2  }
0x280: {  	v17 =	vmul.f32 $1.442695020e+00, v17  }
0x281: {  	s18 =	sadd.s32 $0x20, s1  }
0x282: {  	v18 =	vmul.f32 $1.442695020e+00, v18;
	(erf) = vpow2.f32 v17;
	v17 =	vld [tilespmem:s18+$0xFFFFFFF0];
	_ =	sdelay $0x1  }
0x283: {  	(erf) = vpow2.f32 v18;
	v18 =	vld [tilespmem:s18+$0x0];
	_ =	sdelay $0x2  }
0x284: {  	s18 =	sadd.s32 $0x20, s18;
	v17 =	vmul.f32 $1.442695020e+00, v17  }
0x285: {  	v20 =	vld [tilespmem:s18+$0xFFFFFFF0]  }
0x286: {  	v18 =	vmul.f32 $1.442695020e+00, v18;
	(erf) = vpow2.f32 v17  }
0x287: {  	v19 =	vld [tilespmem:s18+$0x0]  }
0x288: {  	v17 =	vpop (erf);
	(erf) = vpow2.f32 v18  }
0x289: {  	v22 =	vimm.f32 $0.0e+00;
	s28 =	sadd.s32 $0x20, s18  }
0x28a: {  	s29 =	simm.s32 $0x60;
	s26 =	smov.u32 s2;
	s18 =	smul.u32 $0x3E8, s0;
	v21 =	vmul.f32 $1.442695020e+00, v20;
	v20 =	vld [tilespmem:s28+$0xFFFFFFF0];
	[tilespmem:s2+$0xFFFFFFF0] =	vst v17;
	v17 =	vadd.f32 v17, v22;
	v18 =	vpop (erf)  }
.LBB2_35:
0x28b: {  	s29 =	sadd.s32 $0x20, s29  }
0x28c: {  	v22 =	vmul.f32 $1.442695020e+00, v19;
	(erf) = vpow2.f32 v21;
	[tilespmem:s26+$0x0] =	vst v18;
	v17 =	vadd.f32 v18, v17;
	s26 =	sadd.s32 $0x20, s26;
	p0 =	slt.u32 s29, $0x3C0  }
.Ltmp16:
0x28d: {  	v19 =	vld [tilespmem:s28+$0x0];
	(pc) =	sbr.rel @p0 .LBB2_35-.Ltmp16, $4  }
0x28e: {  	(erf) = vpow2.f32 v22  }
0x28f: {  	v18 =	vpop (erf)  }
0x290: {  	s28 =	sadd.s32 $0x20, s28;
	v21 =	vmul.f32 $1.442695020e+00, v20;
	[tilespmem:s26+$0xFFFFFFF0] =	vst v18;
	v17 =	vadd.f32 v18, v17  }
0x291: {  	v20 =	vld [tilespmem:s28+$0xFFFFFFF0];
	v18 =	vpop (erf)  }
0x292: {  	v22 =	vld [tilespmem:s28+$0x0];
	_ =	sdelay $0x2  }
0x293: {  	v19 =	vmul.f32 $1.442695020e+00, v19  }
0x294: {  	(erf) = vpow2.f32 v21;
	v20 =	vmul.f32 $1.442695020e+00, v20  }
0x295: {  	(erf) = vpow2.f32 v19;
	v19 =	vmul.f32 $1.442695020e+00, v22  }
0x296: {  	(erf) = vpow2.f32 v20  }
0x297: {  	(erf) = vpow2.f32 v19;
	_ =	sdelay $0x3  }
0x298: {  	[tilespmem:s26+$0x0] =	vst v18;
	s28 =	sadd.s32 $0x20, s26;
	v19 =	vpop (erf)  }
0x299: {  	v62 =	vpop (erf);
	[tilespmem:s28+$0xFFFFFFF0] =	vst v19  }
0x29a: {  	s26 =	sadd.s32 $0x20, s28;
	[tilespmem:s28+$0x0] =	vst v62;
	v21 =	vpop (erf)  }
0x29b: {  	[tilespmem:s26+$0xFFFFFFF0] =	vst v21;
	v63 =	vpop (erf)  }
0x29c: {  	[tilespmem:s26+$0x0] =	vst v63;
	s26 =	sadd.s32 $0x20, s26;
	v23 =	vpop (erf)  }
0x29d: {  	[tilespmem:s26+$0xFFFFFFF0] =	vst v23;
	v24 =	vpop (erf)  }
0x29e: {  	[tilespmem:s26+$0x0] =	vst v24  }
0x29f: {  	v25 =	vld [tilespmem:s18+$0x3E0];
	_ =	sdelay $0x3  }
0x2a0: {  	v17 =	vadd.f32 v18, v17  }
0x2a1: {  	v18 =	vmul.f32 $1.442695020e+00, v25  }
0x2a2: {  	v17 =	vadd.f32 v19, v17  }
0x2a3: {  	(erf) = vpow2.f32 v18  }
0x2a4: {  	v17 =	vadd.f32 v62, v17;
	_ =	sdelay $0x1  }
0x2a5: {  	v17 =	vadd.f32 v21, v17;
	_ =	sdelay $0x1  }
0x2a6: {  	v17 =	vadd.f32 v63, v17;
	_ =	sdelay $0x1  }
0x2a7: {  	s29 =	sshll.u32 s0, $0x4;
	s0 =	sadd.s32 $0x1, s0;
	v17 =	vadd.f32 v23, v17  }
0x2a8: {  	p0 =	sne.s32 s0, $0x10  }
.Ltmp17:
0x2a9: {  	v17 =	vadd.f32 v24, v17;
	v18 =	vpop (erf);
	(pc) =	sbr.rel @p0 .LBB2_34-.Ltmp17, $4  }
0x2aa: {  	v18 =	vnsel vm0, $0x0, v18  }
0x2ab: {  	v17 =	vadd.f32 v18, v17  }
0x2ac: {  	s18 =	sand.u32 $0x3FFFFFF0, s29  }
0x2ad: {  	s1 =	sadd.s32 $0x3E8, s1;
	s2 =	sadd.s32 $0x3E8, s2;
	[tilespmem:s18+$0xC380] =	vst v17  }
0x2ae: {  	_ =	sdelay $0x3  }
0x2af: {  	v17 =	vld.idx.msk [tilespmem:v0+s23+$0x0], $0xffff  }
0x2b0: {  	v18 =	vld.idx.msk [tilespmem:v1+s23+$0x0], $0xffff;
	_ =	sdelay $0x1  }
0x2b1: {  	v19 =	vld.idx.msk [tilespmem:v2+s23+$0x0], $0xffff;
	_ =	sdelay $0x1  }
0x2b2: {  	v20 =	vld.idx.msk [tilespmem:v3+s23+$0x0], $0xffff  }
0x2b3: {  	v17 =	vadd.f32 v18, v17  }
0x2b4: {  	v18 =	vld.idx.msk [tilespmem:v4+s23+$0x0], $0xffff  }
0x2b5: {  	v17 =	vadd.f32 v19, v17  }
0x2b6: {  	v19 =	vld.idx.msk [tilespmem:v5+s23+$0x0], $0xffff  }
0x2b7: {  	v17 =	vadd.f32 v20, v17  }
0x2b8: {  	v60 =	vld.idx.msk [tilespmem:v6+s23+$0x0], $0xffff  }
0x2b9: {  	v17 =	vadd.f32 v18, v17  }
0x2ba: {  	v18 =	vld.idx.msk [tilespmem:v7+s23+$0x0], $0xffff  }
0x2bb: {  	v17 =	vadd.f32 v19, v17  }
0x2bc: {  	v19 =	vld.idx.msk [tilespmem:v8+s23+$0x0], $0xffff  }
0x2bd: {  	v17 =	vadd.f32 v60, v17  }
0x2be: {  	v61 =	vld.idx.msk [tilespmem:v9+s23+$0x0], $0xffff  }
0x2bf: {  	v17 =	vadd.f32 v18, v17  }
0x2c0: {  	v18 =	vld.idx.msk [tilespmem:v10+s23+$0x0], $0xffff  }
0x2c1: {  	v17 =	vadd.f32 v19, v17  }
0x2c2: {  	v19 =	vld.idx.msk [tilespmem:v11+s23+$0x0], $0xffff  }
0x2c3: {  	v17 =	vadd.f32 v61, v17  }
0x2c4: {  	v62 =	vld.idx.msk [tilespmem:v12+s23+$0x0], $0xffff  }
0x2c5: {  	v17 =	vadd.f32 v18, v17  }
0x2c6: {  	v18 =	vld.idx.msk [tilespmem:v13+s23+$0x0], $0xffff  }
0x2c7: {  	v17 =	vadd.f32 v19, v17  }
0x2c8: {  	v19 =	vld.idx.msk [tilespmem:v14+s23+$0x0], $0xffff  }
0x2c9: {  	v17 =	vadd.f32 v62, v17  }
0x2ca: {  	v63 =	vld.idx.msk [tilespmem:v15+s23+$0x0], $0xffff  }
0x2cb: {  	v17 =	vadd.f32 v18, v17;
	_ =	sdelay $0x1  }
0x2cc: {  	v17 =	vadd.f32 v19, v17;
	_ =	sdelay $0x1  }
0x2cd: {  	v17 =	vadd.f32 v63, v17;
	_ =	sdelay $0x1  }
0x2ce: {  	(erf) = vrcp.f32 v17;
	_ =	sdelay $0x8  }
0x2cf: {  	v18 =	vpop (erf)  }
0x2d0: {  	s0 =	simm.s32 $0x0;
	s1 =	simm.s32 $0x7E10;
	[tilespmem:$0xC580] =	vst v18  }
.LBB2_38:
0x2d1: {  	v18 =	vmov s0;
	_ =	sdelay $0x3  }
0x2d2: {  	v19 =	vld [tilespmem:s1+$0xFFFFFFF0]  }
0x2d3: {  	v18 =	vld.idx.msk [tilespmem:v18+s24+$0x0], $0xffff;
	_ =	sdelay $0x1  }
0x2d4: {  	v20 =	vld [tilespmem:s1+$0x0];
	_ =	sdelay $0x2  }
0x2d5: {  	v19 =	vmul.f32 v19, v18  }
0x2d6: {  	s2 =	sadd.s32 $0x20, s1  }
0x2d7: {  	v22 =	vmul.f32 v20, v18;
	v20 =	vld [tilespmem:s2+$0xFFFFFFF0];
	v21 =	vsub.f32 $1.000000950e+00, v19  }
0x2d8: {  	v23 =	vimm.f32 $1.000000000e+00  }
0x2d9: {  	s18 =	smul.u32 $0x3E8, s0;
	s26 =	simm.s32 $0x20;
	v19 =	vld [tilespmem:s2+$0x0];
	v22 =	vsub.f32 $1.000000950e+00, v22;
	v21 =	vmul.f32 v21, v23  }
.LBB2_39:
0x2da: {  	s26 =	sadd.s32 $0x20, s26  }
0x2db: {  	p0 =	slt.u32 s26, $0x3C0  }
.Ltmp18:
0x2dc: {  	s2 =	sadd.s32 $0x20, s2;
	v23 =	vmul.f32 v20, v18;
	v21 =	vmul.f32 v22, v21;
	(pc) =	sbr.rel @p0 .LBB2_39-.Ltmp18, $4  }
0x2dd: {  	v20 =	vld [tilespmem:s2+$0xFFFFFFF0]  }
0x2de: {  	v22 =	vsub.f32 $1.000000950e+00, v23;
	v23 =	vmul.f32 v19, v18  }
0x2df: {  	v19 =	vld [tilespmem:s2+$0x0]  }
0x2e0: {  	v21 =	vmul.f32 v22, v21;
	v22 =	vsub.f32 $1.000000950e+00, v23  }
0x2e1: {  	v23 =	vld [tilespmem:s18+$0x3E0];
	_ =	sdelay $0x4  }
0x2e2: {  	v23 =	vmul.f32 $1.442695020e+00, v23;
	_ =	sdelay $0x1  }
0x2e3: {  	(erf) = vpow2.f32 v23;
	_ =	sdelay $0x6  }
0x2e4: {  	v20 =	vmul.f32 v20, v18;
	_ =	sdelay $0x1  }
0x2e5: {  	v21 =	vmul.f32 v22, v21;
	v20 =	vsub.f32 $1.000000950e+00, v20;
	v19 =	vmul.f32 v19, v18;
	v63 =	vpop (erf)  }
0x2e6: {  	v18 =	vmul.f32 v63, v18  }
0x2e7: {  	s2 =	sshll.u32 s0, $0x4;
	s0 =	sadd.s32 $0x1, s0;
	v20 =	vmul.f32 v20, v21;
	v19 =	vsub.f32 $1.000000950e+00, v19  }
0x2e8: {  	p0 =	sne.s32 s0, $0x10;
	v18 =	vsub.f32 $1.000000950e+00, v18  }
.Ltmp19:
0x2e9: {  	v19 =	vmul.f32 v19, v20;
	(pc) =	sbr.rel @p0 .LBB2_38-.Ltmp19, $4  }
0x2ea: {  	v18 =	vnsel vm0, $0x3F800000, v18  }
0x2eb: {  	v18 =	vmul.f32 v18, v19  }
0x2ec: {  	s2 =	sand.u32 $0x3FFFFFF0, s2  }
0x2ed: {  	s1 =	sadd.s32 $0x3E8, s1;
	[tilespmem:s2+$0xC480] =	vst v18  }
0x2ee: {  	_ =	sdelay $0x3  }
0x2ef: {  	v18 =	vld.idx.msk [tilespmem:v0+s25+$0x0], $0xffff  }
0x2f0: {  	v19 =	vld.idx.msk [tilespmem:v1+s25+$0x0], $0xffff;
	_ =	sdelay $0x1  }
0x2f1: {  	v20 =	vld.idx.msk [tilespmem:v2+s25+$0x0], $0xffff;
	_ =	sdelay $0x1  }
0x2f2: {  	v21 =	vld.idx.msk [tilespmem:v3+s25+$0x0], $0xffff  }
0x2f3: {  	v18 =	vmul.f32 v19, v18  }
0x2f4: {  	v19 =	vld.idx.msk [tilespmem:v4+s25+$0x0], $0xffff  }
0x2f5: {  	v18 =	vmul.f32 v20, v18  }
0x2f6: {  	v55 =	vld.idx.msk [tilespmem:v5+s25+$0x0], $0xffff  }
0x2f7: {  	v18 =	vmul.f32 v21, v18  }
0x2f8: {  	v56 =	vld.idx.msk [tilespmem:v6+s25+$0x0], $0xffff  }
0x2f9: {  	v18 =	vmul.f32 v19, v18  }
0x2fa: {  	v19 =	vld.idx.msk [tilespmem:v7+s25+$0x0], $0xffff  }
0x2fb: {  	v18 =	vmul.f32 v55, v18  }
0x2fc: {  	v57 =	vld.idx.msk [tilespmem:v8+s25+$0x0], $0xffff  }
0x2fd: {  	v58 =	vld.idx.msk [tilespmem:v9+s25+$0x0], $0xffff;
	v18 =	vmul.f32 v56, v18  }
0x2fe: {  	v22 =	vld [tilespmem:$0xBD40]  }
0x2ff: {  	v18 =	vmul.f32 v19, v18  }
0x300: {  	v19 =	vld.idx.msk [tilespmem:v10+s25+$0x0], $0xffff  }
0x301: {  	v18 =	vmul.f32 v57, v18  }
0x302: {  	v59 =	vld.idx.msk [tilespmem:v11+s25+$0x0], $0xffff  }
0x303: {  	vm1 =	vgt.s32 v22, $0x0;
	v18 =	vmul.f32 v58, v18  }
0x304: {  	v60 =	vld.idx.msk [tilespmem:v12+s25+$0x0], $0xffff;
	v22 =	vnsel vm1, $0x0, v22  }
0x305: {  	v61 =	vmin.u32 v22, $0x3E7;
	v18 =	vmul.f32 v19, v18  }
0x306: {  	v23 =	vadd.s32 v16, v61;
	v19 =	vld.idx.msk [tilespmem:v13+s25+$0x0], $0xffff  }
0x307: {  	v18 =	vmul.f32 v59, v18  }
0x308: {  	v62 =	vld.idx.msk [tilespmem:v14+s25+$0x0], $0xffff  }
0x309: {  	v63 =	vld.idx.msk [tilespmem:v15+s25+$0x0], $0xffff;
	v18 =	vmul.f32 v60, v18  }
0x30a: {  	s0 =	simm.s32 $0x0;
	v20 =	vld.idx.msk [tilespmem:v61+s20+$0x0], $0xffff  }
0x30b: {  	v18 =	vmul.f32 v19, v18;
	v19 =	vld.idx.msk [tilespmem:v23+s0+$0x0], $0xffff;
	_ =	sdelay $0x1  }
0x30c: {  	v18 =	vmul.f32 v62, v18  }
0x30d: {  	[tilespmem:$0xC1C0] =	vst v17  }
0x30e: {  	[tilespmem:$0xC340] =	vst v20;
	v18 =	vmul.f32 v63, v18  }
0x30f: {  	[tilespmem:$0xC2C0] =	vst v19  }
0x310: {  	[tilespmem:$0xC240] =	vst v18  }
0x311: {  	[tilespmem:s0], [sflag:$0x1] =	stream.linear.gather [hbm4b:s9+s0], $0x3E80, $0x38;
	[tilespmem:$0xC600] =	vst v63  }
0x312: {  	_ =	swait.ge [sflag:s22], $0x3E80  }
0x313: {  	[sflag:s22] =	ssyncset.done $0x0  }
0x314: {  	s1 =	simm.s32 $0x3F10;
	s2 =	simm.s32 $0x7E10;
	[sflag:s22] =	ssyncadd.s32 $0xFFFFC180  }
.LBB2_42:
0x315: {  	v17 =	vld [tilespmem:s1+$0xFFFFFFF0];
	_ =	sdelay $0x1  }
0x316: {  	v18 =	vld [tilespmem:s1+$0x0];
	_ =	sdelay $0x2  }
0x317: {  	v17 =	vmul.f32 $1.442695020e+00, v17  }
0x318: {  	s18 =	sadd.s32 $0x20, s1  }
0x319: {  	v18 =	vmul.f32 $1.442695020e+00, v18;
	(erf) = vpow2.f32 v17;
	v17 =	vld [tilespmem:s18+$0xFFFFFFF0];
	_ =	sdelay $0x1  }
0x31a: {  	(erf) = vpow2.f32 v18;
	v18 =	vld [tilespmem:s18+$0x0];
	_ =	sdelay $0x2  }
0x31b: {  	s18 =	sadd.s32 $0x20, s18;
	v17 =	vmul.f32 $1.442695020e+00, v17  }
0x31c: {  	v20 =	vld [tilespmem:s18+$0xFFFFFFF0]  }
0x31d: {  	v18 =	vmul.f32 $1.442695020e+00, v18;
	(erf) = vpow2.f32 v17  }
0x31e: {  	v19 =	vld [tilespmem:s18+$0x0]  }
0x31f: {  	v17 =	vpop (erf);
	(erf) = vpow2.f32 v18  }
0x320: {  	v22 =	vimm.f32 $0.0e+00;
	s28 =	sadd.s32 $0x20, s18  }
0x321: {  	s29 =	simm.s32 $0x60;
	s26 =	smov.u32 s2;
	s18 =	smul.u32 $0x3E8, s0;
	v21 =	vmul.f32 $1.442695020e+00, v20;
	v20 =	vld [tilespmem:s28+$0xFFFFFFF0];
	[tilespmem:s2+$0xFFFFFFF0] =	vst v17;
	v17 =	vadd.f32 v17, v22;
	v18 =	vpop (erf)  }
.LBB2_43:
0x322: {  	s29 =	sadd.s32 $0x20, s29  }
0x323: {  	v22 =	vmul.f32 $1.442695020e+00, v19;
	(erf) = vpow2.f32 v21;
	[tilespmem:s26+$0x0] =	vst v18;
	v17 =	vadd.f32 v18, v17;
	s26 =	sadd.s32 $0x20, s26;
	p0 =	slt.u32 s29, $0x3C0  }
.Ltmp20:
0x324: {  	v19 =	vld [tilespmem:s28+$0x0];
	(pc) =	sbr.rel @p0 .LBB2_43-.Ltmp20, $4  }
0x325: {  	(erf) = vpow2.f32 v22  }
0x326: {  	v18 =	vpop (erf)  }
0x327: {  	s28 =	sadd.s32 $0x20, s28;
	v21 =	vmul.f32 $1.442695020e+00, v20;
	[tilespmem:s26+$0xFFFFFFF0] =	vst v18;
	v17 =	vadd.f32 v18, v17  }
0x328: {  	v20 =	vld [tilespmem:s28+$0xFFFFFFF0];
	v18 =	vpop (erf)  }
0x329: {  	v22 =	vld [tilespmem:s28+$0x0];
	_ =	sdelay $0x2  }
0x32a: {  	v19 =	vmul.f32 $1.442695020e+00, v19  }
0x32b: {  	(erf) = vpow2.f32 v21;
	v20 =	vmul.f32 $1.442695020e+00, v20  }
0x32c: {  	(erf) = vpow2.f32 v19;
	v19 =	vmul.f32 $1.442695020e+00, v22  }
0x32d: {  	(erf) = vpow2.f32 v20  }
0x32e: {  	(erf) = vpow2.f32 v19;
	_ =	sdelay $0x3  }
0x32f: {  	[tilespmem:s26+$0x0] =	vst v18;
	s28 =	sadd.s32 $0x20, s26;
	v19 =	vpop (erf)  }
0x330: {  	v62 =	vpop (erf);
	[tilespmem:s28+$0xFFFFFFF0] =	vst v19  }
0x331: {  	s26 =	sadd.s32 $0x20, s28;
	[tilespmem:s28+$0x0] =	vst v62;
	v21 =	vpop (erf)  }
0x332: {  	[tilespmem:s26+$0xFFFFFFF0] =	vst v21;
	v63 =	vpop (erf)  }
0x333: {  	[tilespmem:s26+$0x0] =	vst v63;
	s26 =	sadd.s32 $0x20, s26;
	v23 =	vpop (erf)  }
0x334: {  	[tilespmem:s26+$0xFFFFFFF0] =	vst v23;
	v24 =	vpop (erf)  }
0x335: {  	[tilespmem:s26+$0x0] =	vst v24  }
0x336: {  	v25 =	vld [tilespmem:s18+$0x42E0];
	_ =	sdelay $0x3  }
0x337: {  	v17 =	vadd.f32 v18, v17  }
0x338: {  	v18 =	vmul.f32 $1.442695020e+00, v25  }
0x339: {  	v17 =	vadd.f32 v19, v17  }
0x33a: {  	(erf) = vpow2.f32 v18  }
0x33b: {  	v17 =	vadd.f32 v62, v17;
	_ =	sdelay $0x1  }
0x33c: {  	v17 =	vadd.f32 v21, v17;
	_ =	sdelay $0x1  }
0x33d: {  	v17 =	vadd.f32 v63, v17;
	_ =	sdelay $0x1  }
0x33e: {  	s29 =	sshll.u32 s0, $0x4;
	s0 =	sadd.s32 $0x1, s0;
	v17 =	vadd.f32 v23, v17  }
0x33f: {  	p0 =	sne.s32 s0, $0x10  }
.Ltmp21:
0x340: {  	v17 =	vadd.f32 v24, v17;
	v18 =	vpop (erf);
	(pc) =	sbr.rel @p0 .LBB2_42-.Ltmp21, $4  }
0x341: {  	v18 =	vnsel vm0, $0x0, v18  }
0x342: {  	v17 =	vadd.f32 v18, v17  }
0x343: {  	s18 =	sand.u32 $0x3FFFFFF0, s29  }
0x344: {  	s1 =	sadd.s32 $0x3E8, s1;
	s2 =	sadd.s32 $0x3E8, s2;
	[tilespmem:s18+$0xC380] =	vst v17  }
0x345: {  	_ =	sdelay $0x3  }
0x346: {  	v17 =	vld.idx.msk [tilespmem:v0+s23+$0x0], $0xffff  }
0x347: {  	v18 =	vld.idx.msk [tilespmem:v1+s23+$0x0], $0xffff;
	_ =	sdelay $0x1  }
0x348: {  	v19 =	vld.idx.msk [tilespmem:v2+s23+$0x0], $0xffff;
	_ =	sdelay $0x1  }
0x349: {  	v20 =	vld.idx.msk [tilespmem:v3+s23+$0x0], $0xffff  }
0x34a: {  	v17 =	vadd.f32 v18, v17  }
0x34b: {  	v18 =	vld.idx.msk [tilespmem:v4+s23+$0x0], $0xffff  }
0x34c: {  	v17 =	vadd.f32 v19, v17  }
0x34d: {  	v19 =	vld.idx.msk [tilespmem:v5+s23+$0x0], $0xffff  }
0x34e: {  	v17 =	vadd.f32 v20, v17  }
0x34f: {  	v60 =	vld.idx.msk [tilespmem:v6+s23+$0x0], $0xffff  }
0x350: {  	v17 =	vadd.f32 v18, v17  }
0x351: {  	v18 =	vld.idx.msk [tilespmem:v7+s23+$0x0], $0xffff  }
0x352: {  	v17 =	vadd.f32 v19, v17  }
0x353: {  	v19 =	vld.idx.msk [tilespmem:v8+s23+$0x0], $0xffff  }
0x354: {  	v17 =	vadd.f32 v60, v17  }
0x355: {  	v61 =	vld.idx.msk [tilespmem:v9+s23+$0x0], $0xffff  }
0x356: {  	v17 =	vadd.f32 v18, v17  }
0x357: {  	v18 =	vld.idx.msk [tilespmem:v10+s23+$0x0], $0xffff  }
0x358: {  	v17 =	vadd.f32 v19, v17  }
0x359: {  	v19 =	vld.idx.msk [tilespmem:v11+s23+$0x0], $0xffff  }
0x35a: {  	v17 =	vadd.f32 v61, v17  }
0x35b: {  	v62 =	vld.idx.msk [tilespmem:v12+s23+$0x0], $0xffff  }
0x35c: {  	v17 =	vadd.f32 v18, v17  }
0x35d: {  	v18 =	vld.idx.msk [tilespmem:v13+s23+$0x0], $0xffff  }
0x35e: {  	v17 =	vadd.f32 v19, v17  }
0x35f: {  	v19 =	vld.idx.msk [tilespmem:v14+s23+$0x0], $0xffff  }
0x360: {  	v17 =	vadd.f32 v62, v17  }
0x361: {  	v63 =	vld.idx.msk [tilespmem:v15+s23+$0x0], $0xffff  }
0x362: {  	v17 =	vadd.f32 v18, v17;
	_ =	sdelay $0x1  }
0x363: {  	v17 =	vadd.f32 v19, v17;
	_ =	sdelay $0x1  }
0x364: {  	v17 =	vadd.f32 v63, v17;
	_ =	sdelay $0x1  }
0x365: {  	(erf) = vrcp.f32 v17;
	_ =	sdelay $0x8  }
0x366: {  	v18 =	vpop (erf)  }
0x367: {  	s0 =	simm.s32 $0x0;
	s1 =	simm.s32 $0x7E10;
	[tilespmem:$0xC580] =	vst v18  }
.LBB2_46:
0x368: {  	v18 =	vmov s0;
	_ =	sdelay $0x3  }
0x369: {  	v19 =	vld [tilespmem:s1+$0xFFFFFFF0]  }
0x36a: {  	v18 =	vld.idx.msk [tilespmem:v18+s24+$0x0], $0xffff;
	_ =	sdelay $0x1  }
0x36b: {  	v20 =	vld [tilespmem:s1+$0x0];
	_ =	sdelay $0x2  }
0x36c: {  	v19 =	vmul.f32 v19, v18  }
0x36d: {  	s2 =	sadd.s32 $0x20, s1  }
0x36e: {  	v22 =	vmul.f32 v20, v18;
	v20 =	vld [tilespmem:s2+$0xFFFFFFF0];
	v21 =	vsub.f32 $1.000000950e+00, v19  }
0x36f: {  	v23 =	vimm.f32 $1.000000000e+00  }
0x370: {  	s18 =	smul.u32 $0x3E8, s0;
	s26 =	simm.s32 $0x20;
	v19 =	vld [tilespmem:s2+$0x0];
	v22 =	vsub.f32 $1.000000950e+00, v22;
	v21 =	vmul.f32 v21, v23  }
.LBB2_47:
0x371: {  	s26 =	sadd.s32 $0x20, s26  }
0x372: {  	p0 =	slt.u32 s26, $0x3C0  }
.Ltmp22:
0x373: {  	s2 =	sadd.s32 $0x20, s2;
	v23 =	vmul.f32 v20, v18;
	v21 =	vmul.f32 v22, v21;
	(pc) =	sbr.rel @p0 .LBB2_47-.Ltmp22, $4  }
0x374: {  	v20 =	vld [tilespmem:s2+$0xFFFFFFF0]  }
0x375: {  	v22 =	vsub.f32 $1.000000950e+00, v23;
	v23 =	vmul.f32 v19, v18  }
0x376: {  	v19 =	vld [tilespmem:s2+$0x0]  }
0x377: {  	v21 =	vmul.f32 v22, v21;
	v22 =	vsub.f32 $1.000000950e+00, v23  }
0x378: {  	v23 =	vld [tilespmem:s18+$0x42E0];
	_ =	sdelay $0x4  }
0x379: {  	v23 =	vmul.f32 $1.442695020e+00, v23;
	_ =	sdelay $0x1  }
0x37a: {  	(erf) = vpow2.f32 v23;
	_ =	sdelay $0x6  }
0x37b: {  	v20 =	vmul.f32 v20, v18;
	_ =	sdelay $0x1  }
0x37c: {  	v21 =	vmul.f32 v22, v21;
	v20 =	vsub.f32 $1.000000950e+00, v20;
	v19 =	vmul.f32 v19, v18;
	v63 =	vpop (erf)  }
0x37d: {  	v18 =	vmul.f32 v63, v18  }
0x37e: {  	s2 =	sshll.u32 s0, $0x4;
	s0 =	sadd.s32 $0x1, s0;
	v20 =	vmul.f32 v20, v21;
	v19 =	vsub.f32 $1.000000950e+00, v19  }
0x37f: {  	p0 =	sne.s32 s0, $0x10;
	v18 =	vsub.f32 $1.000000950e+00, v18  }
.Ltmp23:
0x380: {  	v19 =	vmul.f32 v19, v20;
	(pc) =	sbr.rel @p0 .LBB2_46-.Ltmp23, $4  }
0x381: {  	v18 =	vnsel vm0, $0x3F800000, v18  }
0x382: {  	v18 =	vmul.f32 v18, v19  }
0x383: {  	s2 =	sand.u32 $0x3FFFFFF0, s2  }
0x384: {  	s1 =	sadd.s32 $0x3E8, s1;
	[tilespmem:s2+$0xC480] =	vst v18  }
0x385: {  	_ =	sdelay $0x3  }
0x386: {  	v18 =	vld.idx.msk [tilespmem:v0+s25+$0x0], $0xffff  }
0x387: {  	v19 =	vld.idx.msk [tilespmem:v1+s25+$0x0], $0xffff;
	_ =	sdelay $0x1  }
0x388: {  	v20 =	vld.idx.msk [tilespmem:v2+s25+$0x0], $0xffff;
	_ =	sdelay $0x1  }
0x389: {  	v21 =	vld.idx.msk [tilespmem:v3+s25+$0x0], $0xffff  }
0x38a: {  	v18 =	vmul.f32 v19, v18  }
0x38b: {  	v19 =	vld.idx.msk [tilespmem:v4+s25+$0x0], $0xffff  }
0x38c: {  	v18 =	vmul.f32 v20, v18  }
0x38d: {  	v55 =	vld.idx.msk [tilespmem:v5+s25+$0x0], $0xffff  }
0x38e: {  	v18 =	vmul.f32 v21, v18  }
0x38f: {  	v56 =	vld.idx.msk [tilespmem:v6+s25+$0x0], $0xffff  }
0x390: {  	v18 =	vmul.f32 v19, v18  }
0x391: {  	v19 =	vld.idx.msk [tilespmem:v7+s25+$0x0], $0xffff  }
0x392: {  	v18 =	vmul.f32 v55, v18  }
0x393: {  	v57 =	vld.idx.msk [tilespmem:v8+s25+$0x0], $0xffff  }
0x394: {  	v58 =	vld.idx.msk [tilespmem:v9+s25+$0x0], $0xffff;
	v18 =	vmul.f32 v56, v18  }
0x395: {  	v22 =	vld [tilespmem:$0xBD50]  }
0x396: {  	v18 =	vmul.f32 v19, v18  }
0x397: {  	v19 =	vld.idx.msk [tilespmem:v10+s25+$0x0], $0xffff  }
0x398: {  	v18 =	vmul.f32 v57, v18  }
0x399: {  	v59 =	vld.idx.msk [tilespmem:v11+s25+$0x0], $0xffff  }
0x39a: {  	vm1 =	vgt.s32 v22, $0x0;
	v18 =	vmul.f32 v58, v18  }
0x39b: {  	v60 =	vld.idx.msk [tilespmem:v12+s25+$0x0], $0xffff;
	v22 =	vnsel vm1, $0x0, v22  }
0x39c: {  	v61 =	vmin.u32 v22, $0x3E7;
	v18 =	vmul.f32 v19, v18  }
0x39d: {  	v23 =	vadd.s32 v16, v61;
	v19 =	vld.idx.msk [tilespmem:v13+s25+$0x0], $0xffff  }
0x39e: {  	v18 =	vmul.f32 v59, v18  }
0x39f: {  	v62 =	vld.idx.msk [tilespmem:v14+s25+$0x0], $0xffff  }
0x3a0: {  	v63 =	vld.idx.msk [tilespmem:v15+s25+$0x0], $0xffff;
	v18 =	vmul.f32 v60, v18  }
0x3a1: {  	v20 =	vld.idx.msk [tilespmem:v61+s20+$0x0], $0xffff  }
0x3a2: {  	v18 =	vmul.f32 v19, v18;
	v19 =	vld.idx.msk [tilespmem:v23+s21+$0x0], $0xffff;
	_ =	sdelay $0x1  }
0x3a3: {  	v18 =	vmul.f32 v62, v18  }
0x3a4: {  	[tilespmem:$0xC1D0] =	vst v17  }
0x3a5: {  	[tilespmem:$0xC350] =	vst v20;
	v18 =	vmul.f32 v63, v18  }
0x3a6: {  	[tilespmem:$0xC2D0] =	vst v19  }
0x3a7: {  	s0 =	simm.s32 $0x0;
	[tilespmem:$0xC250] =	vst v18  }
0x3a8: {  	[tilespmem:s21], [sflag:$0x1] =	stream.linear.gather [hbm4b:s11+s0], $0x3E80, $0x38;
	[tilespmem:$0xC600] =	vst v63  }
0x3a9: {  	_ =	swait.ge [sflag:s22], $0x3E80  }
0x3aa: {  	[sflag:s22] =	ssyncset.done $0x0  }
0x3ab: {  	s1 =	simm.s32 $0x10;
	s2 =	simm.s32 $0x7E10;
	[sflag:s22] =	ssyncadd.s32 $0xFFFFC180  }
.LBB2_50:
0x3ac: {  	v17 =	vld [tilespmem:s1+$0xFFFFFFF0];
	_ =	sdelay $0x1  }
0x3ad: {  	v18 =	vld [tilespmem:s1+$0x0];
	_ =	sdelay $0x2  }
0x3ae: {  	v17 =	vmul.f32 $1.442695020e+00, v17  }
0x3af: {  	s18 =	sadd.s32 $0x20, s1  }
0x3b0: {  	v18 =	vmul.f32 $1.442695020e+00, v18;
	(erf) = vpow2.f32 v17;
	v17 =	vld [tilespmem:s18+$0xFFFFFFF0];
	_ =	sdelay $0x1  }
0x3b1: {  	(erf) = vpow2.f32 v18;
	v18 =	vld [tilespmem:s18+$0x0];
	_ =	sdelay $0x2  }
0x3b2: {  	s18 =	sadd.s32 $0x20, s18;
	v17 =	vmul.f32 $1.442695020e+00, v17  }
0x3b3: {  	v20 =	vld [tilespmem:s18+$0xFFFFFFF0]  }
0x3b4: {  	v18 =	vmul.f32 $1.442695020e+00, v18;
	(erf) = vpow2.f32 v17  }
0x3b5: {  	v19 =	vld [tilespmem:s18+$0x0]  }
0x3b6: {  	v17 =	vpop (erf);
	(erf) = vpow2.f32 v18  }
0x3b7: {  	v22 =	vimm.f32 $0.0e+00;
	s28 =	sadd.s32 $0x20, s18  }
0x3b8: {  	s29 =	simm.s32 $0x60;
	s26 =	smov.u32 s2;
	s18 =	smul.u32 $0x3E8, s0;
	v21 =	vmul.f32 $1.442695020e+00, v20;
	v20 =	vld [tilespmem:s28+$0xFFFFFFF0];
	[tilespmem:s2+$0xFFFFFFF0] =	vst v17;
	v17 =	vadd.f32 v17, v22;
	v18 =	vpop (erf)  }
.LBB2_51:
0x3b9: {  	s29 =	sadd.s32 $0x20, s29  }
0x3ba: {  	v22 =	vmul.f32 $1.442695020e+00, v19;
	(erf) = vpow2.f32 v21;
	[tilespmem:s26+$0x0] =	vst v18;
	v17 =	vadd.f32 v18, v17;
	s26 =	sadd.s32 $0x20, s26;
	p0 =	slt.u32 s29, $0x3C0  }
.Ltmp24:
0x3bb: {  	v19 =	vld [tilespmem:s28+$0x0];
	(pc) =	sbr.rel @p0 .LBB2_51-.Ltmp24, $4  }
0x3bc: {  	(erf) = vpow2.f32 v22  }
0x3bd: {  	v18 =	vpop (erf)  }
0x3be: {  	s28 =	sadd.s32 $0x20, s28;
	v21 =	vmul.f32 $1.442695020e+00, v20;
	[tilespmem:s26+$0xFFFFFFF0] =	vst v18;
	v17 =	vadd.f32 v18, v17  }
0x3bf: {  	v20 =	vld [tilespmem:s28+$0xFFFFFFF0];
	v18 =	vpop (erf)  }
0x3c0: {  	v22 =	vld [tilespmem:s28+$0x0];
	_ =	sdelay $0x2  }
0x3c1: {  	v19 =	vmul.f32 $1.442695020e+00, v19  }
0x3c2: {  	(erf) = vpow2.f32 v21;
	v20 =	vmul.f32 $1.442695020e+00, v20  }
0x3c3: {  	(erf) = vpow2.f32 v19;
	v19 =	vmul.f32 $1.442695020e+00, v22  }
0x3c4: {  	(erf) = vpow2.f32 v20  }
0x3c5: {  	(erf) = vpow2.f32 v19;
	_ =	sdelay $0x3  }
0x3c6: {  	[tilespmem:s26+$0x0] =	vst v18;
	s28 =	sadd.s32 $0x20, s26;
	v19 =	vpop (erf)  }
0x3c7: {  	v62 =	vpop (erf);
	[tilespmem:s28+$0xFFFFFFF0] =	vst v19  }
0x3c8: {  	s26 =	sadd.s32 $0x20, s28;
	[tilespmem:s28+$0x0] =	vst v62;
	v21 =	vpop (erf)  }
0x3c9: {  	[tilespmem:s26+$0xFFFFFFF0] =	vst v21;
	v63 =	vpop (erf)  }
0x3ca: {  	[tilespmem:s26+$0x0] =	vst v63;
	s26 =	sadd.s32 $0x20, s26;
	v23 =	vpop (erf)  }
0x3cb: {  	[tilespmem:s26+$0xFFFFFFF0] =	vst v23;
	v24 =	vpop (erf)  }
0x3cc: {  	[tilespmem:s26+$0x0] =	vst v24  }
0x3cd: {  	v25 =	vld [tilespmem:s18+$0x3E0];
	_ =	sdelay $0x3  }
0x3ce: {  	v17 =	vadd.f32 v18, v17  }
0x3cf: {  	v18 =	vmul.f32 $1.442695020e+00, v25  }
0x3d0: {  	v17 =	vadd.f32 v19, v17  }
0x3d1: {  	(erf) = vpow2.f32 v18  }
0x3d2: {  	v17 =	vadd.f32 v62, v17;
	_ =	sdelay $0x1  }
0x3d3: {  	v17 =	vadd.f32 v21, v17;
	_ =	sdelay $0x1  }
0x3d4: {  	v17 =	vadd.f32 v63, v17;
	_ =	sdelay $0x1  }
0x3d5: {  	s29 =	sshll.u32 s0, $0x4;
	s0 =	sadd.s32 $0x1, s0;
	v17 =	vadd.f32 v23, v17  }
0x3d6: {  	p0 =	sne.s32 s0, $0x10  }
.Ltmp25:
0x3d7: {  	v17 =	vadd.f32 v24, v17;
	v18 =	vpop (erf);
	(pc) =	sbr.rel @p0 .LBB2_50-.Ltmp25, $4  }
0x3d8: {  	v18 =	vnsel vm0, $0x0, v18  }
0x3d9: {  	v17 =	vadd.f32 v18, v17  }
0x3da: {  	s18 =	sand.u32 $0x3FFFFFF0, s29  }
0x3db: {  	s1 =	sadd.s32 $0x3E8, s1;
	s2 =	sadd.s32 $0x3E8, s2;
	[tilespmem:s18+$0xC380] =	vst v17  }
0x3dc: {  	_ =	sdelay $0x3  }
0x3dd: {  	v17 =	vld.idx.msk [tilespmem:v0+s23+$0x0], $0xffff  }
0x3de: {  	v18 =	vld.idx.msk [tilespmem:v1+s23+$0x0], $0xffff;
	_ =	sdelay $0x1  }
0x3df: {  	v19 =	vld.idx.msk [tilespmem:v2+s23+$0x0], $0xffff;
	_ =	sdelay $0x1  }
0x3e0: {  	v20 =	vld.idx.msk [tilespmem:v3+s23+$0x0], $0xffff  }
0x3e1: {  	v17 =	vadd.f32 v18, v17  }
0x3e2: {  	v18 =	vld.idx.msk [tilespmem:v4+s23+$0x0], $0xffff  }
0x3e3: {  	v17 =	vadd.f32 v19, v17  }
0x3e4: {  	v19 =	vld.idx.msk [tilespmem:v5+s23+$0x0], $0xffff  }
0x3e5: {  	v17 =	vadd.f32 v20, v17  }
0x3e6: {  	v60 =	vld.idx.msk [tilespmem:v6+s23+$0x0], $0xffff  }
0x3e7: {  	v17 =	vadd.f32 v18, v17  }
0x3e8: {  	v18 =	vld.idx.msk [tilespmem:v7+s23+$0x0], $0xffff  }
0x3e9: {  	v17 =	vadd.f32 v19, v17  }
0x3ea: {  	v19 =	vld.idx.msk [tilespmem:v8+s23+$0x0], $0xffff  }
0x3eb: {  	v17 =	vadd.f32 v60, v17  }
0x3ec: {  	v61 =	vld.idx.msk [tilespmem:v9+s23+$0x0], $0xffff  }
0x3ed: {  	v17 =	vadd.f32 v18, v17  }
0x3ee: {  	v18 =	vld.idx.msk [tilespmem:v10+s23+$0x0], $0xffff  }
0x3ef: {  	v17 =	vadd.f32 v19, v17  }
0x3f0: {  	v19 =	vld.idx.msk [tilespmem:v11+s23+$0x0], $0xffff  }
0x3f1: {  	v17 =	vadd.f32 v61, v17  }
0x3f2: {  	v62 =	vld.idx.msk [tilespmem:v12+s23+$0x0], $0xffff  }
0x3f3: {  	v17 =	vadd.f32 v18, v17  }
0x3f4: {  	v18 =	vld.idx.msk [tilespmem:v13+s23+$0x0], $0xffff  }
0x3f5: {  	v17 =	vadd.f32 v19, v17  }
0x3f6: {  	v19 =	vld.idx.msk [tilespmem:v14+s23+$0x0], $0xffff  }
0x3f7: {  	v17 =	vadd.f32 v62, v17  }
0x3f8: {  	v63 =	vld.idx.msk [tilespmem:v15+s23+$0x0], $0xffff  }
0x3f9: {  	v17 =	vadd.f32 v18, v17;
	_ =	sdelay $0x1  }
0x3fa: {  	v17 =	vadd.f32 v19, v17;
	_ =	sdelay $0x1  }
0x3fb: {  	v17 =	vadd.f32 v63, v17;
	_ =	sdelay $0x1  }
0x3fc: {  	(erf) = vrcp.f32 v17;
	_ =	sdelay $0x8  }
0x3fd: {  	v18 =	vpop (erf)  }
0x3fe: {  	s0 =	simm.s32 $0x0;
	s1 =	simm.s32 $0x7E10;
	[tilespmem:$0xC580] =	vst v18  }
.LBB2_54:
0x3ff: {  	v18 =	vmov s0;
	_ =	sdelay $0x3  }
0x400: {  	v19 =	vld [tilespmem:s1+$0xFFFFFFF0]  }
0x401: {  	v18 =	vld.idx.msk [tilespmem:v18+s24+$0x0], $0xffff;
	_ =	sdelay $0x1  }
0x402: {  	v20 =	vld [tilespmem:s1+$0x0];
	_ =	sdelay $0x2  }
0x403: {  	v19 =	vmul.f32 v19, v18  }
0x404: {  	s2 =	sadd.s32 $0x20, s1  }
0x405: {  	v22 =	vmul.f32 v20, v18;
	v20 =	vld [tilespmem:s2+$0xFFFFFFF0];
	v21 =	vsub.f32 $1.000000950e+00, v19  }
0x406: {  	v23 =	vimm.f32 $1.000000000e+00  }
0x407: {  	s18 =	smul.u32 $0x3E8, s0;
	s26 =	simm.s32 $0x20;
	v19 =	vld [tilespmem:s2+$0x0];
	v22 =	vsub.f32 $1.000000950e+00, v22;
	v21 =	vmul.f32 v21, v23  }
.LBB2_55:
0x408: {  	s26 =	sadd.s32 $0x20, s26  }
0x409: {  	p0 =	slt.u32 s26, $0x3C0  }
.Ltmp26:
0x40a: {  	s2 =	sadd.s32 $0x20, s2;
	v23 =	vmul.f32 v20, v18;
	v21 =	vmul.f32 v22, v21;
	(pc) =	sbr.rel @p0 .LBB2_55-.Ltmp26, $4  }
0x40b: {  	v20 =	vld [tilespmem:s2+$0xFFFFFFF0]  }
0x40c: {  	v22 =	vsub.f32 $1.000000950e+00, v23;
	v23 =	vmul.f32 v19, v18  }
0x40d: {  	v19 =	vld [tilespmem:s2+$0x0]  }
0x40e: {  	v21 =	vmul.f32 v22, v21;
	v22 =	vsub.f32 $1.000000950e+00, v23  }
0x40f: {  	v23 =	vld [tilespmem:s18+$0x3E0];
	_ =	sdelay $0x4  }
0x410: {  	v23 =	vmul.f32 $1.442695020e+00, v23;
	_ =	sdelay $0x1  }
0x411: {  	(erf) = vpow2.f32 v23;
	_ =	sdelay $0x6  }
0x412: {  	v20 =	vmul.f32 v20, v18;
	_ =	sdelay $0x1  }
0x413: {  	v21 =	vmul.f32 v22, v21;
	v20 =	vsub.f32 $1.000000950e+00, v20;
	v19 =	vmul.f32 v19, v18;
	v63 =	vpop (erf)  }
0x414: {  	v18 =	vmul.f32 v63, v18  }
0x415: {  	s2 =	sshll.u32 s0, $0x4;
	s0 =	sadd.s32 $0x1, s0;
	v20 =	vmul.f32 v20, v21;
	v19 =	vsub.f32 $1.000000950e+00, v19  }
0x416: {  	p0 =	sne.s32 s0, $0x10;
	v18 =	vsub.f32 $1.000000950e+00, v18  }
.Ltmp27:
0x417: {  	v19 =	vmul.f32 v19, v20;
	(pc) =	sbr.rel @p0 .LBB2_54-.Ltmp27, $4  }
0x418: {  	v18 =	vnsel vm0, $0x3F800000, v18  }
0x419: {  	v18 =	vmul.f32 v18, v19  }
0x41a: {  	s2 =	sand.u32 $0x3FFFFFF0, s2  }
0x41b: {  	s1 =	sadd.s32 $0x3E8, s1;
	[tilespmem:s2+$0xC480] =	vst v18  }
0x41c: {  	_ =	sdelay $0x3  }
0x41d: {  	v18 =	vld.idx.msk [tilespmem:v0+s25+$0x0], $0xffff  }
0x41e: {  	v19 =	vld.idx.msk [tilespmem:v1+s25+$0x0], $0xffff;
	_ =	sdelay $0x1  }
0x41f: {  	v20 =	vld.idx.msk [tilespmem:v2+s25+$0x0], $0xffff;
	_ =	sdelay $0x1  }
0x420: {  	v21 =	vld.idx.msk [tilespmem:v3+s25+$0x0], $0xffff  }
0x421: {  	v18 =	vmul.f32 v19, v18  }
0x422: {  	v19 =	vld.idx.msk [tilespmem:v4+s25+$0x0], $0xffff  }
0x423: {  	v18 =	vmul.f32 v20, v18  }
0x424: {  	v55 =	vld.idx.msk [tilespmem:v5+s25+$0x0], $0xffff  }
0x425: {  	v18 =	vmul.f32 v21, v18  }
0x426: {  	v56 =	vld.idx.msk [tilespmem:v6+s25+$0x0], $0xffff  }
0x427: {  	v18 =	vmul.f32 v19, v18  }
0x428: {  	v19 =	vld.idx.msk [tilespmem:v7+s25+$0x0], $0xffff  }
0x429: {  	v18 =	vmul.f32 v55, v18  }
0x42a: {  	v57 =	vld.idx.msk [tilespmem:v8+s25+$0x0], $0xffff  }
0x42b: {  	v58 =	vld.idx.msk [tilespmem:v9+s25+$0x0], $0xffff;
	v18 =	vmul.f32 v56, v18  }
0x42c: {  	v22 =	vld [tilespmem:$0xBD60]  }
0x42d: {  	v18 =	vmul.f32 v19, v18  }
0x42e: {  	v19 =	vld.idx.msk [tilespmem:v10+s25+$0x0], $0xffff  }
0x42f: {  	v18 =	vmul.f32 v57, v18  }
0x430: {  	v59 =	vld.idx.msk [tilespmem:v11+s25+$0x0], $0xffff  }
0x431: {  	vm1 =	vgt.s32 v22, $0x0;
	v18 =	vmul.f32 v58, v18  }
0x432: {  	v60 =	vld.idx.msk [tilespmem:v12+s25+$0x0], $0xffff;
	v22 =	vnsel vm1, $0x0, v22  }
0x433: {  	v61 =	vmin.u32 v22, $0x3E7;
	v18 =	vmul.f32 v19, v18  }
0x434: {  	v23 =	vadd.s32 v16, v61;
	v19 =	vld.idx.msk [tilespmem:v13+s25+$0x0], $0xffff  }
0x435: {  	v18 =	vmul.f32 v59, v18  }
0x436: {  	v62 =	vld.idx.msk [tilespmem:v14+s25+$0x0], $0xffff  }
0x437: {  	v63 =	vld.idx.msk [tilespmem:v15+s25+$0x0], $0xffff;
	v18 =	vmul.f32 v60, v18  }
0x438: {  	s0 =	simm.s32 $0x0;
	v20 =	vld.idx.msk [tilespmem:v61+s20+$0x0], $0xffff  }
0x439: {  	v18 =	vmul.f32 v19, v18;
	v19 =	vld.idx.msk [tilespmem:v23+s0+$0x0], $0xffff;
	_ =	sdelay $0x1  }
0x43a: {  	v18 =	vmul.f32 v62, v18  }
0x43b: {  	[tilespmem:$0xC1E0] =	vst v17  }
0x43c: {  	[tilespmem:$0xC360] =	vst v20;
	v18 =	vmul.f32 v63, v18  }
0x43d: {  	[tilespmem:$0xC2E0] =	vst v19  }
0x43e: {  	[tilespmem:$0xC260] =	vst v18  }
0x43f: {  	_ =	swait.ge [sflag:s22], $0x3E80  }
0x440: {  	[sflag:s22] =	ssyncset.done $0x0  }
0x441: {  	s1 =	simm.s32 $0x3F10;
	s2 =	simm.s32 $0x7E10;
	[sflag:s22] =	ssyncadd.s32 $0xFFFFC180  }
.LBB2_58:
0x442: {  	v17 =	vld [tilespmem:s1+$0xFFFFFFF0];
	_ =	sdelay $0x1  }
0x443: {  	v18 =	vld [tilespmem:s1+$0x0];
	_ =	sdelay $0x2  }
0x444: {  	v17 =	vmul.f32 $1.442695020e+00, v17  }
0x445: {  	s18 =	sadd.s32 $0x20, s1  }
0x446: {  	v18 =	vmul.f32 $1.442695020e+00, v18;
	(erf) = vpow2.f32 v17;
	v17 =	vld [tilespmem:s18+$0xFFFFFFF0];
	_ =	sdelay $0x1  }
0x447: {  	(erf) = vpow2.f32 v18;
	v18 =	vld [tilespmem:s18+$0x0];
	_ =	sdelay $0x2  }
0x448: {  	s18 =	sadd.s32 $0x20, s18;
	v17 =	vmul.f32 $1.442695020e+00, v17  }
0x449: {  	v20 =	vld [tilespmem:s18+$0xFFFFFFF0]  }
0x44a: {  	v18 =	vmul.f32 $1.442695020e+00, v18;
	(erf) = vpow2.f32 v17  }
0x44b: {  	v19 =	vld [tilespmem:s18+$0x0]  }
0x44c: {  	v17 =	vpop (erf);
	(erf) = vpow2.f32 v18  }
0x44d: {  	v22 =	vimm.f32 $0.0e+00;
	s28 =	sadd.s32 $0x20, s18  }
0x44e: {  	s29 =	simm.s32 $0x60;
	s26 =	smov.u32 s2;
	s18 =	smul.u32 $0x3E8, s0;
	v21 =	vmul.f32 $1.442695020e+00, v20;
	v20 =	vld [tilespmem:s28+$0xFFFFFFF0];
	[tilespmem:s2+$0xFFFFFFF0] =	vst v17;
	v17 =	vadd.f32 v17, v22;
	v18 =	vpop (erf)  }
.LBB2_59:
0x44f: {  	s29 =	sadd.s32 $0x20, s29  }
0x450: {  	v22 =	vmul.f32 $1.442695020e+00, v19;
	(erf) = vpow2.f32 v21;
	[tilespmem:s26+$0x0] =	vst v18;
	v17 =	vadd.f32 v18, v17;
	s26 =	sadd.s32 $0x20, s26;
	p0 =	slt.u32 s29, $0x3C0  }
.Ltmp28:
0x451: {  	v19 =	vld [tilespmem:s28+$0x0];
	(pc) =	sbr.rel @p0 .LBB2_59-.Ltmp28, $4  }
0x452: {  	(erf) = vpow2.f32 v22  }
0x453: {  	v18 =	vpop (erf)  }
0x454: {  	s28 =	sadd.s32 $0x20, s28;
	v21 =	vmul.f32 $1.442695020e+00, v20;
	[tilespmem:s26+$0xFFFFFFF0] =	vst v18;
	v17 =	vadd.f32 v18, v17  }
0x455: {  	v20 =	vld [tilespmem:s28+$0xFFFFFFF0];
	v18 =	vpop (erf)  }
0x456: {  	v22 =	vld [tilespmem:s28+$0x0];
	_ =	sdelay $0x2  }
0x457: {  	v19 =	vmul.f32 $1.442695020e+00, v19  }
0x458: {  	(erf) = vpow2.f32 v21;
	v20 =	vmul.f32 $1.442695020e+00, v20  }
0x459: {  	(erf) = vpow2.f32 v19;
	v19 =	vmul.f32 $1.442695020e+00, v22  }
0x45a: {  	(erf) = vpow2.f32 v20  }
0x45b: {  	(erf) = vpow2.f32 v19;
	_ =	sdelay $0x3  }
0x45c: {  	[tilespmem:s26+$0x0] =	vst v18;
	s28 =	sadd.s32 $0x20, s26;
	v19 =	vpop (erf)  }
0x45d: {  	v62 =	vpop (erf);
	[tilespmem:s28+$0xFFFFFFF0] =	vst v19  }
0x45e: {  	s26 =	sadd.s32 $0x20, s28;
	[tilespmem:s28+$0x0] =	vst v62;
	v21 =	vpop (erf)  }
0x45f: {  	[tilespmem:s26+$0xFFFFFFF0] =	vst v21;
	v63 =	vpop (erf)  }
0x460: {  	[tilespmem:s26+$0x0] =	vst v63;
	s26 =	sadd.s32 $0x20, s26;
	v23 =	vpop (erf)  }
0x461: {  	[tilespmem:s26+$0xFFFFFFF0] =	vst v23;
	v24 =	vpop (erf)  }
0x462: {  	[tilespmem:s26+$0x0] =	vst v24  }
0x463: {  	v25 =	vld [tilespmem:s18+$0x42E0];
	_ =	sdelay $0x3  }
0x464: {  	v17 =	vadd.f32 v18, v17  }
0x465: {  	v18 =	vmul.f32 $1.442695020e+00, v25  }
0x466: {  	v17 =	vadd.f32 v19, v17  }
0x467: {  	(erf) = vpow2.f32 v18  }
0x468: {  	v17 =	vadd.f32 v62, v17;
	_ =	sdelay $0x1  }
0x469: {  	v17 =	vadd.f32 v21, v17;
	_ =	sdelay $0x1  }
0x46a: {  	v17 =	vadd.f32 v63, v17;
	_ =	sdelay $0x1  }
0x46b: {  	s29 =	sshll.u32 s0, $0x4;
	s0 =	sadd.s32 $0x1, s0;
	v17 =	vadd.f32 v23, v17  }
0x46c: {  	p0 =	sne.s32 s0, $0x10  }
.Ltmp29:
0x46d: {  	v17 =	vadd.f32 v24, v17;
	v18 =	vpop (erf);
	(pc) =	sbr.rel @p0 .LBB2_58-.Ltmp29, $4  }
0x46e: {  	v18 =	vnsel vm0, $0x0, v18  }
0x46f: {  	v17 =	vadd.f32 v18, v17  }
0x470: {  	s18 =	sand.u32 $0x3FFFFFF0, s29  }
0x471: {  	s1 =	sadd.s32 $0x3E8, s1;
	s2 =	sadd.s32 $0x3E8, s2;
	[tilespmem:s18+$0xC380] =	vst v17  }
0x472: {  	_ =	sdelay $0x3  }
0x473: {  	v17 =	vld.idx.msk [tilespmem:v0+s23+$0x0], $0xffff  }
0x474: {  	v18 =	vld.idx.msk [tilespmem:v1+s23+$0x0], $0xffff;
	_ =	sdelay $0x1  }
0x475: {  	v19 =	vld.idx.msk [tilespmem:v2+s23+$0x0], $0xffff;
	_ =	sdelay $0x1  }
0x476: {  	v20 =	vld.idx.msk [tilespmem:v3+s23+$0x0], $0xffff  }
0x477: {  	v17 =	vadd.f32 v18, v17  }
0x478: {  	v18 =	vld.idx.msk [tilespmem:v4+s23+$0x0], $0xffff  }
0x479: {  	v17 =	vadd.f32 v19, v17  }
0x47a: {  	v19 =	vld.idx.msk [tilespmem:v5+s23+$0x0], $0xffff  }
0x47b: {  	v17 =	vadd.f32 v20, v17  }
0x47c: {  	v60 =	vld.idx.msk [tilespmem:v6+s23+$0x0], $0xffff  }
0x47d: {  	v17 =	vadd.f32 v18, v17  }
0x47e: {  	v18 =	vld.idx.msk [tilespmem:v7+s23+$0x0], $0xffff  }
0x47f: {  	v17 =	vadd.f32 v19, v17  }
0x480: {  	v19 =	vld.idx.msk [tilespmem:v8+s23+$0x0], $0xffff  }
0x481: {  	v17 =	vadd.f32 v60, v17  }
0x482: {  	v61 =	vld.idx.msk [tilespmem:v9+s23+$0x0], $0xffff  }
0x483: {  	v17 =	vadd.f32 v18, v17  }
0x484: {  	v18 =	vld.idx.msk [tilespmem:v10+s23+$0x0], $0xffff  }
0x485: {  	v17 =	vadd.f32 v19, v17  }
0x486: {  	v19 =	vld.idx.msk [tilespmem:v11+s23+$0x0], $0xffff  }
0x487: {  	v17 =	vadd.f32 v61, v17  }
0x488: {  	v62 =	vld.idx.msk [tilespmem:v12+s23+$0x0], $0xffff  }
0x489: {  	v17 =	vadd.f32 v18, v17  }
0x48a: {  	v18 =	vld.idx.msk [tilespmem:v13+s23+$0x0], $0xffff  }
0x48b: {  	v17 =	vadd.f32 v19, v17  }
0x48c: {  	v19 =	vld.idx.msk [tilespmem:v14+s23+$0x0], $0xffff  }
0x48d: {  	v17 =	vadd.f32 v62, v17  }
0x48e: {  	v63 =	vld.idx.msk [tilespmem:v15+s23+$0x0], $0xffff  }
0x48f: {  	v17 =	vadd.f32 v18, v17;
	_ =	sdelay $0x1  }
0x490: {  	v17 =	vadd.f32 v19, v17;
	_ =	sdelay $0x1  }
0x491: {  	v17 =	vadd.f32 v63, v17;
	_ =	sdelay $0x1  }
0x492: {  	(erf) = vrcp.f32 v17;
	_ =	sdelay $0x8  }
0x493: {  	v18 =	vpop (erf)  }
0x494: {  	s0 =	simm.s32 $0x0;
	s1 =	simm.s32 $0x7E10;
	[tilespmem:$0xC580] =	vst v18  }
.LBB2_62:
0x495: {  	v18 =	vmov s0;
	_ =	sdelay $0x3  }
0x496: {  	v19 =	vld [tilespmem:s1+$0xFFFFFFF0]  }
0x497: {  	v18 =	vld.idx.msk [tilespmem:v18+s24+$0x0], $0xffff;
	_ =	sdelay $0x1  }
0x498: {  	v20 =	vld [tilespmem:s1+$0x0];
	_ =	sdelay $0x2  }
0x499: {  	v19 =	vmul.f32 v19, v18  }
0x49a: {  	s2 =	sadd.s32 $0x20, s1  }
0x49b: {  	v22 =	vmul.f32 v20, v18;
	v20 =	vld [tilespmem:s2+$0xFFFFFFF0];
	v21 =	vsub.f32 $1.000000950e+00, v19  }
0x49c: {  	v23 =	vimm.f32 $1.000000000e+00  }
0x49d: {  	s18 =	smul.u32 $0x3E8, s0;
	s26 =	simm.s32 $0x20;
	v19 =	vld [tilespmem:s2+$0x0];
	v22 =	vsub.f32 $1.000000950e+00, v22;
	v21 =	vmul.f32 v21, v23  }
.LBB2_63:
0x49e: {  	s26 =	sadd.s32 $0x20, s26  }
0x49f: {  	p0 =	slt.u32 s26, $0x3C0  }
.Ltmp30:
0x4a0: {  	s2 =	sadd.s32 $0x20, s2;
	v23 =	vmul.f32 v20, v18;
	v21 =	vmul.f32 v22, v21;
	(pc) =	sbr.rel @p0 .LBB2_63-.Ltmp30, $4  }
0x4a1: {  	v20 =	vld [tilespmem:s2+$0xFFFFFFF0]  }
0x4a2: {  	v22 =	vsub.f32 $1.000000950e+00, v23;
	v23 =	vmul.f32 v19, v18  }
0x4a3: {  	v19 =	vld [tilespmem:s2+$0x0]  }
0x4a4: {  	v21 =	vmul.f32 v22, v21;
	v22 =	vsub.f32 $1.000000950e+00, v23  }
0x4a5: {  	v23 =	vld [tilespmem:s18+$0x42E0];
	_ =	sdelay $0x4  }
0x4a6: {  	v23 =	vmul.f32 $1.442695020e+00, v23;
	_ =	sdelay $0x1  }
0x4a7: {  	(erf) = vpow2.f32 v23;
	_ =	sdelay $0x6  }
0x4a8: {  	v20 =	vmul.f32 v20, v18;
	_ =	sdelay $0x1  }
0x4a9: {  	v21 =	vmul.f32 v22, v21;
	v20 =	vsub.f32 $1.000000950e+00, v20;
	v19 =	vmul.f32 v19, v18;
	v63 =	vpop (erf)  }
0x4aa: {  	v18 =	vmul.f32 v63, v18  }
0x4ab: {  	s2 =	sshll.u32 s0, $0x4;
	s0 =	sadd.s32 $0x1, s0;
	v20 =	vmul.f32 v20, v21;
	v19 =	vsub.f32 $1.000000950e+00, v19  }
0x4ac: {  	p0 =	sne.s32 s0, $0x10;
	v18 =	vsub.f32 $1.000000950e+00, v18  }
.Ltmp31:
0x4ad: {  	v19 =	vmul.f32 v19, v20;
	(pc) =	sbr.rel @p0 .LBB2_62-.Ltmp31, $4  }
0x4ae: {  	v18 =	vnsel vm0, $0x3F800000, v18  }
0x4af: {  	v18 =	vmul.f32 v18, v19  }
0x4b0: {  	s2 =	sand.u32 $0x3FFFFFF0, s2  }
0x4b1: {  	s1 =	sadd.s32 $0x3E8, s1;
	[tilespmem:s2+$0xC480] =	vst v18  }
0x4b2: {  	_ =	sdelay $0x3  }
0x4b3: {  	v18 =	vld.idx.msk [tilespmem:v0+s25+$0x0], $0xffff  }
0x4b4: {  	v19 =	vld.idx.msk [tilespmem:v1+s25+$0x0], $0xffff;
	_ =	sdelay $0x1  }
0x4b5: {  	v20 =	vld.idx.msk [tilespmem:v2+s25+$0x0], $0xffff;
	_ =	sdelay $0x1  }
0x4b6: {  	v21 =	vld.idx.msk [tilespmem:v3+s25+$0x0], $0xffff  }
0x4b7: {  	v18 =	vmul.f32 v19, v18  }
0x4b8: {  	v19 =	vld.idx.msk [tilespmem:v4+s25+$0x0], $0xffff  }
0x4b9: {  	v18 =	vmul.f32 v20, v18  }
0x4ba: {  	v55 =	vld.idx.msk [tilespmem:v5+s25+$0x0], $0xffff  }
0x4bb: {  	v18 =	vmul.f32 v21, v18  }
0x4bc: {  	v56 =	vld.idx.msk [tilespmem:v6+s25+$0x0], $0xffff  }
0x4bd: {  	v18 =	vmul.f32 v19, v18  }
0x4be: {  	v19 =	vld.idx.msk [tilespmem:v7+s25+$0x0], $0xffff  }
0x4bf: {  	v18 =	vmul.f32 v55, v18  }
0x4c0: {  	v57 =	vld.idx.msk [tilespmem:v8+s25+$0x0], $0xffff  }
0x4c1: {  	v58 =	vld.idx.msk [tilespmem:v9+s25+$0x0], $0xffff;
	v18 =	vmul.f32 v56, v18  }
0x4c2: {  	v22 =	vld [tilespmem:$0xBD70]  }
0x4c3: {  	v18 =	vmul.f32 v19, v18  }
0x4c4: {  	v19 =	vld.idx.msk [tilespmem:v10+s25+$0x0], $0xffff  }
0x4c5: {  	v18 =	vmul.f32 v57, v18  }
0x4c6: {  	v59 =	vld.idx.msk [tilespmem:v11+s25+$0x0], $0xffff  }
0x4c7: {  	vm1 =	vgt.s32 v22, $0x0;
	v18 =	vmul.f32 v58, v18  }
0x4c8: {  	v60 =	vld.idx.msk [tilespmem:v12+s25+$0x0], $0xffff;
	v22 =	vnsel vm1, $0x0, v22  }
0x4c9: {  	v61 =	vmin.u32 v22, $0x3E7;
	v18 =	vmul.f32 v19, v18  }
0x4ca: {  	v23 =	vadd.s32 v16, v61;
	v19 =	vld.idx.msk [tilespmem:v13+s25+$0x0], $0xffff  }
0x4cb: {  	v18 =	vmul.f32 v59, v18  }
0x4cc: {  	v62 =	vld.idx.msk [tilespmem:v14+s25+$0x0], $0xffff  }
0x4cd: {  	v63 =	vld.idx.msk [tilespmem:v15+s25+$0x0], $0xffff;
	v18 =	vmul.f32 v60, v18  }
0x4ce: {  	v20 =	vld.idx.msk [tilespmem:v61+s20+$0x0], $0xffff  }
0x4cf: {  	v18 =	vmul.f32 v19, v18;
	v19 =	vld.idx.msk [tilespmem:v23+s21+$0x0], $0xffff;
	_ =	sdelay $0x1  }
0x4d0: {  	v18 =	vmul.f32 v62, v18  }
0x4d1: {  	[tilespmem:$0xC1F0] =	vst v17  }
0x4d2: {  	[tilespmem:$0xC370] =	vst v20;
	v18 =	vmul.f32 v63, v18  }
0x4d3: {  	[tilespmem:$0xC2F0] =	vst v19  }
0x4d4: {  	s0 =	simm.s32 $0xC180;
	[tilespmem:$0xC270] =	vst v18  }
0x4d5: {  	[hbm4b:s12+s3] =	stream.linear.scatter [tilespmem:s0], [sflag:$0x2], $0x80, $0x38;
	[tilespmem:$0xC600] =	vst v63  }
0x4d6: {  	_ =	swait.ge [sflag:s19], $0x80  }
0x4d7: {  	[sflag:s19] =	ssyncset.done $0x0  }
0x4d8: {  	s28 =	simm.s32 $0xC200;
	[sflag:s19] =	ssyncadd.s32 $0xFFFFFF80  }
0x4d9: {  	[hbm4b:s14+s3] =	stream.linear.scatter [tilespmem:s28], [sflag:$0x2], $0x80, $0x38;
	[tilespmem:$0xC600] =	vst v63  }
0x4da: {  	_ =	swait.ge [sflag:s19], $0x80  }
0x4db: {  	[sflag:s19] =	ssyncset.done $0x0  }
0x4dc: {  	s29 =	simm.s32 $0xC280;
	[sflag:s19] =	ssyncadd.s32 $0xFFFFFF80  }
0x4dd: {  	[hbm4b:s15+s3] =	stream.linear.scatter [tilespmem:s29], [sflag:$0x2], $0x80, $0x38;
	[tilespmem:$0xC600] =	vst v63  }
0x4de: {  	s31 =	sadd.s32 $0x1, s31;
	_ =	swait.ge [sflag:s19], $0x80  }
0x4df: {  	p0 =	sne.s32 s31, s17;
	[sflag:s19] =	ssyncset.done $0x0  }
.Ltmp32:
0x4e0: {  	[sflag:s19] =	ssyncadd.s32 $0xFFFFFF80;
	(pc) =	sbr.rel @p0 .LBB2_1-.Ltmp32, $4  }
0x4e1: {  	[hbm4b:s16+s3] =	stream.linear.scatter [tilespmem:s30], [sflag:$0x2], $0x80, $0x38;
	[tilespmem:$0xC600] =	vst v63  }
0x4e2: {  	_ =	swait.ge [sflag:s19], $0x80  }
0x4e3: {  	[sflag:s19] =	ssyncset.done $0x0  }
0x4e4: {  	[sflag:s19] =	ssyncadd.s32 $0xFFFFFF80  }
0x4e5: {  	_ =	sfence.sel $0x180000  }
0x4e6: {  	[bflag:$0x0] =	sbarrier.arrive $0xFFFF  }
0x4e7: {  	_ =	strace $0x90000047  }
0x4e8: {  	s0 =	stileid.u32;
	[bflag:$0x2] =	sbarrier.arrive $0xFFFF  }
0x4e9: {  	p0 =	sne.s32 s0, $0x0;
	s0 =	rddreg [dreg:$0x3]  }
0x4ea: {  	s0 =	sadd.s32 @!p0 $0x100000, s0  }
0x4eb: {  	[sflag:s0] =	ssyncadd.tile.s32 @!p0 $0x1;
	_ =	shalt  }
.Lfunc_end2:
_tile_overlayer_lowered:
.L_overlay_start_2:
0x4ec: {  	(tag) =	ssettag $0x2  }
0x4ed: {  	s0 =	rddreg [dreg:$0x0];
	s2 =	stileid.u32  }
0x4ee: {  	s1 =	rddreg [dreg:$0x1];
	p0 =	sne.s32 s2, $0x0  }
0x4ef: {  	s3 =	rddreg [dreg:$0x2];
	[bflag:$0x3] =	sbarrier.arrive $0xFFFF;
	s2 =	simm.s32 @!p0 $0x1C02  }
0x4f0: {  	[timem:s3], [sflag:s2] =	dma.local @!p0 [hbm:s0], s1  }
0x4f1: {  	s0 =	simm.s32 @!p0 $0x2  }
0x4f2: {  	_ =	swait.ge @!p0 [sflag:s0], s1  }
0x4f3: {  	s1 =	ssub.s32 @!p0 $0x0, s1;
	[sflag:s0] =	ssyncset.done @!p0 $0x0  }
0x4f4: {  	[sflag:s0] =	ssyncadd.s32 @!p0 s1  }
0x4f5: {  	[bflag:$0x3] =	sbarrier.arrive $0xFFFF  }
0x4f6: {  	_ =	shalt  }

</sc_bundles>
